<compile_context>
chip_gen: v7x
topology: tpu7x:2x2x1
jax: 0.10.2.dev20260603
libtpu: 0.0.44.dev20260713+nightly
codegen_flags: <defaults>
</compile_context>

<pallas_src>
import jax
import jax.numpy as jnp
from jax import lax
from jax.experimental import pallas as pl
from jax.experimental.pallas import tpu as pltpu
from jax.experimental.pallas import tpu_sc as plsc

N = 10000
NPAD = 10240
RPT = NPAD // 16
D = 128
H = 64
G = 64
E = 320000
CH = 125
NTILES = 32
NCH = 80
_HI = lax.Precision.HIGHEST


def _sc_mesh():
    return plsc.VectorSubcoreMesh(core_axis_name="c", subcore_axis_name="s")


def _deg_pass(ei, zeros8, ones8):

    def body(ei_hbm, z_hbm, ones_hbm, out_hbm, dst_v, ones_v, acc, t0, t1,
             t2):
        cid = lax.axis_index("c")
        sid = lax.axis_index("s")
        wid = cid * 16 + sid
        r0 = sid * RPT
        c0 = pltpu.async_copy(z_hbm.at[pl.ds(r0, RPT)],
                              acc.at[pl.ds(r0, RPT)], t0)
        c1 = pltpu.async_copy(ones_hbm, ones_v, t1)
        c2 = pltpu.async_copy(ei_hbm.at[1, wid], dst_v, t2)
        c0.wait()
        c1.wait()
        c2.wait()
        plsc.subcore_barrier()

        def chunk(j, c):
            pltpu.sync_copy(ones_v, acc.at[dst_v.at[j]], add=True)
            return c

        lax.fori_loop(0, NCH, chunk, 0)
        plsc.subcore_barrier()
        pltpu.sync_copy(acc.at[pl.ds(r0, RPT)],
                        out_hbm.at[pl.ds(cid * NPAD + r0, RPT)])

    f = pl.kernel(
        body,
        out_type=jax.ShapeDtypeStruct((2 * NPAD, 8), jnp.bfloat16),
        mesh=_sc_mesh(),
        compiler_params=pltpu.CompilerParams(use_tc_tiling_on_sc=False),
        scratch_types=[
            pltpu.VMEM((NCH, CH), jnp.int32),
            pltpu.VMEM((CH, 8), jnp.bfloat16),
            pltpu.VMEM_SHARED((NPAD, 8), jnp.bfloat16),
            pltpu.SemaphoreType.DMA,
            pltpu.SemaphoreType.DMA,
            pltpu.SemaphoreType.DMA,
        ],
    )
    return f(ei, zeros8, ones8)


def _agg_pass(y, zeros64, ei):

    NB = 4
    NG = NCH // NB

    def body(y_hbm, z_hbm, ei_hbm, out_hbm, src_v, dst_v,
             bufs, s0, s1, s2, s3, s4, s5, s6, s7, acc, ytab):
        cid = lax.axis_index("c")
        sid = lax.axis_index("s")
        wid = cid * 16 + sid
        r0 = sid * RPT
        sems = (s0, s1, s2, s3, s4, s5, s6, s7)

        c2 = pltpu.async_copy(ei_hbm.at[0, wid], src_v, s4)
        c3 = pltpu.async_copy(ei_hbm.at[1, wid], dst_v, s5)
        pltpu.sync_copy(z_hbm.at[pl.ds(r0, RPT)], acc.at[pl.ds(r0, RPT)])
        pltpu.sync_copy(y_hbm.at[pl.ds(r0, RPT)], ytab.at[pl.ds(r0, RPT)])
        c2.wait()
        c3.wait()
        plsc.subcore_barrier()
        for b in range(NB):
            pltpu.async_copy(ytab.at[src_v.at[b]], bufs.at[b], sems[b])

        def group(g, c):
            def half(par):
                lo = par * NB
                pf = NB - lo
                nxt = (g + 1) * NB

                @pl.when(g + 1 < NG)
                def _():
                    for b in range(NB):
                        pltpu.async_copy(ytab.at[src_v.at[nxt + b]],
                                         bufs.at[pf + b], sems[pf + b])

                for b in range(NB):
                    j = g * NB + b
                    pltpu.make_async_copy(ytab.at[src_v.at[j]],
                                          bufs.at[lo + b], sems[lo + b]).wait()
                    pltpu.sync_copy(bufs.at[lo + b], acc.at[dst_v.at[j]],
                                    add=True)

            @pl.when(g % 2 == 0)
            def _():
                half(0)

            @pl.when(g % 2 == 1)
            def _():
                half(1)

            return c

        lax.fori_loop(0, NG, group, 0)
        plsc.subcore_barrier()
        pltpu.sync_copy(acc.at[pl.ds(r0, RPT)],
                        out_hbm.at[pl.ds(cid * NPAD + r0, RPT)])

    f = pl.kernel(
        body,
        out_type=jax.ShapeDtypeStruct((2 * NPAD, H), jnp.bfloat16),
        mesh=_sc_mesh(),
        compiler_params=pltpu.CompilerParams(use_tc_tiling_on_sc=False),
        scratch_types=[
            pltpu.VMEM((NCH, CH), jnp.int32),
            pltpu.VMEM((NCH, CH), jnp.int32),
            pltpu.VMEM((8, CH, H), jnp.bfloat16),
            pltpu.SemaphoreType.DMA,
            pltpu.SemaphoreType.DMA,
            pltpu.SemaphoreType.DMA,
            pltpu.SemaphoreType.DMA,
            pltpu.SemaphoreType.DMA,
            pltpu.SemaphoreType.DMA,
            pltpu.SemaphoreType.DMA,
            pltpu.SemaphoreType.DMA,
            pltpu.VMEM_SHARED((NPAD, H), jnp.bfloat16),
            pltpu.VMEM_SHARED((NPAD, H), jnp.bfloat16),
        ],
    )
    return f(y, zeros64, ei)


def _k1(x, W1, degp):

    def body(x_ref, w_ref, degp_ref, y_ref, dinv_ref):
        deg = (degp_ref[0:NPAD, 0:1].astype(jnp.float32)
               + degp_ref[NPAD:2 * NPAD, 0:1].astype(jnp.float32) + 1.0)
        rows = lax.broadcasted_iota(jnp.int32, (NPAD, 1), 0)
        dinv = jnp.where(rows < N, lax.rsqrt(deg), 0.0)
        xw = jnp.dot(
            x_ref[...].astype(jnp.bfloat16), w_ref[...].astype(jnp.bfloat16),
            preferred_element_type=jnp.float32)
        yv = xw * dinv[0:N]
        y_ref[...] = jnp.concatenate(
            [yv, jnp.zeros((NPAD - N, H), jnp.float32)], axis=0
        ).astype(jnp.bfloat16)
        dinv_ref[...] = jnp.broadcast_to(dinv, (NPAD, 8))

    return pl.pallas_call(
        body,
        out_shape=(jax.ShapeDtypeStruct((NPAD, H), jnp.bfloat16),
                   jax.ShapeDtypeStruct((NPAD, 8), jnp.float32)),
    )(x, W1, degp)


def _k23(a, y, dinv8, b, W):

    def body(a_ref, y_ref_in, dinv_ref, b_ref, w_ref, y_ref):
        dinv = dinv_ref[:, 0:1]
        s = (a_ref[0:NPAD, :].astype(jnp.float32)
             + a_ref[NPAD:2 * NPAD, :].astype(jnp.float32)
             + y_ref_in[...].astype(jnp.float32))
        h = jnp.maximum(dinv * s + b_ref[...], 0.0)
        y_ref[...] = (dinv * jnp.dot(
            h.astype(jnp.bfloat16), w_ref[...].astype(jnp.bfloat16),
            preferred_element_type=jnp.float32)).astype(jnp.bfloat16)

    return pl.pallas_call(
        body,
        out_shape=jax.ShapeDtypeStruct((NPAD, H), jnp.bfloat16),
    )(a, y, dinv8, b, W)


def _k4(a, y, dinv8, b3, batchp, Wf1, bf1, Wf2, bf2):

    def body(a_ref, y_ref, dinv_ref, b_ref, batch_ref, wf1_ref,
             bf1_ref, wf2_ref, bf2_ref, out_ref):
        dinv = dinv_ref[:, 0:1]
        s = (a_ref[0:NPAD, :].astype(jnp.float32)
             + a_ref[NPAD:2 * NPAD, :].astype(jnp.float32)
             + y_ref[...].astype(jnp.float32))
        h = jnp.maximum(dinv * s + b_ref[...], 0.0)
        gids = lax.broadcasted_iota(jnp.int32, (G, NPAD), 0)
        mt = (gids == batch_ref[...]).astype(jnp.bfloat16)
        sums = jnp.dot(mt, h.astype(jnp.bfloat16),
                       preferred_element_type=jnp.float32)
        counts = jnp.sum(mt.astype(jnp.float32), axis=1, keepdims=True)
        pooled = sums / jnp.maximum(counts, 1.0)
        hh = jnp.maximum(jnp.dot(pooled, wf1_ref[...], precision=_HI,
                                 preferred_element_type=jnp.float32)
                         + bf1_ref[...], 0.0)
        logits = jnp.dot(hh, wf2_ref[...], precision=_HI,
                         preferred_element_type=jnp.float32) + bf2_ref[...]
        ls = logits - jnp.max(logits, axis=1, keepdims=True)
        out_ref[...] = ls - jnp.log(jnp.sum(jnp.exp(ls), axis=1,
                                            keepdims=True))

    return pl.pallas_call(
        body,
        out_shape=jax.ShapeDtypeStruct((G, 2), jnp.float32),
    )(a, y, dinv8, b3, batchp, Wf1, bf1, Wf2, bf2)


def kernel(x, edge_index, batch, W1, b1, W2, b2, W3, b3, Wf1, bf1, Wf2, bf2):
    ei = edge_index.reshape(2, NTILES, NCH, CH)
    batchp = jnp.concatenate(
        [batch, jnp.full((NPAD - N,), -1, jnp.int32)]).reshape(1, NPAD)
    zeros64 = jnp.zeros((NPAD, H), jnp.bfloat16)
    zeros8 = jnp.zeros((NPAD, 8), jnp.bfloat16)
    ones8 = jnp.ones((CH, 8), jnp.bfloat16)

    degp = _deg_pass(ei, zeros8, ones8)
    y, dinv8 = _k1(x, W1, degp)
    a = _agg_pass(y, zeros64, ei)
    y = _k23(a, y, dinv8, b1.reshape(1, H), W2)
    a = _agg_pass(y, zeros64, ei)
    y = _k23(a, y, dinv8, b2.reshape(1, H), W3)
    a = _agg_pass(y, zeros64, ei)
    return _k4(a, y, dinv8, b3.reshape(1, H), batchp,
               Wf1, bf1.reshape(1, 32), Wf2, bf2.reshape(1, 2))

# --- scband reference (transcript-rebuilt; emitter-appended) ---
"""Pipeline reference for scband-gnnprofile-detector-14474039788040 (READ-ONLY COPY).

The authoritative reference and input builder live on the scoring server;
editing this copy changes nothing except your own understanding.
"""

import jax, jax.numpy as jnp
import numpy as np

N_NODES = 10000
N_EDGES = 320000
D_FEAT = 128
HIDDEN = 64
N_GRAPHS = 64


def gcn_conv(x, edge_index, W, b):
    # Faithful GCNConv: add self-loops, symmetric deg^{-1/2} normalization,
    # linear transform, scatter-add aggregation to dst nodes, plus bias.
    N = x.shape[0]
    loop = jnp.arange(N, dtype=edge_index.dtype)
    src = jnp.concatenate([edge_index[0], loop])
    dst = jnp.concatenate([edge_index[1], loop])
    deg = jax.ops.segment_sum(jnp.ones_like(src, dtype=x.dtype), dst, num_segments=N)
    dinv = jnp.where(deg > 0, 1.0 / jnp.sqrt(deg), 0.0)
    norm = dinv[src] * dinv[dst]
    xw = x @ W
    msg = xw[src] * norm[:, None]
    out = jax.ops.segment_sum(msg, dst, num_segments=N)
    return out + b


def setup_inputs(seed: int = 0) -> dict:
    key = jax.random.key(seed)
    ks = jax.random.split(key, 12)
    x = jax.random.normal(ks[0], (N_NODES, D_FEAT), dtype=jnp.float32)
    edge_index = jax.random.randint(ks[1], (2, N_EDGES), 0, N_NODES, dtype=jnp.int32)
    batch = jnp.sort(jax.random.randint(ks[2], (N_NODES,), 0, N_GRAPHS, dtype=jnp.int32))
    s = 0.05
    W1 = jax.random.normal(ks[3], (D_FEAT, HIDDEN), dtype=jnp.float32) * s
    b1 = jnp.zeros((HIDDEN,), dtype=jnp.float32)
    W2 = jax.random.normal(ks[4], (HIDDEN, HIDDEN), dtype=jnp.float32) * s
    b2 = jnp.zeros((HIDDEN,), dtype=jnp.float32)
    W3 = jax.random.normal(ks[5], (HIDDEN, HIDDEN), dtype=jnp.float32) * s
    b3 = jnp.zeros((HIDDEN,), dtype=jnp.float32)
    Wf1 = jax.random.normal(ks[6], (HIDDEN, 32), dtype=jnp.float32) * s
    bf1 = jnp.zeros((32,), dtype=jnp.float32)
    Wf2 = jax.random.normal(ks[7], (32, 2), dtype=jnp.float32) * s
    bf2 = jnp.zeros((2,), dtype=jnp.float32)
    return {"x": x, "edge_index": edge_index, "batch": batch,
            "W1": W1, "b1": b1, "W2": W2, "b2": b2, "W3": W3, "b3": b3,
            "Wf1": Wf1, "bf1": bf1, "Wf2": Wf2, "bf2": bf2}


def reference(x, edge_index, batch, W1, b1, W2, b2, W3, b3, Wf1, bf1, Wf2, bf2):
    # Dropout is identity in eval mode.
    h = jax.nn.relu(gcn_conv(x, edge_index, W1, b1))
    h = jax.nn.relu(gcn_conv(h, edge_index, W2, b2))
    h = jax.nn.relu(gcn_conv(h, edge_index, W3, b3))
    sums = jax.ops.segment_sum(h, batch, num_segments=N_GRAPHS)
    counts = jax.ops.segment_sum(jnp.ones((h.shape[0],), h.dtype), batch, num_segments=N_GRAPHS)
    pooled = sums / jnp.maximum(counts, 1.0)[:, None]
    h = jax.nn.relu(pooled @ Wf1 + bf1)
    logits = h @ Wf2 + bf2
    return jax.nn.log_softmax(logits, axis=1)

if __name__ == "__main__":
    import jax
    _d = setup_inputs()
    print(jax.jit(kernel)(*tuple(_d.values())))

</pallas_src>

<mosaic_0001>
#map = affine_map<(d0, d1) -> (0, 0)>
#map1 = affine_map<(d0, d1) -> (0, 0, 0, 0)>
module attributes {stable_mosaic.version = 14 : i64} {
  func.func @body(%arg0: i32, %arg1: i32, %arg2: memref<10240x64xbf16, #tpu.memory_space<hbm>>, %arg3: memref<10240x64xbf16, #tpu.memory_space<hbm>>, %arg4: memref<2x32x80x125xi32, #tpu.memory_space<hbm>>, %arg5: memref<20480x64xbf16, #tpu.memory_space<hbm>>, %arg6: memref<80x125xi32, #tpu.memory_space<vmem>>, %arg7: memref<80x125xi32, #tpu.memory_space<vmem>>, %arg8: memref<8x125x64xbf16, #tpu.memory_space<vmem>>, %arg9: memref<!tpu.dma_semaphore, #tpu.memory_space<semaphore_mem>>, %arg10: memref<!tpu.dma_semaphore, #tpu.memory_space<semaphore_mem>>, %arg11: memref<!tpu.dma_semaphore, #tpu.memory_space<semaphore_mem>>, %arg12: memref<!tpu.dma_semaphore, #tpu.memory_space<semaphore_mem>>, %arg13: memref<!tpu.dma_semaphore, #tpu.memory_space<semaphore_mem>>, %arg14: memref<!tpu.dma_semaphore, #tpu.memory_space<semaphore_mem>>, %arg15: memref<!tpu.dma_semaphore, #tpu.memory_space<semaphore_mem>>, %arg16: memref<!tpu.dma_semaphore, #tpu.memory_space<semaphore_mem>>, %arg17: memref<10240x64xbf16, #tpu.memory_space<vmem_shared>>, %arg18: memref<10240x64xbf16, #tpu.memory_space<vmem_shared>>) attributes {dimension_semantics = [#tpu.dimension_semantics<core_parallel>, #tpu.dimension_semantics<subcore_parallel>], iteration_bounds = array<i64: 2, 16>, scalar_prefetch = 0 : i64, scratch_operands = 13 : i64, tpu.core_type = #tpu.core_type<sc_vector_subcore>, window_params = [{transform_indices = #map}, {transform_indices = #map}, {transform_indices = #map1}, {transform_indices = #map}]} {
    %mul3A = arith.constant 16 : i32
    %mul3A_0 = arith.muli %arg0, %mul3A : i32
    %add3A = arith.addi %mul3A_0, %arg1 : i32
    %mul3A_1 = arith.constant 640 : i32
    %mul3A_2 = arith.muli %arg1, %mul3A_1 : i32
    %dma_start3A = arith.constant 0 : i32
    %dma_start3A_3 = arith.constant 0 : i32
    %dma_start3A_4 = arith.constant 0 : i32
    %dma_start3A_5 = tpu.memref_slice %arg4[%dma_start3A, %add3A, %dma_start3A_3, %dma_start3A_4] : memref<2x32x80x125xi32, #tpu.memory_space<hbm>> -> memref<1x1x80x125xi32, #tpu.memory_space<hbm>>
    %dma_start3A_6 = tpu.memref_squeeze %dma_start3A_5 : memref<1x1x80x125xi32, #tpu.memory_space<hbm>> -> memref<80x125xi32, #tpu.memory_space<hbm>>
    %dma_start3A_7 = arith.constant 0 : i32
    %dma_start3A_8 = arith.constant 0 : i32
    %dma_start3A_9 = tpu.memref_slice %arg4[%dma_start3A, %add3A, %dma_start3A_7, %dma_start3A_8] : memref<2x32x80x125xi32, #tpu.memory_space<hbm>> -> memref<1x1x80x125xi32, #tpu.memory_space<hbm>>
    %dma_start3A_10 = tpu.memref_squeeze %dma_start3A_9 : memref<1x1x80x125xi32, #tpu.memory_space<hbm>> -> memref<80x125xi32, #tpu.memory_space<hbm>>
    tpu.enqueue_dma source(%dma_start3A_10 : memref<80x125xi32, #tpu.memory_space<hbm>>) target(%arg6 : memref<80x125xi32, #tpu.memory_space<vmem>>) target_semaphore(%arg13 : memref<!tpu.dma_semaphore, #tpu.memory_space<semaphore_mem>>)
    %dma_start3A_11 = arith.constant 1 : i32
    %dma_start3A_12 = arith.constant 0 : i32
    %dma_start3A_13 = arith.constant 0 : i32
    %dma_start3A_14 = tpu.memref_slice %arg4[%dma_start3A_11, %add3A, %dma_start3A_12, %dma_start3A_13] : memref<2x32x80x125xi32, #tpu.memory_space<hbm>> -> memref<1x1x80x125xi32, #tpu.memory_space<hbm>>
    %dma_start3A_15 = tpu.memref_squeeze %dma_start3A_14 : memref<1x1x80x125xi32, #tpu.memory_space<hbm>> -> memref<80x125xi32, #tpu.memory_space<hbm>>
    %dma_start3A_16 = arith.constant 0 : i32
    %dma_start3A_17 = arith.constant 0 : i32
    %dma_start3A_18 = tpu.memref_slice %arg4[%dma_start3A_11, %add3A, %dma_start3A_16, %dma_start3A_17] : memref<2x32x80x125xi32, #tpu.memory_space<hbm>> -> memref<1x1x80x125xi32, #tpu.memory_space<hbm>>
    %dma_start3A_19 = tpu.memref_squeeze %dma_start3A_18 : memref<1x1x80x125xi32, #tpu.memory_space<hbm>> -> memref<80x125xi32, #tpu.memory_space<hbm>>
    tpu.enqueue_dma source(%dma_start3A_19 : memref<80x125xi32, #tpu.memory_space<hbm>>) target(%arg7 : memref<80x125xi32, #tpu.memory_space<vmem>>) target_semaphore(%arg14 : memref<!tpu.dma_semaphore, #tpu.memory_space<semaphore_mem>>)
    "tpu.region"() ({
      %run_scoped3A = tpu.sem_alloc : memref<!tpu.dma_semaphore, #tpu.memory_space<semaphore_mem>>
      %dma_start3A_94 = arith.constant 0 : i32
      %dma_start3A_95 = tpu.memref_slice %arg17[%mul3A_2, %dma_start3A_94] : memref<10240x64xbf16, #tpu.memory_space<vmem_shared>> -> memref<640x64xbf16, #tpu.memory_space<vmem_shared>>
      %dma_start3A_96 = arith.constant 0 : i32
      %dma_start3A_97 = tpu.memref_slice %arg3[%mul3A_2, %dma_start3A_96] : memref<10240x64xbf16, #tpu.memory_space<hbm>> -> memref<640x64xbf16, #tpu.memory_space<hbm>>
      tpu.enqueue_dma source(%dma_start3A_97 : memref<640x64xbf16, #tpu.memory_space<hbm>>) target(%dma_start3A_95 : memref<640x64xbf16, #tpu.memory_space<vmem_shared>>) target_semaphore(%run_scoped3A : memref<!tpu.dma_semaphore, #tpu.memory_space<semaphore_mem>>)
      %dma_wait3A_98 = arith.constant 0 : i32
      %dma_wait3A_99 = tpu.memref_slice %arg17[%mul3A_2, %dma_wait3A_98] : memref<10240x64xbf16, #tpu.memory_space<vmem_shared>> -> memref<640x64xbf16, #tpu.memory_space<vmem_shared>>
      %dma_wait3A_100 = arith.constant 0 : i32
      %dma_wait3A_101 = tpu.memref_slice %arg3[%mul3A_2, %dma_wait3A_100] : memref<10240x64xbf16, #tpu.memory_space<hbm>> -> memref<640x64xbf16, #tpu.memory_space<hbm>>
      tpu.wait_dma2 semaphore(%run_scoped3A : memref<!tpu.dma_semaphore, #tpu.memory_space<semaphore_mem>>) src(%dma_wait3A_101 : memref<640x64xbf16, #tpu.memory_space<hbm>>) dst(%dma_wait3A_99 : memref<640x64xbf16, #tpu.memory_space<vmem_shared>>)
      tpu.yield
    }) : () -> ()
    "tpu.region"() ({
      %run_scoped3A = tpu.sem_alloc : memref<!tpu.dma_semaphore, #tpu.memory_space<semaphore_mem>>
      %dma_start3A_94 = arith.constant 0 : i32
      %dma_start3A_95 = tpu.memref_slice %arg18[%mul3A_2, %dma_start3A_94] : memref<10240x64xbf16, #tpu.memory_space<vmem_shared>> -> memref<640x64xbf16, #tpu.memory_space<vmem_shared>>
      %dma_start3A_96 = arith.constant 0 : i32
      %dma_start3A_97 = tpu.memref_slice %arg2[%mul3A_2, %dma_start3A_96] : memref<10240x64xbf16, #tpu.memory_space<hbm>> -> memref<640x64xbf16, #tpu.memory_space<hbm>>
      tpu.enqueue_dma source(%dma_start3A_97 : memref<640x64xbf16, #tpu.memory_space<hbm>>) target(%dma_start3A_95 : memref<640x64xbf16, #tpu.memory_space<vmem_shared>>) target_semaphore(%run_scoped3A : memref<!tpu.dma_semaphore, #tpu.memory_space<semaphore_mem>>)
      %dma_wait3A_98 = arith.constant 0 : i32
      %dma_wait3A_99 = tpu.memref_slice %arg18[%mul3A_2, %dma_wait3A_98] : memref<10240x64xbf16, #tpu.memory_space<vmem_shared>> -> memref<640x64xbf16, #tpu.memory_space<vmem_shared>>
      %dma_wait3A_100 = arith.constant 0 : i32
      %dma_wait3A_101 = tpu.memref_slice %arg2[%mul3A_2, %dma_wait3A_100] : memref<10240x64xbf16, #tpu.memory_space<hbm>> -> memref<640x64xbf16, #tpu.memory_space<hbm>>
      tpu.wait_dma2 semaphore(%run_scoped3A : memref<!tpu.dma_semaphore, #tpu.memory_space<semaphore_mem>>) src(%dma_wait3A_101 : memref<640x64xbf16, #tpu.memory_space<hbm>>) dst(%dma_wait3A_99 : memref<640x64xbf16, #tpu.memory_space<vmem_shared>>)
      tpu.yield
    }) : () -> ()
    %dma_wait3A = arith.constant 0 : i32
    %dma_wait3A_20 = arith.constant 0 : i32
    %dma_wait3A_21 = arith.constant 0 : i32
    %dma_wait3A_22 = tpu.memref_slice %arg4[%dma_wait3A, %add3A, %dma_wait3A_20, %dma_wait3A_21] : memref<2x32x80x125xi32, #tpu.memory_space<hbm>> -> memref<1x1x80x125xi32, #tpu.memory_space<hbm>>
    %dma_wait3A_23 = tpu.memref_squeeze %dma_wait3A_22 : memref<1x1x80x125xi32, #tpu.memory_space<hbm>> -> memref<80x125xi32, #tpu.memory_space<hbm>>
    %dma_wait3A_24 = arith.constant 0 : i32
    %dma_wait3A_25 = arith.constant 0 : i32
    %dma_wait3A_26 = tpu.memref_slice %arg4[%dma_wait3A, %add3A, %dma_wait3A_24, %dma_wait3A_25] : memref<2x32x80x125xi32, #tpu.memory_space<hbm>> -> memref<1x1x80x125xi32, #tpu.memory_space<hbm>>
    %dma_wait3A_27 = tpu.memref_squeeze %dma_wait3A_26 : memref<1x1x80x125xi32, #tpu.memory_space<hbm>> -> memref<80x125xi32, #tpu.memory_space<hbm>>
    tpu.wait_dma2 semaphore(%arg13 : memref<!tpu.dma_semaphore, #tpu.memory_space<semaphore_mem>>) src(%dma_wait3A_27 : memref<80x125xi32, #tpu.memory_space<hbm>>) dst(%arg6 : memref<80x125xi32, #tpu.memory_space<vmem>>)
    %dma_wait3A_28 = arith.constant 1 : i32
    %dma_wait3A_29 = arith.constant 0 : i32
    %dma_wait3A_30 = arith.constant 0 : i32
    %dma_wait3A_31 = tpu.memref_slice %arg4[%dma_wait3A_28, %add3A, %dma_wait3A_29, %dma_wait3A_30] : memref<2x32x80x125xi32, #tpu.memory_space<hbm>> -> memref<1x1x80x125xi32, #tpu.memory_space<hbm>>
    %dma_wait3A_32 = tpu.memref_squeeze %dma_wait3A_31 : memref<1x1x80x125xi32, #tpu.memory_space<hbm>> -> memref<80x125xi32, #tpu.memory_space<hbm>>
    %dma_wait3A_33 = arith.constant 0 : i32
    %dma_wait3A_34 = arith.constant 0 : i32
    %dma_wait3A_35 = tpu.memref_slice %arg4[%dma_wait3A_28, %add3A, %dma_wait3A_33, %dma_wait3A_34] : memref<2x32x80x125xi32, #tpu.memory_space<hbm>> -> memref<1x1x80x125xi32, #tpu.memory_space<hbm>>
    %dma_wait3A_36 = tpu.memref_squeeze %dma_wait3A_35 : memref<1x1x80x125xi32, #tpu.memory_space<hbm>> -> memref<80x125xi32, #tpu.memory_space<hbm>>
    tpu.wait_dma2 semaphore(%arg14 : memref<!tpu.dma_semaphore, #tpu.memory_space<semaphore_mem>>) src(%dma_wait3A_36 : memref<80x125xi32, #tpu.memory_space<hbm>>) dst(%arg7 : memref<80x125xi32, #tpu.memory_space<vmem>>)
    %barrier3A = arith.constant 0 : index
    tpu.barrier barrier_id(%barrier3A)
    %dma_start3A_37 = arith.constant 0 : i32
    %dma_start3A_38 = arith.constant 0 : i32
    %dma_start3A_39 = arith.constant 0 : i32
    %dma_start3A_40 = arith.constant 0 : i32
    %dma_start3A_41 = tpu.memref_slice %arg8[%dma_start3A_38, %dma_start3A_39, %dma_start3A_40] : memref<8x125x64xbf16, #tpu.memory_space<vmem>> -> memref<1x125x64xbf16, #tpu.memory_space<vmem>>
    %dma_start3A_42 = tpu.memref_squeeze %dma_start3A_41 : memref<1x125x64xbf16, #tpu.memory_space<vmem>> -> memref<125x64xbf16, #tpu.memory_space<vmem>>
    %dma_start3A_43 = arith.constant 0 : i32
    %dma_start3A_44 = tpu.memref_slice %arg6[%dma_start3A_37, %dma_start3A_43] : memref<80x125xi32, #tpu.memory_space<vmem>> -> memref<1x125xi32, #tpu.memory_space<vmem>>
    %dma_start3A_45 = tpu.memref_squeeze %dma_start3A_44 : memref<1x125xi32, #tpu.memory_space<vmem>> -> memref<125xi32, #tpu.memory_space<vmem>>
    %dma_start3A_46 = arith.constant 0 : i32
    %dma_start3A_47 = arith.constant 0 : i32
    %dma_start3A_48 = tpu.memref_slice %arg18[%dma_start3A_46, %dma_start3A_47] : memref<10240x64xbf16, #tpu.memory_space<vmem_shared>> -> memref<10240x64xbf16, #tpu.memory_space<vmem_shared>>
    tpu.enqueue_indirect_dma source(%dma_start3A_48 : memref<10240x64xbf16, #tpu.memory_space<vmem_shared>>) target(%dma_start3A_42 : memref<125x64xbf16, #tpu.memory_space<vmem>>) offsets(%dma_start3A_45 : memref<125xi32, #tpu.memory_space<vmem>>) semaphore(%arg9 : memref<!tpu.dma_semaphore, #tpu.memory_space<semaphore_mem>>)
    %dma_start3A_49 = arith.constant 1 : i32
    %dma_start3A_50 = arith.constant 1 : i32
    %dma_start3A_51 = arith.constant 0 : i32
    %dma_start3A_52 = arith.constant 0 : i32
    %dma_start3A_53 = tpu.memref_slice %arg8[%dma_start3A_50, %dma_start3A_51, %dma_start3A_52] : memref<8x125x64xbf16, #tpu.memory_space<vmem>> -> memref<1x125x64xbf16, #tpu.memory_space<vmem>>
    %dma_start3A_54 = tpu.memref_squeeze %dma_start3A_53 : memref<1x125x64xbf16, #tpu.memory_space<vmem>> -> memref<125x64xbf16, #tpu.memory_space<vmem>>
    %dma_start3A_55 = arith.constant 0 : i32
    %dma_start3A_56 = tpu.memref_slice %arg6[%dma_start3A_49, %dma_start3A_55] : memref<80x125xi32, #tpu.memory_space<vmem>> -> memref<1x125xi32, #tpu.memory_space<vmem>>
    %dma_start3A_57 = tpu.memref_squeeze %dma_start3A_56 : memref<1x125xi32, #tpu.memory_space<vmem>> -> memref<125xi32, #tpu.memory_space<vmem>>
    %dma_start3A_58 = arith.constant 0 : i32
    %dma_start3A_59 = arith.constant 0 : i32
    %dma_start3A_60 = tpu.memref_slice %arg18[%dma_start3A_58, %dma_start3A_59] : memref<10240x64xbf16, #tpu.memory_space<vmem_shared>> -> memref<10240x64xbf16, #tpu.memory_space<vmem_shared>>
    tpu.enqueue_indirect_dma source(%dma_start3A_60 : memref<10240x64xbf16, #tpu.memory_space<vmem_shared>>) target(%dma_start3A_54 : memref<125x64xbf16, #tpu.memory_space<vmem>>) offsets(%dma_start3A_57 : memref<125xi32, #tpu.memory_space<vmem>>) semaphore(%arg10 : memref<!tpu.dma_semaphore, #tpu.memory_space<semaphore_mem>>)
    %dma_start3A_61 = arith.constant 2 : i32
    %dma_start3A_62 = arith.constant 2 : i32
    %dma_start3A_63 = arith.constant 0 : i32
    %dma_start3A_64 = arith.constant 0 : i32
    %dma_start3A_65 = tpu.memref_slice %arg8[%dma_start3A_62, %dma_start3A_63, %dma_start3A_64] : memref<8x125x64xbf16, #tpu.memory_space<vmem>> -> memref<1x125x64xbf16, #tpu.memory_space<vmem>>
    %dma_start3A_66 = tpu.memref_squeeze %dma_start3A_65 : memref<1x125x64xbf16, #tpu.memory_space<vmem>> -> memref<125x64xbf16, #tpu.memory_space<vmem>>
    %dma_start3A_67 = arith.constant 0 : i32
    %dma_start3A_68 = tpu.memref_slice %arg6[%dma_start3A_61, %dma_start3A_67] : memref<80x125xi32, #tpu.memory_space<vmem>> -> memref<1x125xi32, #tpu.memory_space<vmem>>
    %dma_start3A_69 = tpu.memref_squeeze %dma_start3A_68 : memref<1x125xi32, #tpu.memory_space<vmem>> -> memref<125xi32, #tpu.memory_space<vmem>>
    %dma_start3A_70 = arith.constant 0 : i32
    %dma_start3A_71 = arith.constant 0 : i32
    %dma_start3A_72 = tpu.memref_slice %arg18[%dma_start3A_70, %dma_start3A_71] : memref<10240x64xbf16, #tpu.memory_space<vmem_shared>> -> memref<10240x64xbf16, #tpu.memory_space<vmem_shared>>
    tpu.enqueue_indirect_dma source(%dma_start3A_72 : memref<10240x64xbf16, #tpu.memory_space<vmem_shared>>) target(%dma_start3A_66 : memref<125x64xbf16, #tpu.memory_space<vmem>>) offsets(%dma_start3A_69 : memref<125xi32, #tpu.memory_space<vmem>>) semaphore(%arg11 : memref<!tpu.dma_semaphore, #tpu.memory_space<semaphore_mem>>)
    %dma_start3A_73 = arith.constant 3 : i32
    %dma_start3A_74 = arith.constant 3 : i32
    %dma_start3A_75 = arith.constant 0 : i32
    %dma_start3A_76 = arith.constant 0 : i32
    %dma_start3A_77 = tpu.memref_slice %arg8[%dma_start3A_74, %dma_start3A_75, %dma_start3A_76] : memref<8x125x64xbf16, #tpu.memory_space<vmem>> -> memref<1x125x64xbf16, #tpu.memory_space<vmem>>
    %dma_start3A_78 = tpu.memref_squeeze %dma_start3A_77 : memref<1x125x64xbf16, #tpu.memory_space<vmem>> -> memref<125x64xbf16, #tpu.memory_space<vmem>>
    %dma_start3A_79 = arith.constant 0 : i32
    %dma_start3A_80 = tpu.memref_slice %arg6[%dma_start3A_73, %dma_start3A_79] : memref<80x125xi32, #tpu.memory_space<vmem>> -> memref<1x125xi32, #tpu.memory_space<vmem>>
    %dma_start3A_81 = tpu.memref_squeeze %dma_start3A_80 : memref<1x125xi32, #tpu.memory_space<vmem>> -> memref<125xi32, #tpu.memory_space<vmem>>
    %dma_start3A_82 = arith.constant 0 : i32
    %dma_start3A_83 = arith.constant 0 : i32
    %dma_start3A_84 = tpu.memref_slice %arg18[%dma_start3A_82, %dma_start3A_83] : memref<10240x64xbf16, #tpu.memory_space<vmem_shared>> -> memref<10240x64xbf16, #tpu.memory_space<vmem_shared>>
    tpu.enqueue_indirect_dma source(%dma_start3A_84 : memref<10240x64xbf16, #tpu.memory_space<vmem_shared>>) target(%dma_start3A_78 : memref<125x64xbf16, #tpu.memory_space<vmem>>) offsets(%dma_start3A_81 : memref<125xi32, #tpu.memory_space<vmem>>) semaphore(%arg12 : memref<!tpu.dma_semaphore, #tpu.memory_space<semaphore_mem>>)
    %scan3A = arith.constant 0 : i32
    %scan3A_85 = arith.constant 0 : i32
    %scan3A_86 = arith.constant 20 : i32
    %scan3A_87 = arith.addi %scan3A_85, %scan3A_86 : i32
    %scan3A_88 = arith.constant 1 : i32
    scf.for %scan3A_94 = %scan3A_85 to %scan3A_87 step %scan3A_88  : i32 {
      %jit3A = arith.constant 2 : i32
      %eq3A = arith.constant 0 : i32
      %eq3A_95 = arith.cmpi eq, %jit3A, %eq3A : i32
      %jit3A_96 = arith.constant 1 : i32
      %select_n3A = arith.select %eq3A_95, %jit3A_96, %jit3A : i32
      %rem3A = arith.remsi %scan3A_94, %select_n3A : i32
      %ne3A = arith.constant 0 : i32
      %ne3A_97 = arith.cmpi ne, %rem3A, %ne3A : i32
      %lt3A = arith.constant 0 : i32
      %lt3A_98 = arith.cmpi slt, %rem3A, %lt3A : i32
      %lt3A_99 = arith.constant 0 : i32
      %lt3A_100 = arith.cmpi slt, %select_n3A, %lt3A_99 : i32
      %ne3A_101 = arith.xori %lt3A_98, %lt3A_100 : i1
      %and3A = arith.andi %ne3A_101, %ne3A_97 : i1
      %add3A_102 = arith.addi %rem3A, %select_n3A : i32
      %select_n3A_103 = arith.select %and3A, %add3A_102, %rem3A : i32
      %eq3A_104 = arith.constant 0 : i32
      %eq3A_105 = arith.cmpi eq, %select_n3A_103, %eq3A_104 : i32
      %convert_element_type3A = arith.extui %eq3A_105 : i1 to i32
      %cond3A = arith.constant 0 : i32
      %cond3A_106 = arith.cmpi ne, %convert_element_type3A, %cond3A : i32
      scf.if %cond3A_106 {
        %add3A_128 = arith.constant 1 : i32
        %add3A_129 = arith.addi %scan3A_94, %add3A_128 : i32
        %mul3A_130 = arith.constant 4 : i32
        %mul3A_131 = arith.muli %add3A_129, %mul3A_130 : i32
        %add3A_132 = arith.constant 1 : i32
        %add3A_133 = arith.addi %scan3A_94, %add3A_132 : i32
        %lt3A_134 = arith.constant 20 : i32
        %lt3A_135 = arith.cmpi slt, %add3A_133, %lt3A_134 : i32
        %convert_element_type3A_136 = arith.extui %lt3A_135 : i1 to i32
        %cond3A_137 = arith.constant 0 : i32
        %cond3A_138 = arith.cmpi ne, %convert_element_type3A_136, %cond3A_137 : i32
        scf.if %cond3A_138 {
          %add3A_202 = arith.constant 0 : i32
          %add3A_203 = arith.addi %mul3A_131, %add3A_202 : i32
          %dma_start3A_204 = arith.constant 4 : i32
          %dma_start3A_205 = arith.constant 0 : i32
          %dma_start3A_206 = arith.constant 0 : i32
          %dma_start3A_207 = tpu.memref_slice %arg8[%dma_start3A_204, %dma_start3A_205, %dma_start3A_206] : memref<8x125x64xbf16, #tpu.memory_space<vmem>> -> memref<1x125x64xbf16, #tpu.memory_space<vmem>>
          %dma_start3A_208 = tpu.memref_squeeze %dma_start3A_207 : memref<1x125x64xbf16, #tpu.memory_space<vmem>> -> memref<125x64xbf16, #tpu.memory_space<vmem>>
          %dma_start3A_209 = arith.constant 0 : i32
          %dma_start3A_210 = tpu.memref_slice %arg6[%add3A_203, %dma_start3A_209] : memref<80x125xi32, #tpu.memory_space<vmem>> -> memref<1x125xi32, #tpu.memory_space<vmem>>
          %dma_start3A_211 = tpu.memref_squeeze %dma_start3A_210 : memref<1x125xi32, #tpu.memory_space<vmem>> -> memref<125xi32, #tpu.memory_space<vmem>>
          %dma_start3A_212 = arith.constant 0 : i32
          %dma_start3A_213 = arith.constant 0 : i32
          %dma_start3A_214 = tpu.memref_slice %arg18[%dma_start3A_212, %dma_start3A_213] : memref<10240x64xbf16, #tpu.memory_space<vmem_shared>> -> memref<10240x64xbf16, #tpu.memory_space<vmem_shared>>
          tpu.enqueue_indirect_dma source(%dma_start3A_214 : memref<10240x64xbf16, #tpu.memory_space<vmem_shared>>) target(%dma_start3A_208 : memref<125x64xbf16, #tpu.memory_space<vmem>>) offsets(%dma_start3A_211 : memref<125xi32, #tpu.memory_space<vmem>>) semaphore(%arg13 : memref<!tpu.dma_semaphore, #tpu.memory_space<semaphore_mem>>)
          %add3A_215 = arith.constant 1 : i32
          %add3A_216 = arith.addi %mul3A_131, %add3A_215 : i32
          %dma_start3A_217 = arith.constant 5 : i32
          %dma_start3A_218 = arith.constant 0 : i32
          %dma_start3A_219 = arith.constant 0 : i32
          %dma_start3A_220 = tpu.memref_slice %arg8[%dma_start3A_217, %dma_start3A_218, %dma_start3A_219] : memref<8x125x64xbf16, #tpu.memory_space<vmem>> -> memref<1x125x64xbf16, #tpu.memory_space<vmem>>
          %dma_start3A_221 = tpu.memref_squeeze %dma_start3A_220 : memref<1x125x64xbf16, #tpu.memory_space<vmem>> -> memref<125x64xbf16, #tpu.memory_space<vmem>>
          %dma_start3A_222 = arith.constant 0 : i32
          %dma_start3A_223 = tpu.memref_slice %arg6[%add3A_216, %dma_start3A_222] : memref<80x125xi32, #tpu.memory_space<vmem>> -> memref<1x125xi32, #tpu.memory_space<vmem>>
          %dma_start3A_224 = tpu.memref_squeeze %dma_start3A_223 : memref<1x125xi32, #tpu.memory_space<vmem>> -> memref<125xi32, #tpu.memory_space<vmem>>
          %dma_start3A_225 = arith.constant 0 : i32
          %dma_start3A_226 = arith.constant 0 : i32
          %dma_start3A_227 = tpu.memref_slice %arg18[%dma_start3A_225, %dma_start3A_226] : memref<10240x64xbf16, #tpu.memory_space<vmem_shared>> -> memref<10240x64xbf16, #tpu.memory_space<vmem_shared>>
          tpu.enqueue_indirect_dma source(%dma_start3A_227 : memref<10240x64xbf16, #tpu.memory_space<vmem_shared>>) target(%dma_start3A_221 : memref<125x64xbf16, #tpu.memory_space<vmem>>) offsets(%dma_start3A_224 : memref<125xi32, #tpu.memory_space<vmem>>) semaphore(%arg14 : memref<!tpu.dma_semaphore, #tpu.memory_space<semaphore_mem>>)
          %add3A_228 = arith.constant 2 : i32
          %add3A_229 = arith.addi %mul3A_131, %add3A_228 : i32
          %dma_start3A_230 = arith.constant 6 : i32
          %dma_start3A_231 = arith.constant 0 : i32
          %dma_start3A_232 = arith.constant 0 : i32
          %dma_start3A_233 = tpu.memref_slice %arg8[%dma_start3A_230, %dma_start3A_231, %dma_start3A_232] : memref<8x125x64xbf16, #tpu.memory_space<vmem>> -> memref<1x125x64xbf16, #tpu.memory_space<vmem>>
          %dma_start3A_234 = tpu.memref_squeeze %dma_start3A_233 : memref<1x125x64xbf16, #tpu.memory_space<vmem>> -> memref<125x64xbf16, #tpu.memory_space<vmem>>
          %dma_start3A_235 = arith.constant 0 : i32
          %dma_start3A_236 = tpu.memref_slice %arg6[%add3A_229, %dma_start3A_235] : memref<80x125xi32, #tpu.memory_space<vmem>> -> memref<1x125xi32, #tpu.memory_space<vmem>>
          %dma_start3A_237 = tpu.memref_squeeze %dma_start3A_236 : memref<1x125xi32, #tpu.memory_space<vmem>> -> memref<125xi32, #tpu.memory_space<vmem>>
          %dma_start3A_238 = arith.constant 0 : i32
          %dma_start3A_239 = arith.constant 0 : i32
          %dma_start3A_240 = tpu.memref_slice %arg18[%dma_start3A_238, %dma_start3A_239] : memref<10240x64xbf16, #tpu.memory_space<vmem_shared>> -> memref<10240x64xbf16, #tpu.memory_space<vmem_shared>>
          tpu.enqueue_indirect_dma source(%dma_start3A_240 : memref<10240x64xbf16, #tpu.memory_space<vmem_shared>>) target(%dma_start3A_234 : memref<125x64xbf16, #tpu.memory_space<vmem>>) offsets(%dma_start3A_237 : memref<125xi32, #tpu.memory_space<vmem>>) semaphore(%arg15 : memref<!tpu.dma_semaphore, #tpu.memory_space<semaphore_mem>>)
          %add3A_241 = arith.constant 3 : i32
          %add3A_242 = arith.addi %mul3A_131, %add3A_241 : i32
          %dma_start3A_243 = arith.constant 7 : i32
          %dma_start3A_244 = arith.constant 0 : i32
          %dma_start3A_245 = arith.constant 0 : i32
          %dma_start3A_246 = tpu.memref_slice %arg8[%dma_start3A_243, %dma_start3A_244, %dma_start3A_245] : memref<8x125x64xbf16, #tpu.memory_space<vmem>> -> memref<1x125x64xbf16, #tpu.memory_space<vmem>>
          %dma_start3A_247 = tpu.memref_squeeze %dma_start3A_246 : memref<1x125x64xbf16, #tpu.memory_space<vmem>> -> memref<125x64xbf16, #tpu.memory_space<vmem>>
          %dma_start3A_248 = arith.constant 0 : i32
          %dma_start3A_249 = tpu.memref_slice %arg6[%add3A_242, %dma_start3A_248] : memref<80x125xi32, #tpu.memory_space<vmem>> -> memref<1x125xi32, #tpu.memory_space<vmem>>
          %dma_start3A_250 = tpu.memref_squeeze %dma_start3A_249 : memref<1x125xi32, #tpu.memory_space<vmem>> -> memref<125xi32, #tpu.memory_space<vmem>>
          %dma_start3A_251 = arith.constant 0 : i32
          %dma_start3A_252 = arith.constant 0 : i32
          %dma_start3A_253 = tpu.memref_slice %arg18[%dma_start3A_251, %dma_start3A_252] : memref<10240x64xbf16, #tpu.memory_space<vmem_shared>> -> memref<10240x64xbf16, #tpu.memory_space<vmem_shared>>
          tpu.enqueue_indirect_dma source(%dma_start3A_253 : memref<10240x64xbf16, #tpu.memory_space<vmem_shared>>) target(%dma_start3A_247 : memref<125x64xbf16, #tpu.memory_space<vmem>>) offsets(%dma_start3A_250 : memref<125xi32, #tpu.memory_space<vmem>>) semaphore(%arg16 : memref<!tpu.dma_semaphore, #tpu.memory_space<semaphore_mem>>)
        } else {
        }
        %mul3A_139 = arith.constant 4 : i32
        %mul3A_140 = arith.muli %scan3A_94, %mul3A_139 : i32
        %add3A_141 = arith.constant 0 : i32
        %add3A_142 = arith.addi %mul3A_140, %add3A_141 : i32
        %dma_wait3A_143 = arith.constant 0 : i32
        %dma_wait3A_144 = arith.constant 0 : i32
        %dma_wait3A_145 = arith.constant 0 : i32
        %dma_wait3A_146 = tpu.memref_slice %arg8[%dma_wait3A_143, %dma_wait3A_144, %dma_wait3A_145] : memref<8x125x64xbf16, #tpu.memory_space<vmem>> -> memref<1x125x64xbf16, #tpu.memory_space<vmem>>
        %dma_wait3A_147 = tpu.memref_squeeze %dma_wait3A_146 : memref<1x125x64xbf16, #tpu.memory_space<vmem>> -> memref<125x64xbf16, #tpu.memory_space<vmem>>
        %dma_wait3A_148 = arith.constant 0 : i32
        %dma_wait3A_149 = tpu.memref_slice %arg6[%add3A_142, %dma_wait3A_148] : memref<80x125xi32, #tpu.memory_space<vmem>> -> memref<1x125xi32, #tpu.memory_space<vmem>>
        %dma_wait3A_150 = tpu.memref_squeeze %dma_wait3A_149 : memref<1x125xi32, #tpu.memory_space<vmem>> -> memref<125xi32, #tpu.memory_space<vmem>>
        %dma_wait3A_151 = arith.constant 0 : i32
        %dma_wait3A_152 = arith.constant 0 : i32
        %dma_wait3A_153 = tpu.memref_slice %arg18[%dma_wait3A_151, %dma_wait3A_152] : memref<10240x64xbf16, #tpu.memory_space<vmem_shared>> -> memref<10240x64xbf16, #tpu.memory_space<vmem_shared>>
        tpu.wait_indirect_dma semaphore(%arg9 : memref<!tpu.dma_semaphore, #tpu.memory_space<semaphore_mem>>) src(%dma_wait3A_153 : memref<10240x64xbf16, #tpu.memory_space<vmem_shared>>) dst(%dma_wait3A_147 : memref<125x64xbf16, #tpu.memory_space<vmem>>)
        %run_scoped3A = arith.constant 0 : i32
        "tpu.region"() ({
          %run_scoped3A_202 = tpu.sem_alloc : memref<!tpu.dma_semaphore, #tpu.memory_space<semaphore_mem>>
          %dma_start3A_203 = arith.constant 0 : i32
          %dma_start3A_204 = arith.constant 0 : i32
          %dma_start3A_205 = tpu.memref_slice %arg8[%run_scoped3A, %dma_start3A_203, %dma_start3A_204] : memref<8x125x64xbf16, #tpu.memory_space<vmem>> -> memref<1x125x64xbf16, #tpu.memory_space<vmem>>
          %dma_start3A_206 = tpu.memref_squeeze %dma_start3A_205 : memref<1x125x64xbf16, #tpu.memory_space<vmem>> -> memref<125x64xbf16, #tpu.memory_space<vmem>>
          %dma_start3A_207 = arith.constant 0 : i32
          %dma_start3A_208 = tpu.memref_slice %arg7[%add3A_142, %dma_start3A_207] : memref<80x125xi32, #tpu.memory_space<vmem>> -> memref<1x125xi32, #tpu.memory_space<vmem>>
          %dma_start3A_209 = tpu.memref_squeeze %dma_start3A_208 : memref<1x125xi32, #tpu.memory_space<vmem>> -> memref<125xi32, #tpu.memory_space<vmem>>
          %dma_start3A_210 = arith.constant 0 : i32
          %dma_start3A_211 = arith.constant 0 : i32
          %dma_start3A_212 = tpu.memref_slice %arg17[%dma_start3A_210, %dma_start3A_211] : memref<10240x64xbf16, #tpu.memory_space<vmem_shared>> -> memref<10240x64xbf16, #tpu.memory_space<vmem_shared>>
          tpu.enqueue_indirect_dma source(%dma_start3A_206 : memref<125x64xbf16, #tpu.memory_space<vmem>>) target(%dma_start3A_212 : memref<10240x64xbf16, #tpu.memory_space<vmem_shared>>) offsets(%dma_start3A_209 : memref<125xi32, #tpu.memory_space<vmem>>) semaphore(%run_scoped3A_202 : memref<!tpu.dma_semaphore, #tpu.memory_space<semaphore_mem>>) {add = true}
          %dma_wait3A_213 = arith.constant 0 : i32
          %dma_wait3A_214 = arith.constant 0 : i32
          %dma_wait3A_215 = tpu.memref_slice %arg8[%run_scoped3A, %dma_wait3A_213, %dma_wait3A_214] : memref<8x125x64xbf16, #tpu.memory_space<vmem>> -> memref<1x125x64xbf16, #tpu.memory_space<vmem>>
          %dma_wait3A_216 = tpu.memref_squeeze %dma_wait3A_215 : memref<1x125x64xbf16, #tpu.memory_space<vmem>> -> memref<125x64xbf16, #tpu.memory_space<vmem>>
          %dma_wait3A_217 = arith.constant 0 : i32
          %dma_wait3A_218 = tpu.memref_slice %arg7[%add3A_142, %dma_wait3A_217] : memref<80x125xi32, #tpu.memory_space<vmem>> -> memref<1x125xi32, #tpu.memory_space<vmem>>
          %dma_wait3A_219 = tpu.memref_squeeze %dma_wait3A_218 : memref<1x125xi32, #tpu.memory_space<vmem>> -> memref<125xi32, #tpu.memory_space<vmem>>
          %dma_wait3A_220 = arith.constant 0 : i32
          %dma_wait3A_221 = arith.constant 0 : i32
          %dma_wait3A_222 = tpu.memref_slice %arg17[%dma_wait3A_220, %dma_wait3A_221] : memref<10240x64xbf16, #tpu.memory_space<vmem_shared>> -> memref<10240x64xbf16, #tpu.memory_space<vmem_shared>>
          tpu.wait_indirect_dma semaphore(%run_scoped3A_202 : memref<!tpu.dma_semaphore, #tpu.memory_space<semaphore_mem>>) src(%dma_wait3A_216 : memref<125x64xbf16, #tpu.memory_space<vmem>>) dst(%dma_wait3A_222 : memref<10240x64xbf16, #tpu.memory_space<vmem_shared>>)
          tpu.yield
        }) : () -> ()
        %mul3A_154 = arith.constant 4 : i32
        %mul3A_155 = arith.muli %scan3A_94, %mul3A_154 : i32
        %add3A_156 = arith.constant 1 : i32
        %add3A_157 = arith.addi %mul3A_155, %add3A_156 : i32
        %dma_wait3A_158 = arith.constant 1 : i32
        %dma_wait3A_159 = arith.constant 0 : i32
        %dma_wait3A_160 = arith.constant 0 : i32
        %dma_wait3A_161 = tpu.memref_slice %arg8[%dma_wait3A_158, %dma_wait3A_159, %dma_wait3A_160] : memref<8x125x64xbf16, #tpu.memory_space<vmem>> -> memref<1x125x64xbf16, #tpu.memory_space<vmem>>
        %dma_wait3A_162 = tpu.memref_squeeze %dma_wait3A_161 : memref<1x125x64xbf16, #tpu.memory_space<vmem>> -> memref<125x64xbf16, #tpu.memory_space<vmem>>
        %dma_wait3A_163 = arith.constant 0 : i32
        %dma_wait3A_164 = tpu.memref_slice %arg6[%add3A_157, %dma_wait3A_163] : memref<80x125xi32, #tpu.memory_space<vmem>> -> memref<1x125xi32, #tpu.memory_space<vmem>>
        %dma_wait3A_165 = tpu.memref_squeeze %dma_wait3A_164 : memref<1x125xi32, #tpu.memory_space<vmem>> -> memref<125xi32, #tpu.memory_space<vmem>>
        %dma_wait3A_166 = arith.constant 0 : i32
        %dma_wait3A_167 = arith.constant 0 : i32
        %dma_wait3A_168 = tpu.memref_slice %arg18[%dma_wait3A_166, %dma_wait3A_167] : memref<10240x64xbf16, #tpu.memory_space<vmem_shared>> -> memref<10240x64xbf16, #tpu.memory_space<vmem_shared>>
        tpu.wait_indirect_dma semaphore(%arg10 : memref<!tpu.dma_semaphore, #tpu.memory_space<semaphore_mem>>) src(%dma_wait3A_168 : memref<10240x64xbf16, #tpu.memory_space<vmem_shared>>) dst(%dma_wait3A_162 : memref<125x64xbf16, #tpu.memory_space<vmem>>)
        %run_scoped3A_169 = arith.constant 1 : i32
        "tpu.region"() ({
          %run_scoped3A_202 = tpu.sem_alloc : memref<!tpu.dma_semaphore, #tpu.memory_space<semaphore_mem>>
          %dma_start3A_203 = arith.constant 0 : i32
          %dma_start3A_204 = arith.constant 0 : i32
          %dma_start3A_205 = tpu.memref_slice %arg8[%run_scoped3A_169, %dma_start3A_203, %dma_start3A_204] : memref<8x125x64xbf16, #tpu.memory_space<vmem>> -> memref<1x125x64xbf16, #tpu.memory_space<vmem>>
          %dma_start3A_206 = tpu.memref_squeeze %dma_start3A_205 : memref<1x125x64xbf16, #tpu.memory_space<vmem>> -> memref<125x64xbf16, #tpu.memory_space<vmem>>
          %dma_start3A_207 = arith.constant 0 : i32
          %dma_start3A_208 = tpu.memref_slice %arg7[%add3A_157, %dma_start3A_207] : memref<80x125xi32, #tpu.memory_space<vmem>> -> memref<1x125xi32, #tpu.memory_space<vmem>>
          %dma_start3A_209 = tpu.memref_squeeze %dma_start3A_208 : memref<1x125xi32, #tpu.memory_space<vmem>> -> memref<125xi32, #tpu.memory_space<vmem>>
          %dma_start3A_210 = arith.constant 0 : i32
          %dma_start3A_211 = arith.constant 0 : i32
          %dma_start3A_212 = tpu.memref_slice %arg17[%dma_start3A_210, %dma_start3A_211] : memref<10240x64xbf16, #tpu.memory_space<vmem_shared>> -> memref<10240x64xbf16, #tpu.memory_space<vmem_shared>>
          tpu.enqueue_indirect_dma source(%dma_start3A_206 : memref<125x64xbf16, #tpu.memory_space<vmem>>) target(%dma_start3A_212 : memref<10240x64xbf16, #tpu.memory_space<vmem_shared>>) offsets(%dma_start3A_209 : memref<125xi32, #tpu.memory_space<vmem>>) semaphore(%run_scoped3A_202 : memref<!tpu.dma_semaphore, #tpu.memory_space<semaphore_mem>>) {add = true}
          %dma_wait3A_213 = arith.constant 0 : i32
          %dma_wait3A_214 = arith.constant 0 : i32
          %dma_wait3A_215 = tpu.memref_slice %arg8[%run_scoped3A_169, %dma_wait3A_213, %dma_wait3A_214] : memref<8x125x64xbf16, #tpu.memory_space<vmem>> -> memref<1x125x64xbf16, #tpu.memory_space<vmem>>
          %dma_wait3A_216 = tpu.memref_squeeze %dma_wait3A_215 : memref<1x125x64xbf16, #tpu.memory_space<vmem>> -> memref<125x64xbf16, #tpu.memory_space<vmem>>
          %dma_wait3A_217 = arith.constant 0 : i32
          %dma_wait3A_218 = tpu.memref_slice %arg7[%add3A_157, %dma_wait3A_217] : memref<80x125xi32, #tpu.memory_space<vmem>> -> memref<1x125xi32, #tpu.memory_space<vmem>>
          %dma_wait3A_219 = tpu.memref_squeeze %dma_wait3A_218 : memref<1x125xi32, #tpu.memory_space<vmem>> -> memref<125xi32, #tpu.memory_space<vmem>>
          %dma_wait3A_220 = arith.constant 0 : i32
          %dma_wait3A_221 = arith.constant 0 : i32
          %dma_wait3A_222 = tpu.memref_slice %arg17[%dma_wait3A_220, %dma_wait3A_221] : memref<10240x64xbf16, #tpu.memory_space<vmem_shared>> -> memref<10240x64xbf16, #tpu.memory_space<vmem_shared>>
          tpu.wait_indirect_dma semaphore(%run_scoped3A_202 : memref<!tpu.dma_semaphore, #tpu.memory_space<semaphore_mem>>) src(%dma_wait3A_216 : memref<125x64xbf16, #tpu.memory_space<vmem>>) dst(%dma_wait3A_222 : memref<10240x64xbf16, #tpu.memory_space<vmem_shared>>)
          tpu.yield
        }) : () -> ()
        %mul3A_170 = arith.constant 4 : i32
        %mul3A_171 = arith.muli %scan3A_94, %mul3A_170 : i32
        %add3A_172 = arith.constant 2 : i32
        %add3A_173 = arith.addi %mul3A_171, %add3A_172 : i32
        %dma_wait3A_174 = arith.constant 2 : i32
        %dma_wait3A_175 = arith.constant 0 : i32
        %dma_wait3A_176 = arith.constant 0 : i32
        %dma_wait3A_177 = tpu.memref_slice %arg8[%dma_wait3A_174, %dma_wait3A_175, %dma_wait3A_176] : memref<8x125x64xbf16, #tpu.memory_space<vmem>> -> memref<1x125x64xbf16, #tpu.memory_space<vmem>>
        %dma_wait3A_178 = tpu.memref_squeeze %dma_wait3A_177 : memref<1x125x64xbf16, #tpu.memory_space<vmem>> -> memref<125x64xbf16, #tpu.memory_space<vmem>>
        %dma_wait3A_179 = arith.constant 0 : i32
        %dma_wait3A_180 = tpu.memref_slice %arg6[%add3A_173, %dma_wait3A_179] : memref<80x125xi32, #tpu.memory_space<vmem>> -> memref<1x125xi32, #tpu.memory_space<vmem>>
        %dma_wait3A_181 = tpu.memref_squeeze %dma_wait3A_180 : memref<1x125xi32, #tpu.memory_space<vmem>> -> memref<125xi32, #tpu.memory_space<vmem>>
        %dma_wait3A_182 = arith.constant 0 : i32
        %dma_wait3A_183 = arith.constant 0 : i32
        %dma_wait3A_184 = tpu.memref_slice %arg18[%dma_wait3A_182, %dma_wait3A_183] : memref<10240x64xbf16, #tpu.memory_space<vmem_shared>> -> memref<10240x64xbf16, #tpu.memory_space<vmem_shared>>
        tpu.wait_indirect_dma semaphore(%arg11 : memref<!tpu.dma_semaphore, #tpu.memory_space<semaphore_mem>>) src(%dma_wait3A_184 : memref<10240x64xbf16, #tpu.memory_space<vmem_shared>>) dst(%dma_wait3A_178 : memref<125x64xbf16, #tpu.memory_space<vmem>>)
        %run_scoped3A_185 = arith.constant 2 : i32
        "tpu.region"() ({
          %run_scoped3A_202 = tpu.sem_alloc : memref<!tpu.dma_semaphore, #tpu.memory_space<semaphore_mem>>
          %dma_start3A_203 = arith.constant 0 : i32
          %dma_start3A_204 = arith.constant 0 : i32
          %dma_start3A_205 = tpu.memref_slice %arg8[%run_scoped3A_185, %dma_start3A_203, %dma_start3A_204] : memref<8x125x64xbf16, #tpu.memory_space<vmem>> -> memref<1x125x64xbf16, #tpu.memory_space<vmem>>
          %dma_start3A_206 = tpu.memref_squeeze %dma_start3A_205 : memref<1x125x64xbf16, #tpu.memory_space<vmem>> -> memref<125x64xbf16, #tpu.memory_space<vmem>>
          %dma_start3A_207 = arith.constant 0 : i32
          %dma_start3A_208 = tpu.memref_slice %arg7[%add3A_173, %dma_start3A_207] : memref<80x125xi32, #tpu.memory_space<vmem>> -> memref<1x125xi32, #tpu.memory_space<vmem>>
          %dma_start3A_209 = tpu.memref_squeeze %dma_start3A_208 : memref<1x125xi32, #tpu.memory_space<vmem>> -> memref<125xi32, #tpu.memory_space<vmem>>
          %dma_start3A_210 = arith.constant 0 : i32
          %dma_start3A_211 = arith.constant 0 : i32
          %dma_start3A_212 = tpu.memref_slice %arg17[%dma_start3A_210, %dma_start3A_211] : memref<10240x64xbf16, #tpu.memory_space<vmem_shared>> -> memref<10240x64xbf16, #tpu.memory_space<vmem_shared>>
          tpu.enqueue_indirect_dma source(%dma_start3A_206 : memref<125x64xbf16, #tpu.memory_space<vmem>>) target(%dma_start3A_212 : memref<10240x64xbf16, #tpu.memory_space<vmem_shared>>) offsets(%dma_start3A_209 : memref<125xi32, #tpu.memory_space<vmem>>) semaphore(%run_scoped3A_202 : memref<!tpu.dma_semaphore, #tpu.memory_space<semaphore_mem>>) {add = true}
          %dma_wait3A_213 = arith.constant 0 : i32
          %dma_wait3A_214 = arith.constant 0 : i32
          %dma_wait3A_215 = tpu.memref_slice %arg8[%run_scoped3A_185, %dma_wait3A_213, %dma_wait3A_214] : memref<8x125x64xbf16, #tpu.memory_space<vmem>> -> memref<1x125x64xbf16, #tpu.memory_space<vmem>>
          %dma_wait3A_216 = tpu.memref_squeeze %dma_wait3A_215 : memref<1x125x64xbf16, #tpu.memory_space<vmem>> -> memref<125x64xbf16, #tpu.memory_space<vmem>>
          %dma_wait3A_217 = arith.constant 0 : i32
          %dma_wait3A_218 = tpu.memref_slice %arg7[%add3A_173, %dma_wait3A_217] : memref<80x125xi32, #tpu.memory_space<vmem>> -> memref<1x125xi32, #tpu.memory_space<vmem>>
          %dma_wait3A_219 = tpu.memref_squeeze %dma_wait3A_218 : memref<1x125xi32, #tpu.memory_space<vmem>> -> memref<125xi32, #tpu.memory_space<vmem>>
          %dma_wait3A_220 = arith.constant 0 : i32
          %dma_wait3A_221 = arith.constant 0 : i32
          %dma_wait3A_222 = tpu.memref_slice %arg17[%dma_wait3A_220, %dma_wait3A_221] : memref<10240x64xbf16, #tpu.memory_space<vmem_shared>> -> memref<10240x64xbf16, #tpu.memory_space<vmem_shared>>
          tpu.wait_indirect_dma semaphore(%run_scoped3A_202 : memref<!tpu.dma_semaphore, #tpu.memory_space<semaphore_mem>>) src(%dma_wait3A_216 : memref<125x64xbf16, #tpu.memory_space<vmem>>) dst(%dma_wait3A_222 : memref<10240x64xbf16, #tpu.memory_space<vmem_shared>>)
          tpu.yield
        }) : () -> ()
        %mul3A_186 = arith.constant 4 : i32
        %mul3A_187 = arith.muli %scan3A_94, %mul3A_186 : i32
        %add3A_188 = arith.constant 3 : i32
        %add3A_189 = arith.addi %mul3A_187, %add3A_188 : i32
        %dma_wait3A_190 = arith.constant 3 : i32
        %dma_wait3A_191 = arith.constant 0 : i32
        %dma_wait3A_192 = arith.constant 0 : i32
        %dma_wait3A_193 = tpu.memref_slice %arg8[%dma_wait3A_190, %dma_wait3A_191, %dma_wait3A_192] : memref<8x125x64xbf16, #tpu.memory_space<vmem>> -> memref<1x125x64xbf16, #tpu.memory_space<vmem>>
        %dma_wait3A_194 = tpu.memref_squeeze %dma_wait3A_193 : memref<1x125x64xbf16, #tpu.memory_space<vmem>> -> memref<125x64xbf16, #tpu.memory_space<vmem>>
        %dma_wait3A_195 = arith.constant 0 : i32
        %dma_wait3A_196 = tpu.memref_slice %arg6[%add3A_189, %dma_wait3A_195] : memref<80x125xi32, #tpu.memory_space<vmem>> -> memref<1x125xi32, #tpu.memory_space<vmem>>
        %dma_wait3A_197 = tpu.memref_squeeze %dma_wait3A_196 : memref<1x125xi32, #tpu.memory_space<vmem>> -> memref<125xi32, #tpu.memory_space<vmem>>
        %dma_wait3A_198 = arith.constant 0 : i32
        %dma_wait3A_199 = arith.constant 0 : i32
        %dma_wait3A_200 = tpu.memref_slice %arg18[%dma_wait3A_198, %dma_wait3A_199] : memref<10240x64xbf16, #tpu.memory_space<vmem_shared>> -> memref<10240x64xbf16, #tpu.memory_space<vmem_shared>>
        tpu.wait_indirect_dma semaphore(%arg12 : memref<!tpu.dma_semaphore, #tpu.memory_space<semaphore_mem>>) src(%dma_wait3A_200 : memref<10240x64xbf16, #tpu.memory_space<vmem_shared>>) dst(%dma_wait3A_194 : memref<125x64xbf16, #tpu.memory_space<vmem>>)
        %run_scoped3A_201 = arith.constant 3 : i32
        "tpu.region"() ({
          %run_scoped3A_202 = tpu.sem_alloc : memref<!tpu.dma_semaphore, #tpu.memory_space<semaphore_mem>>
          %dma_start3A_203 = arith.constant 0 : i32
          %dma_start3A_204 = arith.constant 0 : i32
          %dma_start3A_205 = tpu.memref_slice %arg8[%run_scoped3A_201, %dma_start3A_203, %dma_start3A_204] : memref<8x125x64xbf16, #tpu.memory_space<vmem>> -> memref<1x125x64xbf16, #tpu.memory_space<vmem>>
          %dma_start3A_206 = tpu.memref_squeeze %dma_start3A_205 : memref<1x125x64xbf16, #tpu.memory_space<vmem>> -> memref<125x64xbf16, #tpu.memory_space<vmem>>
          %dma_start3A_207 = arith.constant 0 : i32
          %dma_start3A_208 = tpu.memref_slice %arg7[%add3A_189, %dma_start3A_207] : memref<80x125xi32, #tpu.memory_space<vmem>> -> memref<1x125xi32, #tpu.memory_space<vmem>>
          %dma_start3A_209 = tpu.memref_squeeze %dma_start3A_208 : memref<1x125xi32, #tpu.memory_space<vmem>> -> memref<125xi32, #tpu.memory_space<vmem>>
          %dma_start3A_210 = arith.constant 0 : i32
          %dma_start3A_211 = arith.constant 0 : i32
          %dma_start3A_212 = tpu.memref_slice %arg17[%dma_start3A_210, %dma_start3A_211] : memref<10240x64xbf16, #tpu.memory_space<vmem_shared>> -> memref<10240x64xbf16, #tpu.memory_space<vmem_shared>>
          tpu.enqueue_indirect_dma source(%dma_start3A_206 : memref<125x64xbf16, #tpu.memory_space<vmem>>) target(%dma_start3A_212 : memref<10240x64xbf16, #tpu.memory_space<vmem_shared>>) offsets(%dma_start3A_209 : memref<125xi32, #tpu.memory_space<vmem>>) semaphore(%run_scoped3A_202 : memref<!tpu.dma_semaphore, #tpu.memory_space<semaphore_mem>>) {add = true}
          %dma_wait3A_213 = arith.constant 0 : i32
          %dma_wait3A_214 = arith.constant 0 : i32
          %dma_wait3A_215 = tpu.memref_slice %arg8[%run_scoped3A_201, %dma_wait3A_213, %dma_wait3A_214] : memref<8x125x64xbf16, #tpu.memory_space<vmem>> -> memref<1x125x64xbf16, #tpu.memory_space<vmem>>
          %dma_wait3A_216 = tpu.memref_squeeze %dma_wait3A_215 : memref<1x125x64xbf16, #tpu.memory_space<vmem>> -> memref<125x64xbf16, #tpu.memory_space<vmem>>
          %dma_wait3A_217 = arith.constant 0 : i32
          %dma_wait3A_218 = tpu.memref_slice %arg7[%add3A_189, %dma_wait3A_217] : memref<80x125xi32, #tpu.memory_space<vmem>> -> memref<1x125xi32, #tpu.memory_space<vmem>>
          %dma_wait3A_219 = tpu.memref_squeeze %dma_wait3A_218 : memref<1x125xi32, #tpu.memory_space<vmem>> -> memref<125xi32, #tpu.memory_space<vmem>>
          %dma_wait3A_220 = arith.constant 0 : i32
          %dma_wait3A_221 = arith.constant 0 : i32
          %dma_wait3A_222 = tpu.memref_slice %arg17[%dma_wait3A_220, %dma_wait3A_221] : memref<10240x64xbf16, #tpu.memory_space<vmem_shared>> -> memref<10240x64xbf16, #tpu.memory_space<vmem_shared>>
          tpu.wait_indirect_dma semaphore(%run_scoped3A_202 : memref<!tpu.dma_semaphore, #tpu.memory_space<semaphore_mem>>) src(%dma_wait3A_216 : memref<125x64xbf16, #tpu.memory_space<vmem>>) dst(%dma_wait3A_222 : memref<10240x64xbf16, #tpu.memory_space<vmem_shared>>)
          tpu.yield
        }) : () -> ()
      } else {
      }
      %jit3A_107 = arith.constant 2 : i32
      %eq3A_108 = arith.constant 0 : i32
      %eq3A_109 = arith.cmpi eq, %jit3A_107, %eq3A_108 : i32
      %jit3A_110 = arith.constant 1 : i32
      %select_n3A_111 = arith.select %eq3A_109, %jit3A_110, %jit3A_107 : i32
      %rem3A_112 = arith.remsi %scan3A_94, %select_n3A_111 : i32
      %ne3A_113 = arith.constant 0 : i32
      %ne3A_114 = arith.cmpi ne, %rem3A_112, %ne3A_113 : i32
      %lt3A_115 = arith.constant 0 : i32
      %lt3A_116 = arith.cmpi slt, %rem3A_112, %lt3A_115 : i32
      %lt3A_117 = arith.constant 0 : i32
      %lt3A_118 = arith.cmpi slt, %select_n3A_111, %lt3A_117 : i32
      %ne3A_119 = arith.xori %lt3A_116, %lt3A_118 : i1
      %and3A_120 = arith.andi %ne3A_119, %ne3A_114 : i1
      %add3A_121 = arith.addi %rem3A_112, %select_n3A_111 : i32
      %select_n3A_122 = arith.select %and3A_120, %add3A_121, %rem3A_112 : i32
      %eq3A_123 = arith.constant 1 : i32
      %eq3A_124 = arith.cmpi eq, %select_n3A_122, %eq3A_123 : i32
      %convert_element_type3A_125 = arith.extui %eq3A_124 : i1 to i32
      %cond3A_126 = arith.constant 0 : i32
      %cond3A_127 = arith.cmpi ne, %convert_element_type3A_125, %cond3A_126 : i32
      scf.if %cond3A_127 {
        %add3A_128 = arith.constant 1 : i32
        %add3A_129 = arith.addi %scan3A_94, %add3A_128 : i32
        %mul3A_130 = arith.constant 4 : i32
        %mul3A_131 = arith.muli %add3A_129, %mul3A_130 : i32
        %add3A_132 = arith.constant 1 : i32
        %add3A_133 = arith.addi %scan3A_94, %add3A_132 : i32
        %lt3A_134 = arith.constant 20 : i32
        %lt3A_135 = arith.cmpi slt, %add3A_133, %lt3A_134 : i32
        %convert_element_type3A_136 = arith.extui %lt3A_135 : i1 to i32
        %cond3A_137 = arith.constant 0 : i32
        %cond3A_138 = arith.cmpi ne, %convert_element_type3A_136, %cond3A_137 : i32
        scf.if %cond3A_138 {
          %add3A_202 = arith.constant 0 : i32
          %add3A_203 = arith.addi %mul3A_131, %add3A_202 : i32
          %dma_start3A_204 = arith.constant 0 : i32
          %dma_start3A_205 = arith.constant 0 : i32
          %dma_start3A_206 = arith.constant 0 : i32
          %dma_start3A_207 = tpu.memref_slice %arg8[%dma_start3A_204, %dma_start3A_205, %dma_start3A_206] : memref<8x125x64xbf16, #tpu.memory_space<vmem>> -> memref<1x125x64xbf16, #tpu.memory_space<vmem>>
          %dma_start3A_208 = tpu.memref_squeeze %dma_start3A_207 : memref<1x125x64xbf16, #tpu.memory_space<vmem>> -> memref<125x64xbf16, #tpu.memory_space<vmem>>
          %dma_start3A_209 = arith.constant 0 : i32
          %dma_start3A_210 = tpu.memref_slice %arg6[%add3A_203, %dma_start3A_209] : memref<80x125xi32, #tpu.memory_space<vmem>> -> memref<1x125xi32, #tpu.memory_space<vmem>>
          %dma_start3A_211 = tpu.memref_squeeze %dma_start3A_210 : memref<1x125xi32, #tpu.memory_space<vmem>> -> memref<125xi32, #tpu.memory_space<vmem>>
          %dma_start3A_212 = arith.constant 0 : i32
          %dma_start3A_213 = arith.constant 0 : i32
          %dma_start3A_214 = tpu.memref_slice %arg18[%dma_start3A_212, %dma_start3A_213] : memref<10240x64xbf16, #tpu.memory_space<vmem_shared>> -> memref<10240x64xbf16, #tpu.memory_space<vmem_shared>>
          tpu.enqueue_indirect_dma source(%dma_start3A_214 : memref<10240x64xbf16, #tpu.memory_space<vmem_shared>>) target(%dma_start3A_208 : memref<125x64xbf16, #tpu.memory_space<vmem>>) offsets(%dma_start3A_211 : memref<125xi32, #tpu.memory_space<vmem>>) semaphore(%arg9 : memref<!tpu.dma_semaphore, #tpu.memory_space<semaphore_mem>>)
          %add3A_215 = arith.constant 1 : i32
          %add3A_216 = arith.addi %mul3A_131, %add3A_215 : i32
          %dma_start3A_217 = arith.constant 1 : i32
          %dma_start3A_218 = arith.constant 0 : i32
          %dma_start3A_219 = arith.constant 0 : i32
          %dma_start3A_220 = tpu.memref_slice %arg8[%dma_start3A_217, %dma_start3A_218, %dma_start3A_219] : memref<8x125x64xbf16, #tpu.memory_space<vmem>> -> memref<1x125x64xbf16, #tpu.memory_space<vmem>>
          %dma_start3A_221 = tpu.memref_squeeze %dma_start3A_220 : memref<1x125x64xbf16, #tpu.memory_space<vmem>> -> memref<125x64xbf16, #tpu.memory_space<vmem>>
          %dma_start3A_222 = arith.constant 0 : i32
          %dma_start3A_223 = tpu.memref_slice %arg6[%add3A_216, %dma_start3A_222] : memref<80x125xi32, #tpu.memory_space<vmem>> -> memref<1x125xi32, #tpu.memory_space<vmem>>
          %dma_start3A_224 = tpu.memref_squeeze %dma_start3A_223 : memref<1x125xi32, #tpu.memory_space<vmem>> -> memref<125xi32, #tpu.memory_space<vmem>>
          %dma_start3A_225 = arith.constant 0 : i32
          %dma_start3A_226 = arith.constant 0 : i32
          %dma_start3A_227 = tpu.memref_slice %arg18[%dma_start3A_225, %dma_start3A_226] : memref<10240x64xbf16, #tpu.memory_space<vmem_shared>> -> memref<10240x64xbf16, #tpu.memory_space<vmem_shared>>
          tpu.enqueue_indirect_dma source(%dma_start3A_227 : memref<10240x64xbf16, #tpu.memory_space<vmem_shared>>) target(%dma_start3A_221 : memref<125x64xbf16, #tpu.memory_space<vmem>>) offsets(%dma_start3A_224 : memref<125xi32, #tpu.memory_space<vmem>>) semaphore(%arg10 : memref<!tpu.dma_semaphore, #tpu.memory_space<semaphore_mem>>)
          %add3A_228 = arith.constant 2 : i32
          %add3A_229 = arith.addi %mul3A_131, %add3A_228 : i32
          %dma_start3A_230 = arith.constant 2 : i32
          %dma_start3A_231 = arith.constant 0 : i32
          %dma_start3A_232 = arith.constant 0 : i32
          %dma_start3A_233 = tpu.memref_slice %arg8[%dma_start3A_230, %dma_start3A_231, %dma_start3A_232] : memref<8x125x64xbf16, #tpu.memory_space<vmem>> -> memref<1x125x64xbf16, #tpu.memory_space<vmem>>
          %dma_start3A_234 = tpu.memref_squeeze %dma_start3A_233 : memref<1x125x64xbf16, #tpu.memory_space<vmem>> -> memref<125x64xbf16, #tpu.memory_space<vmem>>
          %dma_start3A_235 = arith.constant 0 : i32
          %dma_start3A_236 = tpu.memref_slice %arg6[%add3A_229, %dma_start3A_235] : memref<80x125xi32, #tpu.memory_space<vmem>> -> memref<1x125xi32, #tpu.memory_space<vmem>>
          %dma_start3A_237 = tpu.memref_squeeze %dma_start3A_236 : memref<1x125xi32, #tpu.memory_space<vmem>> -> memref<125xi32, #tpu.memory_space<vmem>>
          %dma_start3A_238 = arith.constant 0 : i32
          %dma_start3A_239 = arith.constant 0 : i32
          %dma_start3A_240 = tpu.memref_slice %arg18[%dma_start3A_238, %dma_start3A_239] : memref<10240x64xbf16, #tpu.memory_space<vmem_shared>> -> memref<10240x64xbf16, #tpu.memory_space<vmem_shared>>
          tpu.enqueue_indirect_dma source(%dma_start3A_240 : memref<10240x64xbf16, #tpu.memory_space<vmem_shared>>) target(%dma_start3A_234 : memref<125x64xbf16, #tpu.memory_space<vmem>>) offsets(%dma_start3A_237 : memref<125xi32, #tpu.memory_space<vmem>>) semaphore(%arg11 : memref<!tpu.dma_semaphore, #tpu.memory_space<semaphore_mem>>)
          %add3A_241 = arith.constant 3 : i32
          %add3A_242 = arith.addi %mul3A_131, %add3A_241 : i32
          %dma_start3A_243 = arith.constant 3 : i32
          %dma_start3A_244 = arith.constant 0 : i32
          %dma_start3A_245 = arith.constant 0 : i32
          %dma_start3A_246 = tpu.memref_slice %arg8[%dma_start3A_243, %dma_start3A_244, %dma_start3A_245] : memref<8x125x64xbf16, #tpu.memory_space<vmem>> -> memref<1x125x64xbf16, #tpu.memory_space<vmem>>
          %dma_start3A_247 = tpu.memref_squeeze %dma_start3A_246 : memref<1x125x64xbf16, #tpu.memory_space<vmem>> -> memref<125x64xbf16, #tpu.memory_space<vmem>>
          %dma_start3A_248 = arith.constant 0 : i32
          %dma_start3A_249 = tpu.memref_slice %arg6[%add3A_242, %dma_start3A_248] : memref<80x125xi32, #tpu.memory_space<vmem>> -> memref<1x125xi32, #tpu.memory_space<vmem>>
          %dma_start3A_250 = tpu.memref_squeeze %dma_start3A_249 : memref<1x125xi32, #tpu.memory_space<vmem>> -> memref<125xi32, #tpu.memory_space<vmem>>
          %dma_start3A_251 = arith.constant 0 : i32
          %dma_start3A_252 = arith.constant 0 : i32
          %dma_start3A_253 = tpu.memref_slice %arg18[%dma_start3A_251, %dma_start3A_252] : memref<10240x64xbf16, #tpu.memory_space<vmem_shared>> -> memref<10240x64xbf16, #tpu.memory_space<vmem_shared>>
          tpu.enqueue_indirect_dma source(%dma_start3A_253 : memref<10240x64xbf16, #tpu.memory_space<vmem_shared>>) target(%dma_start3A_247 : memref<125x64xbf16, #tpu.memory_space<vmem>>) offsets(%dma_start3A_250 : memref<125xi32, #tpu.memory_space<vmem>>) semaphore(%arg12 : memref<!tpu.dma_semaphore, #tpu.memory_space<semaphore_mem>>)
        } else {
        }
        %mul3A_139 = arith.constant 4 : i32
        %mul3A_140 = arith.muli %scan3A_94, %mul3A_139 : i32
        %add3A_141 = arith.constant 0 : i32
        %add3A_142 = arith.addi %mul3A_140, %add3A_141 : i32
        %dma_wait3A_143 = arith.constant 4 : i32
        %dma_wait3A_144 = arith.constant 0 : i32
        %dma_wait3A_145 = arith.constant 0 : i32
        %dma_wait3A_146 = tpu.memref_slice %arg8[%dma_wait3A_143, %dma_wait3A_144, %dma_wait3A_145] : memref<8x125x64xbf16, #tpu.memory_space<vmem>> -> memref<1x125x64xbf16, #tpu.memory_space<vmem>>
        %dma_wait3A_147 = tpu.memref_squeeze %dma_wait3A_146 : memref<1x125x64xbf16, #tpu.memory_space<vmem>> -> memref<125x64xbf16, #tpu.memory_space<vmem>>
        %dma_wait3A_148 = arith.constant 0 : i32
        %dma_wait3A_149 = tpu.memref_slice %arg6[%add3A_142, %dma_wait3A_148] : memref<80x125xi32, #tpu.memory_space<vmem>> -> memref<1x125xi32, #tpu.memory_space<vmem>>
        %dma_wait3A_150 = tpu.memref_squeeze %dma_wait3A_149 : memref<1x125xi32, #tpu.memory_space<vmem>> -> memref<125xi32, #tpu.memory_space<vmem>>
        %dma_wait3A_151 = arith.constant 0 : i32
        %dma_wait3A_152 = arith.constant 0 : i32
        %dma_wait3A_153 = tpu.memref_slice %arg18[%dma_wait3A_151, %dma_wait3A_152] : memref<10240x64xbf16, #tpu.memory_space<vmem_shared>> -> memref<10240x64xbf16, #tpu.memory_space<vmem_shared>>
        tpu.wait_indirect_dma semaphore(%arg13 : memref<!tpu.dma_semaphore, #tpu.memory_space<semaphore_mem>>) src(%dma_wait3A_153 : memref<10240x64xbf16, #tpu.memory_space<vmem_shared>>) dst(%dma_wait3A_147 : memref<125x64xbf16, #tpu.memory_space<vmem>>)
        %run_scoped3A = arith.constant 4 : i32
        "tpu.region"() ({
          %run_scoped3A_202 = tpu.sem_alloc : memref<!tpu.dma_semaphore, #tpu.memory_space<semaphore_mem>>
          %dma_start3A_203 = arith.constant 0 : i32
          %dma_start3A_204 = arith.constant 0 : i32
          %dma_start3A_205 = tpu.memref_slice %arg8[%run_scoped3A, %dma_start3A_203, %dma_start3A_204] : memref<8x125x64xbf16, #tpu.memory_space<vmem>> -> memref<1x125x64xbf16, #tpu.memory_space<vmem>>
          %dma_start3A_206 = tpu.memref_squeeze %dma_start3A_205 : memref<1x125x64xbf16, #tpu.memory_space<vmem>> -> memref<125x64xbf16, #tpu.memory_space<vmem>>
          %dma_start3A_207 = arith.constant 0 : i32
          %dma_start3A_208 = tpu.memref_slice %arg7[%add3A_142, %dma_start3A_207] : memref<80x125xi32, #tpu.memory_space<vmem>> -> memref<1x125xi32, #tpu.memory_space<vmem>>
          %dma_start3A_209 = tpu.memref_squeeze %dma_start3A_208 : memref<1x125xi32, #tpu.memory_space<vmem>> -> memref<125xi32, #tpu.memory_space<vmem>>
          %dma_start3A_210 = arith.constant 0 : i32
          %dma_start3A_211 = arith.constant 0 : i32
          %dma_start3A_212 = tpu.memref_slice %arg17[%dma_start3A_210, %dma_start3A_211] : memref<10240x64xbf16, #tpu.memory_space<vmem_shared>> -> memref<10240x64xbf16, #tpu.memory_space<vmem_shared>>
          tpu.enqueue_indirect_dma source(%dma_start3A_206 : memref<125x64xbf16, #tpu.memory_space<vmem>>) target(%dma_start3A_212 : memref<10240x64xbf16, #tpu.memory_space<vmem_shared>>) offsets(%dma_start3A_209 : memref<125xi32, #tpu.memory_space<vmem>>) semaphore(%run_scoped3A_202 : memref<!tpu.dma_semaphore, #tpu.memory_space<semaphore_mem>>) {add = true}
          %dma_wait3A_213 = arith.constant 0 : i32
          %dma_wait3A_214 = arith.constant 0 : i32
          %dma_wait3A_215 = tpu.memref_slice %arg8[%run_scoped3A, %dma_wait3A_213, %dma_wait3A_214] : memref<8x125x64xbf16, #tpu.memory_space<vmem>> -> memref<1x125x64xbf16, #tpu.memory_space<vmem>>
          %dma_wait3A_216 = tpu.memref_squeeze %dma_wait3A_215 : memref<1x125x64xbf16, #tpu.memory_space<vmem>> -> memref<125x64xbf16, #tpu.memory_space<vmem>>
          %dma_wait3A_217 = arith.constant 0 : i32
          %dma_wait3A_218 = tpu.memref_slice %arg7[%add3A_142, %dma_wait3A_217] : memref<80x125xi32, #tpu.memory_space<vmem>> -> memref<1x125xi32, #tpu.memory_space<vmem>>
          %dma_wait3A_219 = tpu.memref_squeeze %dma_wait3A_218 : memref<1x125xi32, #tpu.memory_space<vmem>> -> memref<125xi32, #tpu.memory_space<vmem>>
          %dma_wait3A_220 = arith.constant 0 : i32
          %dma_wait3A_221 = arith.constant 0 : i32
          %dma_wait3A_222 = tpu.memref_slice %arg17[%dma_wait3A_220, %dma_wait3A_221] : memref<10240x64xbf16, #tpu.memory_space<vmem_shared>> -> memref<10240x64xbf16, #tpu.memory_space<vmem_shared>>
          tpu.wait_indirect_dma semaphore(%run_scoped3A_202 : memref<!tpu.dma_semaphore, #tpu.memory_space<semaphore_mem>>) src(%dma_wait3A_216 : memref<125x64xbf16, #tpu.memory_space<vmem>>) dst(%dma_wait3A_222 : memref<10240x64xbf16, #tpu.memory_space<vmem_shared>>)
          tpu.yield
        }) : () -> ()
        %mul3A_154 = arith.constant 4 : i32
        %mul3A_155 = arith.muli %scan3A_94, %mul3A_154 : i32
        %add3A_156 = arith.constant 1 : i32
        %add3A_157 = arith.addi %mul3A_155, %add3A_156 : i32
        %dma_wait3A_158 = arith.constant 5 : i32
        %dma_wait3A_159 = arith.constant 0 : i32
        %dma_wait3A_160 = arith.constant 0 : i32
        %dma_wait3A_161 = tpu.memref_slice %arg8[%dma_wait3A_158, %dma_wait3A_159, %dma_wait3A_160] : memref<8x125x64xbf16, #tpu.memory_space<vmem>> -> memref<1x125x64xbf16, #tpu.memory_space<vmem>>
        %dma_wait3A_162 = tpu.memref_squeeze %dma_wait3A_161 : memref<1x125x64xbf16, #tpu.memory_space<vmem>> -> memref<125x64xbf16, #tpu.memory_space<vmem>>
        %dma_wait3A_163 = arith.constant 0 : i32
        %dma_wait3A_164 = tpu.memref_slice %arg6[%add3A_157, %dma_wait3A_163] : memref<80x125xi32, #tpu.memory_space<vmem>> -> memref<1x125xi32, #tpu.memory_space<vmem>>
        %dma_wait3A_165 = tpu.memref_squeeze %dma_wait3A_164 : memref<1x125xi32, #tpu.memory_space<vmem>> -> memref<125xi32, #tpu.memory_space<vmem>>
        %dma_wait3A_166 = arith.constant 0 : i32
        %dma_wait3A_167 = arith.constant 0 : i32
        %dma_wait3A_168 = tpu.memref_slice %arg18[%dma_wait3A_166, %dma_wait3A_167] : memref<10240x64xbf16, #tpu.memory_space<vmem_shared>> -> memref<10240x64xbf16, #tpu.memory_space<vmem_shared>>
        tpu.wait_indirect_dma semaphore(%arg14 : memref<!tpu.dma_semaphore, #tpu.memory_space<semaphore_mem>>) src(%dma_wait3A_168 : memref<10240x64xbf16, #tpu.memory_space<vmem_shared>>) dst(%dma_wait3A_162 : memref<125x64xbf16, #tpu.memory_space<vmem>>)
        %run_scoped3A_169 = arith.constant 5 : i32
        "tpu.region"() ({
          %run_scoped3A_202 = tpu.sem_alloc : memref<!tpu.dma_semaphore, #tpu.memory_space<semaphore_mem>>
          %dma_start3A_203 = arith.constant 0 : i32
          %dma_start3A_204 = arith.constant 0 : i32
          %dma_start3A_205 = tpu.memref_slice %arg8[%run_scoped3A_169, %dma_start3A_203, %dma_start3A_204] : memref<8x125x64xbf16, #tpu.memory_space<vmem>> -> memref<1x125x64xbf16, #tpu.memory_space<vmem>>
          %dma_start3A_206 = tpu.memref_squeeze %dma_start3A_205 : memref<1x125x64xbf16, #tpu.memory_space<vmem>> -> memref<125x64xbf16, #tpu.memory_space<vmem>>
          %dma_start3A_207 = arith.constant 0 : i32
          %dma_start3A_208 = tpu.memref_slice %arg7[%add3A_157, %dma_start3A_207] : memref<80x125xi32, #tpu.memory_space<vmem>> -> memref<1x125xi32, #tpu.memory_space<vmem>>
          %dma_start3A_209 = tpu.memref_squeeze %dma_start3A_208 : memref<1x125xi32, #tpu.memory_space<vmem>> -> memref<125xi32, #tpu.memory_space<vmem>>
          %dma_start3A_210 = arith.constant 0 : i32
          %dma_start3A_211 = arith.constant 0 : i32
          %dma_start3A_212 = tpu.memref_slice %arg17[%dma_start3A_210, %dma_start3A_211] : memref<10240x64xbf16, #tpu.memory_space<vmem_shared>> -> memref<10240x64xbf16, #tpu.memory_space<vmem_shared>>
          tpu.enqueue_indirect_dma source(%dma_start3A_206 : memref<125x64xbf16, #tpu.memory_space<vmem>>) target(%dma_start3A_212 : memref<10240x64xbf16, #tpu.memory_space<vmem_shared>>) offsets(%dma_start3A_209 : memref<125xi32, #tpu.memory_space<vmem>>) semaphore(%run_scoped3A_202 : memref<!tpu.dma_semaphore, #tpu.memory_space<semaphore_mem>>) {add = true}
          %dma_wait3A_213 = arith.constant 0 : i32
          %dma_wait3A_214 = arith.constant 0 : i32
          %dma_wait3A_215 = tpu.memref_slice %arg8[%run_scoped3A_169, %dma_wait3A_213, %dma_wait3A_214] : memref<8x125x64xbf16, #tpu.memory_space<vmem>> -> memref<1x125x64xbf16, #tpu.memory_space<vmem>>
          %dma_wait3A_216 = tpu.memref_squeeze %dma_wait3A_215 : memref<1x125x64xbf16, #tpu.memory_space<vmem>> -> memref<125x64xbf16, #tpu.memory_space<vmem>>
          %dma_wait3A_217 = arith.constant 0 : i32
          %dma_wait3A_218 = tpu.memref_slice %arg7[%add3A_157, %dma_wait3A_217] : memref<80x125xi32, #tpu.memory_space<vmem>> -> memref<1x125xi32, #tpu.memory_space<vmem>>
          %dma_wait3A_219 = tpu.memref_squeeze %dma_wait3A_218 : memref<1x125xi32, #tpu.memory_space<vmem>> -> memref<125xi32, #tpu.memory_space<vmem>>
          %dma_wait3A_220 = arith.constant 0 : i32
          %dma_wait3A_221 = arith.constant 0 : i32
          %dma_wait3A_222 = tpu.memref_slice %arg17[%dma_wait3A_220, %dma_wait3A_221] : memref<10240x64xbf16, #tpu.memory_space<vmem_shared>> -> memref<10240x64xbf16, #tpu.memory_space<vmem_shared>>
          tpu.wait_indirect_dma semaphore(%run_scoped3A_202 : memref<!tpu.dma_semaphore, #tpu.memory_space<semaphore_mem>>) src(%dma_wait3A_216 : memref<125x64xbf16, #tpu.memory_space<vmem>>) dst(%dma_wait3A_222 : memref<10240x64xbf16, #tpu.memory_space<vmem_shared>>)
          tpu.yield
        }) : () -> ()
        %mul3A_170 = arith.constant 4 : i32
        %mul3A_171 = arith.muli %scan3A_94, %mul3A_170 : i32
        %add3A_172 = arith.constant 2 : i32
        %add3A_173 = arith.addi %mul3A_171, %add3A_172 : i32
        %dma_wait3A_174 = arith.constant 6 : i32
        %dma_wait3A_175 = arith.constant 0 : i32
        %dma_wait3A_176 = arith.constant 0 : i32
        %dma_wait3A_177 = tpu.memref_slice %arg8[%dma_wait3A_174, %dma_wait3A_175, %dma_wait3A_176] : memref<8x125x64xbf16, #tpu.memory_space<vmem>> -> memref<1x125x64xbf16, #tpu.memory_space<vmem>>
        %dma_wait3A_178 = tpu.memref_squeeze %dma_wait3A_177 : memref<1x125x64xbf16, #tpu.memory_space<vmem>> -> memref<125x64xbf16, #tpu.memory_space<vmem>>
        %dma_wait3A_179 = arith.constant 0 : i32
        %dma_wait3A_180 = tpu.memref_slice %arg6[%add3A_173, %dma_wait3A_179] : memref<80x125xi32, #tpu.memory_space<vmem>> -> memref<1x125xi32, #tpu.memory_space<vmem>>
        %dma_wait3A_181 = tpu.memref_squeeze %dma_wait3A_180 : memref<1x125xi32, #tpu.memory_space<vmem>> -> memref<125xi32, #tpu.memory_space<vmem>>
        %dma_wait3A_182 = arith.constant 0 : i32
        %dma_wait3A_183 = arith.constant 0 : i32
        %dma_wait3A_184 = tpu.memref_slice %arg18[%dma_wait3A_182, %dma_wait3A_183] : memref<10240x64xbf16, #tpu.memory_space<vmem_shared>> -> memref<10240x64xbf16, #tpu.memory_space<vmem_shared>>
        tpu.wait_indirect_dma semaphore(%arg15 : memref<!tpu.dma_semaphore, #tpu.memory_space<semaphore_mem>>) src(%dma_wait3A_184 : memref<10240x64xbf16, #tpu.memory_space<vmem_shared>>) dst(%dma_wait3A_178 : memref<125x64xbf16, #tpu.memory_space<vmem>>)
        %run_scoped3A_185 = arith.constant 6 : i32
        "tpu.region"() ({
          %run_scoped3A_202 = tpu.sem_alloc : memref<!tpu.dma_semaphore, #tpu.memory_space<semaphore_mem>>
          %dma_start3A_203 = arith.constant 0 : i32
          %dma_start3A_204 = arith.constant 0 : i32
          %dma_start3A_205 = tpu.memref_slice %arg8[%run_scoped3A_185, %dma_start3A_203, %dma_start3A_204] : memref<8x125x64xbf16, #tpu.memory_space<vmem>> -> memref<1x125x64xbf16, #tpu.memory_space<vmem>>
          %dma_start3A_206 = tpu.memref_squeeze %dma_start3A_205 : memref<1x125x64xbf16, #tpu.memory_space<vmem>> -> memref<125x64xbf16, #tpu.memory_space<vmem>>
          %dma_start3A_207 = arith.constant 0 : i32
          %dma_start3A_208 = tpu.memref_slice %arg7[%add3A_173, %dma_start3A_207] : memref<80x125xi32, #tpu.memory_space<vmem>> -> memref<1x125xi32, #tpu.memory_space<vmem>>
          %dma_start3A_209 = tpu.memref_squeeze %dma_start3A_208 : memref<1x125xi32, #tpu.memory_space<vmem>> -> memref<125xi32, #tpu.memory_space<vmem>>
          %dma_start3A_210 = arith.constant 0 : i32
          %dma_start3A_211 = arith.constant 0 : i32
          %dma_start3A_212 = tpu.memref_slice %arg17[%dma_start3A_210, %dma_start3A_211] : memref<10240x64xbf16, #tpu.memory_space<vmem_shared>> -> memref<10240x64xbf16, #tpu.memory_space<vmem_shared>>
          tpu.enqueue_indirect_dma source(%dma_start3A_206 : memref<125x64xbf16, #tpu.memory_space<vmem>>) target(%dma_start3A_212 : memref<10240x64xbf16, #tpu.memory_space<vmem_shared>>) offsets(%dma_start3A_209 : memref<125xi32, #tpu.memory_space<vmem>>) semaphore(%run_scoped3A_202 : memref<!tpu.dma_semaphore, #tpu.memory_space<semaphore_mem>>) {add = true}
          %dma_wait3A_213 = arith.constant 0 : i32
          %dma_wait3A_214 = arith.constant 0 : i32
          %dma_wait3A_215 = tpu.memref_slice %arg8[%run_scoped3A_185, %dma_wait3A_213, %dma_wait3A_214] : memref<8x125x64xbf16, #tpu.memory_space<vmem>> -> memref<1x125x64xbf16, #tpu.memory_space<vmem>>
          %dma_wait3A_216 = tpu.memref_squeeze %dma_wait3A_215 : memref<1x125x64xbf16, #tpu.memory_space<vmem>> -> memref<125x64xbf16, #tpu.memory_space<vmem>>
          %dma_wait3A_217 = arith.constant 0 : i32
          %dma_wait3A_218 = tpu.memref_slice %arg7[%add3A_173, %dma_wait3A_217] : memref<80x125xi32, #tpu.memory_space<vmem>> -> memref<1x125xi32, #tpu.memory_space<vmem>>
          %dma_wait3A_219 = tpu.memref_squeeze %dma_wait3A_218 : memref<1x125xi32, #tpu.memory_space<vmem>> -> memref<125xi32, #tpu.memory_space<vmem>>
          %dma_wait3A_220 = arith.constant 0 : i32
          %dma_wait3A_221 = arith.constant 0 : i32
          %dma_wait3A_222 = tpu.memref_slice %arg17[%dma_wait3A_220, %dma_wait3A_221] : memref<10240x64xbf16, #tpu.memory_space<vmem_shared>> -> memref<10240x64xbf16, #tpu.memory_space<vmem_shared>>
          tpu.wait_indirect_dma semaphore(%run_scoped3A_202 : memref<!tpu.dma_semaphore, #tpu.memory_space<semaphore_mem>>) src(%dma_wait3A_216 : memref<125x64xbf16, #tpu.memory_space<vmem>>) dst(%dma_wait3A_222 : memref<10240x64xbf16, #tpu.memory_space<vmem_shared>>)
          tpu.yield
        }) : () -> ()
        %mul3A_186 = arith.constant 4 : i32
        %mul3A_187 = arith.muli %scan3A_94, %mul3A_186 : i32
        %add3A_188 = arith.constant 3 : i32
        %add3A_189 = arith.addi %mul3A_187, %add3A_188 : i32
        %dma_wait3A_190 = arith.constant 7 : i32
        %dma_wait3A_191 = arith.constant 0 : i32
        %dma_wait3A_192 = arith.constant 0 : i32
        %dma_wait3A_193 = tpu.memref_slice %arg8[%dma_wait3A_190, %dma_wait3A_191, %dma_wait3A_192] : memref<8x125x64xbf16, #tpu.memory_space<vmem>> -> memref<1x125x64xbf16, #tpu.memory_space<vmem>>
        %dma_wait3A_194 = tpu.memref_squeeze %dma_wait3A_193 : memref<1x125x64xbf16, #tpu.memory_space<vmem>> -> memref<125x64xbf16, #tpu.memory_space<vmem>>
        %dma_wait3A_195 = arith.constant 0 : i32
        %dma_wait3A_196 = tpu.memref_slice %arg6[%add3A_189, %dma_wait3A_195] : memref<80x125xi32, #tpu.memory_space<vmem>> -> memref<1x125xi32, #tpu.memory_space<vmem>>
        %dma_wait3A_197 = tpu.memref_squeeze %dma_wait3A_196 : memref<1x125xi32, #tpu.memory_space<vmem>> -> memref<125xi32, #tpu.memory_space<vmem>>
        %dma_wait3A_198 = arith.constant 0 : i32
        %dma_wait3A_199 = arith.constant 0 : i32
        %dma_wait3A_200 = tpu.memref_slice %arg18[%dma_wait3A_198, %dma_wait3A_199] : memref<10240x64xbf16, #tpu.memory_space<vmem_shared>> -> memref<10240x64xbf16, #tpu.memory_space<vmem_shared>>
        tpu.wait_indirect_dma semaphore(%arg16 : memref<!tpu.dma_semaphore, #tpu.memory_space<semaphore_mem>>) src(%dma_wait3A_200 : memref<10240x64xbf16, #tpu.memory_space<vmem_shared>>) dst(%dma_wait3A_194 : memref<125x64xbf16, #tpu.memory_space<vmem>>)
        %run_scoped3A_201 = arith.constant 7 : i32
        "tpu.region"() ({
          %run_scoped3A_202 = tpu.sem_alloc : memref<!tpu.dma_semaphore, #tpu.memory_space<semaphore_mem>>
          %dma_start3A_203 = arith.constant 0 : i32
          %dma_start3A_204 = arith.constant 0 : i32
          %dma_start3A_205 = tpu.memref_slice %arg8[%run_scoped3A_201, %dma_start3A_203, %dma_start3A_204] : memref<8x125x64xbf16, #tpu.memory_space<vmem>> -> memref<1x125x64xbf16, #tpu.memory_space<vmem>>
          %dma_start3A_206 = tpu.memref_squeeze %dma_start3A_205 : memref<1x125x64xbf16, #tpu.memory_space<vmem>> -> memref<125x64xbf16, #tpu.memory_space<vmem>>
          %dma_start3A_207 = arith.constant 0 : i32
          %dma_start3A_208 = tpu.memref_slice %arg7[%add3A_189, %dma_start3A_207] : memref<80x125xi32, #tpu.memory_space<vmem>> -> memref<1x125xi32, #tpu.memory_space<vmem>>
          %dma_start3A_209 = tpu.memref_squeeze %dma_start3A_208 : memref<1x125xi32, #tpu.memory_space<vmem>> -> memref<125xi32, #tpu.memory_space<vmem>>
          %dma_start3A_210 = arith.constant 0 : i32
          %dma_start3A_211 = arith.constant 0 : i32
          %dma_start3A_212 = tpu.memref_slice %arg17[%dma_start3A_210, %dma_start3A_211] : memref<10240x64xbf16, #tpu.memory_space<vmem_shared>> -> memref<10240x64xbf16, #tpu.memory_space<vmem_shared>>
          tpu.enqueue_indirect_dma source(%dma_start3A_206 : memref<125x64xbf16, #tpu.memory_space<vmem>>) target(%dma_start3A_212 : memref<10240x64xbf16, #tpu.memory_space<vmem_shared>>) offsets(%dma_start3A_209 : memref<125xi32, #tpu.memory_space<vmem>>) semaphore(%run_scoped3A_202 : memref<!tpu.dma_semaphore, #tpu.memory_space<semaphore_mem>>) {add = true}
          %dma_wait3A_213 = arith.constant 0 : i32
          %dma_wait3A_214 = arith.constant 0 : i32
          %dma_wait3A_215 = tpu.memref_slice %arg8[%run_scoped3A_201, %dma_wait3A_213, %dma_wait3A_214] : memref<8x125x64xbf16, #tpu.memory_space<vmem>> -> memref<1x125x64xbf16, #tpu.memory_space<vmem>>
          %dma_wait3A_216 = tpu.memref_squeeze %dma_wait3A_215 : memref<1x125x64xbf16, #tpu.memory_space<vmem>> -> memref<125x64xbf16, #tpu.memory_space<vmem>>
          %dma_wait3A_217 = arith.constant 0 : i32
          %dma_wait3A_218 = tpu.memref_slice %arg7[%add3A_189, %dma_wait3A_217] : memref<80x125xi32, #tpu.memory_space<vmem>> -> memref<1x125xi32, #tpu.memory_space<vmem>>
          %dma_wait3A_219 = tpu.memref_squeeze %dma_wait3A_218 : memref<1x125xi32, #tpu.memory_space<vmem>> -> memref<125xi32, #tpu.memory_space<vmem>>
          %dma_wait3A_220 = arith.constant 0 : i32
          %dma_wait3A_221 = arith.constant 0 : i32
          %dma_wait3A_222 = tpu.memref_slice %arg17[%dma_wait3A_220, %dma_wait3A_221] : memref<10240x64xbf16, #tpu.memory_space<vmem_shared>> -> memref<10240x64xbf16, #tpu.memory_space<vmem_shared>>
          tpu.wait_indirect_dma semaphore(%run_scoped3A_202 : memref<!tpu.dma_semaphore, #tpu.memory_space<semaphore_mem>>) src(%dma_wait3A_216 : memref<125x64xbf16, #tpu.memory_space<vmem>>) dst(%dma_wait3A_222 : memref<10240x64xbf16, #tpu.memory_space<vmem_shared>>)
          tpu.yield
        }) : () -> ()
      } else {
      }
    }
    %scan3A_89 = arith.constant 20 : i32
    %barrier3A_90 = arith.constant 0 : index
    tpu.barrier barrier_id(%barrier3A_90)
    %mul3A_91 = arith.constant 10240 : i32
    %mul3A_92 = arith.muli %arg0, %mul3A_91 : i32
    %add3A_93 = arith.addi %mul3A_92, %mul3A_2 : i32
    "tpu.region"() ({
      %run_scoped3A = tpu.sem_alloc : memref<!tpu.dma_semaphore, #tpu.memory_space<semaphore_mem>>
      %dma_start3A_94 = arith.constant 0 : i32
      %dma_start3A_95 = tpu.memref_slice %arg5[%add3A_93, %dma_start3A_94] : memref<20480x64xbf16, #tpu.memory_space<hbm>> -> memref<640x64xbf16, #tpu.memory_space<hbm>>
      %dma_start3A_96 = arith.constant 0 : i32
      %dma_start3A_97 = tpu.memref_slice %arg17[%mul3A_2, %dma_start3A_96] : memref<10240x64xbf16, #tpu.memory_space<vmem_shared>> -> memref<640x64xbf16, #tpu.memory_space<vmem_shared>>
      tpu.enqueue_dma source(%dma_start3A_97 : memref<640x64xbf16, #tpu.memory_space<vmem_shared>>) target(%dma_start3A_95 : memref<640x64xbf16, #tpu.memory_space<hbm>>) target_semaphore(%run_scoped3A : memref<!tpu.dma_semaphore, #tpu.memory_space<semaphore_mem>>)
      %dma_wait3A_98 = arith.constant 0 : i32
      %dma_wait3A_99 = tpu.memref_slice %arg5[%add3A_93, %dma_wait3A_98] : memref<20480x64xbf16, #tpu.memory_space<hbm>> -> memref<640x64xbf16, #tpu.memory_space<hbm>>
      %dma_wait3A_100 = arith.constant 0 : i32
      %dma_wait3A_101 = tpu.memref_slice %arg17[%mul3A_2, %dma_wait3A_100] : memref<10240x64xbf16, #tpu.memory_space<vmem_shared>> -> memref<640x64xbf16, #tpu.memory_space<vmem_shared>>
      tpu.wait_dma2 semaphore(%run_scoped3A : memref<!tpu.dma_semaphore, #tpu.memory_space<semaphore_mem>>) src(%dma_wait3A_101 : memref<640x64xbf16, #tpu.memory_space<vmem_shared>>) dst(%dma_wait3A_99 : memref<640x64xbf16, #tpu.memory_space<hbm>>)
      tpu.yield
    }) : () -> ()
    return
  }
}

#map = affine_map<(d0, d1) -> (0, 0, 0, 0)>
#map1 = affine_map<(d0, d1) -> (0, 0)>
module attributes {stable_mosaic.version = 14 : i64} {
  func.func @body(%arg0: i32, %arg1: i32, %arg2: memref<2x32x80x125xi32, #tpu.memory_space<hbm>>, %arg3: memref<10240x8xbf16, #tpu.memory_space<hbm>>, %arg4: memref<125x8xbf16, #tpu.memory_space<hbm>>, %arg5: memref<20480x8xbf16, #tpu.memory_space<hbm>>, %arg6: memref<80x125xi32, #tpu.memory_space<vmem>>, %arg7: memref<125x8xbf16, #tpu.memory_space<vmem>>, %arg8: memref<10240x8xbf16, #tpu.memory_space<vmem_shared>>, %arg9: memref<!tpu.dma_semaphore, #tpu.memory_space<semaphore_mem>>, %arg10: memref<!tpu.dma_semaphore, #tpu.memory_space<semaphore_mem>>, %arg11: memref<!tpu.dma_semaphore, #tpu.memory_space<semaphore_mem>>) attributes {dimension_semantics = [#tpu.dimension_semantics<core_parallel>, #tpu.dimension_semantics<subcore_parallel>], iteration_bounds = array<i64: 2, 16>, scalar_prefetch = 0 : i64, scratch_operands = 6 : i64, tpu.core_type = #tpu.core_type<sc_vector_subcore>, window_params = [{transform_indices = #map}, {transform_indices = #map1}, {transform_indices = #map1}, {transform_indices = #map1}]} {
    %mul3A = arith.constant 16 : i32
    %mul3A_0 = arith.muli %arg0, %mul3A : i32
    %add3A = arith.addi %mul3A_0, %arg1 : i32
    %mul3A_1 = arith.constant 640 : i32
    %mul3A_2 = arith.muli %arg1, %mul3A_1 : i32
    %dma_start3A = arith.constant 0 : i32
    %dma_start3A_3 = tpu.memref_slice %arg8[%mul3A_2, %dma_start3A] : memref<10240x8xbf16, #tpu.memory_space<vmem_shared>> -> memref<640x8xbf16, #tpu.memory_space<vmem_shared>>
    %dma_start3A_4 = arith.constant 0 : i32
    %dma_start3A_5 = tpu.memref_slice %arg3[%mul3A_2, %dma_start3A_4] : memref<10240x8xbf16, #tpu.memory_space<hbm>> -> memref<640x8xbf16, #tpu.memory_space<hbm>>
    tpu.enqueue_dma source(%dma_start3A_5 : memref<640x8xbf16, #tpu.memory_space<hbm>>) target(%dma_start3A_3 : memref<640x8xbf16, #tpu.memory_space<vmem_shared>>) target_semaphore(%arg9 : memref<!tpu.dma_semaphore, #tpu.memory_space<semaphore_mem>>)
    tpu.enqueue_dma source(%arg4 : memref<125x8xbf16, #tpu.memory_space<hbm>>) target(%arg7 : memref<125x8xbf16, #tpu.memory_space<vmem>>) target_semaphore(%arg10 : memref<!tpu.dma_semaphore, #tpu.memory_space<semaphore_mem>>)
    %dma_start3A_6 = arith.constant 1 : i32
    %dma_start3A_7 = arith.constant 0 : i32
    %dma_start3A_8 = arith.constant 0 : i32
    %dma_start3A_9 = tpu.memref_slice %arg2[%dma_start3A_6, %add3A, %dma_start3A_7, %dma_start3A_8] : memref<2x32x80x125xi32, #tpu.memory_space<hbm>> -> memref<1x1x80x125xi32, #tpu.memory_space<hbm>>
    %dma_start3A_10 = tpu.memref_squeeze %dma_start3A_9 : memref<1x1x80x125xi32, #tpu.memory_space<hbm>> -> memref<80x125xi32, #tpu.memory_space<hbm>>
    %dma_start3A_11 = arith.constant 0 : i32
    %dma_start3A_12 = arith.constant 0 : i32
    %dma_start3A_13 = tpu.memref_slice %arg2[%dma_start3A_6, %add3A, %dma_start3A_11, %dma_start3A_12] : memref<2x32x80x125xi32, #tpu.memory_space<hbm>> -> memref<1x1x80x125xi32, #tpu.memory_space<hbm>>
    %dma_start3A_14 = tpu.memref_squeeze %dma_start3A_13 : memref<1x1x80x125xi32, #tpu.memory_space<hbm>> -> memref<80x125xi32, #tpu.memory_space<hbm>>
    tpu.enqueue_dma source(%dma_start3A_14 : memref<80x125xi32, #tpu.memory_space<hbm>>) target(%arg6 : memref<80x125xi32, #tpu.memory_space<vmem>>) target_semaphore(%arg11 : memref<!tpu.dma_semaphore, #tpu.memory_space<semaphore_mem>>)
    %dma_wait3A = arith.constant 0 : i32
    %dma_wait3A_15 = tpu.memref_slice %arg8[%mul3A_2, %dma_wait3A] : memref<10240x8xbf16, #tpu.memory_space<vmem_shared>> -> memref<640x8xbf16, #tpu.memory_space<vmem_shared>>
    %dma_wait3A_16 = arith.constant 0 : i32
    %dma_wait3A_17 = tpu.memref_slice %arg3[%mul3A_2, %dma_wait3A_16] : memref<10240x8xbf16, #tpu.memory_space<hbm>> -> memref<640x8xbf16, #tpu.memory_space<hbm>>
    tpu.wait_dma2 semaphore(%arg9 : memref<!tpu.dma_semaphore, #tpu.memory_space<semaphore_mem>>) src(%dma_wait3A_17 : memref<640x8xbf16, #tpu.memory_space<hbm>>) dst(%dma_wait3A_15 : memref<640x8xbf16, #tpu.memory_space<vmem_shared>>)
    tpu.wait_dma2 semaphore(%arg10 : memref<!tpu.dma_semaphore, #tpu.memory_space<semaphore_mem>>) src(%arg4 : memref<125x8xbf16, #tpu.memory_space<hbm>>) dst(%arg7 : memref<125x8xbf16, #tpu.memory_space<vmem>>)
    %dma_wait3A_18 = arith.constant 1 : i32
    %dma_wait3A_19 = arith.constant 0 : i32
    %dma_wait3A_20 = arith.constant 0 : i32
    %dma_wait3A_21 = tpu.memref_slice %arg2[%dma_wait3A_18, %add3A, %dma_wait3A_19, %dma_wait3A_20] : memref<2x32x80x125xi32, #tpu.memory_space<hbm>> -> memref<1x1x80x125xi32, #tpu.memory_space<hbm>>
    %dma_wait3A_22 = tpu.memref_squeeze %dma_wait3A_21 : memref<1x1x80x125xi32, #tpu.memory_space<hbm>> -> memref<80x125xi32, #tpu.memory_space<hbm>>
    %dma_wait3A_23 = arith.constant 0 : i32
    %dma_wait3A_24 = arith.constant 0 : i32
    %dma_wait3A_25 = tpu.memref_slice %arg2[%dma_wait3A_18, %add3A, %dma_wait3A_23, %dma_wait3A_24] : memref<2x32x80x125xi32, #tpu.memory_space<hbm>> -> memref<1x1x80x125xi32, #tpu.memory_space<hbm>>
    %dma_wait3A_26 = tpu.memref_squeeze %dma_wait3A_25 : memref<1x1x80x125xi32, #tpu.memory_space<hbm>> -> memref<80x125xi32, #tpu.memory_space<hbm>>
    tpu.wait_dma2 semaphore(%arg11 : memref<!tpu.dma_semaphore, #tpu.memory_space<semaphore_mem>>) src(%dma_wait3A_26 : memref<80x125xi32, #tpu.memory_space<hbm>>) dst(%arg6 : memref<80x125xi32, #tpu.memory_space<vmem>>)
    %barrier3A = arith.constant 0 : index
    tpu.barrier barrier_id(%barrier3A)
    %scan3A = arith.constant 0 : i32
    %scan3A_27 = arith.constant 0 : i32
    %scan3A_28 = arith.constant 80 : i32
    %scan3A_29 = arith.addi %scan3A_27, %scan3A_28 : i32
    %scan3A_30 = arith.constant 1 : i32
    scf.for %scan3A_36 = %scan3A_27 to %scan3A_29 step %scan3A_30  : i32 {
      "tpu.region"() ({
        %run_scoped3A = tpu.sem_alloc : memref<!tpu.dma_semaphore, #tpu.memory_space<semaphore_mem>>
        %dma_start3A_37 = arith.constant 0 : i32
        %dma_start3A_38 = tpu.memref_slice %arg6[%scan3A_36, %dma_start3A_37] : memref<80x125xi32, #tpu.memory_space<vmem>> -> memref<1x125xi32, #tpu.memory_space<vmem>>
        %dma_start3A_39 = tpu.memref_squeeze %dma_start3A_38 : memref<1x125xi32, #tpu.memory_space<vmem>> -> memref<125xi32, #tpu.memory_space<vmem>>
        %dma_start3A_40 = arith.constant 0 : i32
        %dma_start3A_41 = arith.constant 0 : i32
        %dma_start3A_42 = tpu.memref_slice %arg8[%dma_start3A_40, %dma_start3A_41] : memref<10240x8xbf16, #tpu.memory_space<vmem_shared>> -> memref<10240x8xbf16, #tpu.memory_space<vmem_shared>>
        tpu.enqueue_indirect_dma source(%arg7 : memref<125x8xbf16, #tpu.memory_space<vmem>>) target(%dma_start3A_42 : memref<10240x8xbf16, #tpu.memory_space<vmem_shared>>) offsets(%dma_start3A_39 : memref<125xi32, #tpu.memory_space<vmem>>) semaphore(%run_scoped3A : memref<!tpu.dma_semaphore, #tpu.memory_space<semaphore_mem>>) {add = true}
        %dma_wait3A_43 = arith.constant 0 : i32
        %dma_wait3A_44 = tpu.memref_slice %arg6[%scan3A_36, %dma_wait3A_43] : memref<80x125xi32, #tpu.memory_space<vmem>> -> memref<1x125xi32, #tpu.memory_space<vmem>>
        %dma_wait3A_45 = tpu.memref_squeeze %dma_wait3A_44 : memref<1x125xi32, #tpu.memory_space<vmem>> -> memref<125xi32, #tpu.memory_space<vmem>>
        %dma_wait3A_46 = arith.constant 0 : i32
        %dma_wait3A_47 = arith.constant 0 : i32
        %dma_wait3A_48 = tpu.memref_slice %arg8[%dma_wait3A_46, %dma_wait3A_47] : memref<10240x8xbf16, #tpu.memory_space<vmem_shared>> -> memref<10240x8xbf16, #tpu.memory_space<vmem_shared>>
        tpu.wait_indirect_dma semaphore(%run_scoped3A : memref<!tpu.dma_semaphore, #tpu.memory_space<semaphore_mem>>) src(%arg7 : memref<125x8xbf16, #tpu.memory_space<vmem>>) dst(%dma_wait3A_48 : memref<10240x8xbf16, #tpu.memory_space<vmem_shared>>)
        tpu.yield
      }) : () -> ()
    }
    %scan3A_31 = arith.constant 80 : i32
    %barrier3A_32 = arith.constant 0 : index
    tpu.barrier barrier_id(%barrier3A_32)
    %mul3A_33 = arith.constant 10240 : i32
    %mul3A_34 = arith.muli %arg0, %mul3A_33 : i32
    %add3A_35 = arith.addi %mul3A_34, %mul3A_2 : i32
    "tpu.region"() ({
      %run_scoped3A = tpu.sem_alloc : memref<!tpu.dma_semaphore, #tpu.memory_space<semaphore_mem>>
      %dma_start3A_36 = arith.constant 0 : i32
      %dma_start3A_37 = tpu.memref_slice %arg5[%add3A_35, %dma_start3A_36] : memref<20480x8xbf16, #tpu.memory_space<hbm>> -> memref<640x8xbf16, #tpu.memory_space<hbm>>
      %dma_start3A_38 = arith.constant 0 : i32
      %dma_start3A_39 = tpu.memref_slice %arg8[%mul3A_2, %dma_start3A_38] : memref<10240x8xbf16, #tpu.memory_space<vmem_shared>> -> memref<640x8xbf16, #tpu.memory_space<vmem_shared>>
      tpu.enqueue_dma source(%dma_start3A_39 : memref<640x8xbf16, #tpu.memory_space<vmem_shared>>) target(%dma_start3A_37 : memref<640x8xbf16, #tpu.memory_space<hbm>>) target_semaphore(%run_scoped3A : memref<!tpu.dma_semaphore, #tpu.memory_space<semaphore_mem>>)
      %dma_wait3A_40 = arith.constant 0 : i32
      %dma_wait3A_41 = tpu.memref_slice %arg5[%add3A_35, %dma_wait3A_40] : memref<20480x8xbf16, #tpu.memory_space<hbm>> -> memref<640x8xbf16, #tpu.memory_space<hbm>>
      %dma_wait3A_42 = arith.constant 0 : i32
      %dma_wait3A_43 = tpu.memref_slice %arg8[%mul3A_2, %dma_wait3A_42] : memref<10240x8xbf16, #tpu.memory_space<vmem_shared>> -> memref<640x8xbf16, #tpu.memory_space<vmem_shared>>
      tpu.wait_dma2 semaphore(%run_scoped3A : memref<!tpu.dma_semaphore, #tpu.memory_space<semaphore_mem>>) src(%dma_wait3A_43 : memref<640x8xbf16, #tpu.memory_space<vmem_shared>>) dst(%dma_wait3A_41 : memref<640x8xbf16, #tpu.memory_space<hbm>>)
      tpu.yield
    }) : () -> ()
    return
  }
}

#map = affine_map<(d0, d1) -> (0, 0)>
#map1 = affine_map<(d0, d1) -> (0, 0, 0, 0)>
module attributes {stable_mosaic.version = 14 : i64} {
  func.func @body(%arg0: i32, %arg1: i32, %arg2: memref<10240x64xbf16, #tpu.memory_space<hbm>>, %arg3: memref<10240x64xbf16, #tpu.memory_space<hbm>>, %arg4: memref<2x32x80x125xi32, #tpu.memory_space<hbm>>, %arg5: memref<20480x64xbf16, #tpu.memory_space<hbm>>, %arg6: memref<80x125xi32, #tpu.memory_space<vmem>>, %arg7: memref<80x125xi32, #tpu.memory_space<vmem>>, %arg8: memref<8x125x64xbf16, #tpu.memory_space<vmem>>, %arg9: memref<!tpu.dma_semaphore, #tpu.memory_space<semaphore_mem>>, %arg10: memref<!tpu.dma_semaphore, #tpu.memory_space<semaphore_mem>>, %arg11: memref<!tpu.dma_semaphore, #tpu.memory_space<semaphore_mem>>, %arg12: memref<!tpu.dma_semaphore, #tpu.memory_space<semaphore_mem>>, %arg13: memref<!tpu.dma_semaphore, #tpu.memory_space<semaphore_mem>>, %arg14: memref<!tpu.dma_semaphore, #tpu.memory_space<semaphore_mem>>, %arg15: memref<!tpu.dma_semaphore, #tpu.memory_space<semaphore_mem>>, %arg16: memref<!tpu.dma_semaphore, #tpu.memory_space<semaphore_mem>>, %arg17: memref<10240x64xbf16, #tpu.memory_space<vmem_shared>>, %arg18: memref<10240x64xbf16, #tpu.memory_space<vmem_shared>>) attributes {dimension_semantics = [#tpu.dimension_semantics<core_parallel>, #tpu.dimension_semantics<subcore_parallel>], iteration_bounds = array<i64: 2, 16>, scalar_prefetch = 0 : i64, scratch_operands = 13 : i64, tpu.core_type = #tpu.core_type<sc_vector_subcore>, window_params = [{transform_indices = #map}, {transform_indices = #map}, {transform_indices = #map1}, {transform_indices = #map}]} {
    %mul3A = arith.constant 16 : i32
    %mul3A_0 = arith.muli %arg0, %mul3A : i32
    %add3A = arith.addi %mul3A_0, %arg1 : i32
    %mul3A_1 = arith.constant 640 : i32
    %mul3A_2 = arith.muli %arg1, %mul3A_1 : i32
    %dma_start3A = arith.constant 0 : i32
    %dma_start3A_3 = arith.constant 0 : i32
    %dma_start3A_4 = arith.constant 0 : i32
    %dma_start3A_5 = tpu.memref_slice %arg4[%dma_start3A, %add3A, %dma_start3A_3, %dma_start3A_4] : memref<2x32x80x125xi32, #tpu.memory_space<hbm>> -> memref<1x1x80x125xi32, #tpu.memory_space<hbm>>
    %dma_start3A_6 = tpu.memref_squeeze %dma_start3A_5 : memref<1x1x80x125xi32, #tpu.memory_space<hbm>> -> memref<80x125xi32, #tpu.memory_space<hbm>>
    %dma_start3A_7 = arith.constant 0 : i32
    %dma_start3A_8 = arith.constant 0 : i32
    %dma_start3A_9 = tpu.memref_slice %arg4[%dma_start3A, %add3A, %dma_start3A_7, %dma_start3A_8] : memref<2x32x80x125xi32, #tpu.memory_space<hbm>> -> memref<1x1x80x125xi32, #tpu.memory_space<hbm>>
    %dma_start3A_10 = tpu.memref_squeeze %dma_start3A_9 : memref<1x1x80x125xi32, #tpu.memory_space<hbm>> -> memref<80x125xi32, #tpu.memory_space<hbm>>
    tpu.enqueue_dma source(%dma_start3A_10 : memref<80x125xi32, #tpu.memory_space<hbm>>) target(%arg6 : memref<80x125xi32, #tpu.memory_space<vmem>>) target_semaphore(%arg13 : memref<!tpu.dma_semaphore, #tpu.memory_space<semaphore_mem>>)
    %dma_start3A_11 = arith.constant 1 : i32
    %dma_start3A_12 = arith.constant 0 : i32
    %dma_start3A_13 = arith.constant 0 : i32
    %dma_start3A_14 = tpu.memref_slice %arg4[%dma_start3A_11, %add3A, %dma_start3A_12, %dma_start3A_13] : memref<2x32x80x125xi32, #tpu.memory_space<hbm>> -> memref<1x1x80x125xi32, #tpu.memory_space<hbm>>
    %dma_start3A_15 = tpu.memref_squeeze %dma_start3A_14 : memref<1x1x80x125xi32, #tpu.memory_space<hbm>> -> memref<80x125xi32, #tpu.memory_space<hbm>>
    %dma_start3A_16 = arith.constant 0 : i32
    %dma_start3A_17 = arith.constant 0 : i32
    %dma_start3A_18 = tpu.memref_slice %arg4[%dma_start3A_11, %add3A, %dma_start3A_16, %dma_start3A_17] : memref<2x32x80x125xi32, #tpu.memory_space<hbm>> -> memref<1x1x80x125xi32, #tpu.memory_space<hbm>>
    %dma_start3A_19 = tpu.memref_squeeze %dma_start3A_18 : memref<1x1x80x125xi32, #tpu.memory_space<hbm>> -> memref<80x125xi32, #tpu.memory_space<hbm>>
    tpu.enqueue_dma source(%dma_start3A_19 : memref<80x125xi32, #tpu.memory_space<hbm>>) target(%arg7 : memref<80x125xi32, #tpu.memory_space<vmem>>) target_semaphore(%arg14 : memref<!tpu.dma_semaphore, #tpu.memory_space<semaphore_mem>>)
    "tpu.region"() ({
      %run_scoped3A = tpu.sem_alloc : memref<!tpu.dma_semaphore, #tpu.memory_space<semaphore_mem>>
      %dma_start3A_94 = arith.constant 0 : i32
      %dma_start3A_95 = tpu.memref_slice %arg17[%mul3A_2, %dma_start3A_94] : memref<10240x64xbf16, #tpu.memory_space<vmem_shared>> -> memref<640x64xbf16, #tpu.memory_space<vmem_shared>>
      %dma_start3A_96 = arith.constant 0 : i32
      %dma_start3A_97 = tpu.memref_slice %arg3[%mul3A_2, %dma_start3A_96] : memref<10240x64xbf16, #tpu.memory_space<hbm>> -> memref<640x64xbf16, #tpu.memory_space<hbm>>
      tpu.enqueue_dma source(%dma_start3A_97 : memref<640x64xbf16, #tpu.memory_space<hbm>>) target(%dma_start3A_95 : memref<640x64xbf16, #tpu.memory_space<vmem_shared>>) target_semaphore(%run_scoped3A : memref<!tpu.dma_semaphore, #tpu.memory_space<semaphore_mem>>)
      %dma_wait3A_98 = arith.constant 0 : i32
      %dma_wait3A_99 = tpu.memref_slice %arg17[%mul3A_2, %dma_wait3A_98] : memref<10240x64xbf16, #tpu.memory_space<vmem_shared>> -> memref<640x64xbf16, #tpu.memory_space<vmem_shared>>
      %dma_wait3A_100 = arith.constant 0 : i32
      %dma_wait3A_101 = tpu.memref_slice %arg3[%mul3A_2, %dma_wait3A_100] : memref<10240x64xbf16, #tpu.memory_space<hbm>> -> memref<640x64xbf16, #tpu.memory_space<hbm>>
      tpu.wait_dma2 semaphore(%run_scoped3A : memref<!tpu.dma_semaphore, #tpu.memory_space<semaphore_mem>>) src(%dma_wait3A_101 : memref<640x64xbf16, #tpu.memory_space<hbm>>) dst(%dma_wait3A_99 : memref<640x64xbf16, #tpu.memory_space<vmem_shared>>)
      tpu.yield
    }) : () -> ()
    "tpu.region"() ({
      %run_scoped3A = tpu.sem_alloc : memref<!tpu.dma_semaphore, #tpu.memory_space<semaphore_mem>>
      %dma_start3A_94 = arith.constant 0 : i32
      %dma_start3A_95 = tpu.memref_slice %arg18[%mul3A_2, %dma_start3A_94] : memref<10240x64xbf16, #tpu.memory_space<vmem_shared>> -> memref<640x64xbf16, #tpu.memory_space<vmem_shared>>
      %dma_start3A_96 = arith.constant 0 : i32
      %dma_start3A_97 = tpu.memref_slice %arg2[%mul3A_2, %dma_start3A_96] : memref<10240x64xbf16, #tpu.memory_space<hbm>> -> memref<640x64xbf16, #tpu.memory_space<hbm>>
      tpu.enqueue_dma source(%dma_start3A_97 : memref<640x64xbf16, #tpu.memory_space<hbm>>) target(%dma_start3A_95 : memref<640x64xbf16, #tpu.memory_space<vmem_shared>>) target_semaphore(%run_scoped3A : memref<!tpu.dma_semaphore, #tpu.memory_space<semaphore_mem>>)
      %dma_wait3A_98 = arith.constant 0 : i32
      %dma_wait3A_99 = tpu.memref_slice %arg18[%mul3A_2, %dma_wait3A_98] : memref<10240x64xbf16, #tpu.memory_space<vmem_shared>> -> memref<640x64xbf16, #tpu.memory_space<vmem_shared>>
      %dma_wait3A_100 = arith.constant 0 : i32
      %dma_wait3A_101 = tpu.memref_slice %arg2[%mul3A_2, %dma_wait3A_100] : memref<10240x64xbf16, #tpu.memory_space<hbm>> -> memref<640x64xbf16, #tpu.memory_space<hbm>>
      tpu.wait_dma2 semaphore(%run_scoped3A : memref<!tpu.dma_semaphore, #tpu.memory_space<semaphore_mem>>) src(%dma_wait3A_101 : memref<640x64xbf16, #tpu.memory_space<hbm>>) dst(%dma_wait3A_99 : memref<640x64xbf16, #tpu.memory_space<vmem_shared>>)
      tpu.yield
    }) : () -> ()
    %dma_wait3A = arith.constant 0 : i32
    %dma_wait3A_20 = arith.constant 0 : i32
    %dma_wait3A_21 = arith.constant 0 : i32
    %dma_wait3A_22 = tpu.memref_slice %arg4[%dma_wait3A, %add3A, %dma_wait3A_20, %dma_wait3A_21] : memref<2x32x80x125xi32, #tpu.memory_space<hbm>> -> memref<1x1x80x125xi32, #tpu.memory_space<hbm>>
    %dma_wait3A_23 = tpu.memref_squeeze %dma_wait3A_22 : memref<1x1x80x125xi32, #tpu.memory_space<hbm>> -> memref<80x125xi32, #tpu.memory_space<hbm>>
    %dma_wait3A_24 = arith.constant 0 : i32
    %dma_wait3A_25 = arith.constant 0 : i32
    %dma_wait3A_26 = tpu.memref_slice %arg4[%dma_wait3A, %add3A, %dma_wait3A_24, %dma_wait3A_25] : memref<2x32x80x125xi32, #tpu.memory_space<hbm>> -> memref<1x1x80x125xi32, #tpu.memory_space<hbm>>
    %dma_wait3A_27 = tpu.memref_squeeze %dma_wait3A_26 : memref<1x1x80x125xi32, #tpu.memory_space<hbm>> -> memref<80x125xi32, #tpu.memory_space<hbm>>
    tpu.wait_dma2 semaphore(%arg13 : memref<!tpu.dma_semaphore, #tpu.memory_space<semaphore_mem>>) src(%dma_wait3A_27 : memref<80x125xi32, #tpu.memory_space<hbm>>) dst(%arg6 : memref<80x125xi32, #tpu.memory_space<vmem>>)
    %dma_wait3A_28 = arith.constant 1 : i32
    %dma_wait3A_29 = arith.constant 0 : i32
    %dma_wait3A_30 = arith.constant 0 : i32
    %dma_wait3A_31 = tpu.memref_slice %arg4[%dma_wait3A_28, %add3A, %dma_wait3A_29, %dma_wait3A_30] : memref<2x32x80x125xi32, #tpu.memory_space<hbm>> -> memref<1x1x80x125xi32, #tpu.memory_space<hbm>>
    %dma_wait3A_32 = tpu.memref_squeeze %dma_wait3A_31 : memref<1x1x80x125xi32, #tpu.memory_space<hbm>> -> memref<80x125xi32, #tpu.memory_space<hbm>>
    %dma_wait3A_33 = arith.constant 0 : i32
    %dma_wait3A_34 = arith.constant 0 : i32
    %dma_wait3A_35 = tpu.memref_slice %arg4[%dma_wait3A_28, %add3A, %dma_wait3A_33, %dma_wait3A_34] : memref<2x32x80x125xi32, #tpu.memory_space<hbm>> -> memref<1x1x80x125xi32, #tpu.memory_space<hbm>>
    %dma_wait3A_36 = tpu.memref_squeeze %dma_wait3A_35 : memref<1x1x80x125xi32, #tpu.memory_space<hbm>> -> memref<80x125xi32, #tpu.memory_space<hbm>>
    tpu.wait_dma2 semaphore(%arg14 : memref<!tpu.dma_semaphore, #tpu.memory_space<semaphore_mem>>) src(%dma_wait3A_36 : memref<80x125xi32, #tpu.memory_space<hbm>>) dst(%arg7 : memref<80x125xi32, #tpu.memory_space<vmem>>)
    %barrier3A = arith.constant 0 : index
    tpu.barrier barrier_id(%barrier3A)
    %dma_start3A_37 = arith.constant 0 : i32
    %dma_start3A_38 = arith.constant 0 : i32
    %dma_start3A_39 = arith.constant 0 : i32
    %dma_start3A_40 = arith.constant 0 : i32
    %dma_start3A_41 = tpu.memref_slice %arg8[%dma_start3A_38, %dma_start3A_39, %dma_start3A_40] : memref<8x125x64xbf16, #tpu.memory_space<vmem>> -> memref<1x125x64xbf16, #tpu.memory_space<vmem>>
    %dma_start3A_42 = tpu.memref_squeeze %dma_start3A_41 : memref<1x125x64xbf16, #tpu.memory_space<vmem>> -> memref<125x64xbf16, #tpu.memory_space<vmem>>
    %dma_start3A_43 = arith.constant 0 : i32
    %dma_start3A_44 = tpu.memref_slice %arg6[%dma_start3A_37, %dma_start3A_43] : memref<80x125xi32, #tpu.memory_space<vmem>> -> memref<1x125xi32, #tpu.memory_space<vmem>>
    %dma_start3A_45 = tpu.memref_squeeze %dma_start3A_44 : memref<1x125xi32, #tpu.memory_space<vmem>> -> memref<125xi32, #tpu.memory_space<vmem>>
    %dma_start3A_46 = arith.constant 0 : i32
    %dma_start3A_47 = arith.constant 0 : i32
    %dma_start3A_48 = tpu.memref_slice %arg18[%dma_start3A_46, %dma_start3A_47] : memref<10240x64xbf16, #tpu.memory_space<vmem_shared>> -> memref<10240x64xbf16, #tpu.memory_space<vmem_shared>>
    tpu.enqueue_indirect_dma source(%dma_start3A_48 : memref<10240x64xbf16, #tpu.memory_space<vmem_shared>>) target(%dma_start3A_42 : memref<125x64xbf16, #tpu.memory_space<vmem>>) offsets(%dma_start3A_45 : memref<125xi32, #tpu.memory_space<vmem>>) semaphore(%arg9 : memref<!tpu.dma_semaphore, #tpu.memory_space<semaphore_mem>>)
    %dma_start3A_49 = arith.constant 1 : i32
    %dma_start3A_50 = arith.constant 1 : i32
    %dma_start3A_51 = arith.constant 0 : i32
    %dma_start3A_52 = arith.constant 0 : i32
    %dma_start3A_53 = tpu.memref_slice %arg8[%dma_start3A_50, %dma_start3A_51, %dma_start3A_52] : memref<8x125x64xbf16, #tpu.memory_space<vmem>> -> memref<1x125x64xbf16, #tpu.memory_space<vmem>>
    %dma_start3A_54 = tpu.memref_squeeze %dma_start3A_53 : memref<1x125x64xbf16, #tpu.memory_space<vmem>> -> memref<125x64xbf16, #tpu.memory_space<vmem>>
    %dma_start3A_55 = arith.constant 0 : i32
    %dma_start3A_56 = tpu.memref_slice %arg6[%dma_start3A_49, %dma_start3A_55] : memref<80x125xi32, #tpu.memory_space<vmem>> -> memref<1x125xi32, #tpu.memory_space<vmem>>
    %dma_start3A_57 = tpu.memref_squeeze %dma_start3A_56 : memref<1x125xi32, #tpu.memory_space<vmem>> -> memref<125xi32, #tpu.memory_space<vmem>>
    %dma_start3A_58 = arith.constant 0 : i32
    %dma_start3A_59 = arith.constant 0 : i32
    %dma_start3A_60 = tpu.memref_slice %arg18[%dma_start3A_58, %dma_start3A_59] : memref<10240x64xbf16, #tpu.memory_space<vmem_shared>> -> memref<10240x64xbf16, #tpu.memory_space<vmem_shared>>
    tpu.enqueue_indirect_dma source(%dma_start3A_60 : memref<10240x64xbf16, #tpu.memory_space<vmem_shared>>) target(%dma_start3A_54 : memref<125x64xbf16, #tpu.memory_space<vmem>>) offsets(%dma_start3A_57 : memref<125xi32, #tpu.memory_space<vmem>>) semaphore(%arg10 : memref<!tpu.dma_semaphore, #tpu.memory_space<semaphore_mem>>)
    %dma_start3A_61 = arith.constant 2 : i32
    %dma_start3A_62 = arith.constant 2 : i32
    %dma_start3A_63 = arith.constant 0 : i32
    %dma_start3A_64 = arith.constant 0 : i32
    %dma_start3A_65 = tpu.memref_slice %arg8[%dma_start3A_62, %dma_start3A_63, %dma_start3A_64] : memref<8x125x64xbf16, #tpu.memory_space<vmem>> -> memref<1x125x64xbf16, #tpu.memory_space<vmem>>
    %dma_start3A_66 = tpu.memref_squeeze %dma_start3A_65 : memref<1x125x64xbf16, #tpu.memory_space<vmem>> -> memref<125x64xbf16, #tpu.memory_space<vmem>>
    %dma_start3A_67 = arith.constant 0 : i32
    %dma_start3A_68 = tpu.memref_slice %arg6[%dma_start3A_61, %dma_start3A_67] : memref<80x125xi32, #tpu.memory_space<vmem>> -> memref<1x125xi32, #tpu.memory_space<vmem>>
    %dma_start3A_69 = tpu.memref_squeeze %dma_start3A_68 : memref<1x125xi32, #tpu.memory_space<vmem>> -> memref<125xi32, #tpu.memory_space<vmem>>
    %dma_start3A_70 = arith.constant 0 : i32
    %dma_start3A_71 = arith.constant 0 : i32
    %dma_start3A_72 = tpu.memref_slice %arg18[%dma_start3A_70, %dma_start3A_71] : memref<10240x64xbf16, #tpu.memory_space<vmem_shared>> -> memref<10240x64xbf16, #tpu.memory_space<vmem_shared>>
    tpu.enqueue_indirect_dma source(%dma_start3A_72 : memref<10240x64xbf16, #tpu.memory_space<vmem_shared>>) target(%dma_start3A_66 : memref<125x64xbf16, #tpu.memory_space<vmem>>) offsets(%dma_start3A_69 : memref<125xi32, #tpu.memory_space<vmem>>) semaphore(%arg11 : memref<!tpu.dma_semaphore, #tpu.memory_space<semaphore_mem>>)
    %dma_start3A_73 = arith.constant 3 : i32
    %dma_start3A_74 = arith.constant 3 : i32
    %dma_start3A_75 = arith.constant 0 : i32
    %dma_start3A_76 = arith.constant 0 : i32
    %dma_start3A_77 = tpu.memref_slice %arg8[%dma_start3A_74, %dma_start3A_75, %dma_start3A_76] : memref<8x125x64xbf16, #tpu.memory_space<vmem>> -> memref<1x125x64xbf16, #tpu.memory_space<vmem>>
    %dma_start3A_78 = tpu.memref_squeeze %dma_start3A_77 : memref<1x125x64xbf16, #tpu.memory_space<vmem>> -> memref<125x64xbf16, #tpu.memory_space<vmem>>
    %dma_start3A_79 = arith.constant 0 : i32
    %dma_start3A_80 = tpu.memref_slice %arg6[%dma_start3A_73, %dma_start3A_79] : memref<80x125xi32, #tpu.memory_space<vmem>> -> memref<1x125xi32, #tpu.memory_space<vmem>>
    %dma_start3A_81 = tpu.memref_squeeze %dma_start3A_80 : memref<1x125xi32, #tpu.memory_space<vmem>> -> memref<125xi32, #tpu.memory_space<vmem>>
    %dma_start3A_82 = arith.constant 0 : i32
    %dma_start3A_83 = arith.constant 0 : i32
    %dma_start3A_84 = tpu.memref_slice %arg18[%dma_start3A_82, %dma_start3A_83] : memref<10240x64xbf16, #tpu.memory_space<vmem_shared>> -> memref<10240x64xbf16, #tpu.memory_space<vmem_shared>>
    tpu.enqueue_indirect_dma source(%dma_start3A_84 : memref<10240x64xbf16, #tpu.memory_space<vmem_shared>>) target(%dma_start3A_78 : memref<125x64xbf16, #tpu.memory_space<vmem>>) offsets(%dma_start3A_81 : memref<125xi32, #tpu.memory_space<vmem>>) semaphore(%arg12 : memref<!tpu.dma_semaphore, #tpu.memory_space<semaphore_mem>>)
    %scan3A = arith.constant 0 : i32
    %scan3A_85 = arith.constant 0 : i32
    %scan3A_86 = arith.constant 20 : i32
    %scan3A_87 = arith.addi %scan3A_85, %scan3A_86 : i32
    %scan3A_88 = arith.constant 1 : i32
    scf.for %scan3A_94 = %scan3A_85 to %scan3A_87 step %scan3A_88  : i32 {
      %jit3A = arith.constant 2 : i32
      %eq3A = arith.constant 0 : i32
      %eq3A_95 = arith.cmpi eq, %jit3A, %eq3A : i32
      %jit3A_96 = arith.constant 1 : i32
      %select_n3A = arith.select %eq3A_95, %jit3A_96, %jit3A : i32
      %rem3A = arith.remsi %scan3A_94, %select_n3A : i32
      %ne3A = arith.constant 0 : i32
      %ne3A_97 = arith.cmpi ne, %rem3A, %ne3A : i32
      %lt3A = arith.constant 0 : i32
      %lt3A_98 = arith.cmpi slt, %rem3A, %lt3A : i32
      %lt3A_99 = arith.constant 0 : i32
      %lt3A_100 = arith.cmpi slt, %select_n3A, %lt3A_99 : i32
      %ne3A_101 = arith.xori %lt3A_98, %lt3A_100 : i1
      %and3A = arith.andi %ne3A_101, %ne3A_97 : i1
      %add3A_102 = arith.addi %rem3A, %select_n3A : i32
      %select_n3A_103 = arith.select %and3A, %add3A_102, %rem3A : i32
      %eq3A_104 = arith.constant 0 : i32
      %eq3A_105 = arith.cmpi eq, %select_n3A_103, %eq3A_104 : i32
      %convert_element_type3A = arith.extui %eq3A_105 : i1 to i32
      %cond3A = arith.constant 0 : i32
      %cond3A_106 = arith.cmpi ne, %convert_element_type3A, %cond3A : i32
      scf.if %cond3A_106 {
        %add3A_128 = arith.constant 1 : i32
        %add3A_129 = arith.addi %scan3A_94, %add3A_128 : i32
        %mul3A_130 = arith.constant 4 : i32
        %mul3A_131 = arith.muli %add3A_129, %mul3A_130 : i32
        %add3A_132 = arith.constant 1 : i32
        %add3A_133 = arith.addi %scan3A_94, %add3A_132 : i32
        %lt3A_134 = arith.constant 20 : i32
        %lt3A_135 = arith.cmpi slt, %add3A_133, %lt3A_134 : i32
        %convert_element_type3A_136 = arith.extui %lt3A_135 : i1 to i32
        %cond3A_137 = arith.constant 0 : i32
        %cond3A_138 = arith.cmpi ne, %convert_element_type3A_136, %cond3A_137 : i32
        scf.if %cond3A_138 {
          %add3A_202 = arith.constant 0 : i32
          %add3A_203 = arith.addi %mul3A_131, %add3A_202 : i32
          %dma_start3A_204 = arith.constant 4 : i32
          %dma_start3A_205 = arith.constant 0 : i32
          %dma_start3A_206 = arith.constant 0 : i32
          %dma_start3A_207 = tpu.memref_slice %arg8[%dma_start3A_204, %dma_start3A_205, %dma_start3A_206] : memref<8x125x64xbf16, #tpu.memory_space<vmem>> -> memref<1x125x64xbf16, #tpu.memory_space<vmem>>
          %dma_start3A_208 = tpu.memref_squeeze %dma_start3A_207 : memref<1x125x64xbf16, #tpu.memory_space<vmem>> -> memref<125x64xbf16, #tpu.memory_space<vmem>>
          %dma_start3A_209 = arith.constant 0 : i32
          %dma_start3A_210 = tpu.memref_slice %arg6[%add3A_203, %dma_start3A_209] : memref<80x125xi32, #tpu.memory_space<vmem>> -> memref<1x125xi32, #tpu.memory_space<vmem>>
          %dma_start3A_211 = tpu.memref_squeeze %dma_start3A_210 : memref<1x125xi32, #tpu.memory_space<vmem>> -> memref<125xi32, #tpu.memory_space<vmem>>
          %dma_start3A_212 = arith.constant 0 : i32
          %dma_start3A_213 = arith.constant 0 : i32
          %dma_start3A_214 = tpu.memref_slice %arg18[%dma_start3A_212, %dma_start3A_213] : memref<10240x64xbf16, #tpu.memory_space<vmem_shared>> -> memref<10240x64xbf16, #tpu.memory_space<vmem_shared>>
          tpu.enqueue_indirect_dma source(%dma_start3A_214 : memref<10240x64xbf16, #tpu.memory_space<vmem_shared>>) target(%dma_start3A_208 : memref<125x64xbf16, #tpu.memory_space<vmem>>) offsets(%dma_start3A_211 : memref<125xi32, #tpu.memory_space<vmem>>) semaphore(%arg13 : memref<!tpu.dma_semaphore, #tpu.memory_space<semaphore_mem>>)
          %add3A_215 = arith.constant 1 : i32
          %add3A_216 = arith.addi %mul3A_131, %add3A_215 : i32
          %dma_start3A_217 = arith.constant 5 : i32
          %dma_start3A_218 = arith.constant 0 : i32
          %dma_start3A_219 = arith.constant 0 : i32
          %dma_start3A_220 = tpu.memref_slice %arg8[%dma_start3A_217, %dma_start3A_218, %dma_start3A_219] : memref<8x125x64xbf16, #tpu.memory_space<vmem>> -> memref<1x125x64xbf16, #tpu.memory_space<vmem>>
          %dma_start3A_221 = tpu.memref_squeeze %dma_start3A_220 : memref<1x125x64xbf16, #tpu.memory_space<vmem>> -> memref<125x64xbf16, #tpu.memory_space<vmem>>
          %dma_start3A_222 = arith.constant 0 : i32
          %dma_start3A_223 = tpu.memref_slice %arg6[%add3A_216, %dma_start3A_222] : memref<80x125xi32, #tpu.memory_space<vmem>> -> memref<1x125xi32, #tpu.memory_space<vmem>>
          %dma_start3A_224 = tpu.memref_squeeze %dma_start3A_223 : memref<1x125xi32, #tpu.memory_space<vmem>> -> memref<125xi32, #tpu.memory_space<vmem>>
          %dma_start3A_225 = arith.constant 0 : i32
          %dma_start3A_226 = arith.constant 0 : i32
          %dma_start3A_227 = tpu.memref_slice %arg18[%dma_start3A_225, %dma_start3A_226] : memref<10240x64xbf16, #tpu.memory_space<vmem_shared>> -> memref<10240x64xbf16, #tpu.memory_space<vmem_shared>>
          tpu.enqueue_indirect_dma source(%dma_start3A_227 : memref<10240x64xbf16, #tpu.memory_space<vmem_shared>>) target(%dma_start3A_221 : memref<125x64xbf16, #tpu.memory_space<vmem>>) offsets(%dma_start3A_224 : memref<125xi32, #tpu.memory_space<vmem>>) semaphore(%arg14 : memref<!tpu.dma_semaphore, #tpu.memory_space<semaphore_mem>>)
          %add3A_228 = arith.constant 2 : i32
          %add3A_229 = arith.addi %mul3A_131, %add3A_228 : i32
          %dma_start3A_230 = arith.constant 6 : i32
          %dma_start3A_231 = arith.constant 0 : i32
          %dma_start3A_232 = arith.constant 0 : i32
          %dma_start3A_233 = tpu.memref_slice %arg8[%dma_start3A_230, %dma_start3A_231, %dma_start3A_232] : memref<8x125x64xbf16, #tpu.memory_space<vmem>> -> memref<1x125x64xbf16, #tpu.memory_space<vmem>>
          %dma_start3A_234 = tpu.memref_squeeze %dma_start3A_233 : memref<1x125x64xbf16, #tpu.memory_space<vmem>> -> memref<125x64xbf16, #tpu.memory_space<vmem>>
          %dma_start3A_235 = arith.constant 0 : i32
          %dma_start3A_236 = tpu.memref_slice %arg6[%add3A_229, %dma_start3A_235] : memref<80x125xi32, #tpu.memory_space<vmem>> -> memref<1x125xi32, #tpu.memory_space<vmem>>
          %dma_start3A_237 = tpu.memref_squeeze %dma_start3A_236 : memref<1x125xi32, #tpu.memory_space<vmem>> -> memref<125xi32, #tpu.memory_space<vmem>>
          %dma_start3A_238 = arith.constant 0 : i32
          %dma_start3A_239 = arith.constant 0 : i32
          %dma_start3A_240 = tpu.memref_slice %arg18[%dma_start3A_238, %dma_start3A_239] : memref<10240x64xbf16, #tpu.memory_space<vmem_shared>> -> memref<10240x64xbf16, #tpu.memory_space<vmem_shared>>
          tpu.enqueue_indirect_dma source(%dma_start3A_240 : memref<10240x64xbf16, #tpu.memory_space<vmem_shared>>) target(%dma_start3A_234 : memref<125x64xbf16, #tpu.memory_space<vmem>>) offsets(%dma_start3A_237 : memref<125xi32, #tpu.memory_space<vmem>>) semaphore(%arg15 : memref<!tpu.dma_semaphore, #tpu.memory_space<semaphore_mem>>)
          %add3A_241 = arith.constant 3 : i32
          %add3A_242 = arith.addi %mul3A_131, %add3A_241 : i32
          %dma_start3A_243 = arith.constant 7 : i32
          %dma_start3A_244 = arith.constant 0 : i32
          %dma_start3A_245 = arith.constant 0 : i32
          %dma_start3A_246 = tpu.memref_slice %arg8[%dma_start3A_243, %dma_start3A_244, %dma_start3A_245] : memref<8x125x64xbf16, #tpu.memory_space<vmem>> -> memref<1x125x64xbf16, #tpu.memory_space<vmem>>
          %dma_start3A_247 = tpu.memref_squeeze %dma_start3A_246 : memref<1x125x64xbf16, #tpu.memory_space<vmem>> -> memref<125x64xbf16, #tpu.memory_space<vmem>>
          %dma_start3A_248 = arith.constant 0 : i32
          %dma_start3A_249 = tpu.memref_slice %arg6[%add3A_242, %dma_start3A_248] : memref<80x125xi32, #tpu.memory_space<vmem>> -> memref<1x125xi32, #tpu.memory_space<vmem>>
          %dma_start3A_250 = tpu.memref_squeeze %dma_start3A_249 : memref<1x125xi32, #tpu.memory_space<vmem>> -> memref<125xi32, #tpu.memory_space<vmem>>
          %dma_start3A_251 = arith.constant 0 : i32
          %dma_start3A_252 = arith.constant 0 : i32
          %dma_start3A_253 = tpu.memref_slice %arg18[%dma_start3A_251, %dma_start3A_252] : memref<10240x64xbf16, #tpu.memory_space<vmem_shared>> -> memref<10240x64xbf16, #tpu.memory_space<vmem_shared>>
          tpu.enqueue_indirect_dma source(%dma_start3A_253 : memref<10240x64xbf16, #tpu.memory_space<vmem_shared>>) target(%dma_start3A_247 : memref<125x64xbf16, #tpu.memory_space<vmem>>) offsets(%dma_start3A_250 : memref<125xi32, #tpu.memory_space<vmem>>) semaphore(%arg16 : memref<!tpu.dma_semaphore, #tpu.memory_space<semaphore_mem>>)
        } else {
        }
        %mul3A_139 = arith.constant 4 : i32
        %mul3A_140 = arith.muli %scan3A_94, %mul3A_139 : i32
        %add3A_141 = arith.constant 0 : i32
        %add3A_142 = arith.addi %mul3A_140, %add3A_141 : i32
        %dma_wait3A_143 = arith.constant 0 : i32
        %dma_wait3A_144 = arith.constant 0 : i32
        %dma_wait3A_145 = arith.constant 0 : i32
        %dma_wait3A_146 = tpu.memref_slice %arg8[%dma_wait3A_143, %dma_wait3A_144, %dma_wait3A_145] : memref<8x125x64xbf16, #tpu.memory_space<vmem>> -> memref<1x125x64xbf16, #tpu.memory_space<vmem>>
        %dma_wait3A_147 = tpu.memref_squeeze %dma_wait3A_146 : memref<1x125x64xbf16, #tpu.memory_space<vmem>> -> memref<125x64xbf16, #tpu.memory_space<vmem>>
        %dma_wait3A_148 = arith.constant 0 : i32
        %dma_wait3A_149 = tpu.memref_slice %arg6[%add3A_142, %dma_wait3A_148] : memref<80x125xi32, #tpu.memory_space<vmem>> -> memref<1x125xi32, #tpu.memory_space<vmem>>
        %dma_wait3A_150 = tpu.memref_squeeze %dma_wait3A_149 : memref<1x125xi32, #tpu.memory_space<vmem>> -> memref<125xi32, #tpu.memory_space<vmem>>
        %dma_wait3A_151 = arith.constant 0 : i32
        %dma_wait3A_152 = arith.constant 0 : i32
        %dma_wait3A_153 = tpu.memref_slice %arg18[%dma_wait3A_151, %dma_wait3A_152] : memref<10240x64xbf16, #tpu.memory_space<vmem_shared>> -> memref<10240x64xbf16, #tpu.memory_space<vmem_shared>>
        tpu.wait_indirect_dma semaphore(%arg9 : memref<!tpu.dma_semaphore, #tpu.memory_space<semaphore_mem>>) src(%dma_wait3A_153 : memref<10240x64xbf16, #tpu.memory_space<vmem_shared>>) dst(%dma_wait3A_147 : memref<125x64xbf16, #tpu.memory_space<vmem>>)
        %run_scoped3A = arith.constant 0 : i32
        "tpu.region"() ({
          %run_scoped3A_202 = tpu.sem_alloc : memref<!tpu.dma_semaphore, #tpu.memory_space<semaphore_mem>>
          %dma_start3A_203 = arith.constant 0 : i32
          %dma_start3A_204 = arith.constant 0 : i32
          %dma_start3A_205 = tpu.memref_slice %arg8[%run_scoped3A, %dma_start3A_203, %dma_start3A_204] : memref<8x125x64xbf16, #tpu.memory_space<vmem>> -> memref<1x125x64xbf16, #tpu.memory_space<vmem>>
          %dma_start3A_206 = tpu.memref_squeeze %dma_start3A_205 : memref<1x125x64xbf16, #tpu.memory_space<vmem>> -> memref<125x64xbf16, #tpu.memory_space<vmem>>
          %dma_start3A_207 = arith.constant 0 : i32
          %dma_start3A_208 = tpu.memref_slice %arg7[%add3A_142, %dma_start3A_207] : memref<80x125xi32, #tpu.memory_space<vmem>> -> memref<1x125xi32, #tpu.memory_space<vmem>>
          %dma_start3A_209 = tpu.memref_squeeze %dma_start3A_208 : memref<1x125xi32, #tpu.memory_space<vmem>> -> memref<125xi32, #tpu.memory_space<vmem>>
          %dma_start3A_210 = arith.constant 0 : i32
          %dma_start3A_211 = arith.constant 0 : i32
          %dma_start3A_212 = tpu.memref_slice %arg17[%dma_start3A_210, %dma_start3A_211] : memref<10240x64xbf16, #tpu.memory_space<vmem_shared>> -> memref<10240x64xbf16, #tpu.memory_space<vmem_shared>>
          tpu.enqueue_indirect_dma source(%dma_start3A_206 : memref<125x64xbf16, #tpu.memory_space<vmem>>) target(%dma_start3A_212 : memref<10240x64xbf16, #tpu.memory_space<vmem_shared>>) offsets(%dma_start3A_209 : memref<125xi32, #tpu.memory_space<vmem>>) semaphore(%run_scoped3A_202 : memref<!tpu.dma_semaphore, #tpu.memory_space<semaphore_mem>>) {add = true}
          %dma_wait3A_213 = arith.constant 0 : i32
          %dma_wait3A_214 = arith.constant 0 : i32
          %dma_wait3A_215 = tpu.memref_slice %arg8[%run_scoped3A, %dma_wait3A_213, %dma_wait3A_214] : memref<8x125x64xbf16, #tpu.memory_space<vmem>> -> memref<1x125x64xbf16, #tpu.memory_space<vmem>>
          %dma_wait3A_216 = tpu.memref_squeeze %dma_wait3A_215 : memref<1x125x64xbf16, #tpu.memory_space<vmem>> -> memref<125x64xbf16, #tpu.memory_space<vmem>>
          %dma_wait3A_217 = arith.constant 0 : i32
          %dma_wait3A_218 = tpu.memref_slice %arg7[%add3A_142, %dma_wait3A_217] : memref<80x125xi32, #tpu.memory_space<vmem>> -> memref<1x125xi32, #tpu.memory_space<vmem>>
          %dma_wait3A_219 = tpu.memref_squeeze %dma_wait3A_218 : memref<1x125xi32, #tpu.memory_space<vmem>> -> memref<125xi32, #tpu.memory_space<vmem>>
          %dma_wait3A_220 = arith.constant 0 : i32
          %dma_wait3A_221 = arith.constant 0 : i32
          %dma_wait3A_222 = tpu.memref_slice %arg17[%dma_wait3A_220, %dma_wait3A_221] : memref<10240x64xbf16, #tpu.memory_space<vmem_shared>> -> memref<10240x64xbf16, #tpu.memory_space<vmem_shared>>
          tpu.wait_indirect_dma semaphore(%run_scoped3A_202 : memref<!tpu.dma_semaphore, #tpu.memory_space<semaphore_mem>>) src(%dma_wait3A_216 : memref<125x64xbf16, #tpu.memory_space<vmem>>) dst(%dma_wait3A_222 : memref<10240x64xbf16, #tpu.memory_space<vmem_shared>>)
          tpu.yield
        }) : () -> ()
        %mul3A_154 = arith.constant 4 : i32
        %mul3A_155 = arith.muli %scan3A_94, %mul3A_154 : i32
        %add3A_156 = arith.constant 1 : i32
        %add3A_157 = arith.addi %mul3A_155, %add3A_156 : i32
        %dma_wait3A_158 = arith.constant 1 : i32
        %dma_wait3A_159 = arith.constant 0 : i32
        %dma_wait3A_160 = arith.constant 0 : i32
        %dma_wait3A_161 = tpu.memref_slice %arg8[%dma_wait3A_158, %dma_wait3A_159, %dma_wait3A_160] : memref<8x125x64xbf16, #tpu.memory_space<vmem>> -> memref<1x125x64xbf16, #tpu.memory_space<vmem>>
        %dma_wait3A_162 = tpu.memref_squeeze %dma_wait3A_161 : memref<1x125x64xbf16, #tpu.memory_space<vmem>> -> memref<125x64xbf16, #tpu.memory_space<vmem>>
        %dma_wait3A_163 = arith.constant 0 : i32
        %dma_wait3A_164 = tpu.memref_slice %arg6[%add3A_157, %dma_wait3A_163] : memref<80x125xi32, #tpu.memory_space<vmem>> -> memref<1x125xi32, #tpu.memory_space<vmem>>
        %dma_wait3A_165 = tpu.memref_squeeze %dma_wait3A_164 : memref<1x125xi32, #tpu.memory_space<vmem>> -> memref<125xi32, #tpu.memory_space<vmem>>
        %dma_wait3A_166 = arith.constant 0 : i32
        %dma_wait3A_167 = arith.constant 0 : i32
        %dma_wait3A_168 = tpu.memref_slice %arg18[%dma_wait3A_166, %dma_wait3A_167] : memref<10240x64xbf16, #tpu.memory_space<vmem_shared>> -> memref<10240x64xbf16, #tpu.memory_space<vmem_shared>>
        tpu.wait_indirect_dma semaphore(%arg10 : memref<!tpu.dma_semaphore, #tpu.memory_space<semaphore_mem>>) src(%dma_wait3A_168 : memref<10240x64xbf16, #tpu.memory_space<vmem_shared>>) dst(%dma_wait3A_162 : memref<125x64xbf16, #tpu.memory_space<vmem>>)
        %run_scoped3A_169 = arith.constant 1 : i32
        "tpu.region"() ({
          %run_scoped3A_202 = tpu.sem_alloc : memref<!tpu.dma_semaphore, #tpu.memory_space<semaphore_mem>>
          %dma_start3A_203 = arith.constant 0 : i32
          %dma_start3A_204 = arith.constant 0 : i32
          %dma_start3A_205 = tpu.memref_slice %arg8[%run_scoped3A_169, %dma_start3A_203, %dma_start3A_204] : memref<8x125x64xbf16, #tpu.memory_space<vmem>> -> memref<1x125x64xbf16, #tpu.memory_space<vmem>>
          %dma_start3A_206 = tpu.memref_squeeze %dma_start3A_205 : memref<1x125x64xbf16, #tpu.memory_space<vmem>> -> memref<125x64xbf16, #tpu.memory_space<vmem>>
          %dma_start3A_207 = arith.constant 0 : i32
          %dma_start3A_208 = tpu.memref_slice %arg7[%add3A_157, %dma_start3A_207] : memref<80x125xi32, #tpu.memory_space<vmem>> -> memref<1x125xi32, #tpu.memory_space<vmem>>
          %dma_start3A_209 = tpu.memref_squeeze %dma_start3A_208 : memref<1x125xi32, #tpu.memory_space<vmem>> -> memref<125xi32, #tpu.memory_space<vmem>>
          %dma_start3A_210 = arith.constant 0 : i32
          %dma_start3A_211 = arith.constant 0 : i32
          %dma_start3A_212 = tpu.memref_slice %arg17[%dma_start3A_210, %dma_start3A_211] : memref<10240x64xbf16, #tpu.memory_space<vmem_shared>> -> memref<10240x64xbf16, #tpu.memory_space<vmem_shared>>
          tpu.enqueue_indirect_dma source(%dma_start3A_206 : memref<125x64xbf16, #tpu.memory_space<vmem>>) target(%dma_start3A_212 : memref<10240x64xbf16, #tpu.memory_space<vmem_shared>>) offsets(%dma_start3A_209 : memref<125xi32, #tpu.memory_space<vmem>>) semaphore(%run_scoped3A_202 : memref<!tpu.dma_semaphore, #tpu.memory_space<semaphore_mem>>) {add = true}
          %dma_wait3A_213 = arith.constant 0 : i32
          %dma_wait3A_214 = arith.constant 0 : i32
          %dma_wait3A_215 = tpu.memref_slice %arg8[%run_scoped3A_169, %dma_wait3A_213, %dma_wait3A_214] : memref<8x125x64xbf16, #tpu.memory_space<vmem>> -> memref<1x125x64xbf16, #tpu.memory_space<vmem>>
          %dma_wait3A_216 = tpu.memref_squeeze %dma_wait3A_215 : memref<1x125x64xbf16, #tpu.memory_space<vmem>> -> memref<125x64xbf16, #tpu.memory_space<vmem>>
          %dma_wait3A_217 = arith.constant 0 : i32
          %dma_wait3A_218 = tpu.memref_slice %arg7[%add3A_157, %dma_wait3A_217] : memref<80x125xi32, #tpu.memory_space<vmem>> -> memref<1x125xi32, #tpu.memory_space<vmem>>
          %dma_wait3A_219 = tpu.memref_squeeze %dma_wait3A_218 : memref<1x125xi32, #tpu.memory_space<vmem>> -> memref<125xi32, #tpu.memory_space<vmem>>
          %dma_wait3A_220 = arith.constant 0 : i32
          %dma_wait3A_221 = arith.constant 0 : i32
          %dma_wait3A_222 = tpu.memref_slice %arg17[%dma_wait3A_220, %dma_wait3A_221] : memref<10240x64xbf16, #tpu.memory_space<vmem_shared>> -> memref<10240x64xbf16, #tpu.memory_space<vmem_shared>>
          tpu.wait_indirect_dma semaphore(%run_scoped3A_202 : memref<!tpu.dma_semaphore, #tpu.memory_space<semaphore_mem>>) src(%dma_wait3A_216 : memref<125x64xbf16, #tpu.memory_space<vmem>>) dst(%dma_wait3A_222 : memref<10240x64xbf16, #tpu.memory_space<vmem_shared>>)
          tpu.yield
        }) : () -> ()
        %mul3A_170 = arith.constant 4 : i32
        %mul3A_171 = arith.muli %scan3A_94, %mul3A_170 : i32
        %add3A_172 = arith.constant 2 : i32
        %add3A_173 = arith.addi %mul3A_171, %add3A_172 : i32
        %dma_wait3A_174 = arith.constant 2 : i32
        %dma_wait3A_175 = arith.constant 0 : i32
        %dma_wait3A_176 = arith.constant 0 : i32
        %dma_wait3A_177 = tpu.memref_slice %arg8[%dma_wait3A_174, %dma_wait3A_175, %dma_wait3A_176] : memref<8x125x64xbf16, #tpu.memory_space<vmem>> -> memref<1x125x64xbf16, #tpu.memory_space<vmem>>
        %dma_wait3A_178 = tpu.memref_squeeze %dma_wait3A_177 : memref<1x125x64xbf16, #tpu.memory_space<vmem>> -> memref<125x64xbf16, #tpu.memory_space<vmem>>
        %dma_wait3A_179 = arith.constant 0 : i32
        %dma_wait3A_180 = tpu.memref_slice %arg6[%add3A_173, %dma_wait3A_179] : memref<80x125xi32, #tpu.memory_space<vmem>> -> memref<1x125xi32, #tpu.memory_space<vmem>>
        %dma_wait3A_181 = tpu.memref_squeeze %dma_wait3A_180 : memref<1x125xi32, #tpu.memory_space<vmem>> -> memref<125xi32, #tpu.memory_space<vmem>>
        %dma_wait3A_182 = arith.constant 0 : i32
        %dma_wait3A_183 = arith.constant 0 : i32
        %dma_wait3A_184 = tpu.memref_slice %arg18[%dma_wait3A_182, %dma_wait3A_183] : memref<10240x64xbf16, #tpu.memory_space<vmem_shared>> -> memref<10240x64xbf16, #tpu.memory_space<vmem_shared>>
        tpu.wait_indirect_dma semaphore(%arg11 : memref<!tpu.dma_semaphore, #tpu.memory_space<semaphore_mem>>) src(%dma_wait3A_184 : memref<10240x64xbf16, #tpu.memory_space<vmem_shared>>) dst(%dma_wait3A_178 : memref<125x64xbf16, #tpu.memory_space<vmem>>)
        %run_scoped3A_185 = arith.constant 2 : i32
        "tpu.region"() ({
          %run_scoped3A_202 = tpu.sem_alloc : memref<!tpu.dma_semaphore, #tpu.memory_space<semaphore_mem>>
          %dma_start3A_203 = arith.constant 0 : i32
          %dma_start3A_204 = arith.constant 0 : i32
          %dma_start3A_205 = tpu.memref_slice %arg8[%run_scoped3A_185, %dma_start3A_203, %dma_start3A_204] : memref<8x125x64xbf16, #tpu.memory_space<vmem>> -> memref<1x125x64xbf16, #tpu.memory_space<vmem>>
          %dma_start3A_206 = tpu.memref_squeeze %dma_start3A_205 : memref<1x125x64xbf16, #tpu.memory_space<vmem>> -> memref<125x64xbf16, #tpu.memory_space<vmem>>
          %dma_start3A_207 = arith.constant 0 : i32
          %dma_start3A_208 = tpu.memref_slice %arg7[%add3A_173, %dma_start3A_207] : memref<80x125xi32, #tpu.memory_space<vmem>> -> memref<1x125xi32, #tpu.memory_space<vmem>>
          %dma_start3A_209 = tpu.memref_squeeze %dma_start3A_208 : memref<1x125xi32, #tpu.memory_space<vmem>> -> memref<125xi32, #tpu.memory_space<vmem>>
          %dma_start3A_210 = arith.constant 0 : i32
          %dma_start3A_211 = arith.constant 0 : i32
          %dma_start3A_212 = tpu.memref_slice %arg17[%dma_start3A_210, %dma_start3A_211] : memref<10240x64xbf16, #tpu.memory_space<vmem_shared>> -> memref<10240x64xbf16, #tpu.memory_space<vmem_shared>>
          tpu.enqueue_indirect_dma source(%dma_start3A_206 : memref<125x64xbf16, #tpu.memory_space<vmem>>) target(%dma_start3A_212 : memref<10240x64xbf16, #tpu.memory_space<vmem_shared>>) offsets(%dma_start3A_209 : memref<125xi32, #tpu.memory_space<vmem>>) semaphore(%run_scoped3A_202 : memref<!tpu.dma_semaphore, #tpu.memory_space<semaphore_mem>>) {add = true}
          %dma_wait3A_213 = arith.constant 0 : i32
          %dma_wait3A_214 = arith.constant 0 : i32
          %dma_wait3A_215 = tpu.memref_slice %arg8[%run_scoped3A_185, %dma_wait3A_213, %dma_wait3A_214] : memref<8x125x64xbf16, #tpu.memory_space<vmem>> -> memref<1x125x64xbf16, #tpu.memory_space<vmem>>
          %dma_wait3A_216 = tpu.memref_squeeze %dma_wait3A_215 : memref<1x125x64xbf16, #tpu.memory_space<vmem>> -> memref<125x64xbf16, #tpu.memory_space<vmem>>
          %dma_wait3A_217 = arith.constant 0 : i32
          %dma_wait3A_218 = tpu.memref_slice %arg7[%add3A_173, %dma_wait3A_217] : memref<80x125xi32, #tpu.memory_space<vmem>> -> memref<1x125xi32, #tpu.memory_space<vmem>>
          %dma_wait3A_219 = tpu.memref_squeeze %dma_wait3A_218 : memref<1x125xi32, #tpu.memory_space<vmem>> -> memref<125xi32, #tpu.memory_space<vmem>>
          %dma_wait3A_220 = arith.constant 0 : i32
          %dma_wait3A_221 = arith.constant 0 : i32
          %dma_wait3A_222 = tpu.memref_slice %arg17[%dma_wait3A_220, %dma_wait3A_221] : memref<10240x64xbf16, #tpu.memory_space<vmem_shared>> -> memref<10240x64xbf16, #tpu.memory_space<vmem_shared>>
          tpu.wait_indirect_dma semaphore(%run_scoped3A_202 : memref<!tpu.dma_semaphore, #tpu.memory_space<semaphore_mem>>) src(%dma_wait3A_216 : memref<125x64xbf16, #tpu.memory_space<vmem>>) dst(%dma_wait3A_222 : memref<10240x64xbf16, #tpu.memory_space<vmem_shared>>)
          tpu.yield
        }) : () -> ()
        %mul3A_186 = arith.constant 4 : i32
        %mul3A_187 = arith.muli %scan3A_94, %mul3A_186 : i32
        %add3A_188 = arith.constant 3 : i32
        %add3A_189 = arith.addi %mul3A_187, %add3A_188 : i32
        %dma_wait3A_190 = arith.constant 3 : i32
        %dma_wait3A_191 = arith.constant 0 : i32
        %dma_wait3A_192 = arith.constant 0 : i32
        %dma_wait3A_193 = tpu.memref_slice %arg8[%dma_wait3A_190, %dma_wait3A_191, %dma_wait3A_192] : memref<8x125x64xbf16, #tpu.memory_space<vmem>> -> memref<1x125x64xbf16, #tpu.memory_space<vmem>>
        %dma_wait3A_194 = tpu.memref_squeeze %dma_wait3A_193 : memref<1x125x64xbf16, #tpu.memory_space<vmem>> -> memref<125x64xbf16, #tpu.memory_space<vmem>>
        %dma_wait3A_195 = arith.constant 0 : i32
        %dma_wait3A_196 = tpu.memref_slice %arg6[%add3A_189, %dma_wait3A_195] : memref<80x125xi32, #tpu.memory_space<vmem>> -> memref<1x125xi32, #tpu.memory_space<vmem>>
        %dma_wait3A_197 = tpu.memref_squeeze %dma_wait3A_196 : memref<1x125xi32, #tpu.memory_space<vmem>> -> memref<125xi32, #tpu.memory_space<vmem>>
        %dma_wait3A_198 = arith.constant 0 : i32
        %dma_wait3A_199 = arith.constant 0 : i32
        %dma_wait3A_200 = tpu.memref_slice %arg18[%dma_wait3A_198, %dma_wait3A_199] : memref<10240x64xbf16, #tpu.memory_space<vmem_shared>> -> memref<10240x64xbf16, #tpu.memory_space<vmem_shared>>
        tpu.wait_indirect_dma semaphore(%arg12 : memref<!tpu.dma_semaphore, #tpu.memory_space<semaphore_mem>>) src(%dma_wait3A_200 : memref<10240x64xbf16, #tpu.memory_space<vmem_shared>>) dst(%dma_wait3A_194 : memref<125x64xbf16, #tpu.memory_space<vmem>>)
        %run_scoped3A_201 = arith.constant 3 : i32
        "tpu.region"() ({
          %run_scoped3A_202 = tpu.sem_alloc : memref<!tpu.dma_semaphore, #tpu.memory_space<semaphore_mem>>
          %dma_start3A_203 = arith.constant 0 : i32
          %dma_start3A_204 = arith.constant 0 : i32
          %dma_start3A_205 = tpu.memref_slice %arg8[%run_scoped3A_201, %dma_start3A_203, %dma_start3A_204] : memref<8x125x64xbf16, #tpu.memory_space<vmem>> -> memref<1x125x64xbf16, #tpu.memory_space<vmem>>
          %dma_start3A_206 = tpu.memref_squeeze %dma_start3A_205 : memref<1x125x64xbf16, #tpu.memory_space<vmem>> -> memref<125x64xbf16, #tpu.memory_space<vmem>>
          %dma_start3A_207 = arith.constant 0 : i32
          %dma_start3A_208 = tpu.memref_slice %arg7[%add3A_189, %dma_start3A_207] : memref<80x125xi32, #tpu.memory_space<vmem>> -> memref<1x125xi32, #tpu.memory_space<vmem>>
          %dma_start3A_209 = tpu.memref_squeeze %dma_start3A_208 : memref<1x125xi32, #tpu.memory_space<vmem>> -> memref<125xi32, #tpu.memory_space<vmem>>
          %dma_start3A_210 = arith.constant 0 : i32
          %dma_start3A_211 = arith.constant 0 : i32
          %dma_start3A_212 = tpu.memref_slice %arg17[%dma_start3A_210, %dma_start3A_211] : memref<10240x64xbf16, #tpu.memory_space<vmem_shared>> -> memref<10240x64xbf16, #tpu.memory_space<vmem_shared>>
          tpu.enqueue_indirect_dma source(%dma_start3A_206 : memref<125x64xbf16, #tpu.memory_space<vmem>>) target(%dma_start3A_212 : memref<10240x64xbf16, #tpu.memory_space<vmem_shared>>) offsets(%dma_start3A_209 : memref<125xi32, #tpu.memory_space<vmem>>) semaphore(%run_scoped3A_202 : memref<!tpu.dma_semaphore, #tpu.memory_space<semaphore_mem>>) {add = true}
          %dma_wait3A_213 = arith.constant 0 : i32
          %dma_wait3A_214 = arith.constant 0 : i32
          %dma_wait3A_215 = tpu.memref_slice %arg8[%run_scoped3A_201, %dma_wait3A_213, %dma_wait3A_214] : memref<8x125x64xbf16, #tpu.memory_space<vmem>> -> memref<1x125x64xbf16, #tpu.memory_space<vmem>>
          %dma_wait3A_216 = tpu.memref_squeeze %dma_wait3A_215 : memref<1x125x64xbf16, #tpu.memory_space<vmem>> -> memref<125x64xbf16, #tpu.memory_space<vmem>>
          %dma_wait3A_217 = arith.constant 0 : i32
          %dma_wait3A_218 = tpu.memref_slice %arg7[%add3A_189, %dma_wait3A_217] : memref<80x125xi32, #tpu.memory_space<vmem>> -> memref<1x125xi32, #tpu.memory_space<vmem>>
          %dma_wait3A_219 = tpu.memref_squeeze %dma_wait3A_218 : memref<1x125xi32, #tpu.memory_space<vmem>> -> memref<125xi32, #tpu.memory_space<vmem>>
          %dma_wait3A_220 = arith.constant 0 : i32
          %dma_wait3A_221 = arith.constant 0 : i32
          %dma_wait3A_222 = tpu.memref_slice %arg17[%dma_wait3A_220, %dma_wait3A_221] : memref<10240x64xbf16, #tpu.memory_space<vmem_shared>> -> memref<10240x64xbf16, #tpu.memory_space<vmem_shared>>
          tpu.wait_indirect_dma semaphore(%run_scoped3A_202 : memref<!tpu.dma_semaphore, #tpu.memory_space<semaphore_mem>>) src(%dma_wait3A_216 : memref<125x64xbf16, #tpu.memory_space<vmem>>) dst(%dma_wait3A_222 : memref<10240x64xbf16, #tpu.memory_space<vmem_shared>>)
          tpu.yield
        }) : () -> ()
      } else {
      }
      %jit3A_107 = arith.constant 2 : i32
      %eq3A_108 = arith.constant 0 : i32
      %eq3A_109 = arith.cmpi eq, %jit3A_107, %eq3A_108 : i32
      %jit3A_110 = arith.constant 1 : i32
      %select_n3A_111 = arith.select %eq3A_109, %jit3A_110, %jit3A_107 : i32
      %rem3A_112 = arith.remsi %scan3A_94, %select_n3A_111 : i32
      %ne3A_113 = arith.constant 0 : i32
      %ne3A_114 = arith.cmpi ne, %rem3A_112, %ne3A_113 : i32
      %lt3A_115 = arith.constant 0 : i32
      %lt3A_116 = arith.cmpi slt, %rem3A_112, %lt3A_115 : i32
      %lt3A_117 = arith.constant 0 : i32
      %lt3A_118 = arith.cmpi slt, %select_n3A_111, %lt3A_117 : i32
      %ne3A_119 = arith.xori %lt3A_116, %lt3A_118 : i1
      %and3A_120 = arith.andi %ne3A_119, %ne3A_114 : i1
      %add3A_121 = arith.addi %rem3A_112, %select_n3A_111 : i32
      %select_n3A_122 = arith.select %and3A_120, %add3A_121, %rem3A_112 : i32
      %eq3A_123 = arith.constant 1 : i32
      %eq3A_124 = arith.cmpi eq, %select_n3A_122, %eq3A_123 : i32
      %convert_element_type3A_125 = arith.extui %eq3A_124 : i1 to i32
      %cond3A_126 = arith.constant 0 : i32
      %cond3A_127 = arith.cmpi ne, %convert_element_type3A_125, %cond3A_126 : i32
      scf.if %cond3A_127 {
        %add3A_128 = arith.constant 1 : i32
        %add3A_129 = arith.addi %scan3A_94, %add3A_128 : i32
        %mul3A_130 = arith.constant 4 : i32
        %mul3A_131 = arith.muli %add3A_129, %mul3A_130 : i32
        %add3A_132 = arith.constant 1 : i32
        %add3A_133 = arith.addi %scan3A_94, %add3A_132 : i32
        %lt3A_134 = arith.constant 20 : i32
        %lt3A_135 = arith.cmpi slt, %add3A_133, %lt3A_134 : i32
        %convert_element_type3A_136 = arith.extui %lt3A_135 : i1 to i32
        %cond3A_137 = arith.constant 0 : i32
        %cond3A_138 = arith.cmpi ne, %convert_element_type3A_136, %cond3A_137 : i32
        scf.if %cond3A_138 {
          %add3A_202 = arith.constant 0 : i32
          %add3A_203 = arith.addi %mul3A_131, %add3A_202 : i32
          %dma_start3A_204 = arith.constant 0 : i32
          %dma_start3A_205 = arith.constant 0 : i32
          %dma_start3A_206 = arith.constant 0 : i32
          %dma_start3A_207 = tpu.memref_slice %arg8[%dma_start3A_204, %dma_start3A_205, %dma_start3A_206] : memref<8x125x64xbf16, #tpu.memory_space<vmem>> -> memref<1x125x64xbf16, #tpu.memory_space<vmem>>
          %dma_start3A_208 = tpu.memref_squeeze %dma_start3A_207 : memref<1x125x64xbf16, #tpu.memory_space<vmem>> -> memref<125x64xbf16, #tpu.memory_space<vmem>>
          %dma_start3A_209 = arith.constant 0 : i32
          %dma_start3A_210 = tpu.memref_slice %arg6[%add3A_203, %dma_start3A_209] : memref<80x125xi32, #tpu.memory_space<vmem>> -> memref<1x125xi32, #tpu.memory_space<vmem>>
          %dma_start3A_211 = tpu.memref_squeeze %dma_start3A_210 : memref<1x125xi32, #tpu.memory_space<vmem>> -> memref<125xi32, #tpu.memory_space<vmem>>
          %dma_start3A_212 = arith.constant 0 : i32
          %dma_start3A_213 = arith.constant 0 : i32
          %dma_start3A_214 = tpu.memref_slice %arg18[%dma_start3A_212, %dma_start3A_213] : memref<10240x64xbf16, #tpu.memory_space<vmem_shared>> -> memref<10240x64xbf16, #tpu.memory_space<vmem_shared>>
          tpu.enqueue_indirect_dma source(%dma_start3A_214 : memref<10240x64xbf16, #tpu.memory_space<vmem_shared>>) target(%dma_start3A_208 : memref<125x64xbf16, #tpu.memory_space<vmem>>) offsets(%dma_start3A_211 : memref<125xi32, #tpu.memory_space<vmem>>) semaphore(%arg9 : memref<!tpu.dma_semaphore, #tpu.memory_space<semaphore_mem>>)
          %add3A_215 = arith.constant 1 : i32
          %add3A_216 = arith.addi %mul3A_131, %add3A_215 : i32
          %dma_start3A_217 = arith.constant 1 : i32
          %dma_start3A_218 = arith.constant 0 : i32
          %dma_start3A_219 = arith.constant 0 : i32
          %dma_start3A_220 = tpu.memref_slice %arg8[%dma_start3A_217, %dma_start3A_218, %dma_start3A_219] : memref<8x125x64xbf16, #tpu.memory_space<vmem>> -> memref<1x125x64xbf16, #tpu.memory_space<vmem>>
          %dma_start3A_221 = tpu.memref_squeeze %dma_start3A_220 : memref<1x125x64xbf16, #tpu.memory_space<vmem>> -> memref<125x64xbf16, #tpu.memory_space<vmem>>
          %dma_start3A_222 = arith.constant 0 : i32
          %dma_start3A_223 = tpu.memref_slice %arg6[%add3A_216, %dma_start3A_222] : memref<80x125xi32, #tpu.memory_space<vmem>> -> memref<1x125xi32, #tpu.memory_space<vmem>>
          %dma_start3A_224 = tpu.memref_squeeze %dma_start3A_223 : memref<1x125xi32, #tpu.memory_space<vmem>> -> memref<125xi32, #tpu.memory_space<vmem>>
          %dma_start3A_225 = arith.constant 0 : i32
          %dma_start3A_226 = arith.constant 0 : i32
          %dma_start3A_227 = tpu.memref_slice %arg18[%dma_start3A_225, %dma_start3A_226] : memref<10240x64xbf16, #tpu.memory_space<vmem_shared>> -> memref<10240x64xbf16, #tpu.memory_space<vmem_shared>>
          tpu.enqueue_indirect_dma source(%dma_start3A_227 : memref<10240x64xbf16, #tpu.memory_space<vmem_shared>>) target(%dma_start3A_221 : memref<125x64xbf16, #tpu.memory_space<vmem>>) offsets(%dma_start3A_224 : memref<125xi32, #tpu.memory_space<vmem>>) semaphore(%arg10 : memref<!tpu.dma_semaphore, #tpu.memory_space<semaphore_mem>>)
          %add3A_228 = arith.constant 2 : i32
          %add3A_229 = arith.addi %mul3A_131, %add3A_228 : i32
          %dma_start3A_230 = arith.constant 2 : i32
          %dma_start3A_231 = arith.constant 0 : i32
          %dma_start3A_232 = arith.constant 0 : i32
          %dma_start3A_233 = tpu.memref_slice %arg8[%dma_start3A_230, %dma_start3A_231, %dma_start3A_232] : memref<8x125x64xbf16, #tpu.memory_space<vmem>> -> memref<1x125x64xbf16, #tpu.memory_space<vmem>>
          %dma_start3A_234 = tpu.memref_squeeze %dma_start3A_233 : memref<1x125x64xbf16, #tpu.memory_space<vmem>> -> memref<125x64xbf16, #tpu.memory_space<vmem>>
          %dma_start3A_235 = arith.constant 0 : i32
          %dma_start3A_236 = tpu.memref_slice %arg6[%add3A_229, %dma_start3A_235] : memref<80x125xi32, #tpu.memory_space<vmem>> -> memref<1x125xi32, #tpu.memory_space<vmem>>
          %dma_start3A_237 = tpu.memref_squeeze %dma_start3A_236 : memref<1x125xi32, #tpu.memory_space<vmem>> -> memref<125xi32, #tpu.memory_space<vmem>>
          %dma_start3A_238 = arith.constant 0 : i32
          %dma_start3A_239 = arith.constant 0 : i32
          %dma_start3A_240 = tpu.memref_slice %arg18[%dma_start3A_238, %dma_start3A_239] : memref<10240x64xbf16, #tpu.memory_space<vmem_shared>> -> memref<10240x64xbf16, #tpu.memory_space<vmem_shared>>
          tpu.enqueue_indirect_dma source(%dma_start3A_240 : memref<10240x64xbf16, #tpu.memory_space<vmem_shared>>) target(%dma_start3A_234 : memref<125x64xbf16, #tpu.memory_space<vmem>>) offsets(%dma_start3A_237 : memref<125xi32, #tpu.memory_space<vmem>>) semaphore(%arg11 : memref<!tpu.dma_semaphore, #tpu.memory_space<semaphore_mem>>)
          %add3A_241 = arith.constant 3 : i32
          %add3A_242 = arith.addi %mul3A_131, %add3A_241 : i32
          %dma_start3A_243 = arith.constant 3 : i32
          %dma_start3A_244 = arith.constant 0 : i32
          %dma_start3A_245 = arith.constant 0 : i32
          %dma_start3A_246 = tpu.memref_slice %arg8[%dma_start3A_243, %dma_start3A_244, %dma_start3A_245] : memref<8x125x64xbf16, #tpu.memory_space<vmem>> -> memref<1x125x64xbf16, #tpu.memory_space<vmem>>
          %dma_start3A_247 = tpu.memref_squeeze %dma_start3A_246 : memref<1x125x64xbf16, #tpu.memory_space<vmem>> -> memref<125x64xbf16, #tpu.memory_space<vmem>>
          %dma_start3A_248 = arith.constant 0 : i32
          %dma_start3A_249 = tpu.memref_slice %arg6[%add3A_242, %dma_start3A_248] : memref<80x125xi32, #tpu.memory_space<vmem>> -> memref<1x125xi32, #tpu.memory_space<vmem>>
          %dma_start3A_250 = tpu.memref_squeeze %dma_start3A_249 : memref<1x125xi32, #tpu.memory_space<vmem>> -> memref<125xi32, #tpu.memory_space<vmem>>
          %dma_start3A_251 = arith.constant 0 : i32
          %dma_start3A_252 = arith.constant 0 : i32
          %dma_start3A_253 = tpu.memref_slice %arg18[%dma_start3A_251, %dma_start3A_252] : memref<10240x64xbf16, #tpu.memory_space<vmem_shared>> -> memref<10240x64xbf16, #tpu.memory_space<vmem_shared>>
          tpu.enqueue_indirect_dma source(%dma_start3A_253 : memref<10240x64xbf16, #tpu.memory_space<vmem_shared>>) target(%dma_start3A_247 : memref<125x64xbf16, #tpu.memory_space<vmem>>) offsets(%dma_start3A_250 : memref<125xi32, #tpu.memory_space<vmem>>) semaphore(%arg12 : memref<!tpu.dma_semaphore, #tpu.memory_space<semaphore_mem>>)
        } else {
        }
        %mul3A_139 = arith.constant 4 : i32
        %mul3A_140 = arith.muli %scan3A_94, %mul3A_139 : i32
        %add3A_141 = arith.constant 0 : i32
        %add3A_142 = arith.addi %mul3A_140, %add3A_141 : i32
        %dma_wait3A_143 = arith.constant 4 : i32
        %dma_wait3A_144 = arith.constant 0 : i32
        %dma_wait3A_145 = arith.constant 0 : i32
        %dma_wait3A_146 = tpu.memref_slice %arg8[%dma_wait3A_143, %dma_wait3A_144, %dma_wait3A_145] : memref<8x125x64xbf16, #tpu.memory_space<vmem>> -> memref<1x125x64xbf16, #tpu.memory_space<vmem>>
        %dma_wait3A_147 = tpu.memref_squeeze %dma_wait3A_146 : memref<1x125x64xbf16, #tpu.memory_space<vmem>> -> memref<125x64xbf16, #tpu.memory_space<vmem>>
        %dma_wait3A_148 = arith.constant 0 : i32
        %dma_wait3A_149 = tpu.memref_slice %arg6[%add3A_142, %dma_wait3A_148] : memref<80x125xi32, #tpu.memory_space<vmem>> -> memref<1x125xi32, #tpu.memory_space<vmem>>
        %dma_wait3A_150 = tpu.memref_squeeze %dma_wait3A_149 : memref<1x125xi32, #tpu.memory_space<vmem>> -> memref<125xi32, #tpu.memory_space<vmem>>
        %dma_wait3A_151 = arith.constant 0 : i32
        %dma_wait3A_152 = arith.constant 0 : i32
        %dma_wait3A_153 = tpu.memref_slice %arg18[%dma_wait3A_151, %dma_wait3A_152] : memref<10240x64xbf16, #tpu.memory_space<vmem_shared>> -> memref<10240x64xbf16, #tpu.memory_space<vmem_shared>>
        tpu.wait_indirect_dma semaphore(%arg13 : memref<!tpu.dma_semaphore, #tpu.memory_space<semaphore_mem>>) src(%dma_wait3A_153 : memref<10240x64xbf16, #tpu.memory_space<vmem_shared>>) dst(%dma_wait3A_147 : memref<125x64xbf16, #tpu.memory_space<vmem>>)
        %run_scoped3A = arith.constant 4 : i32
        "tpu.region"() ({
          %run_scoped3A_202 = tpu.sem_alloc : memref<!tpu.dma_semaphore, #tpu.memory_space<semaphore_mem>>
          %dma_start3A_203 = arith.constant 0 : i32
          %dma_start3A_204 = arith.constant 0 : i32
          %dma_start3A_205 = tpu.memref_slice %arg8[%run_scoped3A, %dma_start3A_203, %dma_start3A_204] : memref<8x125x64xbf16, #tpu.memory_space<vmem>> -> memref<1x125x64xbf16, #tpu.memory_space<vmem>>
          %dma_start3A_206 = tpu.memref_squeeze %dma_start3A_205 : memref<1x125x64xbf16, #tpu.memory_space<vmem>> -> memref<125x64xbf16, #tpu.memory_space<vmem>>
          %dma_start3A_207 = arith.constant 0 : i32
          %dma_start3A_208 = tpu.memref_slice %arg7[%add3A_142, %dma_start3A_207] : memref<80x125xi32, #tpu.memory_space<vmem>> -> memref<1x125xi32, #tpu.memory_space<vmem>>
          %dma_start3A_209 = tpu.memref_squeeze %dma_start3A_208 : memref<1x125xi32, #tpu.memory_space<vmem>> -> memref<125xi32, #tpu.memory_space<vmem>>
          %dma_start3A_210 = arith.constant 0 : i32
          %dma_start3A_211 = arith.constant 0 : i32
          %dma_start3A_212 = tpu.memref_slice %arg17[%dma_start3A_210, %dma_start3A_211] : memref<10240x64xbf16, #tpu.memory_space<vmem_shared>> -> memref<10240x64xbf16, #tpu.memory_space<vmem_shared>>
          tpu.enqueue_indirect_dma source(%dma_start3A_206 : memref<125x64xbf16, #tpu.memory_space<vmem>>) target(%dma_start3A_212 : memref<10240x64xbf16, #tpu.memory_space<vmem_shared>>) offsets(%dma_start3A_209 : memref<125xi32, #tpu.memory_space<vmem>>) semaphore(%run_scoped3A_202 : memref<!tpu.dma_semaphore, #tpu.memory_space<semaphore_mem>>) {add = true}
          %dma_wait3A_213 = arith.constant 0 : i32
          %dma_wait3A_214 = arith.constant 0 : i32
          %dma_wait3A_215 = tpu.memref_slice %arg8[%run_scoped3A, %dma_wait3A_213, %dma_wait3A_214] : memref<8x125x64xbf16, #tpu.memory_space<vmem>> -> memref<1x125x64xbf16, #tpu.memory_space<vmem>>
          %dma_wait3A_216 = tpu.memref_squeeze %dma_wait3A_215 : memref<1x125x64xbf16, #tpu.memory_space<vmem>> -> memref<125x64xbf16, #tpu.memory_space<vmem>>
          %dma_wait3A_217 = arith.constant 0 : i32
          %dma_wait3A_218 = tpu.memref_slice %arg7[%add3A_142, %dma_wait3A_217] : memref<80x125xi32, #tpu.memory_space<vmem>> -> memref<1x125xi32, #tpu.memory_space<vmem>>
          %dma_wait3A_219 = tpu.memref_squeeze %dma_wait3A_218 : memref<1x125xi32, #tpu.memory_space<vmem>> -> memref<125xi32, #tpu.memory_space<vmem>>
          %dma_wait3A_220 = arith.constant 0 : i32
          %dma_wait3A_221 = arith.constant 0 : i32
          %dma_wait3A_222 = tpu.memref_slice %arg17[%dma_wait3A_220, %dma_wait3A_221] : memref<10240x64xbf16, #tpu.memory_space<vmem_shared>> -> memref<10240x64xbf16, #tpu.memory_space<vmem_shared>>
          tpu.wait_indirect_dma semaphore(%run_scoped3A_202 : memref<!tpu.dma_semaphore, #tpu.memory_space<semaphore_mem>>) src(%dma_wait3A_216 : memref<125x64xbf16, #tpu.memory_space<vmem>>) dst(%dma_wait3A_222 : memref<10240x64xbf16, #tpu.memory_space<vmem_shared>>)
          tpu.yield
        }) : () -> ()
        %mul3A_154 = arith.constant 4 : i32
        %mul3A_155 = arith.muli %scan3A_94, %mul3A_154 : i32
        %add3A_156 = arith.constant 1 : i32
        %add3A_157 = arith.addi %mul3A_155, %add3A_156 : i32
        %dma_wait3A_158 = arith.constant 5 : i32
        %dma_wait3A_159 = arith.constant 0 : i32
        %dma_wait3A_160 = arith.constant 0 : i32
        %dma_wait3A_161 = tpu.memref_slice %arg8[%dma_wait3A_158, %dma_wait3A_159, %dma_wait3A_160] : memref<8x125x64xbf16, #tpu.memory_space<vmem>> -> memref<1x125x64xbf16, #tpu.memory_space<vmem>>
        %dma_wait3A_162 = tpu.memref_squeeze %dma_wait3A_161 : memref<1x125x64xbf16, #tpu.memory_space<vmem>> -> memref<125x64xbf16, #tpu.memory_space<vmem>>
        %dma_wait3A_163 = arith.constant 0 : i32
        %dma_wait3A_164 = tpu.memref_slice %arg6[%add3A_157, %dma_wait3A_163] : memref<80x125xi32, #tpu.memory_space<vmem>> -> memref<1x125xi32, #tpu.memory_space<vmem>>
        %dma_wait3A_165 = tpu.memref_squeeze %dma_wait3A_164 : memref<1x125xi32, #tpu.memory_space<vmem>> -> memref<125xi32, #tpu.memory_space<vmem>>
        %dma_wait3A_166 = arith.constant 0 : i32
        %dma_wait3A_167 = arith.constant 0 : i32
        %dma_wait3A_168 = tpu.memref_slice %arg18[%dma_wait3A_166, %dma_wait3A_167] : memref<10240x64xbf16, #tpu.memory_space<vmem_shared>> -> memref<10240x64xbf16, #tpu.memory_space<vmem_shared>>
        tpu.wait_indirect_dma semaphore(%arg14 : memref<!tpu.dma_semaphore, #tpu.memory_space<semaphore_mem>>) src(%dma_wait3A_168 : memref<10240x64xbf16, #tpu.memory_space<vmem_shared>>) dst(%dma_wait3A_162 : memref<125x64xbf16, #tpu.memory_space<vmem>>)
        %run_scoped3A_169 = arith.constant 5 : i32
        "tpu.region"() ({
          %run_scoped3A_202 = tpu.sem_alloc : memref<!tpu.dma_semaphore, #tpu.memory_space<semaphore_mem>>
          %dma_start3A_203 = arith.constant 0 : i32
          %dma_start3A_204 = arith.constant 0 : i32
          %dma_start3A_205 = tpu.memref_slice %arg8[%run_scoped3A_169, %dma_start3A_203, %dma_start3A_204] : memref<8x125x64xbf16, #tpu.memory_space<vmem>> -> memref<1x125x64xbf16, #tpu.memory_space<vmem>>
          %dma_start3A_206 = tpu.memref_squeeze %dma_start3A_205 : memref<1x125x64xbf16, #tpu.memory_space<vmem>> -> memref<125x64xbf16, #tpu.memory_space<vmem>>
          %dma_start3A_207 = arith.constant 0 : i32
          %dma_start3A_208 = tpu.memref_slice %arg7[%add3A_157, %dma_start3A_207] : memref<80x125xi32, #tpu.memory_space<vmem>> -> memref<1x125xi32, #tpu.memory_space<vmem>>
          %dma_start3A_209 = tpu.memref_squeeze %dma_start3A_208 : memref<1x125xi32, #tpu.memory_space<vmem>> -> memref<125xi32, #tpu.memory_space<vmem>>
          %dma_start3A_210 = arith.constant 0 : i32
          %dma_start3A_211 = arith.constant 0 : i32
          %dma_start3A_212 = tpu.memref_slice %arg17[%dma_start3A_210, %dma_start3A_211] : memref<10240x64xbf16, #tpu.memory_space<vmem_shared>> -> memref<10240x64xbf16, #tpu.memory_space<vmem_shared>>
          tpu.enqueue_indirect_dma source(%dma_start3A_206 : memref<125x64xbf16, #tpu.memory_space<vmem>>) target(%dma_start3A_212 : memref<10240x64xbf16, #tpu.memory_space<vmem_shared>>) offsets(%dma_start3A_209 : memref<125xi32, #tpu.memory_space<vmem>>) semaphore(%run_scoped3A_202 : memref<!tpu.dma_semaphore, #tpu.memory_space<semaphore_mem>>) {add = true}
          %dma_wait3A_213 = arith.constant 0 : i32
          %dma_wait3A_214 = arith.constant 0 : i32
          %dma_wait3A_215 = tpu.memref_slice %arg8[%run_scoped3A_169, %dma_wait3A_213, %dma_wait3A_214] : memref<8x125x64xbf16, #tpu.memory_space<vmem>> -> memref<1x125x64xbf16, #tpu.memory_space<vmem>>
          %dma_wait3A_216 = tpu.memref_squeeze %dma_wait3A_215 : memref<1x125x64xbf16, #tpu.memory_space<vmem>> -> memref<125x64xbf16, #tpu.memory_space<vmem>>
          %dma_wait3A_217 = arith.constant 0 : i32
          %dma_wait3A_218 = tpu.memref_slice %arg7[%add3A_157, %dma_wait3A_217] : memref<80x125xi32, #tpu.memory_space<vmem>> -> memref<1x125xi32, #tpu.memory_space<vmem>>
          %dma_wait3A_219 = tpu.memref_squeeze %dma_wait3A_218 : memref<1x125xi32, #tpu.memory_space<vmem>> -> memref<125xi32, #tpu.memory_space<vmem>>
          %dma_wait3A_220 = arith.constant 0 : i32
          %dma_wait3A_221 = arith.constant 0 : i32
          %dma_wait3A_222 = tpu.memref_slice %arg17[%dma_wait3A_220, %dma_wait3A_221] : memref<10240x64xbf16, #tpu.memory_space<vmem_shared>> -> memref<10240x64xbf16, #tpu.memory_space<vmem_shared>>
          tpu.wait_indirect_dma semaphore(%run_scoped3A_202 : memref<!tpu.dma_semaphore, #tpu.memory_space<semaphore_mem>>) src(%dma_wait3A_216 : memref<125x64xbf16, #tpu.memory_space<vmem>>) dst(%dma_wait3A_222 : memref<10240x64xbf16, #tpu.memory_space<vmem_shared>>)
          tpu.yield
        }) : () -> ()
        %mul3A_170 = arith.constant 4 : i32
        %mul3A_171 = arith.muli %scan3A_94, %mul3A_170 : i32
        %add3A_172 = arith.constant 2 : i32
        %add3A_173 = arith.addi %mul3A_171, %add3A_172 : i32
        %dma_wait3A_174 = arith.constant 6 : i32
        %dma_wait3A_175 = arith.constant 0 : i32
        %dma_wait3A_176 = arith.constant 0 : i32
        %dma_wait3A_177 = tpu.memref_slice %arg8[%dma_wait3A_174, %dma_wait3A_175, %dma_wait3A_176] : memref<8x125x64xbf16, #tpu.memory_space<vmem>> -> memref<1x125x64xbf16, #tpu.memory_space<vmem>>
        %dma_wait3A_178 = tpu.memref_squeeze %dma_wait3A_177 : memref<1x125x64xbf16, #tpu.memory_space<vmem>> -> memref<125x64xbf16, #tpu.memory_space<vmem>>
        %dma_wait3A_179 = arith.constant 0 : i32
        %dma_wait3A_180 = tpu.memref_slice %arg6[%add3A_173, %dma_wait3A_179] : memref<80x125xi32, #tpu.memory_space<vmem>> -> memref<1x125xi32, #tpu.memory_space<vmem>>
        %dma_wait3A_181 = tpu.memref_squeeze %dma_wait3A_180 : memref<1x125xi32, #tpu.memory_space<vmem>> -> memref<125xi32, #tpu.memory_space<vmem>>
        %dma_wait3A_182 = arith.constant 0 : i32
        %dma_wait3A_183 = arith.constant 0 : i32
        %dma_wait3A_184 = tpu.memref_slice %arg18[%dma_wait3A_182, %dma_wait3A_183] : memref<10240x64xbf16, #tpu.memory_space<vmem_shared>> -> memref<10240x64xbf16, #tpu.memory_space<vmem_shared>>
        tpu.wait_indirect_dma semaphore(%arg15 : memref<!tpu.dma_semaphore, #tpu.memory_space<semaphore_mem>>) src(%dma_wait3A_184 : memref<10240x64xbf16, #tpu.memory_space<vmem_shared>>) dst(%dma_wait3A_178 : memref<125x64xbf16, #tpu.memory_space<vmem>>)
        %run_scoped3A_185 = arith.constant 6 : i32
        "tpu.region"() ({
          %run_scoped3A_202 = tpu.sem_alloc : memref<!tpu.dma_semaphore, #tpu.memory_space<semaphore_mem>>
          %dma_start3A_203 = arith.constant 0 : i32
          %dma_start3A_204 = arith.constant 0 : i32
          %dma_start3A_205 = tpu.memref_slice %arg8[%run_scoped3A_185, %dma_start3A_203, %dma_start3A_204] : memref<8x125x64xbf16, #tpu.memory_space<vmem>> -> memref<1x125x64xbf16, #tpu.memory_space<vmem>>
          %dma_start3A_206 = tpu.memref_squeeze %dma_start3A_205 : memref<1x125x64xbf16, #tpu.memory_space<vmem>> -> memref<125x64xbf16, #tpu.memory_space<vmem>>
          %dma_start3A_207 = arith.constant 0 : i32
          %dma_start3A_208 = tpu.memref_slice %arg7[%add3A_173, %dma_start3A_207] : memref<80x125xi32, #tpu.memory_space<vmem>> -> memref<1x125xi32, #tpu.memory_space<vmem>>
          %dma_start3A_209 = tpu.memref_squeeze %dma_start3A_208 : memref<1x125xi32, #tpu.memory_space<vmem>> -> memref<125xi32, #tpu.memory_space<vmem>>
          %dma_start3A_210 = arith.constant 0 : i32
          %dma_start3A_211 = arith.constant 0 : i32
          %dma_start3A_212 = tpu.memref_slice %arg17[%dma_start3A_210, %dma_start3A_211] : memref<10240x64xbf16, #tpu.memory_space<vmem_shared>> -> memref<10240x64xbf16, #tpu.memory_space<vmem_shared>>
          tpu.enqueue_indirect_dma source(%dma_start3A_206 : memref<125x64xbf16, #tpu.memory_space<vmem>>) target(%dma_start3A_212 : memref<10240x64xbf16, #tpu.memory_space<vmem_shared>>) offsets(%dma_start3A_209 : memref<125xi32, #tpu.memory_space<vmem>>) semaphore(%run_scoped3A_202 : memref<!tpu.dma_semaphore, #tpu.memory_space<semaphore_mem>>) {add = true}
          %dma_wait3A_213 = arith.constant 0 : i32
          %dma_wait3A_214 = arith.constant 0 : i32
          %dma_wait3A_215 = tpu.memref_slice %arg8[%run_scoped3A_185, %dma_wait3A_213, %dma_wait3A_214] : memref<8x125x64xbf16, #tpu.memory_space<vmem>> -> memref<1x125x64xbf16, #tpu.memory_space<vmem>>
          %dma_wait3A_216 = tpu.memref_squeeze %dma_wait3A_215 : memref<1x125x64xbf16, #tpu.memory_space<vmem>> -> memref<125x64xbf16, #tpu.memory_space<vmem>>
          %dma_wait3A_217 = arith.constant 0 : i32
          %dma_wait3A_218 = tpu.memref_slice %arg7[%add3A_173, %dma_wait3A_217] : memref<80x125xi32, #tpu.memory_space<vmem>> -> memref<1x125xi32, #tpu.memory_space<vmem>>
          %dma_wait3A_219 = tpu.memref_squeeze %dma_wait3A_218 : memref<1x125xi32, #tpu.memory_space<vmem>> -> memref<125xi32, #tpu.memory_space<vmem>>
          %dma_wait3A_220 = arith.constant 0 : i32
          %dma_wait3A_221 = arith.constant 0 : i32
          %dma_wait3A_222 = tpu.memref_slice %arg17[%dma_wait3A_220, %dma_wait3A_221] : memref<10240x64xbf16, #tpu.memory_space<vmem_shared>> -> memref<10240x64xbf16, #tpu.memory_space<vmem_shared>>
          tpu.wait_indirect_dma semaphore(%run_scoped3A_202 : memref<!tpu.dma_semaphore, #tpu.memory_space<semaphore_mem>>) src(%dma_wait3A_216 : memref<125x64xbf16, #tpu.memory_space<vmem>>) dst(%dma_wait3A_222 : memref<10240x64xbf16, #tpu.memory_space<vmem_shared>>)
          tpu.yield
        }) : () -> ()
        %mul3A_186 = arith.constant 4 : i32
        %mul3A_187 = arith.muli %scan3A_94, %mul3A_186 : i32
        %add3A_188 = arith.constant 3 : i32
        %add3A_189 = arith.addi %mul3A_187, %add3A_188 : i32
        %dma_wait3A_190 = arith.constant 7 : i32
        %dma_wait3A_191 = arith.constant 0 : i32
        %dma_wait3A_192 = arith.constant 0 : i32
        %dma_wait3A_193 = tpu.memref_slice %arg8[%dma_wait3A_190, %dma_wait3A_191, %dma_wait3A_192] : memref<8x125x64xbf16, #tpu.memory_space<vmem>> -> memref<1x125x64xbf16, #tpu.memory_space<vmem>>
        %dma_wait3A_194 = tpu.memref_squeeze %dma_wait3A_193 : memref<1x125x64xbf16, #tpu.memory_space<vmem>> -> memref<125x64xbf16, #tpu.memory_space<vmem>>
        %dma_wait3A_195 = arith.constant 0 : i32
        %dma_wait3A_196 = tpu.memref_slice %arg6[%add3A_189, %dma_wait3A_195] : memref<80x125xi32, #tpu.memory_space<vmem>> -> memref<1x125xi32, #tpu.memory_space<vmem>>
        %dma_wait3A_197 = tpu.memref_squeeze %dma_wait3A_196 : memref<1x125xi32, #tpu.memory_space<vmem>> -> memref<125xi32, #tpu.memory_space<vmem>>
        %dma_wait3A_198 = arith.constant 0 : i32
        %dma_wait3A_199 = arith.constant 0 : i32
        %dma_wait3A_200 = tpu.memref_slice %arg18[%dma_wait3A_198, %dma_wait3A_199] : memref<10240x64xbf16, #tpu.memory_space<vmem_shared>> -> memref<10240x64xbf16, #tpu.memory_space<vmem_shared>>
        tpu.wait_indirect_dma semaphore(%arg16 : memref<!tpu.dma_semaphore, #tpu.memory_space<semaphore_mem>>) src(%dma_wait3A_200 : memref<10240x64xbf16, #tpu.memory_space<vmem_shared>>) dst(%dma_wait3A_194 : memref<125x64xbf16, #tpu.memory_space<vmem>>)
        %run_scoped3A_201 = arith.constant 7 : i32
        "tpu.region"() ({
          %run_scoped3A_202 = tpu.sem_alloc : memref<!tpu.dma_semaphore, #tpu.memory_space<semaphore_mem>>
          %dma_start3A_203 = arith.constant 0 : i32
          %dma_start3A_204 = arith.constant 0 : i32
          %dma_start3A_205 = tpu.memref_slice %arg8[%run_scoped3A_201, %dma_start3A_203, %dma_start3A_204] : memref<8x125x64xbf16, #tpu.memory_space<vmem>> -> memref<1x125x64xbf16, #tpu.memory_space<vmem>>
          %dma_start3A_206 = tpu.memref_squeeze %dma_start3A_205 : memref<1x125x64xbf16, #tpu.memory_space<vmem>> -> memref<125x64xbf16, #tpu.memory_space<vmem>>
          %dma_start3A_207 = arith.constant 0 : i32
          %dma_start3A_208 = tpu.memref_slice %arg7[%add3A_189, %dma_start3A_207] : memref<80x125xi32, #tpu.memory_space<vmem>> -> memref<1x125xi32, #tpu.memory_space<vmem>>
          %dma_start3A_209 = tpu.memref_squeeze %dma_start3A_208 : memref<1x125xi32, #tpu.memory_space<vmem>> -> memref<125xi32, #tpu.memory_space<vmem>>
          %dma_start3A_210 = arith.constant 0 : i32
          %dma_start3A_211 = arith.constant 0 : i32
          %dma_start3A_212 = tpu.memref_slice %arg17[%dma_start3A_210, %dma_start3A_211] : memref<10240x64xbf16, #tpu.memory_space<vmem_shared>> -> memref<10240x64xbf16, #tpu.memory_space<vmem_shared>>
          tpu.enqueue_indirect_dma source(%dma_start3A_206 : memref<125x64xbf16, #tpu.memory_space<vmem>>) target(%dma_start3A_212 : memref<10240x64xbf16, #tpu.memory_space<vmem_shared>>) offsets(%dma_start3A_209 : memref<125xi32, #tpu.memory_space<vmem>>) semaphore(%run_scoped3A_202 : memref<!tpu.dma_semaphore, #tpu.memory_space<semaphore_mem>>) {add = true}
          %dma_wait3A_213 = arith.constant 0 : i32
          %dma_wait3A_214 = arith.constant 0 : i32
          %dma_wait3A_215 = tpu.memref_slice %arg8[%run_scoped3A_201, %dma_wait3A_213, %dma_wait3A_214] : memref<8x125x64xbf16, #tpu.memory_space<vmem>> -> memref<1x125x64xbf16, #tpu.memory_space<vmem>>
          %dma_wait3A_216 = tpu.memref_squeeze %dma_wait3A_215 : memref<1x125x64xbf16, #tpu.memory_space<vmem>> -> memref<125x64xbf16, #tpu.memory_space<vmem>>
          %dma_wait3A_217 = arith.constant 0 : i32
          %dma_wait3A_218 = tpu.memref_slice %arg7[%add3A_189, %dma_wait3A_217] : memref<80x125xi32, #tpu.memory_space<vmem>> -> memref<1x125xi32, #tpu.memory_space<vmem>>
          %dma_wait3A_219 = tpu.memref_squeeze %dma_wait3A_218 : memref<1x125xi32, #tpu.memory_space<vmem>> -> memref<125xi32, #tpu.memory_space<vmem>>
          %dma_wait3A_220 = arith.constant 0 : i32
          %dma_wait3A_221 = arith.constant 0 : i32
          %dma_wait3A_222 = tpu.memref_slice %arg17[%dma_wait3A_220, %dma_wait3A_221] : memref<10240x64xbf16, #tpu.memory_space<vmem_shared>> -> memref<10240x64xbf16, #tpu.memory_space<vmem_shared>>
          tpu.wait_indirect_dma semaphore(%run_scoped3A_202 : memref<!tpu.dma_semaphore, #tpu.memory_space<semaphore_mem>>) src(%dma_wait3A_216 : memref<125x64xbf16, #tpu.memory_space<vmem>>) dst(%dma_wait3A_222 : memref<10240x64xbf16, #tpu.memory_space<vmem_shared>>)
          tpu.yield
        }) : () -> ()
      } else {
      }
    }
    %scan3A_89 = arith.constant 20 : i32
    %barrier3A_90 = arith.constant 0 : index
    tpu.barrier barrier_id(%barrier3A_90)
    %mul3A_91 = arith.constant 10240 : i32
    %mul3A_92 = arith.muli %arg0, %mul3A_91 : i32
    %add3A_93 = arith.addi %mul3A_92, %mul3A_2 : i32
    "tpu.region"() ({
      %run_scoped3A = tpu.sem_alloc : memref<!tpu.dma_semaphore, #tpu.memory_space<semaphore_mem>>
      %dma_start3A_94 = arith.constant 0 : i32
      %dma_start3A_95 = tpu.memref_slice %arg5[%add3A_93, %dma_start3A_94] : memref<20480x64xbf16, #tpu.memory_space<hbm>> -> memref<640x64xbf16, #tpu.memory_space<hbm>>
      %dma_start3A_96 = arith.constant 0 : i32
      %dma_start3A_97 = tpu.memref_slice %arg17[%mul3A_2, %dma_start3A_96] : memref<10240x64xbf16, #tpu.memory_space<vmem_shared>> -> memref<640x64xbf16, #tpu.memory_space<vmem_shared>>
      tpu.enqueue_dma source(%dma_start3A_97 : memref<640x64xbf16, #tpu.memory_space<vmem_shared>>) target(%dma_start3A_95 : memref<640x64xbf16, #tpu.memory_space<hbm>>) target_semaphore(%run_scoped3A : memref<!tpu.dma_semaphore, #tpu.memory_space<semaphore_mem>>)
      %dma_wait3A_98 = arith.constant 0 : i32
      %dma_wait3A_99 = tpu.memref_slice %arg5[%add3A_93, %dma_wait3A_98] : memref<20480x64xbf16, #tpu.memory_space<hbm>> -> memref<640x64xbf16, #tpu.memory_space<hbm>>
      %dma_wait3A_100 = arith.constant 0 : i32
      %dma_wait3A_101 = tpu.memref_slice %arg17[%mul3A_2, %dma_wait3A_100] : memref<10240x64xbf16, #tpu.memory_space<vmem_shared>> -> memref<640x64xbf16, #tpu.memory_space<vmem_shared>>
      tpu.wait_dma2 semaphore(%run_scoped3A : memref<!tpu.dma_semaphore, #tpu.memory_space<semaphore_mem>>) src(%dma_wait3A_101 : memref<640x64xbf16, #tpu.memory_space<vmem_shared>>) dst(%dma_wait3A_99 : memref<640x64xbf16, #tpu.memory_space<hbm>>)
      tpu.yield
    }) : () -> ()
    return
  }
}

#map = affine_map<(d0, d1) -> (0, 0)>
#map1 = affine_map<(d0, d1) -> (0, 0, 0, 0)>
module attributes {stable_mosaic.version = 14 : i64} {
  func.func @body(%arg0: i32, %arg1: i32, %arg2: memref<10240x64xbf16, #tpu.memory_space<hbm>>, %arg3: memref<10240x64xbf16, #tpu.memory_space<hbm>>, %arg4: memref<2x32x80x125xi32, #tpu.memory_space<hbm>>, %arg5: memref<20480x64xbf16, #tpu.memory_space<hbm>>, %arg6: memref<80x125xi32, #tpu.memory_space<vmem>>, %arg7: memref<80x125xi32, #tpu.memory_space<vmem>>, %arg8: memref<8x125x64xbf16, #tpu.memory_space<vmem>>, %arg9: memref<!tpu.dma_semaphore, #tpu.memory_space<semaphore_mem>>, %arg10: memref<!tpu.dma_semaphore, #tpu.memory_space<semaphore_mem>>, %arg11: memref<!tpu.dma_semaphore, #tpu.memory_space<semaphore_mem>>, %arg12: memref<!tpu.dma_semaphore, #tpu.memory_space<semaphore_mem>>, %arg13: memref<!tpu.dma_semaphore, #tpu.memory_space<semaphore_mem>>, %arg14: memref<!tpu.dma_semaphore, #tpu.memory_space<semaphore_mem>>, %arg15: memref<!tpu.dma_semaphore, #tpu.memory_space<semaphore_mem>>, %arg16: memref<!tpu.dma_semaphore, #tpu.memory_space<semaphore_mem>>, %arg17: memref<10240x64xbf16, #tpu.memory_space<vmem_shared>>, %arg18: memref<10240x64xbf16, #tpu.memory_space<vmem_shared>>) attributes {dimension_semantics = [#tpu.dimension_semantics<core_parallel>, #tpu.dimension_semantics<subcore_parallel>], iteration_bounds = array<i64: 2, 16>, scalar_prefetch = 0 : i64, scratch_operands = 13 : i64, tpu.core_type = #tpu.core_type<sc_vector_subcore>, window_params = [{transform_indices = #map}, {transform_indices = #map}, {transform_indices = #map1}, {transform_indices = #map}]} {
    %mul3A = arith.constant 16 : i32
    %mul3A_0 = arith.muli %arg0, %mul3A : i32
    %add3A = arith.addi %mul3A_0, %arg1 : i32
    %mul3A_1 = arith.constant 640 : i32
    %mul3A_2 = arith.muli %arg1, %mul3A_1 : i32
    %dma_start3A = arith.constant 0 : i32
    %dma_start3A_3 = arith.constant 0 : i32
    %dma_start3A_4 = arith.constant 0 : i32
    %dma_start3A_5 = tpu.memref_slice %arg4[%dma_start3A, %add3A, %dma_start3A_3, %dma_start3A_4] : memref<2x32x80x125xi32, #tpu.memory_space<hbm>> -> memref<1x1x80x125xi32, #tpu.memory_space<hbm>>
    %dma_start3A_6 = tpu.memref_squeeze %dma_start3A_5 : memref<1x1x80x125xi32, #tpu.memory_space<hbm>> -> memref<80x125xi32, #tpu.memory_space<hbm>>
    %dma_start3A_7 = arith.constant 0 : i32
    %dma_start3A_8 = arith.constant 0 : i32
    %dma_start3A_9 = tpu.memref_slice %arg4[%dma_start3A, %add3A, %dma_start3A_7, %dma_start3A_8] : memref<2x32x80x125xi32, #tpu.memory_space<hbm>> -> memref<1x1x80x125xi32, #tpu.memory_space<hbm>>
    %dma_start3A_10 = tpu.memref_squeeze %dma_start3A_9 : memref<1x1x80x125xi32, #tpu.memory_space<hbm>> -> memref<80x125xi32, #tpu.memory_space<hbm>>
    tpu.enqueue_dma source(%dma_start3A_10 : memref<80x125xi32, #tpu.memory_space<hbm>>) target(%arg6 : memref<80x125xi32, #tpu.memory_space<vmem>>) target_semaphore(%arg13 : memref<!tpu.dma_semaphore, #tpu.memory_space<semaphore_mem>>)
    %dma_start3A_11 = arith.constant 1 : i32
    %dma_start3A_12 = arith.constant 0 : i32
    %dma_start3A_13 = arith.constant 0 : i32
    %dma_start3A_14 = tpu.memref_slice %arg4[%dma_start3A_11, %add3A, %dma_start3A_12, %dma_start3A_13] : memref<2x32x80x125xi32, #tpu.memory_space<hbm>> -> memref<1x1x80x125xi32, #tpu.memory_space<hbm>>
    %dma_start3A_15 = tpu.memref_squeeze %dma_start3A_14 : memref<1x1x80x125xi32, #tpu.memory_space<hbm>> -> memref<80x125xi32, #tpu.memory_space<hbm>>
    %dma_start3A_16 = arith.constant 0 : i32
    %dma_start3A_17 = arith.constant 0 : i32
    %dma_start3A_18 = tpu.memref_slice %arg4[%dma_start3A_11, %add3A, %dma_start3A_16, %dma_start3A_17] : memref<2x32x80x125xi32, #tpu.memory_space<hbm>> -> memref<1x1x80x125xi32, #tpu.memory_space<hbm>>
    %dma_start3A_19 = tpu.memref_squeeze %dma_start3A_18 : memref<1x1x80x125xi32, #tpu.memory_space<hbm>> -> memref<80x125xi32, #tpu.memory_space<hbm>>
    tpu.enqueue_dma source(%dma_start3A_19 : memref<80x125xi32, #tpu.memory_space<hbm>>) target(%arg7 : memref<80x125xi32, #tpu.memory_space<vmem>>) target_semaphore(%arg14 : memref<!tpu.dma_semaphore, #tpu.memory_space<semaphore_mem>>)
    "tpu.region"() ({
      %run_scoped3A = tpu.sem_alloc : memref<!tpu.dma_semaphore, #tpu.memory_space<semaphore_mem>>
      %dma_start3A_94 = arith.constant 0 : i32
      %dma_start3A_95 = tpu.memref_slice %arg17[%mul3A_2, %dma_start3A_94] : memref<10240x64xbf16, #tpu.memory_space<vmem_shared>> -> memref<640x64xbf16, #tpu.memory_space<vmem_shared>>
      %dma_start3A_96 = arith.constant 0 : i32
      %dma_start3A_97 = tpu.memref_slice %arg3[%mul3A_2, %dma_start3A_96] : memref<10240x64xbf16, #tpu.memory_space<hbm>> -> memref<640x64xbf16, #tpu.memory_space<hbm>>
      tpu.enqueue_dma source(%dma_start3A_97 : memref<640x64xbf16, #tpu.memory_space<hbm>>) target(%dma_start3A_95 : memref<640x64xbf16, #tpu.memory_space<vmem_shared>>) target_semaphore(%run_scoped3A : memref<!tpu.dma_semaphore, #tpu.memory_space<semaphore_mem>>)
      %dma_wait3A_98 = arith.constant 0 : i32
      %dma_wait3A_99 = tpu.memref_slice %arg17[%mul3A_2, %dma_wait3A_98] : memref<10240x64xbf16, #tpu.memory_space<vmem_shared>> -> memref<640x64xbf16, #tpu.memory_space<vmem_shared>>
      %dma_wait3A_100 = arith.constant 0 : i32
      %dma_wait3A_101 = tpu.memref_slice %arg3[%mul3A_2, %dma_wait3A_100] : memref<10240x64xbf16, #tpu.memory_space<hbm>> -> memref<640x64xbf16, #tpu.memory_space<hbm>>
      tpu.wait_dma2 semaphore(%run_scoped3A : memref<!tpu.dma_semaphore, #tpu.memory_space<semaphore_mem>>) src(%dma_wait3A_101 : memref<640x64xbf16, #tpu.memory_space<hbm>>) dst(%dma_wait3A_99 : memref<640x64xbf16, #tpu.memory_space<vmem_shared>>)
      tpu.yield
    }) : () -> ()
    "tpu.region"() ({
      %run_scoped3A = tpu.sem_alloc : memref<!tpu.dma_semaphore, #tpu.memory_space<semaphore_mem>>
      %dma_start3A_94 = arith.constant 0 : i32
      %dma_start3A_95 = tpu.memref_slice %arg18[%mul3A_2, %dma_start3A_94] : memref<10240x64xbf16, #tpu.memory_space<vmem_shared>> -> memref<640x64xbf16, #tpu.memory_space<vmem_shared>>
      %dma_start3A_96 = arith.constant 0 : i32
      %dma_start3A_97 = tpu.memref_slice %arg2[%mul3A_2, %dma_start3A_96] : memref<10240x64xbf16, #tpu.memory_space<hbm>> -> memref<640x64xbf16, #tpu.memory_space<hbm>>
      tpu.enqueue_dma source(%dma_start3A_97 : memref<640x64xbf16, #tpu.memory_space<hbm>>) target(%dma_start3A_95 : memref<640x64xbf16, #tpu.memory_space<vmem_shared>>) target_semaphore(%run_scoped3A : memref<!tpu.dma_semaphore, #tpu.memory_space<semaphore_mem>>)
      %dma_wait3A_98 = arith.constant 0 : i32
      %dma_wait3A_99 = tpu.memref_slice %arg18[%mul3A_2, %dma_wait3A_98] : memref<10240x64xbf16, #tpu.memory_space<vmem_shared>> -> memref<640x64xbf16, #tpu.memory_space<vmem_shared>>
      %dma_wait3A_100 = arith.constant 0 : i32
      %dma_wait3A_101 = tpu.memref_slice %arg2[%mul3A_2, %dma_wait3A_100] : memref<10240x64xbf16, #tpu.memory_space<hbm>> -> memref<640x64xbf16, #tpu.memory_space<hbm>>
      tpu.wait_dma2 semaphore(%run_scoped3A : memref<!tpu.dma_semaphore, #tpu.memory_space<semaphore_mem>>) src(%dma_wait3A_101 : memref<640x64xbf16, #tpu.memory_space<hbm>>) dst(%dma_wait3A_99 : memref<640x64xbf16, #tpu.memory_space<vmem_shared>>)
      tpu.yield
    }) : () -> ()
    %dma_wait3A = arith.constant 0 : i32
    %dma_wait3A_20 = arith.constant 0 : i32
    %dma_wait3A_21 = arith.constant 0 : i32
    %dma_wait3A_22 = tpu.memref_slice %arg4[%dma_wait3A, %add3A, %dma_wait3A_20, %dma_wait3A_21] : memref<2x32x80x125xi32, #tpu.memory_space<hbm>> -> memref<1x1x80x125xi32, #tpu.memory_space<hbm>>
    %dma_wait3A_23 = tpu.memref_squeeze %dma_wait3A_22 : memref<1x1x80x125xi32, #tpu.memory_space<hbm>> -> memref<80x125xi32, #tpu.memory_space<hbm>>
    %dma_wait3A_24 = arith.constant 0 : i32
    %dma_wait3A_25 = arith.constant 0 : i32
    %dma_wait3A_26 = tpu.memref_slice %arg4[%dma_wait3A, %add3A, %dma_wait3A_24, %dma_wait3A_25] : memref<2x32x80x125xi32, #tpu.memory_space<hbm>> -> memref<1x1x80x125xi32, #tpu.memory_space<hbm>>
    %dma_wait3A_27 = tpu.memref_squeeze %dma_wait3A_26 : memref<1x1x80x125xi32, #tpu.memory_space<hbm>> -> memref<80x125xi32, #tpu.memory_space<hbm>>
    tpu.wait_dma2 semaphore(%arg13 : memref<!tpu.dma_semaphore, #tpu.memory_space<semaphore_mem>>) src(%dma_wait3A_27 : memref<80x125xi32, #tpu.memory_space<hbm>>) dst(%arg6 : memref<80x125xi32, #tpu.memory_space<vmem>>)
    %dma_wait3A_28 = arith.constant 1 : i32
    %dma_wait3A_29 = arith.constant 0 : i32
    %dma_wait3A_30 = arith.constant 0 : i32
    %dma_wait3A_31 = tpu.memref_slice %arg4[%dma_wait3A_28, %add3A, %dma_wait3A_29, %dma_wait3A_30] : memref<2x32x80x125xi32, #tpu.memory_space<hbm>> -> memref<1x1x80x125xi32, #tpu.memory_space<hbm>>
    %dma_wait3A_32 = tpu.memref_squeeze %dma_wait3A_31 : memref<1x1x80x125xi32, #tpu.memory_space<hbm>> -> memref<80x125xi32, #tpu.memory_space<hbm>>
    %dma_wait3A_33 = arith.constant 0 : i32
    %dma_wait3A_34 = arith.constant 0 : i32
    %dma_wait3A_35 = tpu.memref_slice %arg4[%dma_wait3A_28, %add3A, %dma_wait3A_33, %dma_wait3A_34] : memref<2x32x80x125xi32, #tpu.memory_space<hbm>> -> memref<1x1x80x125xi32, #tpu.memory_space<hbm>>
    %dma_wait3A_36 = tpu.memref_squeeze %dma_wait3A_35 : memref<1x1x80x125xi32, #tpu.memory_space<hbm>> -> memref<80x125xi32, #tpu.memory_space<hbm>>
    tpu.wait_dma2 semaphore(%arg14 : memref<!tpu.dma_semaphore, #tpu.memory_space<semaphore_mem>>) src(%dma_wait3A_36 : memref<80x125xi32, #tpu.memory_space<hbm>>) dst(%arg7 : memref<80x125xi32, #tpu.memory_space<vmem>>)
    %barrier3A = arith.constant 0 : index
    tpu.barrier barrier_id(%barrier3A)
    %dma_start3A_37 = arith.constant 0 : i32
    %dma_start3A_38 = arith.constant 0 : i32
    %dma_start3A_39 = arith.constant 0 : i32
    %dma_start3A_40 = arith.constant 0 : i32
    %dma_start3A_41 = tpu.memref_slice %arg8[%dma_start3A_38, %dma_start3A_39, %dma_start3A_40] : memref<8x125x64xbf16, #tpu.memory_space<vmem>> -> memref<1x125x64xbf16, #tpu.memory_space<vmem>>
    %dma_start3A_42 = tpu.memref_squeeze %dma_start3A_41 : memref<1x125x64xbf16, #tpu.memory_space<vmem>> -> memref<125x64xbf16, #tpu.memory_space<vmem>>
    %dma_start3A_43 = arith.constant 0 : i32
    %dma_start3A_44 = tpu.memref_slice %arg6[%dma_start3A_37, %dma_start3A_43] : memref<80x125xi32, #tpu.memory_space<vmem>> -> memref<1x125xi32, #tpu.memory_space<vmem>>
    %dma_start3A_45 = tpu.memref_squeeze %dma_start3A_44 : memref<1x125xi32, #tpu.memory_space<vmem>> -> memref<125xi32, #tpu.memory_space<vmem>>
    %dma_start3A_46 = arith.constant 0 : i32
    %dma_start3A_47 = arith.constant 0 : i32
    %dma_start3A_48 = tpu.memref_slice %arg18[%dma_start3A_46, %dma_start3A_47] : memref<10240x64xbf16, #tpu.memory_space<vmem_shared>> -> memref<10240x64xbf16, #tpu.memory_space<vmem_shared>>
    tpu.enqueue_indirect_dma source(%dma_start3A_48 : memref<10240x64xbf16, #tpu.memory_space<vmem_shared>>) target(%dma_start3A_42 : memref<125x64xbf16, #tpu.memory_space<vmem>>) offsets(%dma_start3A_45 : memref<125xi32, #tpu.memory_space<vmem>>) semaphore(%arg9 : memref<!tpu.dma_semaphore, #tpu.memory_space<semaphore_mem>>)
    %dma_start3A_49 = arith.constant 1 : i32
    %dma_start3A_50 = arith.constant 1 : i32
    %dma_start3A_51 = arith.constant 0 : i32
    %dma_start3A_52 = arith.constant 0 : i32
    %dma_start3A_53 = tpu.memref_slice %arg8[%dma_start3A_50, %dma_start3A_51, %dma_start3A_52] : memref<8x125x64xbf16, #tpu.memory_space<vmem>> -> memref<1x125x64xbf16, #tpu.memory_space<vmem>>
    %dma_start3A_54 = tpu.memref_squeeze %dma_start3A_53 : memref<1x125x64xbf16, #tpu.memory_space<vmem>> -> memref<125x64xbf16, #tpu.memory_space<vmem>>
    %dma_start3A_55 = arith.constant 0 : i32
    %dma_start3A_56 = tpu.memref_slice %arg6[%dma_start3A_49, %dma_start3A_55] : memref<80x125xi32, #tpu.memory_space<vmem>> -> memref<1x125xi32, #tpu.memory_space<vmem>>
    %dma_start3A_57 = tpu.memref_squeeze %dma_start3A_56 : memref<1x125xi32, #tpu.memory_space<vmem>> -> memref<125xi32, #tpu.memory_space<vmem>>
    %dma_start3A_58 = arith.constant 0 : i32
    %dma_start3A_59 = arith.constant 0 : i32
    %dma_start3A_60 = tpu.memref_slice %arg18[%dma_start3A_58, %dma_start3A_59] : memref<10240x64xbf16, #tpu.memory_space<vmem_shared>> -> memref<10240x64xbf16, #tpu.memory_space<vmem_shared>>
    tpu.enqueue_indirect_dma source(%dma_start3A_60 : memref<10240x64xbf16, #tpu.memory_space<vmem_shared>>) target(%dma_start3A_54 : memref<125x64xbf16, #tpu.memory_space<vmem>>) offsets(%dma_start3A_57 : memref<125xi32, #tpu.memory_space<vmem>>) semaphore(%arg10 : memref<!tpu.dma_semaphore, #tpu.memory_space<semaphore_mem>>)
    %dma_start3A_61 = arith.constant 2 : i32
    %dma_start3A_62 = arith.constant 2 : i32
    %dma_start3A_63 = arith.constant 0 : i32
    %dma_start3A_64 = arith.constant 0 : i32
    %dma_start3A_65 = tpu.memref_slice %arg8[%dma_start3A_62, %dma_start3A_63, %dma_start3A_64] : memref<8x125x64xbf16, #tpu.memory_space<vmem>> -> memref<1x125x64xbf16, #tpu.memory_space<vmem>>
    %dma_start3A_66 = tpu.memref_squeeze %dma_start3A_65 : memref<1x125x64xbf16, #tpu.memory_space<vmem>> -> memref<125x64xbf16, #tpu.memory_space<vmem>>
    %dma_start3A_67 = arith.constant 0 : i32
    %dma_start3A_68 = tpu.memref_slice %arg6[%dma_start3A_61, %dma_start3A_67] : memref<80x125xi32, #tpu.memory_space<vmem>> -> memref<1x125xi32, #tpu.memory_space<vmem>>
    %dma_start3A_69 = tpu.memref_squeeze %dma_start3A_68 : memref<1x125xi32, #tpu.memory_space<vmem>> -> memref<125xi32, #tpu.memory_space<vmem>>
    %dma_start3A_70 = arith.constant 0 : i32
    %dma_start3A_71 = arith.constant 0 : i32
    %dma_start3A_72 = tpu.memref_slice %arg18[%dma_start3A_70, %dma_start3A_71] : memref<10240x64xbf16, #tpu.memory_space<vmem_shared>> -> memref<10240x64xbf16, #tpu.memory_space<vmem_shared>>
    tpu.enqueue_indirect_dma source(%dma_start3A_72 : memref<10240x64xbf16, #tpu.memory_space<vmem_shared>>) target(%dma_start3A_66 : memref<125x64xbf16, #tpu.memory_space<vmem>>) offsets(%dma_start3A_69 : memref<125xi32, #tpu.memory_space<vmem>>) semaphore(%arg11 : memref<!tpu.dma_semaphore, #tpu.memory_space<semaphore_mem>>)
    %dma_start3A_73 = arith.constant 3 : i32
    %dma_start3A_74 = arith.constant 3 : i32
    %dma_start3A_75 = arith.constant 0 : i32
    %dma_start3A_76 = arith.constant 0 : i32
    %dma_start3A_77 = tpu.memref_slice %arg8[%dma_start3A_74, %dma_start3A_75, %dma_start3A_76] : memref<8x125x64xbf16, #tpu.memory_space<vmem>> -> memref<1x125x64xbf16, #tpu.memory_space<vmem>>
    %dma_start3A_78 = tpu.memref_squeeze %dma_start3A_77 : memref<1x125x64xbf16, #tpu.memory_space<vmem>> -> memref<125x64xbf16, #tpu.memory_space<vmem>>
    %dma_start3A_79 = arith.constant 0 : i32
    %dma_start3A_80 = tpu.memref_slice %arg6[%dma_start3A_73, %dma_start3A_79] : memref<80x125xi32, #tpu.memory_space<vmem>> -> memref<1x125xi32, #tpu.memory_space<vmem>>
    %dma_start3A_81 = tpu.memref_squeeze %dma_start3A_80 : memref<1x125xi32, #tpu.memory_space<vmem>> -> memref<125xi32, #tpu.memory_space<vmem>>
    %dma_start3A_82 = arith.constant 0 : i32
    %dma_start3A_83 = arith.constant 0 : i32
    %dma_start3A_84 = tpu.memref_slice %arg18[%dma_start3A_82, %dma_start3A_83] : memref<10240x64xbf16, #tpu.memory_space<vmem_shared>> -> memref<10240x64xbf16, #tpu.memory_space<vmem_shared>>
    tpu.enqueue_indirect_dma source(%dma_start3A_84 : memref<10240x64xbf16, #tpu.memory_space<vmem_shared>>) target(%dma_start3A_78 : memref<125x64xbf16, #tpu.memory_space<vmem>>) offsets(%dma_start3A_81 : memref<125xi32, #tpu.memory_space<vmem>>) semaphore(%arg12 : memref<!tpu.dma_semaphore, #tpu.memory_space<semaphore_mem>>)
    %scan3A = arith.constant 0 : i32
    %scan3A_85 = arith.constant 0 : i32
    %scan3A_86 = arith.constant 20 : i32
    %scan3A_87 = arith.addi %scan3A_85, %scan3A_86 : i32
    %scan3A_88 = arith.constant 1 : i32
    scf.for %scan3A_94 = %scan3A_85 to %scan3A_87 step %scan3A_88  : i32 {
      %jit3A = arith.constant 2 : i32
      %eq3A = arith.constant 0 : i32
      %eq3A_95 = arith.cmpi eq, %jit3A, %eq3A : i32
      %jit3A_96 = arith.constant 1 : i32
      %select_n3A = arith.select %eq3A_95, %jit3A_96, %jit3A : i32
      %rem3A = arith.remsi %scan3A_94, %select_n3A : i32
      %ne3A = arith.constant 0 : i32
      %ne3A_97 = arith.cmpi ne, %rem3A, %ne3A : i32
      %lt3A = arith.constant 0 : i32
      %lt3A_98 = arith.cmpi slt, %rem3A, %lt3A : i32
      %lt3A_99 = arith.constant 0 : i32
      %lt3A_100 = arith.cmpi slt, %select_n3A, %lt3A_99 : i32
      %ne3A_101 = arith.xori %lt3A_98, %lt3A_100 : i1
      %and3A = arith.andi %ne3A_101, %ne3A_97 : i1
      %add3A_102 = arith.addi %rem3A, %select_n3A : i32
      %select_n3A_103 = arith.select %and3A, %add3A_102, %rem3A : i32
      %eq3A_104 = arith.constant 0 : i32
      %eq3A_105 = arith.cmpi eq, %select_n3A_103, %eq3A_104 : i32
      %convert_element_type3A = arith.extui %eq3A_105 : i1 to i32
      %cond3A = arith.constant 0 : i32
      %cond3A_106 = arith.cmpi ne, %convert_element_type3A, %cond3A : i32
      scf.if %cond3A_106 {
        %add3A_128 = arith.constant 1 : i32
        %add3A_129 = arith.addi %scan3A_94, %add3A_128 : i32
        %mul3A_130 = arith.constant 4 : i32
        %mul3A_131 = arith.muli %add3A_129, %mul3A_130 : i32
        %add3A_132 = arith.constant 1 : i32
        %add3A_133 = arith.addi %scan3A_94, %add3A_132 : i32
        %lt3A_134 = arith.constant 20 : i32
        %lt3A_135 = arith.cmpi slt, %add3A_133, %lt3A_134 : i32
        %convert_element_type3A_136 = arith.extui %lt3A_135 : i1 to i32
        %cond3A_137 = arith.constant 0 : i32
        %cond3A_138 = arith.cmpi ne, %convert_element_type3A_136, %cond3A_137 : i32
        scf.if %cond3A_138 {
          %add3A_202 = arith.constant 0 : i32
          %add3A_203 = arith.addi %mul3A_131, %add3A_202 : i32
          %dma_start3A_204 = arith.constant 4 : i32
          %dma_start3A_205 = arith.constant 0 : i32
          %dma_start3A_206 = arith.constant 0 : i32
          %dma_start3A_207 = tpu.memref_slice %arg8[%dma_start3A_204, %dma_start3A_205, %dma_start3A_206] : memref<8x125x64xbf16, #tpu.memory_space<vmem>> -> memref<1x125x64xbf16, #tpu.memory_space<vmem>>
          %dma_start3A_208 = tpu.memref_squeeze %dma_start3A_207 : memref<1x125x64xbf16, #tpu.memory_space<vmem>> -> memref<125x64xbf16, #tpu.memory_space<vmem>>
          %dma_start3A_209 = arith.constant 0 : i32
          %dma_start3A_210 = tpu.memref_slice %arg6[%add3A_203, %dma_start3A_209] : memref<80x125xi32, #tpu.memory_space<vmem>> -> memref<1x125xi32, #tpu.memory_space<vmem>>
          %dma_start3A_211 = tpu.memref_squeeze %dma_start3A_210 : memref<1x125xi32, #tpu.memory_space<vmem>> -> memref<125xi32, #tpu.memory_space<vmem>>
          %dma_start3A_212 = arith.constant 0 : i32
          %dma_start3A_213 = arith.constant 0 : i32
          %dma_start3A_214 = tpu.memref_slice %arg18[%dma_start3A_212, %dma_start3A_213] : memref<10240x64xbf16, #tpu.memory_space<vmem_shared>> -> memref<10240x64xbf16, #tpu.memory_space<vmem_shared>>
          tpu.enqueue_indirect_dma source(%dma_start3A_214 : memref<10240x64xbf16, #tpu.memory_space<vmem_shared>>) target(%dma_start3A_208 : memref<125x64xbf16, #tpu.memory_space<vmem>>) offsets(%dma_start3A_211 : memref<125xi32, #tpu.memory_space<vmem>>) semaphore(%arg13 : memref<!tpu.dma_semaphore, #tpu.memory_space<semaphore_mem>>)
          %add3A_215 = arith.constant 1 : i32
          %add3A_216 = arith.addi %mul3A_131, %add3A_215 : i32
          %dma_start3A_217 = arith.constant 5 : i32
          %dma_start3A_218 = arith.constant 0 : i32
          %dma_start3A_219 = arith.constant 0 : i32
          %dma_start3A_220 = tpu.memref_slice %arg8[%dma_start3A_217, %dma_start3A_218, %dma_start3A_219] : memref<8x125x64xbf16, #tpu.memory_space<vmem>> -> memref<1x125x64xbf16, #tpu.memory_space<vmem>>
          %dma_start3A_221 = tpu.memref_squeeze %dma_start3A_220 : memref<1x125x64xbf16, #tpu.memory_space<vmem>> -> memref<125x64xbf16, #tpu.memory_space<vmem>>
          %dma_start3A_222 = arith.constant 0 : i32
          %dma_start3A_223 = tpu.memref_slice %arg6[%add3A_216, %dma_start3A_222] : memref<80x125xi32, #tpu.memory_space<vmem>> -> memref<1x125xi32, #tpu.memory_space<vmem>>
          %dma_start3A_224 = tpu.memref_squeeze %dma_start3A_223 : memref<1x125xi32, #tpu.memory_space<vmem>> -> memref<125xi32, #tpu.memory_space<vmem>>
          %dma_start3A_225 = arith.constant 0 : i32
          %dma_start3A_226 = arith.constant 0 : i32
          %dma_start3A_227 = tpu.memref_slice %arg18[%dma_start3A_225, %dma_start3A_226] : memref<10240x64xbf16, #tpu.memory_space<vmem_shared>> -> memref<10240x64xbf16, #tpu.memory_space<vmem_shared>>
          tpu.enqueue_indirect_dma source(%dma_start3A_227 : memref<10240x64xbf16, #tpu.memory_space<vmem_shared>>) target(%dma_start3A_221 : memref<125x64xbf16, #tpu.memory_space<vmem>>) offsets(%dma_start3A_224 : memref<125xi32, #tpu.memory_space<vmem>>) semaphore(%arg14 : memref<!tpu.dma_semaphore, #tpu.memory_space<semaphore_mem>>)
          %add3A_228 = arith.constant 2 : i32
          %add3A_229 = arith.addi %mul3A_131, %add3A_228 : i32
          %dma_start3A_230 = arith.constant 6 : i32
          %dma_start3A_231 = arith.constant 0 : i32
          %dma_start3A_232 = arith.constant 0 : i32
          %dma_start3A_233 = tpu.memref_slice %arg8[%dma_start3A_230, %dma_start3A_231, %dma_start3A_232] : memref<8x125x64xbf16, #tpu.memory_space<vmem>> -> memref<1x125x64xbf16, #tpu.memory_space<vmem>>
          %dma_start3A_234 = tpu.memref_squeeze %dma_start3A_233 : memref<1x125x64xbf16, #tpu.memory_space<vmem>> -> memref<125x64xbf16, #tpu.memory_space<vmem>>
          %dma_start3A_235 = arith.constant 0 : i32
          %dma_start3A_236 = tpu.memref_slice %arg6[%add3A_229, %dma_start3A_235] : memref<80x125xi32, #tpu.memory_space<vmem>> -> memref<1x125xi32, #tpu.memory_space<vmem>>
          %dma_start3A_237 = tpu.memref_squeeze %dma_start3A_236 : memref<1x125xi32, #tpu.memory_space<vmem>> -> memref<125xi32, #tpu.memory_space<vmem>>
          %dma_start3A_238 = arith.constant 0 : i32
          %dma_start3A_239 = arith.constant 0 : i32
          %dma_start3A_240 = tpu.memref_slice %arg18[%dma_start3A_238, %dma_start3A_239] : memref<10240x64xbf16, #tpu.memory_space<vmem_shared>> -> memref<10240x64xbf16, #tpu.memory_space<vmem_shared>>
          tpu.enqueue_indirect_dma source(%dma_start3A_240 : memref<10240x64xbf16, #tpu.memory_space<vmem_shared>>) target(%dma_start3A_234 : memref<125x64xbf16, #tpu.memory_space<vmem>>) offsets(%dma_start3A_237 : memref<125xi32, #tpu.memory_space<vmem>>) semaphore(%arg15 : memref<!tpu.dma_semaphore, #tpu.memory_space<semaphore_mem>>)
          %add3A_241 = arith.constant 3 : i32
          %add3A_242 = arith.addi %mul3A_131, %add3A_241 : i32
          %dma_start3A_243 = arith.constant 7 : i32
          %dma_start3A_244 = arith.constant 0 : i32
          %dma_start3A_245 = arith.constant 0 : i32
          %dma_start3A_246 = tpu.memref_slice %arg8[%dma_start3A_243, %dma_start3A_244, %dma_start3A_245] : memref<8x125x64xbf16, #tpu.memory_space<vmem>> -> memref<1x125x64xbf16, #tpu.memory_space<vmem>>
          %dma_start3A_247 = tpu.memref_squeeze %dma_start3A_246 : memref<1x125x64xbf16, #tpu.memory_space<vmem>> -> memref<125x64xbf16, #tpu.memory_space<vmem>>
          %dma_start3A_248 = arith.constant 0 : i32
          %dma_start3A_249 = tpu.memref_slice %arg6[%add3A_242, %dma_start3A_248] : memref<80x125xi32, #tpu.memory_space<vmem>> -> memref<1x125xi32, #tpu.memory_space<vmem>>
          %dma_start3A_250 = tpu.memref_squeeze %dma_start3A_249 : memref<1x125xi32, #tpu.memory_space<vmem>> -> memref<125xi32, #tpu.memory_space<vmem>>
          %dma_start3A_251 = arith.constant 0 : i32
          %dma_start3A_252 = arith.constant 0 : i32
          %dma_start3A_253 = tpu.memref_slice %arg18[%dma_start3A_251, %dma_start3A_252] : memref<10240x64xbf16, #tpu.memory_space<vmem_shared>> -> memref<10240x64xbf16, #tpu.memory_space<vmem_shared>>
          tpu.enqueue_indirect_dma source(%dma_start3A_253 : memref<10240x64xbf16, #tpu.memory_space<vmem_shared>>) target(%dma_start3A_247 : memref<125x64xbf16, #tpu.memory_space<vmem>>) offsets(%dma_start3A_250 : memref<125xi32, #tpu.memory_space<vmem>>) semaphore(%arg16 : memref<!tpu.dma_semaphore, #tpu.memory_space<semaphore_mem>>)
        } else {
        }
        %mul3A_139 = arith.constant 4 : i32
        %mul3A_140 = arith.muli %scan3A_94, %mul3A_139 : i32
        %add3A_141 = arith.constant 0 : i32
        %add3A_142 = arith.addi %mul3A_140, %add3A_141 : i32
        %dma_wait3A_143 = arith.constant 0 : i32
        %dma_wait3A_144 = arith.constant 0 : i32
        %dma_wait3A_145 = arith.constant 0 : i32
        %dma_wait3A_146 = tpu.memref_slice %arg8[%dma_wait3A_143, %dma_wait3A_144, %dma_wait3A_145] : memref<8x125x64xbf16, #tpu.memory_space<vmem>> -> memref<1x125x64xbf16, #tpu.memory_space<vmem>>
        %dma_wait3A_147 = tpu.memref_squeeze %dma_wait3A_146 : memref<1x125x64xbf16, #tpu.memory_space<vmem>> -> memref<125x64xbf16, #tpu.memory_space<vmem>>
        %dma_wait3A_148 = arith.constant 0 : i32
        %dma_wait3A_149 = tpu.memref_slice %arg6[%add3A_142, %dma_wait3A_148] : memref<80x125xi32, #tpu.memory_space<vmem>> -> memref<1x125xi32, #tpu.memory_space<vmem>>
        %dma_wait3A_150 = tpu.memref_squeeze %dma_wait3A_149 : memref<1x125xi32, #tpu.memory_space<vmem>> -> memref<125xi32, #tpu.memory_space<vmem>>
        %dma_wait3A_151 = arith.constant 0 : i32
        %dma_wait3A_152 = arith.constant 0 : i32
        %dma_wait3A_153 = tpu.memref_slice %arg18[%dma_wait3A_151, %dma_wait3A_152] : memref<10240x64xbf16, #tpu.memory_space<vmem_shared>> -> memref<10240x64xbf16, #tpu.memory_space<vmem_shared>>
        tpu.wait_indirect_dma semaphore(%arg9 : memref<!tpu.dma_semaphore, #tpu.memory_space<semaphore_mem>>) src(%dma_wait3A_153 : memref<10240x64xbf16, #tpu.memory_space<vmem_shared>>) dst(%dma_wait3A_147 : memref<125x64xbf16, #tpu.memory_space<vmem>>)
        %run_scoped3A = arith.constant 0 : i32
        "tpu.region"() ({
          %run_scoped3A_202 = tpu.sem_alloc : memref<!tpu.dma_semaphore, #tpu.memory_space<semaphore_mem>>
          %dma_start3A_203 = arith.constant 0 : i32
          %dma_start3A_204 = arith.constant 0 : i32
          %dma_start3A_205 = tpu.memref_slice %arg8[%run_scoped3A, %dma_start3A_203, %dma_start3A_204] : memref<8x125x64xbf16, #tpu.memory_space<vmem>> -> memref<1x125x64xbf16, #tpu.memory_space<vmem>>
          %dma_start3A_206 = tpu.memref_squeeze %dma_start3A_205 : memref<1x125x64xbf16, #tpu.memory_space<vmem>> -> memref<125x64xbf16, #tpu.memory_space<vmem>>
          %dma_start3A_207 = arith.constant 0 : i32
          %dma_start3A_208 = tpu.memref_slice %arg7[%add3A_142, %dma_start3A_207] : memref<80x125xi32, #tpu.memory_space<vmem>> -> memref<1x125xi32, #tpu.memory_space<vmem>>
          %dma_start3A_209 = tpu.memref_squeeze %dma_start3A_208 : memref<1x125xi32, #tpu.memory_space<vmem>> -> memref<125xi32, #tpu.memory_space<vmem>>
          %dma_start3A_210 = arith.constant 0 : i32
          %dma_start3A_211 = arith.constant 0 : i32
          %dma_start3A_212 = tpu.memref_slice %arg17[%dma_start3A_210, %dma_start3A_211] : memref<10240x64xbf16, #tpu.memory_space<vmem_shared>> -> memref<10240x64xbf16, #tpu.memory_space<vmem_shared>>
          tpu.enqueue_indirect_dma source(%dma_start3A_206 : memref<125x64xbf16, #tpu.memory_space<vmem>>) target(%dma_start3A_212 : memref<10240x64xbf16, #tpu.memory_space<vmem_shared>>) offsets(%dma_start3A_209 : memref<125xi32, #tpu.memory_space<vmem>>) semaphore(%run_scoped3A_202 : memref<!tpu.dma_semaphore, #tpu.memory_space<semaphore_mem>>) {add = true}
          %dma_wait3A_213 = arith.constant 0 : i32
          %dma_wait3A_214 = arith.constant 0 : i32
          %dma_wait3A_215 = tpu.memref_slice %arg8[%run_scoped3A, %dma_wait3A_213, %dma_wait3A_214] : memref<8x125x64xbf16, #tpu.memory_space<vmem>> -> memref<1x125x64xbf16, #tpu.memory_space<vmem>>
          %dma_wait3A_216 = tpu.memref_squeeze %dma_wait3A_215 : memref<1x125x64xbf16, #tpu.memory_space<vmem>> -> memref<125x64xbf16, #tpu.memory_space<vmem>>
          %dma_wait3A_217 = arith.constant 0 : i32
          %dma_wait3A_218 = tpu.memref_slice %arg7[%add3A_142, %dma_wait3A_217] : memref<80x125xi32, #tpu.memory_space<vmem>> -> memref<1x125xi32, #tpu.memory_space<vmem>>
          %dma_wait3A_219 = tpu.memref_squeeze %dma_wait3A_218 : memref<1x125xi32, #tpu.memory_space<vmem>> -> memref<125xi32, #tpu.memory_space<vmem>>
          %dma_wait3A_220 = arith.constant 0 : i32
          %dma_wait3A_221 = arith.constant 0 : i32
          %dma_wait3A_222 = tpu.memref_slice %arg17[%dma_wait3A_220, %dma_wait3A_221] : memref<10240x64xbf16, #tpu.memory_space<vmem_shared>> -> memref<10240x64xbf16, #tpu.memory_space<vmem_shared>>
          tpu.wait_indirect_dma semaphore(%run_scoped3A_202 : memref<!tpu.dma_semaphore, #tpu.memory_space<semaphore_mem>>) src(%dma_wait3A_216 : memref<125x64xbf16, #tpu.memory_space<vmem>>) dst(%dma_wait3A_222 : memref<10240x64xbf16, #tpu.memory_space<vmem_shared>>)
          tpu.yield
        }) : () -> ()
        %mul3A_154 = arith.constant 4 : i32
        %mul3A_155 = arith.muli %scan3A_94, %mul3A_154 : i32
        %add3A_156 = arith.constant 1 : i32
        %add3A_157 = arith.addi %mul3A_155, %add3A_156 : i32
        %dma_wait3A_158 = arith.constant 1 : i32
        %dma_wait3A_159 = arith.constant 0 : i32
        %dma_wait3A_160 = arith.constant 0 : i32
        %dma_wait3A_161 = tpu.memref_slice %arg8[%dma_wait3A_158, %dma_wait3A_159, %dma_wait3A_160] : memref<8x125x64xbf16, #tpu.memory_space<vmem>> -> memref<1x125x64xbf16, #tpu.memory_space<vmem>>
        %dma_wait3A_162 = tpu.memref_squeeze %dma_wait3A_161 : memref<1x125x64xbf16, #tpu.memory_space<vmem>> -> memref<125x64xbf16, #tpu.memory_space<vmem>>
        %dma_wait3A_163 = arith.constant 0 : i32
        %dma_wait3A_164 = tpu.memref_slice %arg6[%add3A_157, %dma_wait3A_163] : memref<80x125xi32, #tpu.memory_space<vmem>> -> memref<1x125xi32, #tpu.memory_space<vmem>>
        %dma_wait3A_165 = tpu.memref_squeeze %dma_wait3A_164 : memref<1x125xi32, #tpu.memory_space<vmem>> -> memref<125xi32, #tpu.memory_space<vmem>>
        %dma_wait3A_166 = arith.constant 0 : i32
        %dma_wait3A_167 = arith.constant 0 : i32
        %dma_wait3A_168 = tpu.memref_slice %arg18[%dma_wait3A_166, %dma_wait3A_167] : memref<10240x64xbf16, #tpu.memory_space<vmem_shared>> -> memref<10240x64xbf16, #tpu.memory_space<vmem_shared>>
        tpu.wait_indirect_dma semaphore(%arg10 : memref<!tpu.dma_semaphore, #tpu.memory_space<semaphore_mem>>) src(%dma_wait3A_168 : memref<10240x64xbf16, #tpu.memory_space<vmem_shared>>) dst(%dma_wait3A_162 : memref<125x64xbf16, #tpu.memory_space<vmem>>)
        %run_scoped3A_169 = arith.constant 1 : i32
        "tpu.region"() ({
          %run_scoped3A_202 = tpu.sem_alloc : memref<!tpu.dma_semaphore, #tpu.memory_space<semaphore_mem>>
          %dma_start3A_203 = arith.constant 0 : i32
          %dma_start3A_204 = arith.constant 0 : i32
          %dma_start3A_205 = tpu.memref_slice %arg8[%run_scoped3A_169, %dma_start3A_203, %dma_start3A_204] : memref<8x125x64xbf16, #tpu.memory_space<vmem>> -> memref<1x125x64xbf16, #tpu.memory_space<vmem>>
          %dma_start3A_206 = tpu.memref_squeeze %dma_start3A_205 : memref<1x125x64xbf16, #tpu.memory_space<vmem>> -> memref<125x64xbf16, #tpu.memory_space<vmem>>
          %dma_start3A_207 = arith.constant 0 : i32
          %dma_start3A_208 = tpu.memref_slice %arg7[%add3A_157, %dma_start3A_207] : memref<80x125xi32, #tpu.memory_space<vmem>> -> memref<1x125xi32, #tpu.memory_space<vmem>>
          %dma_start3A_209 = tpu.memref_squeeze %dma_start3A_208 : memref<1x125xi32, #tpu.memory_space<vmem>> -> memref<125xi32, #tpu.memory_space<vmem>>
          %dma_start3A_210 = arith.constant 0 : i32
          %dma_start3A_211 = arith.constant 0 : i32
          %dma_start3A_212 = tpu.memref_slice %arg17[%dma_start3A_210, %dma_start3A_211] : memref<10240x64xbf16, #tpu.memory_space<vmem_shared>> -> memref<10240x64xbf16, #tpu.memory_space<vmem_shared>>
          tpu.enqueue_indirect_dma source(%dma_start3A_206 : memref<125x64xbf16, #tpu.memory_space<vmem>>) target(%dma_start3A_212 : memref<10240x64xbf16, #tpu.memory_space<vmem_shared>>) offsets(%dma_start3A_209 : memref<125xi32, #tpu.memory_space<vmem>>) semaphore(%run_scoped3A_202 : memref<!tpu.dma_semaphore, #tpu.memory_space<semaphore_mem>>) {add = true}
          %dma_wait3A_213 = arith.constant 0 : i32
          %dma_wait3A_214 = arith.constant 0 : i32
          %dma_wait3A_215 = tpu.memref_slice %arg8[%run_scoped3A_169, %dma_wait3A_213, %dma_wait3A_214] : memref<8x125x64xbf16, #tpu.memory_space<vmem>> -> memref<1x125x64xbf16, #tpu.memory_space<vmem>>
          %dma_wait3A_216 = tpu.memref_squeeze %dma_wait3A_215 : memref<1x125x64xbf16, #tpu.memory_space<vmem>> -> memref<125x64xbf16, #tpu.memory_space<vmem>>
          %dma_wait3A_217 = arith.constant 0 : i32
          %dma_wait3A_218 = tpu.memref_slice %arg7[%add3A_157, %dma_wait3A_217] : memref<80x125xi32, #tpu.memory_space<vmem>> -> memref<1x125xi32, #tpu.memory_space<vmem>>
          %dma_wait3A_219 = tpu.memref_squeeze %dma_wait3A_218 : memref<1x125xi32, #tpu.memory_space<vmem>> -> memref<125xi32, #tpu.memory_space<vmem>>
          %dma_wait3A_220 = arith.constant 0 : i32
          %dma_wait3A_221 = arith.constant 0 : i32
          %dma_wait3A_222 = tpu.memref_slice %arg17[%dma_wait3A_220, %dma_wait3A_221] : memref<10240x64xbf16, #tpu.memory_space<vmem_shared>> -> memref<10240x64xbf16, #tpu.memory_space<vmem_shared>>
          tpu.wait_indirect_dma semaphore(%run_scoped3A_202 : memref<!tpu.dma_semaphore, #tpu.memory_space<semaphore_mem>>) src(%dma_wait3A_216 : memref<125x64xbf16, #tpu.memory_space<vmem>>) dst(%dma_wait3A_222 : memref<10240x64xbf16, #tpu.memory_space<vmem_shared>>)
          tpu.yield
        }) : () -> ()
        %mul3A_170 = arith.constant 4 : i32
        %mul3A_171 = arith.muli %scan3A_94, %mul3A_170 : i32
        %add3A_172 = arith.constant 2 : i32
        %add3A_173 = arith.addi %mul3A_171, %add3A_172 : i32
        %dma_wait3A_174 = arith.constant 2 : i32
        %dma_wait3A_175 = arith.constant 0 : i32
        %dma_wait3A_176 = arith.constant 0 : i32
        %dma_wait3A_177 = tpu.memref_slice %arg8[%dma_wait3A_174, %dma_wait3A_175, %dma_wait3A_176] : memref<8x125x64xbf16, #tpu.memory_space<vmem>> -> memref<1x125x64xbf16, #tpu.memory_space<vmem>>
        %dma_wait3A_178 = tpu.memref_squeeze %dma_wait3A_177 : memref<1x125x64xbf16, #tpu.memory_space<vmem>> -> memref<125x64xbf16, #tpu.memory_space<vmem>>
        %dma_wait3A_179 = arith.constant 0 : i32
        %dma_wait3A_180 = tpu.memref_slice %arg6[%add3A_173, %dma_wait3A_179] : memref<80x125xi32, #tpu.memory_space<vmem>> -> memref<1x125xi32, #tpu.memory_space<vmem>>
        %dma_wait3A_181 = tpu.memref_squeeze %dma_wait3A_180 : memref<1x125xi32, #tpu.memory_space<vmem>> -> memref<125xi32, #tpu.memory_space<vmem>>
        %dma_wait3A_182 = arith.constant 0 : i32
        %dma_wait3A_183 = arith.constant 0 : i32
        %dma_wait3A_184 = tpu.memref_slice %arg18[%dma_wait3A_182, %dma_wait3A_183] : memref<10240x64xbf16, #tpu.memory_space<vmem_shared>> -> memref<10240x64xbf16, #tpu.memory_space<vmem_shared>>
        tpu.wait_indirect_dma semaphore(%arg11 : memref<!tpu.dma_semaphore, #tpu.memory_space<semaphore_mem>>) src(%dma_wait3A_184 : memref<10240x64xbf16, #tpu.memory_space<vmem_shared>>) dst(%dma_wait3A_178 : memref<125x64xbf16, #tpu.memory_space<vmem>>)
        %run_scoped3A_185 = arith.constant 2 : i32
        "tpu.region"() ({
          %run_scoped3A_202 = tpu.sem_alloc : memref<!tpu.dma_semaphore, #tpu.memory_space<semaphore_mem>>
          %dma_start3A_203 = arith.constant 0 : i32
          %dma_start3A_204 = arith.constant 0 : i32
          %dma_start3A_205 = tpu.memref_slice %arg8[%run_scoped3A_185, %dma_start3A_203, %dma_start3A_204] : memref<8x125x64xbf16, #tpu.memory_space<vmem>> -> memref<1x125x64xbf16, #tpu.memory_space<vmem>>
          %dma_start3A_206 = tpu.memref_squeeze %dma_start3A_205 : memref<1x125x64xbf16, #tpu.memory_space<vmem>> -> memref<125x64xbf16, #tpu.memory_space<vmem>>
          %dma_start3A_207 = arith.constant 0 : i32
          %dma_start3A_208 = tpu.memref_slice %arg7[%add3A_173, %dma_start3A_207] : memref<80x125xi32, #tpu.memory_space<vmem>> -> memref<1x125xi32, #tpu.memory_space<vmem>>
          %dma_start3A_209 = tpu.memref_squeeze %dma_start3A_208 : memref<1x125xi32, #tpu.memory_space<vmem>> -> memref<125xi32, #tpu.memory_space<vmem>>
          %dma_start3A_210 = arith.constant 0 : i32
          %dma_start3A_211 = arith.constant 0 : i32
          %dma_start3A_212 = tpu.memref_slice %arg17[%dma_start3A_210, %dma_start3A_211] : memref<10240x64xbf16, #tpu.memory_space<vmem_shared>> -> memref<10240x64xbf16, #tpu.memory_space<vmem_shared>>
          tpu.enqueue_indirect_dma source(%dma_start3A_206 : memref<125x64xbf16, #tpu.memory_space<vmem>>) target(%dma_start3A_212 : memref<10240x64xbf16, #tpu.memory_space<vmem_shared>>) offsets(%dma_start3A_209 : memref<125xi32, #tpu.memory_space<vmem>>) semaphore(%run_scoped3A_202 : memref<!tpu.dma_semaphore, #tpu.memory_space<semaphore_mem>>) {add = true}
          %dma_wait3A_213 = arith.constant 0 : i32
          %dma_wait3A_214 = arith.constant 0 : i32
          %dma_wait3A_215 = tpu.memref_slice %arg8[%run_scoped3A_185, %dma_wait3A_213, %dma_wait3A_214] : memref<8x125x64xbf16, #tpu.memory_space<vmem>> -> memref<1x125x64xbf16, #tpu.memory_space<vmem>>
          %dma_wait3A_216 = tpu.memref_squeeze %dma_wait3A_215 : memref<1x125x64xbf16, #tpu.memory_space<vmem>> -> memref<125x64xbf16, #tpu.memory_space<vmem>>
          %dma_wait3A_217 = arith.constant 0 : i32
          %dma_wait3A_218 = tpu.memref_slice %arg7[%add3A_173, %dma_wait3A_217] : memref<80x125xi32, #tpu.memory_space<vmem>> -> memref<1x125xi32, #tpu.memory_space<vmem>>
          %dma_wait3A_219 = tpu.memref_squeeze %dma_wait3A_218 : memref<1x125xi32, #tpu.memory_space<vmem>> -> memref<125xi32, #tpu.memory_space<vmem>>
          %dma_wait3A_220 = arith.constant 0 : i32
          %dma_wait3A_221 = arith.constant 0 : i32
          %dma_wait3A_222 = tpu.memref_slice %arg17[%dma_wait3A_220, %dma_wait3A_221] : memref<10240x64xbf16, #tpu.memory_space<vmem_shared>> -> memref<10240x64xbf16, #tpu.memory_space<vmem_shared>>
          tpu.wait_indirect_dma semaphore(%run_scoped3A_202 : memref<!tpu.dma_semaphore, #tpu.memory_space<semaphore_mem>>) src(%dma_wait3A_216 : memref<125x64xbf16, #tpu.memory_space<vmem>>) dst(%dma_wait3A_222 : memref<10240x64xbf16, #tpu.memory_space<vmem_shared>>)
          tpu.yield
        }) : () -> ()
        %mul3A_186 = arith.constant 4 : i32
        %mul3A_187 = arith.muli %scan3A_94, %mul3A_186 : i32
        %add3A_188 = arith.constant 3 : i32
        %add3A_189 = arith.addi %mul3A_187, %add3A_188 : i32
        %dma_wait3A_190 = arith.constant 3 : i32
        %dma_wait3A_191 = arith.constant 0 : i32
        %dma_wait3A_192 = arith.constant 0 : i32
        %dma_wait3A_193 = tpu.memref_slice %arg8[%dma_wait3A_190, %dma_wait3A_191, %dma_wait3A_192] : memref<8x125x64xbf16, #tpu.memory_space<vmem>> -> memref<1x125x64xbf16, #tpu.memory_space<vmem>>
        %dma_wait3A_194 = tpu.memref_squeeze %dma_wait3A_193 : memref<1x125x64xbf16, #tpu.memory_space<vmem>> -> memref<125x64xbf16, #tpu.memory_space<vmem>>
        %dma_wait3A_195 = arith.constant 0 : i32
        %dma_wait3A_196 = tpu.memref_slice %arg6[%add3A_189, %dma_wait3A_195] : memref<80x125xi32, #tpu.memory_space<vmem>> -> memref<1x125xi32, #tpu.memory_space<vmem>>
        %dma_wait3A_197 = tpu.memref_squeeze %dma_wait3A_196 : memref<1x125xi32, #tpu.memory_space<vmem>> -> memref<125xi32, #tpu.memory_space<vmem>>
        %dma_wait3A_198 = arith.constant 0 : i32
        %dma_wait3A_199 = arith.constant 0 : i32
        %dma_wait3A_200 = tpu.memref_slice %arg18[%dma_wait3A_198, %dma_wait3A_199] : memref<10240x64xbf16, #tpu.memory_space<vmem_shared>> -> memref<10240x64xbf16, #tpu.memory_space<vmem_shared>>
        tpu.wait_indirect_dma semaphore(%arg12 : memref<!tpu.dma_semaphore, #tpu.memory_space<semaphore_mem>>) src(%dma_wait3A_200 : memref<10240x64xbf16, #tpu.memory_space<vmem_shared>>) dst(%dma_wait3A_194 : memref<125x64xbf16, #tpu.memory_space<vmem>>)
        %run_scoped3A_201 = arith.constant 3 : i32
        "tpu.region"() ({
          %run_scoped3A_202 = tpu.sem_alloc : memref<!tpu.dma_semaphore, #tpu.memory_space<semaphore_mem>>
          %dma_start3A_203 = arith.constant 0 : i32
          %dma_start3A_204 = arith.constant 0 : i32
          %dma_start3A_205 = tpu.memref_slice %arg8[%run_scoped3A_201, %dma_start3A_203, %dma_start3A_204] : memref<8x125x64xbf16, #tpu.memory_space<vmem>> -> memref<1x125x64xbf16, #tpu.memory_space<vmem>>
          %dma_start3A_206 = tpu.memref_squeeze %dma_start3A_205 : memref<1x125x64xbf16, #tpu.memory_space<vmem>> -> memref<125x64xbf16, #tpu.memory_space<vmem>>
          %dma_start3A_207 = arith.constant 0 : i32
          %dma_start3A_208 = tpu.memref_slice %arg7[%add3A_189, %dma_start3A_207] : memref<80x125xi32, #tpu.memory_space<vmem>> -> memref<1x125xi32, #tpu.memory_space<vmem>>
          %dma_start3A_209 = tpu.memref_squeeze %dma_start3A_208 : memref<1x125xi32, #tpu.memory_space<vmem>> -> memref<125xi32, #tpu.memory_space<vmem>>
          %dma_start3A_210 = arith.constant 0 : i32
          %dma_start3A_211 = arith.constant 0 : i32
          %dma_start3A_212 = tpu.memref_slice %arg17[%dma_start3A_210, %dma_start3A_211] : memref<10240x64xbf16, #tpu.memory_space<vmem_shared>> -> memref<10240x64xbf16, #tpu.memory_space<vmem_shared>>
          tpu.enqueue_indirect_dma source(%dma_start3A_206 : memref<125x64xbf16, #tpu.memory_space<vmem>>) target(%dma_start3A_212 : memref<10240x64xbf16, #tpu.memory_space<vmem_shared>>) offsets(%dma_start3A_209 : memref<125xi32, #tpu.memory_space<vmem>>) semaphore(%run_scoped3A_202 : memref<!tpu.dma_semaphore, #tpu.memory_space<semaphore_mem>>) {add = true}
          %dma_wait3A_213 = arith.constant 0 : i32
          %dma_wait3A_214 = arith.constant 0 : i32
          %dma_wait3A_215 = tpu.memref_slice %arg8[%run_scoped3A_201, %dma_wait3A_213, %dma_wait3A_214] : memref<8x125x64xbf16, #tpu.memory_space<vmem>> -> memref<1x125x64xbf16, #tpu.memory_space<vmem>>
          %dma_wait3A_216 = tpu.memref_squeeze %dma_wait3A_215 : memref<1x125x64xbf16, #tpu.memory_space<vmem>> -> memref<125x64xbf16, #tpu.memory_space<vmem>>
          %dma_wait3A_217 = arith.constant 0 : i32
          %dma_wait3A_218 = tpu.memref_slice %arg7[%add3A_189, %dma_wait3A_217] : memref<80x125xi32, #tpu.memory_space<vmem>> -> memref<1x125xi32, #tpu.memory_space<vmem>>
          %dma_wait3A_219 = tpu.memref_squeeze %dma_wait3A_218 : memref<1x125xi32, #tpu.memory_space<vmem>> -> memref<125xi32, #tpu.memory_space<vmem>>
          %dma_wait3A_220 = arith.constant 0 : i32
          %dma_wait3A_221 = arith.constant 0 : i32
          %dma_wait3A_222 = tpu.memref_slice %arg17[%dma_wait3A_220, %dma_wait3A_221] : memref<10240x64xbf16, #tpu.memory_space<vmem_shared>> -> memref<10240x64xbf16, #tpu.memory_space<vmem_shared>>
          tpu.wait_indirect_dma semaphore(%run_scoped3A_202 : memref<!tpu.dma_semaphore, #tpu.memory_space<semaphore_mem>>) src(%dma_wait3A_216 : memref<125x64xbf16, #tpu.memory_space<vmem>>) dst(%dma_wait3A_222 : memref<10240x64xbf16, #tpu.memory_space<vmem_shared>>)
          tpu.yield
        }) : () -> ()
      } else {
      }
      %jit3A_107 = arith.constant 2 : i32
      %eq3A_108 = arith.constant 0 : i32
      %eq3A_109 = arith.cmpi eq, %jit3A_107, %eq3A_108 : i32
      %jit3A_110 = arith.constant 1 : i32
      %select_n3A_111 = arith.select %eq3A_109, %jit3A_110, %jit3A_107 : i32
      %rem3A_112 = arith.remsi %scan3A_94, %select_n3A_111 : i32
      %ne3A_113 = arith.constant 0 : i32
      %ne3A_114 = arith.cmpi ne, %rem3A_112, %ne3A_113 : i32
      %lt3A_115 = arith.constant 0 : i32
      %lt3A_116 = arith.cmpi slt, %rem3A_112, %lt3A_115 : i32
      %lt3A_117 = arith.constant 0 : i32
      %lt3A_118 = arith.cmpi slt, %select_n3A_111, %lt3A_117 : i32
      %ne3A_119 = arith.xori %lt3A_116, %lt3A_118 : i1
      %and3A_120 = arith.andi %ne3A_119, %ne3A_114 : i1
      %add3A_121 = arith.addi %rem3A_112, %select_n3A_111 : i32
      %select_n3A_122 = arith.select %and3A_120, %add3A_121, %rem3A_112 : i32
      %eq3A_123 = arith.constant 1 : i32
      %eq3A_124 = arith.cmpi eq, %select_n3A_122, %eq3A_123 : i32
      %convert_element_type3A_125 = arith.extui %eq3A_124 : i1 to i32
      %cond3A_126 = arith.constant 0 : i32
      %cond3A_127 = arith.cmpi ne, %convert_element_type3A_125, %cond3A_126 : i32
      scf.if %cond3A_127 {
        %add3A_128 = arith.constant 1 : i32
        %add3A_129 = arith.addi %scan3A_94, %add3A_128 : i32
        %mul3A_130 = arith.constant 4 : i32
        %mul3A_131 = arith.muli %add3A_129, %mul3A_130 : i32
        %add3A_132 = arith.constant 1 : i32
        %add3A_133 = arith.addi %scan3A_94, %add3A_132 : i32
        %lt3A_134 = arith.constant 20 : i32
        %lt3A_135 = arith.cmpi slt, %add3A_133, %lt3A_134 : i32
        %convert_element_type3A_136 = arith.extui %lt3A_135 : i1 to i32
        %cond3A_137 = arith.constant 0 : i32
        %cond3A_138 = arith.cmpi ne, %convert_element_type3A_136, %cond3A_137 : i32
        scf.if %cond3A_138 {
          %add3A_202 = arith.constant 0 : i32
          %add3A_203 = arith.addi %mul3A_131, %add3A_202 : i32
          %dma_start3A_204 = arith.constant 0 : i32
          %dma_start3A_205 = arith.constant 0 : i32
          %dma_start3A_206 = arith.constant 0 : i32
          %dma_start3A_207 = tpu.memref_slice %arg8[%dma_start3A_204, %dma_start3A_205, %dma_start3A_206] : memref<8x125x64xbf16, #tpu.memory_space<vmem>> -> memref<1x125x64xbf16, #tpu.memory_space<vmem>>
          %dma_start3A_208 = tpu.memref_squeeze %dma_start3A_207 : memref<1x125x64xbf16, #tpu.memory_space<vmem>> -> memref<125x64xbf16, #tpu.memory_space<vmem>>
          %dma_start3A_209 = arith.constant 0 : i32
          %dma_start3A_210 = tpu.memref_slice %arg6[%add3A_203, %dma_start3A_209] : memref<80x125xi32, #tpu.memory_space<vmem>> -> memref<1x125xi32, #tpu.memory_space<vmem>>
          %dma_start3A_211 = tpu.memref_squeeze %dma_start3A_210 : memref<1x125xi32, #tpu.memory_space<vmem>> -> memref<125xi32, #tpu.memory_space<vmem>>
          %dma_start3A_212 = arith.constant 0 : i32
          %dma_start3A_213 = arith.constant 0 : i32
          %dma_start3A_214 = tpu.memref_slice %arg18[%dma_start3A_212, %dma_start3A_213] : memref<10240x64xbf16, #tpu.memory_space<vmem_shared>> -> memref<10240x64xbf16, #tpu.memory_space<vmem_shared>>
          tpu.enqueue_indirect_dma source(%dma_start3A_214 : memref<10240x64xbf16, #tpu.memory_space<vmem_shared>>) target(%dma_start3A_208 : memref<125x64xbf16, #tpu.memory_space<vmem>>) offsets(%dma_start3A_211 : memref<125xi32, #tpu.memory_space<vmem>>) semaphore(%arg9 : memref<!tpu.dma_semaphore, #tpu.memory_space<semaphore_mem>>)
          %add3A_215 = arith.constant 1 : i32
          %add3A_216 = arith.addi %mul3A_131, %add3A_215 : i32
          %dma_start3A_217 = arith.constant 1 : i32
          %dma_start3A_218 = arith.constant 0 : i32
          %dma_start3A_219 = arith.constant 0 : i32
          %dma_start3A_220 = tpu.memref_slice %arg8[%dma_start3A_217, %dma_start3A_218, %dma_start3A_219] : memref<8x125x64xbf16, #tpu.memory_space<vmem>> -> memref<1x125x64xbf16, #tpu.memory_space<vmem>>
          %dma_start3A_221 = tpu.memref_squeeze %dma_start3A_220 : memref<1x125x64xbf16, #tpu.memory_space<vmem>> -> memref<125x64xbf16, #tpu.memory_space<vmem>>
          %dma_start3A_222 = arith.constant 0 : i32
          %dma_start3A_223 = tpu.memref_slice %arg6[%add3A_216, %dma_start3A_222] : memref<80x125xi32, #tpu.memory_space<vmem>> -> memref<1x125xi32, #tpu.memory_space<vmem>>
          %dma_start3A_224 = tpu.memref_squeeze %dma_start3A_223 : memref<1x125xi32, #tpu.memory_space<vmem>> -> memref<125xi32, #tpu.memory_space<vmem>>
          %dma_start3A_225 = arith.constant 0 : i32
          %dma_start3A_226 = arith.constant 0 : i32
          %dma_start3A_227 = tpu.memref_slice %arg18[%dma_start3A_225, %dma_start3A_226] : memref<10240x64xbf16, #tpu.memory_space<vmem_shared>> -> memref<10240x64xbf16, #tpu.memory_space<vmem_shared>>
          tpu.enqueue_indirect_dma source(%dma_start3A_227 : memref<10240x64xbf16, #tpu.memory_space<vmem_shared>>) target(%dma_start3A_221 : memref<125x64xbf16, #tpu.memory_space<vmem>>) offsets(%dma_start3A_224 : memref<125xi32, #tpu.memory_space<vmem>>) semaphore(%arg10 : memref<!tpu.dma_semaphore, #tpu.memory_space<semaphore_mem>>)
          %add3A_228 = arith.constant 2 : i32
          %add3A_229 = arith.addi %mul3A_131, %add3A_228 : i32
          %dma_start3A_230 = arith.constant 2 : i32
          %dma_start3A_231 = arith.constant 0 : i32
          %dma_start3A_232 = arith.constant 0 : i32
          %dma_start3A_233 = tpu.memref_slice %arg8[%dma_start3A_230, %dma_start3A_231, %dma_start3A_232] : memref<8x125x64xbf16, #tpu.memory_space<vmem>> -> memref<1x125x64xbf16, #tpu.memory_space<vmem>>
          %dma_start3A_234 = tpu.memref_squeeze %dma_start3A_233 : memref<1x125x64xbf16, #tpu.memory_space<vmem>> -> memref<125x64xbf16, #tpu.memory_space<vmem>>
          %dma_start3A_235 = arith.constant 0 : i32
          %dma_start3A_236 = tpu.memref_slice %arg6[%add3A_229, %dma_start3A_235] : memref<80x125xi32, #tpu.memory_space<vmem>> -> memref<1x125xi32, #tpu.memory_space<vmem>>
          %dma_start3A_237 = tpu.memref_squeeze %dma_start3A_236 : memref<1x125xi32, #tpu.memory_space<vmem>> -> memref<125xi32, #tpu.memory_space<vmem>>
          %dma_start3A_238 = arith.constant 0 : i32
          %dma_start3A_239 = arith.constant 0 : i32
          %dma_start3A_240 = tpu.memref_slice %arg18[%dma_start3A_238, %dma_start3A_239] : memref<10240x64xbf16, #tpu.memory_space<vmem_shared>> -> memref<10240x64xbf16, #tpu.memory_space<vmem_shared>>
          tpu.enqueue_indirect_dma source(%dma_start3A_240 : memref<10240x64xbf16, #tpu.memory_space<vmem_shared>>) target(%dma_start3A_234 : memref<125x64xbf16, #tpu.memory_space<vmem>>) offsets(%dma_start3A_237 : memref<125xi32, #tpu.memory_space<vmem>>) semaphore(%arg11 : memref<!tpu.dma_semaphore, #tpu.memory_space<semaphore_mem>>)
          %add3A_241 = arith.constant 3 : i32
          %add3A_242 = arith.addi %mul3A_131, %add3A_241 : i32
          %dma_start3A_243 = arith.constant 3 : i32
          %dma_start3A_244 = arith.constant 0 : i32
          %dma_start3A_245 = arith.constant 0 : i32
          %dma_start3A_246 = tpu.memref_slice %arg8[%dma_start3A_243, %dma_start3A_244, %dma_start3A_245] : memref<8x125x64xbf16, #tpu.memory_space<vmem>> -> memref<1x125x64xbf16, #tpu.memory_space<vmem>>
          %dma_start3A_247 = tpu.memref_squeeze %dma_start3A_246 : memref<1x125x64xbf16, #tpu.memory_space<vmem>> -> memref<125x64xbf16, #tpu.memory_space<vmem>>
          %dma_start3A_248 = arith.constant 0 : i32
          %dma_start3A_249 = tpu.memref_slice %arg6[%add3A_242, %dma_start3A_248] : memref<80x125xi32, #tpu.memory_space<vmem>> -> memref<1x125xi32, #tpu.memory_space<vmem>>
          %dma_start3A_250 = tpu.memref_squeeze %dma_start3A_249 : memref<1x125xi32, #tpu.memory_space<vmem>> -> memref<125xi32, #tpu.memory_space<vmem>>
          %dma_start3A_251 = arith.constant 0 : i32
          %dma_start3A_252 = arith.constant 0 : i32
          %dma_start3A_253 = tpu.memref_slice %arg18[%dma_start3A_251, %dma_start3A_252] : memref<10240x64xbf16, #tpu.memory_space<vmem_shared>> -> memref<10240x64xbf16, #tpu.memory_space<vmem_shared>>
          tpu.enqueue_indirect_dma source(%dma_start3A_253 : memref<10240x64xbf16, #tpu.memory_space<vmem_shared>>) target(%dma_start3A_247 : memref<125x64xbf16, #tpu.memory_space<vmem>>) offsets(%dma_start3A_250 : memref<125xi32, #tpu.memory_space<vmem>>) semaphore(%arg12 : memref<!tpu.dma_semaphore, #tpu.memory_space<semaphore_mem>>)
        } else {
        }
        %mul3A_139 = arith.constant 4 : i32
        %mul3A_140 = arith.muli %scan3A_94, %mul3A_139 : i32
        %add3A_141 = arith.constant 0 : i32
        %add3A_142 = arith.addi %mul3A_140, %add3A_141 : i32
        %dma_wait3A_143 = arith.constant 4 : i32
        %dma_wait3A_144 = arith.constant 0 : i32
        %dma_wait3A_145 = arith.constant 0 : i32
        %dma_wait3A_146 = tpu.memref_slice %arg8[%dma_wait3A_143, %dma_wait3A_144, %dma_wait3A_145] : memref<8x125x64xbf16, #tpu.memory_space<vmem>> -> memref<1x125x64xbf16, #tpu.memory_space<vmem>>
        %dma_wait3A_147 = tpu.memref_squeeze %dma_wait3A_146 : memref<1x125x64xbf16, #tpu.memory_space<vmem>> -> memref<125x64xbf16, #tpu.memory_space<vmem>>
        %dma_wait3A_148 = arith.constant 0 : i32
        %dma_wait3A_149 = tpu.memref_slice %arg6[%add3A_142, %dma_wait3A_148] : memref<80x125xi32, #tpu.memory_space<vmem>> -> memref<1x125xi32, #tpu.memory_space<vmem>>
        %dma_wait3A_150 = tpu.memref_squeeze %dma_wait3A_149 : memref<1x125xi32, #tpu.memory_space<vmem>> -> memref<125xi32, #tpu.memory_space<vmem>>
        %dma_wait3A_151 = arith.constant 0 : i32
        %dma_wait3A_152 = arith.constant 0 : i32
        %dma_wait3A_153 = tpu.memref_slice %arg18[%dma_wait3A_151, %dma_wait3A_152] : memref<10240x64xbf16, #tpu.memory_space<vmem_shared>> -> memref<10240x64xbf16, #tpu.memory_space<vmem_shared>>
        tpu.wait_indirect_dma semaphore(%arg13 : memref<!tpu.dma_semaphore, #tpu.memory_space<semaphore_mem>>) src(%dma_wait3A_153 : memref<10240x64xbf16, #tpu.memory_space<vmem_shared>>) dst(%dma_wait3A_147 : memref<125x64xbf16, #tpu.memory_space<vmem>>)
        %run_scoped3A = arith.constant 4 : i32
        "tpu.region"() ({
          %run_scoped3A_202 = tpu.sem_alloc : memref<!tpu.dma_semaphore, #tpu.memory_space<semaphore_mem>>
          %dma_start3A_203 = arith.constant 0 : i32
          %dma_start3A_204 = arith.constant 0 : i32
          %dma_start3A_205 = tpu.memref_slice %arg8[%run_scoped3A, %dma_start3A_203, %dma_start3A_204] : memref<8x125x64xbf16, #tpu.memory_space<vmem>> -> memref<1x125x64xbf16, #tpu.memory_space<vmem>>
          %dma_start3A_206 = tpu.memref_squeeze %dma_start3A_205 : memref<1x125x64xbf16, #tpu.memory_space<vmem>> -> memref<125x64xbf16, #tpu.memory_space<vmem>>
          %dma_start3A_207 = arith.constant 0 : i32
          %dma_start3A_208 = tpu.memref_slice %arg7[%add3A_142, %dma_start3A_207] : memref<80x125xi32, #tpu.memory_space<vmem>> -> memref<1x125xi32, #tpu.memory_space<vmem>>
          %dma_start3A_209 = tpu.memref_squeeze %dma_start3A_208 : memref<1x125xi32, #tpu.memory_space<vmem>> -> memref<125xi32, #tpu.memory_space<vmem>>
          %dma_start3A_210 = arith.constant 0 : i32
          %dma_start3A_211 = arith.constant 0 : i32
          %dma_start3A_212 = tpu.memref_slice %arg17[%dma_start3A_210, %dma_start3A_211] : memref<10240x64xbf16, #tpu.memory_space<vmem_shared>> -> memref<10240x64xbf16, #tpu.memory_space<vmem_shared>>
          tpu.enqueue_indirect_dma source(%dma_start3A_206 : memref<125x64xbf16, #tpu.memory_space<vmem>>) target(%dma_start3A_212 : memref<10240x64xbf16, #tpu.memory_space<vmem_shared>>) offsets(%dma_start3A_209 : memref<125xi32, #tpu.memory_space<vmem>>) semaphore(%run_scoped3A_202 : memref<!tpu.dma_semaphore, #tpu.memory_space<semaphore_mem>>) {add = true}
          %dma_wait3A_213 = arith.constant 0 : i32
          %dma_wait3A_214 = arith.constant 0 : i32
          %dma_wait3A_215 = tpu.memref_slice %arg8[%run_scoped3A, %dma_wait3A_213, %dma_wait3A_214] : memref<8x125x64xbf16, #tpu.memory_space<vmem>> -> memref<1x125x64xbf16, #tpu.memory_space<vmem>>
          %dma_wait3A_216 = tpu.memref_squeeze %dma_wait3A_215 : memref<1x125x64xbf16, #tpu.memory_space<vmem>> -> memref<125x64xbf16, #tpu.memory_space<vmem>>
          %dma_wait3A_217 = arith.constant 0 : i32
          %dma_wait3A_218 = tpu.memref_slice %arg7[%add3A_142, %dma_wait3A_217] : memref<80x125xi32, #tpu.memory_space<vmem>> -> memref<1x125xi32, #tpu.memory_space<vmem>>
          %dma_wait3A_219 = tpu.memref_squeeze %dma_wait3A_218 : memref<1x125xi32, #tpu.memory_space<vmem>> -> memref<125xi32, #tpu.memory_space<vmem>>
          %dma_wait3A_220 = arith.constant 0 : i32
          %dma_wait3A_221 = arith.constant 0 : i32
          %dma_wait3A_222 = tpu.memref_slice %arg17[%dma_wait3A_220, %dma_wait3A_221] : memref<10240x64xbf16, #tpu.memory_space<vmem_shared>> -> memref<10240x64xbf16, #tpu.memory_space<vmem_shared>>
          tpu.wait_indirect_dma semaphore(%run_scoped3A_202 : memref<!tpu.dma_semaphore, #tpu.memory_space<semaphore_mem>>) src(%dma_wait3A_216 : memref<125x64xbf16, #tpu.memory_space<vmem>>) dst(%dma_wait3A_222 : memref<10240x64xbf16, #tpu.memory_space<vmem_shared>>)
          tpu.yield
        }) : () -> ()
        %mul3A_154 = arith.constant 4 : i32
        %mul3A_155 = arith.muli %scan3A_94, %mul3A_154 : i32
        %add3A_156 = arith.constant 1 : i32
        %add3A_157 = arith.addi %mul3A_155, %add3A_156 : i32
        %dma_wait3A_158 = arith.constant 5 : i32
        %dma_wait3A_159 = arith.constant 0 : i32
        %dma_wait3A_160 = arith.constant 0 : i32
        %dma_wait3A_161 = tpu.memref_slice %arg8[%dma_wait3A_158, %dma_wait3A_159, %dma_wait3A_160] : memref<8x125x64xbf16, #tpu.memory_space<vmem>> -> memref<1x125x64xbf16, #tpu.memory_space<vmem>>
        %dma_wait3A_162 = tpu.memref_squeeze %dma_wait3A_161 : memref<1x125x64xbf16, #tpu.memory_space<vmem>> -> memref<125x64xbf16, #tpu.memory_space<vmem>>
        %dma_wait3A_163 = arith.constant 0 : i32
        %dma_wait3A_164 = tpu.memref_slice %arg6[%add3A_157, %dma_wait3A_163] : memref<80x125xi32, #tpu.memory_space<vmem>> -> memref<1x125xi32, #tpu.memory_space<vmem>>
        %dma_wait3A_165 = tpu.memref_squeeze %dma_wait3A_164 : memref<1x125xi32, #tpu.memory_space<vmem>> -> memref<125xi32, #tpu.memory_space<vmem>>
        %dma_wait3A_166 = arith.constant 0 : i32
        %dma_wait3A_167 = arith.constant 0 : i32
        %dma_wait3A_168 = tpu.memref_slice %arg18[%dma_wait3A_166, %dma_wait3A_167] : memref<10240x64xbf16, #tpu.memory_space<vmem_shared>> -> memref<10240x64xbf16, #tpu.memory_space<vmem_shared>>
        tpu.wait_indirect_dma semaphore(%arg14 : memref<!tpu.dma_semaphore, #tpu.memory_space<semaphore_mem>>) src(%dma_wait3A_168 : memref<10240x64xbf16, #tpu.memory_space<vmem_shared>>) dst(%dma_wait3A_162 : memref<125x64xbf16, #tpu.memory_space<vmem>>)
        %run_scoped3A_169 = arith.constant 5 : i32
        "tpu.region"() ({
          %run_scoped3A_202 = tpu.sem_alloc : memref<!tpu.dma_semaphore, #tpu.memory_space<semaphore_mem>>
          %dma_start3A_203 = arith.constant 0 : i32
          %dma_start3A_204 = arith.constant 0 : i32
          %dma_start3A_205 = tpu.memref_slice %arg8[%run_scoped3A_169, %dma_start3A_203, %dma_start3A_204] : memref<8x125x64xbf16, #tpu.memory_space<vmem>> -> memref<1x125x64xbf16, #tpu.memory_space<vmem>>
          %dma_start3A_206 = tpu.memref_squeeze %dma_start3A_205 : memref<1x125x64xbf16, #tpu.memory_space<vmem>> -> memref<125x64xbf16, #tpu.memory_space<vmem>>
          %dma_start3A_207 = arith.constant 0 : i32
          %dma_start3A_208 = tpu.memref_slice %arg7[%add3A_157, %dma_start3A_207] : memref<80x125xi32, #tpu.memory_space<vmem>> -> memref<1x125xi32, #tpu.memory_space<vmem>>
          %dma_start3A_209 = tpu.memref_squeeze %dma_start3A_208 : memref<1x125xi32, #tpu.memory_space<vmem>> -> memref<125xi32, #tpu.memory_space<vmem>>
          %dma_start3A_210 = arith.constant 0 : i32
          %dma_start3A_211 = arith.constant 0 : i32
          %dma_start3A_212 = tpu.memref_slice %arg17[%dma_start3A_210, %dma_start3A_211] : memref<10240x64xbf16, #tpu.memory_space<vmem_shared>> -> memref<10240x64xbf16, #tpu.memory_space<vmem_shared>>
          tpu.enqueue_indirect_dma source(%dma_start3A_206 : memref<125x64xbf16, #tpu.memory_space<vmem>>) target(%dma_start3A_212 : memref<10240x64xbf16, #tpu.memory_space<vmem_shared>>) offsets(%dma_start3A_209 : memref<125xi32, #tpu.memory_space<vmem>>) semaphore(%run_scoped3A_202 : memref<!tpu.dma_semaphore, #tpu.memory_space<semaphore_mem>>) {add = true}
          %dma_wait3A_213 = arith.constant 0 : i32
          %dma_wait3A_214 = arith.constant 0 : i32
          %dma_wait3A_215 = tpu.memref_slice %arg8[%run_scoped3A_169, %dma_wait3A_213, %dma_wait3A_214] : memref<8x125x64xbf16, #tpu.memory_space<vmem>> -> memref<1x125x64xbf16, #tpu.memory_space<vmem>>
          %dma_wait3A_216 = tpu.memref_squeeze %dma_wait3A_215 : memref<1x125x64xbf16, #tpu.memory_space<vmem>> -> memref<125x64xbf16, #tpu.memory_space<vmem>>
          %dma_wait3A_217 = arith.constant 0 : i32
          %dma_wait3A_218 = tpu.memref_slice %arg7[%add3A_157, %dma_wait3A_217] : memref<80x125xi32, #tpu.memory_space<vmem>> -> memref<1x125xi32, #tpu.memory_space<vmem>>
          %dma_wait3A_219 = tpu.memref_squeeze %dma_wait3A_218 : memref<1x125xi32, #tpu.memory_space<vmem>> -> memref<125xi32, #tpu.memory_space<vmem>>
          %dma_wait3A_220 = arith.constant 0 : i32
          %dma_wait3A_221 = arith.constant 0 : i32
          %dma_wait3A_222 = tpu.memref_slice %arg17[%dma_wait3A_220, %dma_wait3A_221] : memref<10240x64xbf16, #tpu.memory_space<vmem_shared>> -> memref<10240x64xbf16, #tpu.memory_space<vmem_shared>>
          tpu.wait_indirect_dma semaphore(%run_scoped3A_202 : memref<!tpu.dma_semaphore, #tpu.memory_space<semaphore_mem>>) src(%dma_wait3A_216 : memref<125x64xbf16, #tpu.memory_space<vmem>>) dst(%dma_wait3A_222 : memref<10240x64xbf16, #tpu.memory_space<vmem_shared>>)
          tpu.yield
        }) : () -> ()
        %mul3A_170 = arith.constant 4 : i32
        %mul3A_171 = arith.muli %scan3A_94, %mul3A_170 : i32
        %add3A_172 = arith.constant 2 : i32
        %add3A_173 = arith.addi %mul3A_171, %add3A_172 : i32
        %dma_wait3A_174 = arith.constant 6 : i32
        %dma_wait3A_175 = arith.constant 0 : i32
        %dma_wait3A_176 = arith.constant 0 : i32
        %dma_wait3A_177 = tpu.memref_slice %arg8[%dma_wait3A_174, %dma_wait3A_175, %dma_wait3A_176] : memref<8x125x64xbf16, #tpu.memory_space<vmem>> -> memref<1x125x64xbf16, #tpu.memory_space<vmem>>
        %dma_wait3A_178 = tpu.memref_squeeze %dma_wait3A_177 : memref<1x125x64xbf16, #tpu.memory_space<vmem>> -> memref<125x64xbf16, #tpu.memory_space<vmem>>
        %dma_wait3A_179 = arith.constant 0 : i32
        %dma_wait3A_180 = tpu.memref_slice %arg6[%add3A_173, %dma_wait3A_179] : memref<80x125xi32, #tpu.memory_space<vmem>> -> memref<1x125xi32, #tpu.memory_space<vmem>>
        %dma_wait3A_181 = tpu.memref_squeeze %dma_wait3A_180 : memref<1x125xi32, #tpu.memory_space<vmem>> -> memref<125xi32, #tpu.memory_space<vmem>>
        %dma_wait3A_182 = arith.constant 0 : i32
        %dma_wait3A_183 = arith.constant 0 : i32
        %dma_wait3A_184 = tpu.memref_slice %arg18[%dma_wait3A_182, %dma_wait3A_183] : memref<10240x64xbf16, #tpu.memory_space<vmem_shared>> -> memref<10240x64xbf16, #tpu.memory_space<vmem_shared>>
        tpu.wait_indirect_dma semaphore(%arg15 : memref<!tpu.dma_semaphore, #tpu.memory_space<semaphore_mem>>) src(%dma_wait3A_184 : memref<10240x64xbf16, #tpu.memory_space<vmem_shared>>) dst(%dma_wait3A_178 : memref<125x64xbf16, #tpu.memory_space<vmem>>)
        %run_scoped3A_185 = arith.constant 6 : i32
        "tpu.region"() ({
          %run_scoped3A_202 = tpu.sem_alloc : memref<!tpu.dma_semaphore, #tpu.memory_space<semaphore_mem>>
          %dma_start3A_203 = arith.constant 0 : i32
          %dma_start3A_204 = arith.constant 0 : i32
          %dma_start3A_205 = tpu.memref_slice %arg8[%run_scoped3A_185, %dma_start3A_203, %dma_start3A_204] : memref<8x125x64xbf16, #tpu.memory_space<vmem>> -> memref<1x125x64xbf16, #tpu.memory_space<vmem>>
          %dma_start3A_206 = tpu.memref_squeeze %dma_start3A_205 : memref<1x125x64xbf16, #tpu.memory_space<vmem>> -> memref<125x64xbf16, #tpu.memory_space<vmem>>
          %dma_start3A_207 = arith.constant 0 : i32
          %dma_start3A_208 = tpu.memref_slice %arg7[%add3A_173, %dma_start3A_207] : memref<80x125xi32, #tpu.memory_space<vmem>> -> memref<1x125xi32, #tpu.memory_space<vmem>>
          %dma_start3A_209 = tpu.memref_squeeze %dma_start3A_208 : memref<1x125xi32, #tpu.memory_space<vmem>> -> memref<125xi32, #tpu.memory_space<vmem>>
          %dma_start3A_210 = arith.constant 0 : i32
          %dma_start3A_211 = arith.constant 0 : i32
          %dma_start3A_212 = tpu.memref_slice %arg17[%dma_start3A_210, %dma_start3A_211] : memref<10240x64xbf16, #tpu.memory_space<vmem_shared>> -> memref<10240x64xbf16, #tpu.memory_space<vmem_shared>>
          tpu.enqueue_indirect_dma source(%dma_start3A_206 : memref<125x64xbf16, #tpu.memory_space<vmem>>) target(%dma_start3A_212 : memref<10240x64xbf16, #tpu.memory_space<vmem_shared>>) offsets(%dma_start3A_209 : memref<125xi32, #tpu.memory_space<vmem>>) semaphore(%run_scoped3A_202 : memref<!tpu.dma_semaphore, #tpu.memory_space<semaphore_mem>>) {add = true}
          %dma_wait3A_213 = arith.constant 0 : i32
          %dma_wait3A_214 = arith.constant 0 : i32
          %dma_wait3A_215 = tpu.memref_slice %arg8[%run_scoped3A_185, %dma_wait3A_213, %dma_wait3A_214] : memref<8x125x64xbf16, #tpu.memory_space<vmem>> -> memref<1x125x64xbf16, #tpu.memory_space<vmem>>
          %dma_wait3A_216 = tpu.memref_squeeze %dma_wait3A_215 : memref<1x125x64xbf16, #tpu.memory_space<vmem>> -> memref<125x64xbf16, #tpu.memory_space<vmem>>
          %dma_wait3A_217 = arith.constant 0 : i32
          %dma_wait3A_218 = tpu.memref_slice %arg7[%add3A_173, %dma_wait3A_217] : memref<80x125xi32, #tpu.memory_space<vmem>> -> memref<1x125xi32, #tpu.memory_space<vmem>>
          %dma_wait3A_219 = tpu.memref_squeeze %dma_wait3A_218 : memref<1x125xi32, #tpu.memory_space<vmem>> -> memref<125xi32, #tpu.memory_space<vmem>>
          %dma_wait3A_220 = arith.constant 0 : i32
          %dma_wait3A_221 = arith.constant 0 : i32
          %dma_wait3A_222 = tpu.memref_slice %arg17[%dma_wait3A_220, %dma_wait3A_221] : memref<10240x64xbf16, #tpu.memory_space<vmem_shared>> -> memref<10240x64xbf16, #tpu.memory_space<vmem_shared>>
          tpu.wait_indirect_dma semaphore(%run_scoped3A_202 : memref<!tpu.dma_semaphore, #tpu.memory_space<semaphore_mem>>) src(%dma_wait3A_216 : memref<125x64xbf16, #tpu.memory_space<vmem>>) dst(%dma_wait3A_222 : memref<10240x64xbf16, #tpu.memory_space<vmem_shared>>)
          tpu.yield
        }) : () -> ()
        %mul3A_186 = arith.constant 4 : i32
        %mul3A_187 = arith.muli %scan3A_94, %mul3A_186 : i32
        %add3A_188 = arith.constant 3 : i32
        %add3A_189 = arith.addi %mul3A_187, %add3A_188 : i32
        %dma_wait3A_190 = arith.constant 7 : i32
        %dma_wait3A_191 = arith.constant 0 : i32
        %dma_wait3A_192 = arith.constant 0 : i32
        %dma_wait3A_193 = tpu.memref_slice %arg8[%dma_wait3A_190, %dma_wait3A_191, %dma_wait3A_192] : memref<8x125x64xbf16, #tpu.memory_space<vmem>> -> memref<1x125x64xbf16, #tpu.memory_space<vmem>>
        %dma_wait3A_194 = tpu.memref_squeeze %dma_wait3A_193 : memref<1x125x64xbf16, #tpu.memory_space<vmem>> -> memref<125x64xbf16, #tpu.memory_space<vmem>>
        %dma_wait3A_195 = arith.constant 0 : i32
        %dma_wait3A_196 = tpu.memref_slice %arg6[%add3A_189, %dma_wait3A_195] : memref<80x125xi32, #tpu.memory_space<vmem>> -> memref<1x125xi32, #tpu.memory_space<vmem>>
        %dma_wait3A_197 = tpu.memref_squeeze %dma_wait3A_196 : memref<1x125xi32, #tpu.memory_space<vmem>> -> memref<125xi32, #tpu.memory_space<vmem>>
        %dma_wait3A_198 = arith.constant 0 : i32
        %dma_wait3A_199 = arith.constant 0 : i32
        %dma_wait3A_200 = tpu.memref_slice %arg18[%dma_wait3A_198, %dma_wait3A_199] : memref<10240x64xbf16, #tpu.memory_space<vmem_shared>> -> memref<10240x64xbf16, #tpu.memory_space<vmem_shared>>
        tpu.wait_indirect_dma semaphore(%arg16 : memref<!tpu.dma_semaphore, #tpu.memory_space<semaphore_mem>>) src(%dma_wait3A_200 : memref<10240x64xbf16, #tpu.memory_space<vmem_shared>>) dst(%dma_wait3A_194 : memref<125x64xbf16, #tpu.memory_space<vmem>>)
        %run_scoped3A_201 = arith.constant 7 : i32
        "tpu.region"() ({
          %run_scoped3A_202 = tpu.sem_alloc : memref<!tpu.dma_semaphore, #tpu.memory_space<semaphore_mem>>
          %dma_start3A_203 = arith.constant 0 : i32
          %dma_start3A_204 = arith.constant 0 : i32
          %dma_start3A_205 = tpu.memref_slice %arg8[%run_scoped3A_201, %dma_start3A_203, %dma_start3A_204] : memref<8x125x64xbf16, #tpu.memory_space<vmem>> -> memref<1x125x64xbf16, #tpu.memory_space<vmem>>
          %dma_start3A_206 = tpu.memref_squeeze %dma_start3A_205 : memref<1x125x64xbf16, #tpu.memory_space<vmem>> -> memref<125x64xbf16, #tpu.memory_space<vmem>>
          %dma_start3A_207 = arith.constant 0 : i32
          %dma_start3A_208 = tpu.memref_slice %arg7[%add3A_189, %dma_start3A_207] : memref<80x125xi32, #tpu.memory_space<vmem>> -> memref<1x125xi32, #tpu.memory_space<vmem>>
          %dma_start3A_209 = tpu.memref_squeeze %dma_start3A_208 : memref<1x125xi32, #tpu.memory_space<vmem>> -> memref<125xi32, #tpu.memory_space<vmem>>
          %dma_start3A_210 = arith.constant 0 : i32
          %dma_start3A_211 = arith.constant 0 : i32
          %dma_start3A_212 = tpu.memref_slice %arg17[%dma_start3A_210, %dma_start3A_211] : memref<10240x64xbf16, #tpu.memory_space<vmem_shared>> -> memref<10240x64xbf16, #tpu.memory_space<vmem_shared>>
          tpu.enqueue_indirect_dma source(%dma_start3A_206 : memref<125x64xbf16, #tpu.memory_space<vmem>>) target(%dma_start3A_212 : memref<10240x64xbf16, #tpu.memory_space<vmem_shared>>) offsets(%dma_start3A_209 : memref<125xi32, #tpu.memory_space<vmem>>) semaphore(%run_scoped3A_202 : memref<!tpu.dma_semaphore, #tpu.memory_space<semaphore_mem>>) {add = true}
          %dma_wait3A_213 = arith.constant 0 : i32
          %dma_wait3A_214 = arith.constant 0 : i32
          %dma_wait3A_215 = tpu.memref_slice %arg8[%run_scoped3A_201, %dma_wait3A_213, %dma_wait3A_214] : memref<8x125x64xbf16, #tpu.memory_space<vmem>> -> memref<1x125x64xbf16, #tpu.memory_space<vmem>>
          %dma_wait3A_216 = tpu.memref_squeeze %dma_wait3A_215 : memref<1x125x64xbf16, #tpu.memory_space<vmem>> -> memref<125x64xbf16, #tpu.memory_space<vmem>>
          %dma_wait3A_217 = arith.constant 0 : i32
          %dma_wait3A_218 = tpu.memref_slice %arg7[%add3A_189, %dma_wait3A_217] : memref<80x125xi32, #tpu.memory_space<vmem>> -> memref<1x125xi32, #tpu.memory_space<vmem>>
          %dma_wait3A_219 = tpu.memref_squeeze %dma_wait3A_218 : memref<1x125xi32, #tpu.memory_space<vmem>> -> memref<125xi32, #tpu.memory_space<vmem>>
          %dma_wait3A_220 = arith.constant 0 : i32
          %dma_wait3A_221 = arith.constant 0 : i32
          %dma_wait3A_222 = tpu.memref_slice %arg17[%dma_wait3A_220, %dma_wait3A_221] : memref<10240x64xbf16, #tpu.memory_space<vmem_shared>> -> memref<10240x64xbf16, #tpu.memory_space<vmem_shared>>
          tpu.wait_indirect_dma semaphore(%run_scoped3A_202 : memref<!tpu.dma_semaphore, #tpu.memory_space<semaphore_mem>>) src(%dma_wait3A_216 : memref<125x64xbf16, #tpu.memory_space<vmem>>) dst(%dma_wait3A_222 : memref<10240x64xbf16, #tpu.memory_space<vmem_shared>>)
          tpu.yield
        }) : () -> ()
      } else {
      }
    }
    %scan3A_89 = arith.constant 20 : i32
    %barrier3A_90 = arith.constant 0 : index
    tpu.barrier barrier_id(%barrier3A_90)
    %mul3A_91 = arith.constant 10240 : i32
    %mul3A_92 = arith.muli %arg0, %mul3A_91 : i32
    %add3A_93 = arith.addi %mul3A_92, %mul3A_2 : i32
    "tpu.region"() ({
      %run_scoped3A = tpu.sem_alloc : memref<!tpu.dma_semaphore, #tpu.memory_space<semaphore_mem>>
      %dma_start3A_94 = arith.constant 0 : i32
      %dma_start3A_95 = tpu.memref_slice %arg5[%add3A_93, %dma_start3A_94] : memref<20480x64xbf16, #tpu.memory_space<hbm>> -> memref<640x64xbf16, #tpu.memory_space<hbm>>
      %dma_start3A_96 = arith.constant 0 : i32
      %dma_start3A_97 = tpu.memref_slice %arg17[%mul3A_2, %dma_start3A_96] : memref<10240x64xbf16, #tpu.memory_space<vmem_shared>> -> memref<640x64xbf16, #tpu.memory_space<vmem_shared>>
      tpu.enqueue_dma source(%dma_start3A_97 : memref<640x64xbf16, #tpu.memory_space<vmem_shared>>) target(%dma_start3A_95 : memref<640x64xbf16, #tpu.memory_space<hbm>>) target_semaphore(%run_scoped3A : memref<!tpu.dma_semaphore, #tpu.memory_space<semaphore_mem>>)
      %dma_wait3A_98 = arith.constant 0 : i32
      %dma_wait3A_99 = tpu.memref_slice %arg5[%add3A_93, %dma_wait3A_98] : memref<20480x64xbf16, #tpu.memory_space<hbm>> -> memref<640x64xbf16, #tpu.memory_space<hbm>>
      %dma_wait3A_100 = arith.constant 0 : i32
      %dma_wait3A_101 = tpu.memref_slice %arg17[%mul3A_2, %dma_wait3A_100] : memref<10240x64xbf16, #tpu.memory_space<vmem_shared>> -> memref<640x64xbf16, #tpu.memory_space<vmem_shared>>
      tpu.wait_dma2 semaphore(%run_scoped3A : memref<!tpu.dma_semaphore, #tpu.memory_space<semaphore_mem>>) src(%dma_wait3A_101 : memref<640x64xbf16, #tpu.memory_space<vmem_shared>>) dst(%dma_wait3A_99 : memref<640x64xbf16, #tpu.memory_space<hbm>>)
      tpu.yield
    }) : () -> ()
    return
  }
}

module attributes {stable_mosaic.version = 14 : i64} {
  func.func @body(%arg0: memref<10000x128xf32, #tpu.memory_space<vmem>>, %arg1: memref<128x64xf32, #tpu.memory_space<vmem>>, %arg2: memref<20480x8xbf16, #tpu.memory_space<vmem>>, %arg3: memref<10240x64xbf16, #tpu.memory_space<vmem>>, %arg4: memref<10240x8xf32, #tpu.memory_space<vmem>>) attributes {dimension_semantics = [], scalar_prefetch = 0 : i64, scratch_operands = 0 : i64, tpu.core_type = #tpu.core_type<tc>} {
    %get3A = arith.constant 0 : index
    %get3A_0 = arith.constant 0 : index
    %get3A_1 = vector.load %arg2[%get3A, %get3A_0] : memref<20480x8xbf16, #tpu.memory_space<vmem>>, vector<10240x1xbf16>
    %convert_element_type3A = arith.extf %get3A_1 : vector<10240x1xbf16> to vector<10240x1xf32>
    %get3A_2 = arith.constant 10240 : index
    %get3A_3 = arith.constant 0 : index
    %get3A_4 = vector.load %arg2[%get3A_2, %get3A_3] : memref<20480x8xbf16, #tpu.memory_space<vmem>>, vector<10240x1xbf16>
    %convert_element_type3A_5 = arith.extf %get3A_4 : vector<10240x1xbf16> to vector<10240x1xf32>
    %add3A = arith.addf %convert_element_type3A, %convert_element_type3A_5 : vector<10240x1xf32>
    %add3A_6 = arith.constant 1.000000e+00 : f32
    %add3A_7 = vector.broadcast %add3A_6 : f32 to vector<10240x1xf32>
    %add3A_8 = arith.addf %add3A, %add3A_7 : vector<10240x1xf32>
    %iota3A = tpu.iota {dimensions = array<i32: 0>} : vector<10240x1xi32>
    %lt3A = arith.constant 10000 : i32
    %lt3A_9 = vector.broadcast %lt3A : i32 to vector<10240x1xi32>
    %lt3A_10 = arith.cmpi slt, %iota3A, %lt3A_9 : vector<10240x1xi32>
    %rsqrt3A = math.rsqrt %add3A_8 : vector<10240x1xf32>
    %jit3A = arith.constant 0.000000e+00 : f32
    %broadcast_in_dim3A = vector.broadcast %jit3A : f32 to vector<10240x1xf32>
    %select_n3A = arith.select %lt3A_10, %rsqrt3A, %broadcast_in_dim3A : vector<10240x1xi1>, vector<10240x1xf32>
    %get3A_11 = arith.constant 0 : index
    %get3A_12 = arith.constant 0 : index
    %get3A_13 = vector.load %arg0[%get3A_11, %get3A_12] : memref<10000x128xf32, #tpu.memory_space<vmem>>, vector<10000x128xf32>
    %convert_element_type3A_14 = arith.truncf %get3A_13 : vector<10000x128xf32> to vector<10000x128xbf16>
    %get3A_15 = arith.constant 0 : index
    %get3A_16 = arith.constant 0 : index
    %get3A_17 = vector.load %arg1[%get3A_15, %get3A_16] : memref<128x64xf32, #tpu.memory_space<vmem>>, vector<128x64xf32>
    %convert_element_type3A_18 = arith.truncf %get3A_17 : vector<128x64xf32> to vector<128x64xbf16>
    %dot_general3A = arith.constant dense<0.000000e+00> : vector<10000x64xf32>
    %dot_general3A_19 = tpu.matmul %convert_element_type3A_14, %convert_element_type3A_18, %dot_general3A {dimension_numbers = #tpu.dot_dimension_numbers<[1], [0], [0], [1], [0, 0, 1, 1], [], []>, transpose_lhs_hint = false} : vector<10000x128xbf16>, vector<128x64xbf16>, vector<10000x64xf32> -> vector<10000x64xf32>
    %slice3A = vector.extract_strided_slice %select_n3A {offsets = [0, 0], sizes = [10000, 1], strides = [1, 1]} : vector<10240x1xf32> to vector<10000x1xf32>
    %mul3A = vector.broadcast %slice3A : vector<10000x1xf32> to vector<10000x64xf32>
    %mul3A_20 = arith.mulf %dot_general3A_19, %mul3A : vector<10000x64xf32>
    %broadcast_in_dim3A_21 = arith.constant 0.000000e+00 : f32
    %broadcast_in_dim3A_22 = vector.broadcast %broadcast_in_dim3A_21 : f32 to vector<240x64xf32>
    %concatenate3A = tpu.concatenate %mul3A_20, %broadcast_in_dim3A_22 in 0 : vector<10000x64xf32>, vector<240x64xf32> -> vector<10240x64xf32>
    %convert_element_type3A_23 = arith.truncf %concatenate3A : vector<10240x64xf32> to vector<10240x64xbf16>
    %swap3A = arith.constant 0 : index
    %swap3A_24 = arith.constant 0 : index
    %swap3A_25 = vector.load %arg3[%swap3A, %swap3A_24] : memref<10240x64xbf16, #tpu.memory_space<vmem>>, vector<10240x64xbf16>
    tpu.vector_store %arg3[%swap3A, %swap3A_24], %convert_element_type3A_23 {strides = array<i32>} : memref<10240x64xbf16, #tpu.memory_space<vmem>>, vector<10240x64xbf16>,
    %broadcast_in_dim3A_26 = vector.shape_cast %select_n3A : vector<10240x1xf32> to vector<10240x1xf32>
    %broadcast_in_dim3A_27 = vector.broadcast %broadcast_in_dim3A_26 : vector<10240x1xf32> to vector<10240x8xf32>
    %swap3A_28 = arith.constant 0 : index
    %swap3A_29 = arith.constant 0 : index
    %swap3A_30 = vector.load %arg4[%swap3A_28, %swap3A_29] : memref<10240x8xf32, #tpu.memory_space<vmem>>, vector<10240x8xf32>
    tpu.vector_store %arg4[%swap3A_28, %swap3A_29], %broadcast_in_dim3A_27 {strides = array<i32>} : memref<10240x8xf32, #tpu.memory_space<vmem>>, vector<10240x8xf32>,
    return
  }
}

module attributes {stable_mosaic.version = 14 : i64} {
  func.func @body(%arg0: memref<20480x64xbf16, #tpu.memory_space<vmem>>, %arg1: memref<10240x64xbf16, #tpu.memory_space<vmem>>, %arg2: memref<10240x8xf32, #tpu.memory_space<vmem>>, %arg3: memref<1x64xf32, #tpu.memory_space<vmem>>, %arg4: memref<64x64xf32, #tpu.memory_space<vmem>>, %arg5: memref<10240x64xbf16, #tpu.memory_space<vmem>>) attributes {dimension_semantics = [], scalar_prefetch = 0 : i64, scratch_operands = 0 : i64, tpu.core_type = #tpu.core_type<tc>} {
    %get3A = arith.constant 0 : index
    %get3A_0 = arith.constant 0 : index
    %get3A_1 = vector.load %arg2[%get3A, %get3A_0] : memref<10240x8xf32, #tpu.memory_space<vmem>>, vector<10240x1xf32>
    %get3A_2 = arith.constant 0 : index
    %get3A_3 = arith.constant 0 : index
    %get3A_4 = vector.load %arg0[%get3A_2, %get3A_3] : memref<20480x64xbf16, #tpu.memory_space<vmem>>, vector<10240x64xbf16>
    %convert_element_type3A = arith.extf %get3A_4 : vector<10240x64xbf16> to vector<10240x64xf32>
    %get3A_5 = arith.constant 10240 : index
    %get3A_6 = arith.constant 0 : index
    %get3A_7 = vector.load %arg0[%get3A_5, %get3A_6] : memref<20480x64xbf16, #tpu.memory_space<vmem>>, vector<10240x64xbf16>
    %convert_element_type3A_8 = arith.extf %get3A_7 : vector<10240x64xbf16> to vector<10240x64xf32>
    %add3A = arith.addf %convert_element_type3A, %convert_element_type3A_8 : vector<10240x64xf32>
    %get3A_9 = arith.constant 0 : index
    %get3A_10 = arith.constant 0 : index
    %get3A_11 = vector.load %arg1[%get3A_9, %get3A_10] : memref<10240x64xbf16, #tpu.memory_space<vmem>>, vector<10240x64xbf16>
    %convert_element_type3A_12 = arith.extf %get3A_11 : vector<10240x64xbf16> to vector<10240x64xf32>
    %add3A_13 = arith.addf %add3A, %convert_element_type3A_12 : vector<10240x64xf32>
    %mul3A = vector.broadcast %get3A_1 : vector<10240x1xf32> to vector<10240x64xf32>
    %mul3A_14 = arith.mulf %mul3A, %add3A_13 : vector<10240x64xf32>
    %get3A_15 = arith.constant 0 : index
    %get3A_16 = arith.constant 0 : index
    %get3A_17 = vector.load %arg3[%get3A_15, %get3A_16] : memref<1x64xf32, #tpu.memory_space<vmem>>, vector<1x64xf32>
    %add3A_18 = vector.broadcast %get3A_17 : vector<1x64xf32> to vector<10240x64xf32>
    %add3A_19 = arith.addf %mul3A_14, %add3A_18 : vector<10240x64xf32>
    %max3A = arith.constant 0.000000e+00 : f32
    %max3A_20 = vector.broadcast %max3A : f32 to vector<10240x64xf32>
    %max3A_21 = arith.maximumf %add3A_19, %max3A_20 : vector<10240x64xf32>
    %convert_element_type3A_22 = arith.truncf %max3A_21 : vector<10240x64xf32> to vector<10240x64xbf16>
    %get3A_23 = arith.constant 0 : index
    %get3A_24 = arith.constant 0 : index
    %get3A_25 = vector.load %arg4[%get3A_23, %get3A_24] : memref<64x64xf32, #tpu.memory_space<vmem>>, vector<64x64xf32>
    %convert_element_type3A_26 = arith.truncf %get3A_25 : vector<64x64xf32> to vector<64x64xbf16>
    %dot_general3A = arith.constant dense<0.000000e+00> : vector<10240x64xf32>
    %dot_general3A_27 = tpu.matmul %convert_element_type3A_22, %convert_element_type3A_26, %dot_general3A {dimension_numbers = #tpu.dot_dimension_numbers<[1], [0], [0], [1], [0, 0, 1, 1], [], []>, transpose_lhs_hint = false} : vector<10240x64xbf16>, vector<64x64xbf16>, vector<10240x64xf32> -> vector<10240x64xf32>
    %mul3A_28 = vector.broadcast %get3A_1 : vector<10240x1xf32> to vector<10240x64xf32>
    %mul3A_29 = arith.mulf %mul3A_28, %dot_general3A_27 : vector<10240x64xf32>
    %convert_element_type3A_30 = arith.truncf %mul3A_29 : vector<10240x64xf32> to vector<10240x64xbf16>
    %swap3A = arith.constant 0 : index
    %swap3A_31 = arith.constant 0 : index
    %swap3A_32 = vector.load %arg5[%swap3A, %swap3A_31] : memref<10240x64xbf16, #tpu.memory_space<vmem>>, vector<10240x64xbf16>
    tpu.vector_store %arg5[%swap3A, %swap3A_31], %convert_element_type3A_30 {strides = array<i32>} : memref<10240x64xbf16, #tpu.memory_space<vmem>>, vector<10240x64xbf16>,
    return
  }
}

module attributes {stable_mosaic.version = 14 : i64} {
  func.func @body(%arg0: memref<20480x64xbf16, #tpu.memory_space<vmem>>, %arg1: memref<10240x64xbf16, #tpu.memory_space<vmem>>, %arg2: memref<10240x8xf32, #tpu.memory_space<vmem>>, %arg3: memref<1x64xf32, #tpu.memory_space<vmem>>, %arg4: memref<1x10240xi32, #tpu.memory_space<vmem>>, %arg5: memref<64x32xf32, #tpu.memory_space<vmem>>, %arg6: memref<1x32xf32, #tpu.memory_space<vmem>>, %arg7: memref<32x2xf32, #tpu.memory_space<vmem>>, %arg8: memref<1x2xf32, #tpu.memory_space<vmem>>, %arg9: memref<64x2xf32, #tpu.memory_space<vmem>>) attributes {dimension_semantics = [], scalar_prefetch = 0 : i64, scratch_operands = 0 : i64, tpu.core_type = #tpu.core_type<tc>} {
    %get3A = arith.constant 0 : index
    %get3A_0 = arith.constant 0 : index
    %get3A_1 = vector.load %arg2[%get3A, %get3A_0] : memref<10240x8xf32, #tpu.memory_space<vmem>>, vector<10240x1xf32>
    %get3A_2 = arith.constant 0 : index
    %get3A_3 = arith.constant 0 : index
    %get3A_4 = vector.load %arg0[%get3A_2, %get3A_3] : memref<20480x64xbf16, #tpu.memory_space<vmem>>, vector<10240x64xbf16>
    %convert_element_type3A = arith.extf %get3A_4 : vector<10240x64xbf16> to vector<10240x64xf32>
    %get3A_5 = arith.constant 10240 : index
    %get3A_6 = arith.constant 0 : index
    %get3A_7 = vector.load %arg0[%get3A_5, %get3A_6] : memref<20480x64xbf16, #tpu.memory_space<vmem>>, vector<10240x64xbf16>
    %convert_element_type3A_8 = arith.extf %get3A_7 : vector<10240x64xbf16> to vector<10240x64xf32>
    %add3A = arith.addf %convert_element_type3A, %convert_element_type3A_8 : vector<10240x64xf32>
    %get3A_9 = arith.constant 0 : index
    %get3A_10 = arith.constant 0 : index
    %get3A_11 = vector.load %arg1[%get3A_9, %get3A_10] : memref<10240x64xbf16, #tpu.memory_space<vmem>>, vector<10240x64xbf16>
    %convert_element_type3A_12 = arith.extf %get3A_11 : vector<10240x64xbf16> to vector<10240x64xf32>
    %add3A_13 = arith.addf %add3A, %convert_element_type3A_12 : vector<10240x64xf32>
    %mul3A = vector.broadcast %get3A_1 : vector<10240x1xf32> to vector<10240x64xf32>
    %mul3A_14 = arith.mulf %mul3A, %add3A_13 : vector<10240x64xf32>
    %get3A_15 = arith.constant 0 : index
    %get3A_16 = arith.constant 0 : index
    %get3A_17 = vector.load %arg3[%get3A_15, %get3A_16] : memref<1x64xf32, #tpu.memory_space<vmem>>, vector<1x64xf32>
    %add3A_18 = vector.broadcast %get3A_17 : vector<1x64xf32> to vector<10240x64xf32>
    %add3A_19 = arith.addf %mul3A_14, %add3A_18 : vector<10240x64xf32>
    %max3A = arith.constant 0.000000e+00 : f32
    %max3A_20 = vector.broadcast %max3A : f32 to vector<10240x64xf32>
    %max3A_21 = arith.maximumf %add3A_19, %max3A_20 : vector<10240x64xf32>
    %iota3A = tpu.iota {dimensions = array<i32: 0>} : vector<64x10240xi32>
    %get3A_22 = arith.constant 0 : index
    %get3A_23 = arith.constant 0 : index
    %get3A_24 = vector.load %arg4[%get3A_22, %get3A_23] : memref<1x10240xi32, #tpu.memory_space<vmem>>, vector<1x10240xi32>
    %eq3A = vector.broadcast %get3A_24 : vector<1x10240xi32> to vector<64x10240xi32>
    %eq3A_25 = arith.cmpi eq, %iota3A, %eq3A : vector<64x10240xi32>
    %convert_element_type3A_26 = arith.extui %eq3A_25 : vector<64x10240xi1> to vector<64x10240xi32>
    %convert_element_type3A_27 = arith.sitofp %convert_element_type3A_26 : vector<64x10240xi32> to vector<64x10240xf32>
    %convert_element_type3A_28 = arith.truncf %convert_element_type3A_27 : vector<64x10240xf32> to vector<64x10240xbf16>
    %convert_element_type3A_29 = arith.truncf %max3A_21 : vector<10240x64xf32> to vector<10240x64xbf16>
    %dot_general3A = arith.constant dense<0.000000e+00> : vector<64x64xf32>
    %dot_general3A_30 = tpu.matmul %convert_element_type3A_28, %convert_element_type3A_29, %dot_general3A {dimension_numbers = #tpu.dot_dimension_numbers<[1], [0], [0], [1], [0, 0, 1, 1], [], []>, transpose_lhs_hint = false} : vector<64x10240xbf16>, vector<10240x64xbf16>, vector<64x64xf32> -> vector<64x64xf32>
    %convert_element_type3A_31 = arith.extf %convert_element_type3A_28 : vector<64x10240xbf16> to vector<64x10240xf32>
    %reduce_sum3A = arith.constant dense<0.000000e+00> : vector<64xf32>
    %reduce_sum3A_32 = vector.multi_reduction <add>, %convert_element_type3A_31, %reduce_sum3A [1] : vector<64x10240xf32> to vector<64xf32>
    %broadcast_in_dim3A = vector.shape_cast %reduce_sum3A_32 : vector<64xf32> to vector<64x1xf32>
    %max3A_33 = arith.constant 1.000000e+00 : f32
    %max3A_34 = vector.broadcast %max3A_33 : f32 to vector<64x1xf32>
    %max3A_35 = arith.maximumf %broadcast_in_dim3A, %max3A_34 : vector<64x1xf32>
    %div3A = vector.broadcast %max3A_35 : vector<64x1xf32> to vector<64x64xf32>
    %div3A_36 = arith.divf %dot_general3A_30, %div3A : vector<64x64xf32>
    %get3A_37 = arith.constant 0 : index
    %get3A_38 = arith.constant 0 : index
    %get3A_39 = vector.load %arg5[%get3A_37, %get3A_38] : memref<64x32xf32, #tpu.memory_space<vmem>>, vector<64x32xf32>
    %dot_general3A_40 = arith.constant dense<0.000000e+00> : vector<64x32xf32>
    %dot_general3A_41 = tpu.matmul %div3A_36, %get3A_39, %dot_general3A_40 {dimension_numbers = #tpu.dot_dimension_numbers<[1], [0], [0], [1], [0, 0, 1, 1], [], []>, precision = #tpu.contract_precision<fp32>, transpose_lhs_hint = false} : vector<64x64xf32>, vector<64x32xf32>, vector<64x32xf32> -> vector<64x32xf32>
    %get3A_42 = arith.constant 0 : index
    %get3A_43 = arith.constant 0 : index
    %get3A_44 = vector.load %arg6[%get3A_42, %get3A_43] : memref<1x32xf32, #tpu.memory_space<vmem>>, vector<1x32xf32>
    %add3A_45 = vector.broadcast %get3A_44 : vector<1x32xf32> to vector<64x32xf32>
    %add3A_46 = arith.addf %dot_general3A_41, %add3A_45 : vector<64x32xf32>
    %max3A_47 = arith.constant 0.000000e+00 : f32
    %max3A_48 = vector.broadcast %max3A_47 : f32 to vector<64x32xf32>
    %max3A_49 = arith.maximumf %add3A_46, %max3A_48 : vector<64x32xf32>
    %get3A_50 = arith.constant 0 : index
    %get3A_51 = arith.constant 0 : index
    %get3A_52 = vector.load %arg7[%get3A_50, %get3A_51] : memref<32x2xf32, #tpu.memory_space<vmem>>, vector<32x2xf32>
    %dot_general3A_53 = arith.constant dense<0.000000e+00> : vector<64x2xf32>
    %dot_general3A_54 = tpu.matmul %max3A_49, %get3A_52, %dot_general3A_53 {dimension_numbers = #tpu.dot_dimension_numbers<[1], [0], [0], [1], [0, 0, 1, 1], [], []>, precision = #tpu.contract_precision<fp32>, transpose_lhs_hint = false} : vector<64x32xf32>, vector<32x2xf32>, vector<64x2xf32> -> vector<64x2xf32>
    %get3A_55 = arith.constant 0 : index
    %get3A_56 = arith.constant 0 : index
    %get3A_57 = vector.load %arg8[%get3A_55, %get3A_56] : memref<1x2xf32, #tpu.memory_space<vmem>>, vector<1x2xf32>
    %add3A_58 = vector.broadcast %get3A_57 : vector<1x2xf32> to vector<64x2xf32>
    %add3A_59 = arith.addf %dot_general3A_54, %add3A_58 : vector<64x2xf32>
    %reduce_max3A = arith.constant dense<0xFF800000> : vector<64xf32>
    %reduce_max3A_60 = vector.multi_reduction <maximumf>, %add3A_59, %reduce_max3A [1] : vector<64x2xf32> to vector<64xf32>
    %broadcast_in_dim3A_61 = vector.shape_cast %reduce_max3A_60 : vector<64xf32> to vector<64x1xf32>
    %sub3A = vector.broadcast %broadcast_in_dim3A_61 : vector<64x1xf32> to vector<64x2xf32>
    %sub3A_62 = arith.subf %add3A_59, %sub3A : vector<64x2xf32>
    %exp3A = math.exp %sub3A_62 : vector<64x2xf32>
    %reduce_sum3A_63 = arith.constant dense<0.000000e+00> : vector<64xf32>
    %reduce_sum3A_64 = vector.multi_reduction <add>, %exp3A, %reduce_sum3A_63 [1] : vector<64x2xf32> to vector<64xf32>
    %broadcast_in_dim3A_65 = vector.shape_cast %reduce_sum3A_64 : vector<64xf32> to vector<64x1xf32>
    %log3A = math.log %broadcast_in_dim3A_65 : vector<64x1xf32>
    %sub3A_66 = vector.broadcast %log3A : vector<64x1xf32> to vector<64x2xf32>
    %sub3A_67 = arith.subf %sub3A_62, %sub3A_66 : vector<64x2xf32>
    %swap3A = arith.constant 0 : index
    %swap3A_68 = arith.constant 0 : index
    %swap3A_69 = vector.load %arg9[%swap3A, %swap3A_68] : memref<64x2xf32, #tpu.memory_space<vmem>>, vector<64x2xf32>
    tpu.vector_store %arg9[%swap3A, %swap3A_68], %sub3A_67 {strides = array<i32>} : memref<64x2xf32, #tpu.memory_space<vmem>>, vector<64x2xf32>,
    return
  }
}

</mosaic_0001>

<sc_bundles>
// kernel: kernel.10.cloned.1.call-start
scs
__scs_entry_jumppad:
0x0: {  	(pc) =	sbr.rel $0x88, $3  }
0x1: {  	(tag) =	ssettag $0x0;
	lr =	simm.s32 $0x1  }
0x2: {  	[smem:$0x3F94] =	sst lr;
	_ =	strace $0xD0000000  }
0x3: {  	_ = 	snop  }
0x4: {  	_ = 	snop  }
0x5: {  	_ = 	snop  }
0x6: {  	_ = 	snop  }
0x7: {  	_ = 	snop  }
__scs_overlays_trampoline_lowered:
0x8: {  	[smem:$0x3FA3] =	sst s0  }
0x9: {  	[smem:$0x3FA4] =	sst s1  }
0xa: {  	[smem:$0x3FA5] =	sst s2  }
0xb: {  	[smem:$0x3FA6] =	sst s3  }
0xc: {  	[smem:$0x3FA7] =	sst s4  }
0xd: {  	[smem:$0x3FA8] =	sst s5  }
0xe: {  	[smem:$0x3FA9] =	sst s6  }
0xf: {  	[smem:$0x3FAA] =	sst s7  }
0x10: {  	[smem:$0x3FAB] =	sst s8  }
0x11: {  	[smem:$0x3FAC] =	sst s9;
	s0 =	simm.s32 @!p0 $0x0  }
0x12: {  	s1 =	sld [smem:$0x3F92];
	s0 =	simm.s32 @p0 $0x1  }
0x13: {  	[smem:$0x3FAD] =	sst s0;
	s0 =	simm.s32 @!p1 $0x0  }
0x14: {  	s2 =	sld [smem:$0x3F91];
	s0 =	simm.s32 @p1 $0x1  }
0x15: {  	[smem:$0x3FAE] =	sst s0;
	s0 =	simm.s32 @!p2 $0x0  }
0x16: {  	s3 =	sld [smem:$0x3FDB];
	s0 =	simm.s32 @p2 $0x1  }
0x17: {  	s4 =	simm.s32 $0x1BF5;
	[smem:$0x3FB0] =	sst s0  }
0x18: {  	s0 =	sld [smem:$0x3F93];
	_ =	swait.ge [sflag:s4], $0x0  }
0x19: {  	s7 =	sld [smem:$0x3F94]  }
0x1a: {  	s8 =	sadd.s32 $0xFFFFE003, lr  }
0x1b: {  	s9 =	sadd.s32 $0xFFFFFEF7, lr;
	s5 =	simm.s32 $0xFFFFFFFF;
	p2 =	slt.u32 s8, $0xFFFFF086  }
0x1c: {  	p1 =	slt.u32 s9, $0xF7A;
	s5 =	simm.s32 @!p2 $0x0  }
0x1d: {  	s5 =	simm.s32 @p1 $0x1;
	p0 =	seq.s32 s7, s2  }
0x1e: {  	s7 =	smul.u32 @!p0 $0xF7A, s2;
	p2 =	seq.s32 @!p0 s5, $0x0  }
0x1f: {  	s9 =	smul.u32 $0xF7A, s1;
	s8 =	simm.s32 @!p0 $0x1BF5;
	p2 =	por !p2, p0  }
0x20: {  	[sflag:s8] =	ssyncset.s32 @!p0 $0xFFFFF086;
	s6 =	sadd.s32 @!p0 s3, s7;
	s7 =	simm.s32 @!p0 $0x108  }
0x21: {  	s3 =	sadd.s32 s3, s9;
	s6 =	sadd.s32 @!p0 $0x88, s6;
	s7 =	simm.s32 @p2 $0x1082  }
0x22: {  	[simem:s7], [sflag:s8] =	dma.local @!p0 [hbm:s6], $0xF7A  }
0x23: {  	s9 =	sor.u32 $0xD0000000, s2;
	s6 =	simm.s32 $0x108;
	_ =	swait.ge @!p0 [sflag:s8], $0x0  }
0x24: {  	s3 =	sadd.s32 $0x88, s3;
	s6 =	simm.s32 @!p1 $0x1082;
	[sflag:s4] =	ssyncset.s32 $0xFFFFF086  }
0x25: {  	[simem:s6], [sflag:s4] =	dma.local [hbm:s3], $0xF7A  }
0x26: {  	[smem:$0x3F94] =	sst s1;
	(tag) =	ssettag s2;
	_ =	strace s9  }
0x27: {  	s1 =	sld [smem:$0x3FA4]  }
0x28: {  	s2 =	sld [smem:$0x3FA5]  }
0x29: {  	s4 =	sld [smem:$0x3FA7]  }
0x2a: {  	p0 =	seq.s32 s5, $0x0;
	s5 =	sld [smem:$0x3FA8]  }
0x2b: {  	s6 =	sld [smem:$0x3FA9]  }
0x2c: {  	s7 =	sld [smem:$0x3FAA]  }
0x2d: {  	s3 =	simm.s32 $0x108;
	s8 =	sld [smem:$0x3FAB]  }
0x2e: {  	s3 =	simm.s32 @!p0 $0x1082;
	s9 =	sld [smem:$0x3FAC]  }
0x2f: {  	lr =	sadd.s32 s0, s3;
	s0 =	sld [smem:$0x3FA3]  }
0x30: {  	s3 =	sld [smem:$0x3FA6]  }
0x31: {  	[smem:$0x3FAF] =	sst s10  }
0x32: {  	s10 =	sld [smem:$0x3FAD];
	_ =	sdelay $0x3  }
0x33: {  	p0 =	seq.s32 s10, $0x1;
	s10 =	sld [smem:$0x3FAF];
	_ =	sdelay $0x3  }
0x34: {  	[smem:$0x3FAF] =	sst s10  }
0x35: {  	s10 =	sld [smem:$0x3FAE];
	_ =	sdelay $0x3  }
0x36: {  	p1 =	seq.s32 s10, $0x1;
	s10 =	sld [smem:$0x3FAF];
	_ =	sdelay $0x3  }
0x37: {  	[smem:$0x3FAF] =	sst s10  }
0x38: {  	s10 =	sld [smem:$0x3FB0]  }
0x39: {  	_ = 	snop;
	(pc) =	sbr.ind lr, $3  }
0x3a: {  	_ = 	snop  }
0x3b: {  	_ = 	snop  }
0x3c: {  	p2 =	seq.s32 s10, $0x1;
	s10 =	sld [smem:$0x3FAF]  }
0x3d: {  	_ =	shalt  }
0x3e: {  	_ =	shalt  }
0x3f: {  	_ =	shalt  }
0x40: {  	_ =	shalt  }
0x41: {  	_ =	shalt  }
0x42: {  	_ =	shalt  }
0x43: {  	_ =	shalt  }
0x44: {  	_ =	shalt  }
0x45: {  	_ =	shalt  }
0x46: {  	_ =	shalt  }
0x47: {  	_ =	shalt  }
0x48: {  	_ =	shalt  }
0x49: {  	_ =	shalt  }
0x4a: {  	_ =	shalt  }
0x4b: {  	_ =	shalt  }
0x4c: {  	_ =	shalt  }
0x4d: {  	_ =	shalt  }
0x4e: {  	_ =	shalt  }
0x4f: {  	_ =	shalt  }
0x50: {  	_ =	shalt  }
0x51: {  	_ =	shalt  }
0x52: {  	_ =	shalt  }
0x53: {  	_ =	shalt  }
0x54: {  	_ =	shalt  }
0x55: {  	_ =	shalt  }
0x56: {  	_ =	shalt  }
0x57: {  	_ =	shalt  }
0x58: {  	_ =	shalt  }
0x59: {  	_ =	shalt  }
0x5a: {  	_ =	shalt  }
0x5b: {  	_ =	shalt  }
0x5c: {  	_ =	shalt  }
0x5d: {  	_ =	shalt  }
0x5e: {  	_ =	shalt  }
0x5f: {  	_ =	shalt  }
0x60: {  	_ =	shalt  }
0x61: {  	_ =	shalt  }
0x62: {  	_ =	shalt  }
0x63: {  	_ =	shalt  }
0x64: {  	_ =	shalt  }
0x65: {  	_ =	shalt  }
0x66: {  	_ =	shalt  }
0x67: {  	_ =	shalt  }
0x68: {  	_ =	shalt  }
0x69: {  	_ =	shalt  }
0x6a: {  	_ =	shalt  }
0x6b: {  	_ =	shalt  }
0x6c: {  	_ =	shalt  }
0x6d: {  	_ =	shalt  }
0x6e: {  	_ =	shalt  }
0x6f: {  	_ =	shalt  }
0x70: {  	_ =	shalt  }
0x71: {  	_ =	shalt  }
0x72: {  	_ =	shalt  }
0x73: {  	_ =	shalt  }
0x74: {  	_ =	shalt  }
0x75: {  	_ =	shalt  }
0x76: {  	_ =	shalt  }
0x77: {  	_ =	shalt  }
0x78: {  	_ =	shalt  }
0x79: {  	_ =	shalt  }
0x7a: {  	_ =	shalt  }
0x7b: {  	_ =	shalt  }
0x7c: {  	_ =	shalt  }
0x7d: {  	_ =	shalt  }
0x7e: {  	_ =	shalt  }
0x7f: {  	_ =	shalt  }
0x80: {  	_ =	shalt  }
0x81: {  	_ =	shalt  }
0x82: {  	_ =	shalt  }
0x83: {  	_ =	shalt  }
0x84: {  	_ =	shalt  }
0x85: {  	_ =	shalt  }
0x86: {  	_ =	shalt  }
0x87: {  	_ =	shalt  }
.Lfunc_end0:
.L_simem_size_0:
called_computation_lowered:
.L_overlay_start_0:
0x88: {  	s2 =	sld [smem:$0x3FD9]  }
0x89: {  	s3 =	sld [smem:$0x3FFE];
	_ =	sdelay $0x1  }
0x8a: {  	s1 =	srdreg.scid  }
0x8b: {  	s0 =	sand.u32 $0x1, s1  }
0x8c: {  	s16 =	sshll.u32 s0, $0xA;
	s2 =	sadd.s32 s3, s2  }
0x8d: {  	s2 =	sadd.s32 s2, s16  }
0x8e: {  	[smem:$0x3FBB] =	sst s2  }
0x8f: {  	_ = 	snop  }
0x90: {  	(tm) =	ssettm $0x1  }
0x91: {  	s17 =	sld [smem:$0x3FFB];
	_ =	sdelay $0x3  }
0x92: {  	_ =	strace s17  }
0x93: {  	s2 =	sld [smem:$0x3FFC];
	_ =	sdelay $0x3  }
0x94: {  	_ =	strace s2  }
0x95: {  	s2 =	sld [smem:$0x3FFD];
	_ =	sdelay $0x3  }
0x96: {  	_ =	strace s2  }
0x97: {  	_ =	strace $0x8FFFFFFF  }
0x98: {  	s18 =	sld [smem:$0x3FDB];
	_ =	sdelay $0x1  }
0x99: {  	s19 =	simm.s32 $_scs_section_size  }
0x9a: {  	s4 =	simm.s32 $_size__tile_overlayer_lowered;
	s5 =	simm.s32 $_tile_overlayer_lowered  }
0x9b: {  	s22 =	simm.s32 $0x1BFF;
	s21 =	sshll.u32 s5, $0x1;
	s2 =	sadd.s32 s19, s18  }
0x9c: {  	s6 =	simm.s32 $0x0;
	s20 =	sshll.u32 s4, $0x1;
	s4 =	sadd.s32 s21, s2  }
0x9d: {  	[timem:s6], [sflag:s22] =	dma.local [hbm:s4], s20  }
0x9e: {  	_ =	swait.ge [sflag:s22], s20  }
0x9f: {  	s3 =	ssub.s32 $0x0, s20;
	[sflag:s22] =	ssyncset.done $0x0  }
0xa0: {  	[sflag:s22] =	ssyncadd.s32 s3;
	_ =	sdelay $0x1  }
0xa1: {  	s23 =	simm.s32 $0x1B8B  }
0xa2: {  	_ =	swait.ge [sflag:s23], $0x1  }
0xa3: {  	[sflag:s23] =	ssyncset.done $0x0  }
0xa4: {  	s25 =	simm.s32 $0x1B8E;
	s24 =	sld [smem:$0x3FFE];
	[sflag:s23] =	ssyncadd.s32 $0xFFFFFFFF  }
0xa5: {  	s26 =	simm.s32 $execute0_lowered;
	[smem:$0x3FD2] =	sst s25  }
0xa6: {  	s4 =	sshll.u32 s26, $0x1;
	_ =	strace $0x80000046;
	[dreg:$0x1] =	wrdreg $0xFFFFFFFF  }
0xa7: {  	s28 =	simm.s32 $_size_execute0_lowered;
	s2 =	sadd.s32 s2, s4;
	[dreg:$0x0] =	wrdreg $0x0  }
0xa8: {  	s4 =	sshll.u32 s28, $0x1;
	[dreg:$0x2] =	wrdreg s2  }
0xa9: {  	[dreg:$0x3] =	wrdreg s4  }
0xaa: {  	[dreg:$0x4] =	wrdreg $0xC0  }
0xab: {  	_ =	task [dreg:s6], $0x5FFFF  }
0xac: {  	[dreg:$0x1] =	wrdreg $0xFFFFFFFF  }
0xad: {  	[dreg:$0x0] =	wrdreg $0x60  }
0xae: {  	[dreg:$0x2] =	wrdreg s24  }
0xaf: {  	[dreg:$0x3] =	wrdreg $0x2BE80  }
0xb0: {  	[dreg:$0x4] =	wrdreg $0x9  }
0xb1: {  	_ =	task.clear_ibuf [dreg:s6], $0x5FFFF;
	_ =	strace $0x90000046  }
0xb2: {  	s29 =	simm.s32 $0x9;
	_ =	strace $0x80000048  }
0xb3: {  	_ =	swait.ge [sflag:s29], $0x1  }
0xb4: {  	[sflag:s29] =	ssyncadd.s32 $0xFFFFFFFF  }
0xb5: {  	_ =	strace $0x90000048  }
0xb6: {  	_ =	sfence  }
0xb7: {  	s30 =	sld [smem:$0x0];
	_ =	sdelay $0x2  }
0xb8: {  	s31 =	sshll.u32 s1, $0xD;
	s1 =	sshrl.u32 s1, $0x2  }
0xb9: {  	s3 =	sand.u32 $0x4000, s31;
	s1 =	sadd.s32 s1, s30  }
0xba: {  	s0 =	sor.u32 s3, s0;
	s1 =	sshll.u32 s1, $0x11  }
0xbb: {  	s0 =	sor.u32 s1, s0  }
0xbc: {  	s0 =	sadd.s32 $0x8F2B, s0  }
0xbd: {  	[sflag:s0] =	ssyncadd.remote.s32 $0x1  }
0xbe: {  	_ =	sfence.sel $0xFFFF  }
0xbf: {  	[dreg:$0x0] =	wrdreg $0xFFFFFFFF;
	(pc) =	sbr.abs _section_cstart, $3  }
0xc0: {  	[dreg:$0x1] =	wrdreg $0xFFFFFFFF  }
0xc1: {  	_ =	task.clear_ibuf [dreg:s6], $0x2FFFF;
	_ =	strace $0x9FFFFFFF  }
0xc2: {  	(tm) =	ssettm $0x7FFFFFFF  }
0xc3: {  	_ =	shalt  }
tec
execute0_lowered:
.L_overlay_start_1:
0x0: {  	(tag) =	ssettag $0x1  }
0x1: {  	s7 =	rddreg [dreg:$0x0]  }
0x2: {  	s2 =	rddreg [dreg:$0x1]  }
0x3: {  	s0 =	rddreg [dreg:$0x2]  }
0x4: {  	s3 =	simm.s32 $0x0;
	s1 =	stileid.u32;
	s4 =	srdreg.scid  }
0x5: {  	s13 =	simm.s32 $0x2;
	s14 =	simm.s32 $0x3;
	s15 =	simm.s32 $0x7D  }
0x6: {  	s16 =	simm.s32 $0x4;
	s18 =	simm.s32 $0x0;
	s5 =	smul.u32 $0x2800, s1  }
0x7: {  	[smem:$0x7FF] =	sst s3;
	s8 =	smul.u32 $0x280, s1;
	s9 =	sand.u32 $0x1, s4  }
0x8: {  	s4 =	sadd.s32 $0x5800, s7;
	s17 =	sshll.u32 s1, $0x6;
	_ =	strace $0x80000047  }
0x9: {  	s10 =	sshll.u32 s9, $0x4;
	s11 =	ssub.s32 $0x2, s9;
	s9 =	smul.u32 $0x2800, s9  }
0xa: {  	s6 =	sshrl.u32 s5, $0x4;
	s8 =	sadd.s32 s8, s7;
	s10 =	sor.u32 s1, s10  }
0xb: {  	s12 =	sshrl.u32 s11, $0x1;
	s5 =	sshrl.u32 s5, $0x1;
	s6 =	sadd.s32 s6, s7  }
0xc: {  	s10 =	smul.u32 $0x2800, s10;
	s11 =	ssub.s32 s11, s12;
	s31 =	sadd.s32 s5, s2  }
0xd: {  	s8 =	sadd.s32 s9, s8;
	s12 =	simm.s32 $0x1;
	s5 =	sadd.s32 $0x3000, s6  }
0xe: {  	s6 =	sor.u32 $0x1C01, s17;
	s8 =	sadd.s32 $0x19A00, s8;
	s10 =	sshrl.u32 s10, $0x3  }
0xf: {  	s9 =	smax.u32 s11, $0x1;
	s11 =	simm.s32 $0x2800;
	s7 =	sadd.s32 s7, s10  }
0x10: {  	s17 =	sor.u32 $0x1C04, s17;
	s10 =	sshrl.u32 s31, $0x3;
	s7 =	sadd.s32 $0xFA00, s7  }
.LBB2_1:
0x11: {  	[spmem:s10], [sflag:s6] =	dma.local [hbm:s5], $0x280  }
0x12: {  	[tilespmem:s11], [sflag:$0x2] =	stream.linear.gather [hbm4b:s4+s3], $0x3E8, $0x38;
	[tilespmem:$0x35E8] =	vst v63  }
0x13: {  	_ = 	snop  }
0x14: {  	[tilespmem:s3], [sflag:$0x3] =	stream.linear.gather [hbm4b:s7+s3], $0x2800, $0x38;
	[tilespmem:$0x35E8] =	vst v63  }
0x15: {  	_ =	swait.ge [sflag:s12], $0x280  }
0x16: {  	[sflag:s12] =	ssyncset.done $0x0  }
0x17: {  	[sflag:s12] =	ssyncadd.s32 $0xFFFFFD80  }
0x18: {  	_ =	swait.ge [sflag:s13], $0x3E8  }
0x19: {  	[sflag:s13] =	ssyncset.done $0x0  }
0x1a: {  	[sflag:s13] =	ssyncadd.s32 $0xFFFFFC18  }
0x1b: {  	_ =	swait.ge [sflag:s14], $0x2800  }
0x1c: {  	[sflag:s14] =	ssyncset.done $0x0  }
0x1d: {  	[sflag:s14] =	ssyncadd.s32 $0xFFFFD800  }
0x1e: {  	s19 =	simm.s32 $0x0;
	[bflag:$0x0] =	sbarrier.arrive $0xFFFF  }
0x1f: {  	[spmem:s2] =	stream.indirect.scatter.add.bf16 [tilespmem:s11], [sflag:$0x4], $0x4, s19, s15, $0xb8;
	[tilespmem:$0x35E8] =	vst v63  }
0x20: {  	_ =	swait.ge [sflag:s16], $0x1F4  }
0x21: {  	s19 =	simm.s32 $0x200;
	[sflag:s16] =	ssyncset.done $0x0  }
.LBB2_2:
0x22: {  	s20 =	sshra.s32 s19, $0x2;
	[sflag:s16] =	ssyncadd.s32 $0xFFFFFE0C;
	p0 =	sne.s32 s19, $0x9E00  }
0x23: {  	[spmem:s2] =	stream.indirect.scatter.add.bf16 [tilespmem:s11], [sflag:$0x4], $0x4, s20, s15, $0xb8;
	[tilespmem:$0x35E8] =	vst v63  }
.Ltmp0:
0x24: {  	_ = 	snop;
	(pc) =	sbr.rel @p0 .LBB2_2-.Ltmp0, $4  }
0x25: {  	_ = 	snop  }
0x26: {  	s19 =	sadd.s32 $0x200, s19  }
0x27: {  	_ =	swait.ge [sflag:s16], $0x1F4  }
0x28: {  	[sflag:s16] =	ssyncset.done $0x0  }
0x29: {  	s18 =	sadd.s32 $0x1, s18  }
0x2a: {  	[sflag:s16] =	ssyncadd.s32 $0xFFFFFE0C;
	p0 =	sne.s32 s18, s9  }
.Ltmp1:
0x2b: {  	[bflag:$0x0] =	sbarrier.arrive $0xFFFF;
	(pc) =	sbr.rel @p0 .LBB2_1-.Ltmp1, $4  }
0x2c: {  	[hbm:s8], [sflag:s17] =	dma.local [spmem:s10], $0x280  }
0x2d: {  	_ =	swait.ge [sflag:s16], $0x280  }
0x2e: {  	[sflag:s16] =	ssyncset.done $0x0  }
0x2f: {  	[sflag:s16] =	ssyncadd.s32 $0xFFFFFD80  }
0x30: {  	_ =	sfence.sel $0x180000  }
0x31: {  	[bflag:$0x0] =	sbarrier.arrive $0xFFFF  }
0x32: {  	p0 =	sne.s32 s1, $0x0;
	_ =	strace $0x90000047  }
0x33: {  	s0 =	sadd.s32 @!p0 $0x100000, s0;
	[bflag:$0x2] =	sbarrier.arrive $0xFFFF  }
0x34: {  	[sflag:s0] =	ssyncadd.tile.s32 @!p0 $0x1;
	_ =	shalt  }
.Lfunc_end2:
_tile_overlayer_lowered:
.L_overlay_start_2:
0x35: {  	(tag) =	ssettag $0x2  }
0x36: {  	s0 =	rddreg [dreg:$0x0];
	s2 =	stileid.u32  }
0x37: {  	s1 =	rddreg [dreg:$0x1];
	p0 =	sne.s32 s2, $0x0  }
0x38: {  	s3 =	rddreg [dreg:$0x2];
	[bflag:$0x3] =	sbarrier.arrive $0xFFFF;
	s2 =	simm.s32 @!p0 $0x1C04  }
0x39: {  	[timem:s3], [sflag:s2] =	dma.local @!p0 [hbm:s0], s1  }
0x3a: {  	s0 =	simm.s32 @!p0 $0x4  }
0x3b: {  	_ =	swait.ge @!p0 [sflag:s0], s1  }
0x3c: {  	s1 =	ssub.s32 @!p0 $0x0, s1;
	[sflag:s0] =	ssyncset.done @!p0 $0x0  }
0x3d: {  	[sflag:s0] =	ssyncadd.s32 @!p0 s1  }
0x3e: {  	[bflag:$0x3] =	sbarrier.arrive $0xFFFF  }
0x3f: {  	_ =	shalt  }

// kernel: kernel.13.cloned.1.call-start
scs
__scs_entry_jumppad:
0x0: {  	(pc) =	sbr.rel $0x88, $3  }
0x1: {  	(tag) =	ssettag $0x0;
	lr =	simm.s32 $0x1  }
0x2: {  	[smem:$0x3F94] =	sst lr;
	_ =	strace $0xD0000000  }
0x3: {  	_ = 	snop  }
0x4: {  	_ = 	snop  }
0x5: {  	_ = 	snop  }
0x6: {  	_ = 	snop  }
0x7: {  	_ = 	snop  }
__scs_overlays_trampoline_lowered:
0x8: {  	[smem:$0x3FA3] =	sst s0  }
0x9: {  	[smem:$0x3FA4] =	sst s1  }
0xa: {  	[smem:$0x3FA5] =	sst s2  }
0xb: {  	[smem:$0x3FA6] =	sst s3  }
0xc: {  	[smem:$0x3FA7] =	sst s4  }
0xd: {  	[smem:$0x3FA8] =	sst s5  }
0xe: {  	[smem:$0x3FA9] =	sst s6  }
0xf: {  	[smem:$0x3FAA] =	sst s7  }
0x10: {  	[smem:$0x3FAB] =	sst s8  }
0x11: {  	[smem:$0x3FAC] =	sst s9;
	s0 =	simm.s32 @!p0 $0x0  }
0x12: {  	s1 =	sld [smem:$0x3F92];
	s0 =	simm.s32 @p0 $0x1  }
0x13: {  	[smem:$0x3FAD] =	sst s0;
	s0 =	simm.s32 @!p1 $0x0  }
0x14: {  	s2 =	sld [smem:$0x3F91];
	s0 =	simm.s32 @p1 $0x1  }
0x15: {  	[smem:$0x3FAE] =	sst s0;
	s0 =	simm.s32 @!p2 $0x0  }
0x16: {  	s3 =	sld [smem:$0x3FDB];
	s0 =	simm.s32 @p2 $0x1  }
0x17: {  	s4 =	simm.s32 $0x1BF5;
	[smem:$0x3FB0] =	sst s0  }
0x18: {  	s0 =	sld [smem:$0x3F93];
	_ =	swait.ge [sflag:s4], $0x0  }
0x19: {  	s7 =	sld [smem:$0x3F94]  }
0x1a: {  	s8 =	sadd.s32 $0xFFFFE003, lr  }
0x1b: {  	s9 =	sadd.s32 $0xFFFFFEF7, lr;
	s5 =	simm.s32 $0xFFFFFFFF;
	p2 =	slt.u32 s8, $0xFFFFF086  }
0x1c: {  	p1 =	slt.u32 s9, $0xF7A;
	s5 =	simm.s32 @!p2 $0x0  }
0x1d: {  	s5 =	simm.s32 @p1 $0x1;
	p0 =	seq.s32 s7, s2  }
0x1e: {  	s7 =	smul.u32 @!p0 $0xF7A, s2;
	p2 =	seq.s32 @!p0 s5, $0x0  }
0x1f: {  	s9 =	smul.u32 $0xF7A, s1;
	s8 =	simm.s32 @!p0 $0x1BF5;
	p2 =	por !p2, p0  }
0x20: {  	[sflag:s8] =	ssyncset.s32 @!p0 $0xFFFFF086;
	s6 =	sadd.s32 @!p0 s3, s7;
	s7 =	simm.s32 @!p0 $0x108  }
0x21: {  	s3 =	sadd.s32 s3, s9;
	s6 =	sadd.s32 @!p0 $0x88, s6;
	s7 =	simm.s32 @p2 $0x1082  }
0x22: {  	[simem:s7], [sflag:s8] =	dma.local @!p0 [hbm:s6], $0xF7A  }
0x23: {  	s9 =	sor.u32 $0xD0000000, s2;
	s6 =	simm.s32 $0x108;
	_ =	swait.ge @!p0 [sflag:s8], $0x0  }
0x24: {  	s3 =	sadd.s32 $0x88, s3;
	s6 =	simm.s32 @!p1 $0x1082;
	[sflag:s4] =	ssyncset.s32 $0xFFFFF086  }
0x25: {  	[simem:s6], [sflag:s4] =	dma.local [hbm:s3], $0xF7A  }
0x26: {  	[smem:$0x3F94] =	sst s1;
	(tag) =	ssettag s2;
	_ =	strace s9  }
0x27: {  	s1 =	sld [smem:$0x3FA4]  }
0x28: {  	s2 =	sld [smem:$0x3FA5]  }
0x29: {  	s4 =	sld [smem:$0x3FA7]  }
0x2a: {  	p0 =	seq.s32 s5, $0x0;
	s5 =	sld [smem:$0x3FA8]  }
0x2b: {  	s6 =	sld [smem:$0x3FA9]  }
0x2c: {  	s7 =	sld [smem:$0x3FAA]  }
0x2d: {  	s3 =	simm.s32 $0x108;
	s8 =	sld [smem:$0x3FAB]  }
0x2e: {  	s3 =	simm.s32 @!p0 $0x1082;
	s9 =	sld [smem:$0x3FAC]  }
0x2f: {  	lr =	sadd.s32 s0, s3;
	s0 =	sld [smem:$0x3FA3]  }
0x30: {  	s3 =	sld [smem:$0x3FA6]  }
0x31: {  	[smem:$0x3FAF] =	sst s10  }
0x32: {  	s10 =	sld [smem:$0x3FAD];
	_ =	sdelay $0x3  }
0x33: {  	p0 =	seq.s32 s10, $0x1;
	s10 =	sld [smem:$0x3FAF];
	_ =	sdelay $0x3  }
0x34: {  	[smem:$0x3FAF] =	sst s10  }
0x35: {  	s10 =	sld [smem:$0x3FAE];
	_ =	sdelay $0x3  }
0x36: {  	p1 =	seq.s32 s10, $0x1;
	s10 =	sld [smem:$0x3FAF];
	_ =	sdelay $0x3  }
0x37: {  	[smem:$0x3FAF] =	sst s10  }
0x38: {  	s10 =	sld [smem:$0x3FB0]  }
0x39: {  	_ = 	snop;
	(pc) =	sbr.ind lr, $3  }
0x3a: {  	_ = 	snop  }
0x3b: {  	_ = 	snop  }
0x3c: {  	p2 =	seq.s32 s10, $0x1;
	s10 =	sld [smem:$0x3FAF]  }
0x3d: {  	_ =	shalt  }
0x3e: {  	_ =	shalt  }
0x3f: {  	_ =	shalt  }
0x40: {  	_ =	shalt  }
0x41: {  	_ =	shalt  }
0x42: {  	_ =	shalt  }
0x43: {  	_ =	shalt  }
0x44: {  	_ =	shalt  }
0x45: {  	_ =	shalt  }
0x46: {  	_ =	shalt  }
0x47: {  	_ =	shalt  }
0x48: {  	_ =	shalt  }
0x49: {  	_ =	shalt  }
0x4a: {  	_ =	shalt  }
0x4b: {  	_ =	shalt  }
0x4c: {  	_ =	shalt  }
0x4d: {  	_ =	shalt  }
0x4e: {  	_ =	shalt  }
0x4f: {  	_ =	shalt  }
0x50: {  	_ =	shalt  }
0x51: {  	_ =	shalt  }
0x52: {  	_ =	shalt  }
0x53: {  	_ =	shalt  }
0x54: {  	_ =	shalt  }
0x55: {  	_ =	shalt  }
0x56: {  	_ =	shalt  }
0x57: {  	_ =	shalt  }
0x58: {  	_ =	shalt  }
0x59: {  	_ =	shalt  }
0x5a: {  	_ =	shalt  }
0x5b: {  	_ =	shalt  }
0x5c: {  	_ =	shalt  }
0x5d: {  	_ =	shalt  }
0x5e: {  	_ =	shalt  }
0x5f: {  	_ =	shalt  }
0x60: {  	_ =	shalt  }
0x61: {  	_ =	shalt  }
0x62: {  	_ =	shalt  }
0x63: {  	_ =	shalt  }
0x64: {  	_ =	shalt  }
0x65: {  	_ =	shalt  }
0x66: {  	_ =	shalt  }
0x67: {  	_ =	shalt  }
0x68: {  	_ =	shalt  }
0x69: {  	_ =	shalt  }
0x6a: {  	_ =	shalt  }
0x6b: {  	_ =	shalt  }
0x6c: {  	_ =	shalt  }
0x6d: {  	_ =	shalt  }
0x6e: {  	_ =	shalt  }
0x6f: {  	_ =	shalt  }
0x70: {  	_ =	shalt  }
0x71: {  	_ =	shalt  }
0x72: {  	_ =	shalt  }
0x73: {  	_ =	shalt  }
0x74: {  	_ =	shalt  }
0x75: {  	_ =	shalt  }
0x76: {  	_ =	shalt  }
0x77: {  	_ =	shalt  }
0x78: {  	_ =	shalt  }
0x79: {  	_ =	shalt  }
0x7a: {  	_ =	shalt  }
0x7b: {  	_ =	shalt  }
0x7c: {  	_ =	shalt  }
0x7d: {  	_ =	shalt  }
0x7e: {  	_ =	shalt  }
0x7f: {  	_ =	shalt  }
0x80: {  	_ =	shalt  }
0x81: {  	_ =	shalt  }
0x82: {  	_ =	shalt  }
0x83: {  	_ =	shalt  }
0x84: {  	_ =	shalt  }
0x85: {  	_ =	shalt  }
0x86: {  	_ =	shalt  }
0x87: {  	_ =	shalt  }
.Lfunc_end0:
.L_simem_size_0:
called_computation.1_lowered:
.L_overlay_start_0:
0x88: {  	s2 =	sld [smem:$0x3FD9]  }
0x89: {  	s3 =	sld [smem:$0x3FFE];
	_ =	sdelay $0x1  }
0x8a: {  	s1 =	srdreg.scid  }
0x8b: {  	s0 =	sand.u32 $0x1, s1  }
0x8c: {  	s16 =	sshll.u32 s0, $0xA;
	s2 =	sadd.s32 s3, s2  }
0x8d: {  	s2 =	sadd.s32 s2, s16  }
0x8e: {  	[smem:$0x3FBB] =	sst s2  }
0x8f: {  	_ = 	snop  }
0x90: {  	(tm) =	ssettm $0x1  }
0x91: {  	s17 =	sld [smem:$0x3FFB];
	_ =	sdelay $0x3  }
0x92: {  	_ =	strace s17  }
0x93: {  	s2 =	sld [smem:$0x3FFC];
	_ =	sdelay $0x3  }
0x94: {  	_ =	strace s2  }
0x95: {  	s2 =	sld [smem:$0x3FFD];
	_ =	sdelay $0x3  }
0x96: {  	_ =	strace s2  }
0x97: {  	_ =	strace $0x8FFFFFFF  }
0x98: {  	s18 =	sld [smem:$0x3FDB];
	_ =	sdelay $0x1  }
0x99: {  	s19 =	simm.s32 $_scs_section_size  }
0x9a: {  	s4 =	simm.s32 $_size__tile_overlayer_lowered;
	s5 =	simm.s32 $_tile_overlayer_lowered  }
0x9b: {  	s22 =	simm.s32 $0x1BFF;
	s21 =	sshll.u32 s5, $0x1;
	s2 =	sadd.s32 s19, s18  }
0x9c: {  	s6 =	simm.s32 $0x0;
	s20 =	sshll.u32 s4, $0x1;
	s4 =	sadd.s32 s21, s2  }
0x9d: {  	[timem:s6], [sflag:s22] =	dma.local [hbm:s4], s20  }
0x9e: {  	_ =	swait.ge [sflag:s22], s20  }
0x9f: {  	s3 =	ssub.s32 $0x0, s20;
	[sflag:s22] =	ssyncset.done $0x0  }
0xa0: {  	[sflag:s22] =	ssyncadd.s32 s3;
	_ =	sdelay $0x1  }
0xa1: {  	s23 =	simm.s32 $0x1B8B  }
0xa2: {  	_ =	swait.ge [sflag:s23], $0x1  }
0xa3: {  	[sflag:s23] =	ssyncset.done $0x0  }
0xa4: {  	s25 =	simm.s32 $0x1B8E;
	s24 =	sld [smem:$0x3FFE];
	[sflag:s23] =	ssyncadd.s32 $0xFFFFFFFF  }
0xa5: {  	s26 =	simm.s32 $execute0_lowered;
	[smem:$0x3FD2] =	sst s25  }
0xa6: {  	s4 =	sshll.u32 s26, $0x1;
	_ =	strace $0x80000049;
	[dreg:$0x1] =	wrdreg $0xFFFFFFFF  }
0xa7: {  	s28 =	simm.s32 $_size_execute0_lowered;
	s2 =	sadd.s32 s2, s4;
	[dreg:$0x0] =	wrdreg $0x0  }
0xa8: {  	s4 =	sshll.u32 s28, $0x1;
	[dreg:$0x2] =	wrdreg s2  }
0xa9: {  	[dreg:$0x3] =	wrdreg s4  }
0xaa: {  	[dreg:$0x4] =	wrdreg $0xC0  }
0xab: {  	_ =	task [dreg:s6], $0x5FFFF  }
0xac: {  	[dreg:$0x1] =	wrdreg $0xFFFFFFFF  }
0xad: {  	[dreg:$0x0] =	wrdreg $0x60  }
0xae: {  	[dreg:$0x2] =	wrdreg s24  }
0xaf: {  	[dreg:$0x3] =	wrdreg $0xCD000  }
0xb0: {  	[dreg:$0x4] =	wrdreg $0x11D000  }
0xb1: {  	[dreg:$0x5] =	wrdreg $0x9  }
0xb2: {  	_ =	task.clear_ibuf [dreg:s6], $0x6FFFF;
	_ =	strace $0x90000049  }
0xb3: {  	s29 =	simm.s32 $0x9;
	_ =	strace $0x8000004B  }
0xb4: {  	_ =	swait.ge [sflag:s29], $0x1  }
0xb5: {  	[sflag:s29] =	ssyncadd.s32 $0xFFFFFFFF  }
0xb6: {  	_ =	strace $0x9000004B  }
0xb7: {  	_ =	sfence  }
0xb8: {  	s30 =	sld [smem:$0x0];
	_ =	sdelay $0x2  }
0xb9: {  	s31 =	sshll.u32 s1, $0xD;
	s1 =	sshrl.u32 s1, $0x2  }
0xba: {  	s3 =	sand.u32 $0x4000, s31;
	s1 =	sadd.s32 s1, s30  }
0xbb: {  	s0 =	sor.u32 s3, s0;
	s1 =	sshll.u32 s1, $0x11  }
0xbc: {  	s0 =	sor.u32 s1, s0  }
0xbd: {  	s0 =	sadd.s32 $0x8F2B, s0  }
0xbe: {  	[sflag:s0] =	ssyncadd.remote.s32 $0x1  }
0xbf: {  	_ =	sfence.sel $0xFFFF  }
0xc0: {  	[dreg:$0x0] =	wrdreg $0xFFFFFFFF;
	(pc) =	sbr.abs _section_cstart, $3  }
0xc1: {  	[dreg:$0x1] =	wrdreg $0xFFFFFFFF  }
0xc2: {  	_ =	task.clear_ibuf [dreg:s6], $0x2FFFF;
	_ =	strace $0x9FFFFFFF  }
0xc3: {  	(tm) =	ssettm $0x7FFFFFFF  }
tec
execute0_lowered:
.L_overlay_start_1:
0x0: {  	(tag) =	ssettag $0x1  }
0x1: {  	s0 =	srdreg.scid;
	s1 =	rddreg [dreg:$0x0]  }
0x2: {  	s11 =	stileid.u32;
	s2 =	rddreg [dreg:$0x1]  }
0x3: {  	s14 =	simm.s32 $0x9;
	s16 =	simm.s32 $0x5;
	s17 =	simm.s32 $0x6  }
0x4: {  	s18 =	simm.s32 $0x7D;
	s0 =	sand.u32 $0x1, s0;
	s6 =	smul.u32 $0xA000, s11  }
0x5: {  	s7 =	smul.u32 $0xA00, s11;
	s29 =	sshll.u32 s11, $0x6;
	s3 =	sshll.u32 s0, $0x4  }
0x6: {  	s9 =	smul.u32 $0xA000, s0;
	s0 =	ssub.s32 $0x2, s0;
	s4 =	sor.u32 s11, s3  }
0x7: {  	s3 =	rddreg [dreg:$0x2];
	s8 =	sshrl.u32 s6, $0x4;
	s24 =	sshrl.u32 s0, $0x1  }
0x8: {  	s26 =	sshrl.u32 s6, $0x1;
	s5 =	smul.u32 $0x2800, s4;
	s4 =	simm.s32 $0x0  }
0x9: {  	s10 =	sadd.s32 s8, s1;
	s7 =	sadd.s32 s7, s9;
	s0 =	ssub.s32 s0, s24  }
0xa: {  	s12 =	sadd.s32 s26, s2;
	s8 =	sor.u32 $0x1C09, s29;
	s15 =	sadd.s32 s26, s3  }
0xb: {  	s26 =	simm.s32 $0x0;
	[smem:$0x7FF] =	sst s4;
	s30 =	sadd.s32 $0x1EA00, s10  }
0xc: {  	s31 =	sadd.s32 $0x28A00, s10;
	s11 =	smax.u32 s0, $0x1;
	s5 =	sshrl.u32 s5, $0x3  }
0xd: {  	_ =	strace $0x8000004A;
	[dreg:$0x6] =	wrdreg s30;
	s23 =	sadd.s32 s5, s1  }
0xe: {  	s13 =	sshrl.u32 s12, $0x3;
	[dreg:$0x7] =	wrdreg s31;
	s25 =	sadd.s32 $0x5A00, s23  }
0xf: {  	s1 =	sadd.s32 s7, s1;
	s28 =	sadd.s32 $0xFA00, s23;
	[dreg:$0x4] =	wrdreg s25  }
0x10: {  	s15 =	sshrl.u32 s15, $0x3;
	s10 =	sadd.s32 $0x32A00, s1;
	[dreg:$0x5] =	wrdreg s28  }
.LBB2_1:
0x11: {  	s0 =	rddreg [dreg:$0x4]  }
0x12: {  	s6 =	rddreg [dreg:$0x5]  }
0x13: {  	[tilespmem:s4], [sflag:$0x5] =	stream.linear.gather [hbm4b:s0+s4], $0x2800, $0x38;
	[tilespmem:$0x16D00] =	vst v63  }
0x14: {  	s1 =	simm.s32 $0x2800;
	s7 =	rddreg [dreg:$0x6]  }
0x15: {  	[tilespmem:s1], [sflag:$0x6] =	stream.linear.gather [hbm4b:s6+s4], $0x2800, $0x38;
	[tilespmem:$0x16D00] =	vst v63  }
0x16: {  	[spmem:s13], [sflag:s8] =	dma.local [hbm:s7], $0xA00  }
0x17: {  	_ =	swait.ge [sflag:s14], $0xA00  }
0x18: {  	[sflag:s14] =	ssyncset.done $0x0  }
0x19: {  	s9 =	rddreg [dreg:$0x7];
	[sflag:s14] =	ssyncadd.s32 $0xFFFFF600  }
0x1a: {  	[spmem:s15], [sflag:s8] =	dma.local [hbm:s9], $0xA00  }
0x1b: {  	_ =	swait.ge [sflag:s14], $0xA00  }
0x1c: {  	[sflag:s14] =	ssyncset.done $0x0  }
0x1d: {  	[sflag:s14] =	ssyncadd.s32 $0xFFFFF600  }
0x1e: {  	_ =	swait.ge [sflag:s16], $0x2800  }
0x1f: {  	[sflag:s16] =	ssyncset.done $0x0  }
0x20: {  	[sflag:s16] =	ssyncadd.s32 $0xFFFFD800  }
0x21: {  	_ =	swait.ge [sflag:s17], $0x2800  }
0x22: {  	[sflag:s17] =	ssyncset.done $0x0  }
0x23: {  	s12 =	simm.s32 $0x5000;
	[sflag:s17] =	ssyncadd.s32 $0xFFFFD800  }
0x24: {  	s19 =	simm.s32 $0x80;
	s25 =	sand.u32 $0x1, s4;
	[bflag:$0x0] =	sbarrier.arrive $0xFFFF  }
0x25: {  	[tilespmem:s12], [sflag:$0x1] =	stream.indirect.gather [spmem:s3], $0x20, s4, s18, $0xb8;
	[tilespmem:$0x16D00] =	vst v63  }
0x26: {  	s20 =	simm.s32 $0x5FA0;
	s21 =	simm.s32 $0x100;
	p1 =	seq.s32 s25, $0x1  }
0x27: {  	[tilespmem:s20], [sflag:$0x2] =	stream.indirect.gather [spmem:s3], $0x20, s19, s18, $0xb8;
	[tilespmem:$0x16D00] =	vst v63  }
0x28: {  	s22 =	simm.s32 $0x6F40;
	s23 =	simm.s32 $0x180;
	p2 =	por @p1 $0x0, $0x0  }
0x29: {  	[tilespmem:s22], [sflag:$0x3] =	stream.indirect.gather [spmem:s3], $0x20, s21, s18, $0xb8;
	[tilespmem:$0x16D00] =	vst v63  }
0x2a: {  	s24 =	simm.s32 $0x7EE0;
	p0 =	por p2, !p1;
	p2 =	por !p2, !p1  }
0x2b: {  	[tilespmem:s24], [sflag:$0x4] =	stream.indirect.gather [spmem:s3], $0x20, s23, s18, $0xb8;
	[tilespmem:$0x16D00] =	vst v63  }
0x2c: {  	s0 =	simm.s32 @!p0 $0x5000;
	s1 =	simm.s32 @!p0 $0x200;
	s12 =	simm.s32 @!p0 $0x7D  }
0x2d: {  	[tilespmem:s0], [sflag:$0x1] =	stream.indirect.gather @!p0 [spmem:s3], $0x20, s1, s12, $0xb8;
	[tilespmem:$0x16D00] =	vst v63  }
0x2e: {  	s19 =	simm.s32 @!p0 $0x6F40;
	s0 =	simm.s32 @!p0 $0x280;
	s1 =	simm.s32 @!p0 $0x5FA0  }
0x2f: {  	[tilespmem:s1], [sflag:$0x2] =	stream.indirect.gather @!p0 [spmem:s3], $0x20, s0, s12, $0xb8;
	[tilespmem:$0x16D00] =	vst v63  }
0x30: {  	s20 =	simm.s32 @p1 $0x5;
	s0 =	simm.s32 $0x0;
	s1 =	simm.s32 @!p0 $0x300  }
0x31: {  	[tilespmem:s19], [sflag:$0x3] =	stream.indirect.gather @!p0 [spmem:s3], $0x20, s1, s12, $0xb8;
	[tilespmem:$0x16D00] =	vst v63  }
0x32: {  	s0 =	simm.s32 @!p2 $0x9800;
	s1 =	simm.s32 @!p0 $0x380;
	s19 =	simm.s32 @!p0 $0x7EE0  }
0x33: {  	[tilespmem:s19], [sflag:$0x4] =	stream.indirect.gather @!p0 [spmem:s3], $0x20, s1, s12, $0xb8;
	[tilespmem:$0x16D00] =	vst v63  }
0x34: {  	s0 =	sshra.s32 @p1 s0, $0x2;
	_ =	swait.ge @p1 [sflag:s20], $0xFA0  }
0x35: {  	s1 =	simm.s32 @p1 $0x8E80;
	s12 =	simm.s32 @p1 $0xA;
	[sflag:s20] =	ssyncset.done @p1 $0x0  }
0x36: {  	s19 =	simm.s32 @p1 $0x7D;
	[sflag:s20] =	ssyncadd.s32 @p1 $0xFFFFF060;
	s20 =	sadd.s32 @p1 $0x2800, s0  }
0x37: {  	[spmem:s2] =	stream.indirect.scatter.add.bf16 @p1 [tilespmem:s1], [sflag:$0xA], $0x20, s20, s19, $0xb8;
	[tilespmem:$0x16D00] =	vst v63  }
0x38: {  	_ =	swait.ge @p1 [sflag:s12], $0xFA0  }
0x39: {  	[sflag:s12] =	ssyncset.done @p1 $0x0  }
0x3a: {  	s1 =	simm.s32 @p1 $0x6;
	[sflag:s12] =	ssyncadd.s32 @p1 $0xFFFFF060  }
0x3b: {  	_ =	swait.ge @p1 [sflag:s1], $0xFA0  }
0x3c: {  	p0 =	por p1, p1;
	[sflag:s1] =	ssyncset.done @p1 $0x0  }
0x3d: {  	s20 =	sadd.s32 @p1 $0x2880, s0;
	[sflag:s1] =	ssyncadd.s32 @p0 $0xFFFFF060;
	s1 =	simm.s32 @p0 $0x9E20  }
0x3e: {  	[spmem:s2] =	stream.indirect.scatter.add.bf16 @p0 [tilespmem:s1], [sflag:$0xA], $0x20, s20, s19, $0xb8;
	[tilespmem:$0x16D00] =	vst v63  }
0x3f: {  	_ =	swait.ge @p0 [sflag:s12], $0xFA0  }
0x40: {  	[sflag:s12] =	ssyncset.done @p0 $0x0  }
0x41: {  	s1 =	simm.s32 @p0 $0x7;
	[sflag:s12] =	ssyncadd.s32 @p0 $0xFFFFF060  }
0x42: {  	_ =	swait.ge @p0 [sflag:s1], $0xFA0  }
0x43: {  	[sflag:s1] =	ssyncset.done @p0 $0x0  }
0x44: {  	s20 =	sadd.s32 @p1 $0x2900, s0;
	[sflag:s1] =	ssyncadd.s32 @p0 $0xFFFFF060;
	s1 =	simm.s32 @p0 $0xADC0  }
0x45: {  	[spmem:s2] =	stream.indirect.scatter.add.bf16 @p0 [tilespmem:s1], [sflag:$0xA], $0x20, s20, s19, $0xb8;
	[tilespmem:$0x16D00] =	vst v63  }
0x46: {  	_ =	swait.ge @p0 [sflag:s12], $0xFA0  }
0x47: {  	[sflag:s12] =	ssyncset.done @p0 $0x0  }
0x48: {  	s1 =	simm.s32 @p0 $0x8;
	[sflag:s12] =	ssyncadd.s32 @p0 $0xFFFFF060  }
0x49: {  	_ =	swait.ge @p0 [sflag:s1], $0xFA0  }
0x4a: {  	[sflag:s1] =	ssyncset.done @p0 $0x0  }
0x4b: {  	s0 =	sadd.s32 @p1 $0x2980, s0;
	[sflag:s1] =	ssyncadd.s32 @p0 $0xFFFFF060;
	s1 =	simm.s32 @p0 $0xBD60  }
0x4c: {  	[spmem:s2] =	stream.indirect.scatter.add.bf16 @p0 [tilespmem:s1], [sflag:$0x9], $0x20, s0, s19, $0xb8;
	[tilespmem:$0x16D00] =	vst v63  }
0x4d: {  	s12 =	simm.s32 @!p0 $0x8E80;
	s1 =	simm.s32 @!p1 $0x200;
	s0 =	simm.s32 @!p0 $0x7D  }
0x4e: {  	[tilespmem:s12], [sflag:$0x5] =	stream.indirect.gather @!p0 [spmem:s3], $0x20, s1, s0, $0xb8;
	[tilespmem:$0x16D00] =	vst v63  }
0x4f: {  	s1 =	simm.s32 @!p1 $0x280;
	s12 =	simm.s32 @!p0 $0x9E20  }
0x50: {  	[tilespmem:s12], [sflag:$0x6] =	stream.indirect.gather @!p0 [spmem:s3], $0x20, s1, s0, $0xb8;
	[tilespmem:$0x16D00] =	vst v63  }
0x51: {  	s1 =	simm.s32 @!p1 $0x300;
	s12 =	simm.s32 @!p0 $0xADC0  }
0x52: {  	[tilespmem:s12], [sflag:$0x7] =	stream.indirect.gather @!p0 [spmem:s3], $0x20, s1, s0, $0xb8;
	[tilespmem:$0x16D00] =	vst v63  }
0x53: {  	s19 =	simm.s32 @!p0 $0x1;
	s1 =	simm.s32 @!p1 $0x380;
	s12 =	simm.s32 @!p0 $0xBD60  }
0x54: {  	[tilespmem:s12], [sflag:$0x8] =	stream.indirect.gather @!p0 [spmem:s3], $0x20, s1, s0, $0xb8;
	[tilespmem:$0x16D00] =	vst v63  }
0x55: {  	_ =	swait.ge @!p0 [sflag:s19], $0xFA0  }
0x56: {  	s1 =	simm.s32 @!p1 $0x2800;
	[sflag:s19] =	ssyncset.done @!p0 $0x0  }
0x57: {  	s12 =	simm.s32 @!p0 $0xA;
	[sflag:s19] =	ssyncadd.s32 @!p0 $0xFFFFF060;
	s19 =	simm.s32 @!p0 $0x5000  }
0x58: {  	[spmem:s2] =	stream.indirect.scatter.add.bf16 @!p0 [tilespmem:s19], [sflag:$0xA], $0x20, s1, s0, $0xb8;
	[tilespmem:$0x16D00] =	vst v63  }
0x59: {  	_ =	swait.ge @!p0 [sflag:s12], $0xFA0  }
0x5a: {  	[sflag:s12] =	ssyncset.done @!p0 $0x0  }
0x5b: {  	s1 =	simm.s32 @!p0 $0x2;
	[sflag:s12] =	ssyncadd.s32 @!p0 $0xFFFFF060  }
0x5c: {  	_ =	swait.ge @!p0 [sflag:s1], $0xFA0  }
0x5d: {  	[sflag:s1] =	ssyncset.done @!p0 $0x0  }
0x5e: {  	s19 =	simm.s32 @!p1 $0x2880;
	[sflag:s1] =	ssyncadd.s32 @!p0 $0xFFFFF060;
	s1 =	simm.s32 @!p0 $0x5FA0  }
0x5f: {  	[spmem:s2] =	stream.indirect.scatter.add.bf16 @!p0 [tilespmem:s1], [sflag:$0xA], $0x20, s19, s0, $0xb8;
	[tilespmem:$0x16D00] =	vst v63  }
0x60: {  	_ =	swait.ge @!p0 [sflag:s12], $0xFA0  }
0x61: {  	[sflag:s12] =	ssyncset.done @!p0 $0x0  }
0x62: {  	s1 =	simm.s32 @!p0 $0x3;
	[sflag:s12] =	ssyncadd.s32 @!p0 $0xFFFFF060  }
0x63: {  	s28 =	simm.s32 $0x800;
	_ =	swait.ge @!p0 [sflag:s1], $0xFA0  }
0x64: {  	s29 =	simm.s32 $0x1000;
	s30 =	simm.s32 $0x1;
	[sflag:s1] =	ssyncset.done @!p0 $0x0  }
0x65: {  	s19 =	simm.s32 @!p1 $0x2900;
	[sflag:s1] =	ssyncadd.s32 @!p0 $0xFFFFF060;
	s1 =	simm.s32 @!p0 $0x6F40  }
0x66: {  	[spmem:s2] =	stream.indirect.scatter.add.bf16 @!p0 [tilespmem:s1], [sflag:$0xA], $0x20, s19, s0, $0xb8;
	[tilespmem:$0x16D00] =	vst v63  }
0x67: {  	s21 =	sand.u32 $0x1, s30;
	s20 =	simm.s32 @!p0 $0x7EE0;
	_ =	swait.ge @!p0 [sflag:s12], $0xFA0  }
0x68: {  	s1 =	simm.s32 @!p1 $0x2980;
	p1 =	seq.s32 s21, $0x1;
	[sflag:s12] =	ssyncset.done @!p0 $0x0  }
0x69: {  	s19 =	simm.s32 @!p0 $0x4;
	p2 =	por @p1 $0x0, $0x0;
	[sflag:s12] =	ssyncadd.s32 @!p0 $0xFFFFF060  }
0x6a: {  	s31 =	simm.s32 @!p1 $0x200;
	p3 =	por p2, !p1;
	_ =	swait.ge @!p0 [sflag:s19], $0xFA0  }
0x6b: {  	p2 =	por !p2, !p1;
	s12 =	simm.s32 @p0 $0x9;
	[sflag:s19] =	ssyncset.done @!p0 $0x0  }
0x6c: {  	s28 =	simm.s32 @!p2 $0x9800;
	[sflag:s19] =	ssyncadd.s32 @!p0 $0xFFFFF060;
	s19 =	simm.s32 @!p3 $0x200  }
.LBB2_2:
0x6d: {  	[spmem:s2] =	stream.indirect.scatter.add.bf16 @!p0 [tilespmem:s20], [sflag:$0xA], $0x20, s1, s0, $0xb8;
	[tilespmem:$0x16D00] =	vst v63  }
0x6e: {  	s23 =	sadd.s32 @!p1 $0x200, s31;
	s20 =	sadd.s32 @!p1 $0x280, s31;
	_ =	swait.ge [sflag:s12], $0xFA0  }
0x6f: {  	s0 =	simm.s32 @!p3 $0x5000;
	s21 =	sadd.s32 @!p1 $0x300, s31;
	[sflag:s12] =	ssyncset.done $0x0  }
0x70: {  	s1 =	sadd.s32 @!p3 $0x200, s19;
	s24 =	simm.s32 @!p3 $0x7D;
	[sflag:s12] =	ssyncadd.s32 $0xFFFFF060  }
0x71: {  	[tilespmem:s0], [sflag:$0x1] =	stream.indirect.gather @!p3 [spmem:s3], $0x20, s1, s24, $0xb8;
	[tilespmem:$0x16D00] =	vst v63  }
0x72: {  	s12 =	sadd.s32 @!p1 $0x380, s31;
	s0 =	sadd.s32 @!p3 $0x280, s19;
	s1 =	simm.s32 @!p3 $0x5FA0  }
0x73: {  	[tilespmem:s1], [sflag:$0x2] =	stream.indirect.gather @!p3 [spmem:s3], $0x20, s0, s24, $0xb8;
	[tilespmem:$0x16D00] =	vst v63  }
0x74: {  	s22 =	sadd.s32 @!p1 $0x2800, s31;
	s0 =	sadd.s32 @!p3 $0x300, s19;
	s1 =	simm.s32 @!p3 $0x6F40  }
0x75: {  	[tilespmem:s1], [sflag:$0x3] =	stream.indirect.gather @!p3 [spmem:s3], $0x20, s0, s24, $0xb8;
	[tilespmem:$0x16D00] =	vst v63  }
0x76: {  	s0 =	sadd.s32 @!p3 $0x380, s19;
	s1 =	simm.s32 @!p3 $0x7EE0;
	s19 =	simm.s32 @p1 $0x5  }
0x77: {  	[tilespmem:s1], [sflag:$0x4] =	stream.indirect.gather @!p3 [spmem:s3], $0x20, s0, s24, $0xb8;
	[tilespmem:$0x16D00] =	vst v63  }
0x78: {  	s25 =	simm.s32 @p1 $0xA;
	s1 =	simm.s32 @p1 $0x8E80;
	_ =	swait.ge @p1 [sflag:s19], $0xFA0  }
0x79: {  	s24 =	sshra.s32 @p1 s28, $0x2;
	s0 =	simm.s32 @p1 $0x7D;
	[sflag:s19] =	ssyncset.done @p1 $0x0  }
0x7a: {  	s5 =	sadd.s32 @p1 $0x2880, s24;
	[sflag:s19] =	ssyncadd.s32 @p1 $0xFFFFF060;
	s19 =	sadd.s32 @p1 $0x2800, s24  }
0x7b: {  	[spmem:s2] =	stream.indirect.scatter.add.bf16 @p1 [tilespmem:s1], [sflag:$0xA], $0x20, s19, s0, $0xb8;
	[tilespmem:$0x16D00] =	vst v63  }
0x7c: {  	s6 =	sadd.s32 @p1 $0x2900, s24;
	s7 =	sadd.s32 @p1 $0x2980, s24;
	_ =	swait.ge @p1 [sflag:s25], $0xFA0  }
0x7d: {  	s24 =	sadd.s32 @!p1 $0x2880, s31;
	s19 =	sadd.s32 @!p1 $0x2900, s31;
	[sflag:s25] =	ssyncset.done @p1 $0x0  }
0x7e: {  	s9 =	simm.s32 @p1 $0x6;
	s1 =	sadd.s32 @!p1 $0x2980, s31;
	[sflag:s25] =	ssyncadd.s32 @p1 $0xFFFFF060  }
0x7f: {  	s28 =	smov.u32 s29;
	s29 =	sadd.s32 $0x800, s29;
	_ =	swait.ge @p1 [sflag:s9], $0xFA0  }
0x80: {  	p0 =	por p1, p1;
	p2 =	sne.s32 s29, $0xA000;
	[sflag:s9] =	ssyncset.done @p1 $0x0  }
0x81: {  	[sflag:s9] =	ssyncadd.s32 @p0 $0xFFFFF060;
	s9 =	simm.s32 @p0 $0x9E20  }
0x82: {  	[spmem:s2] =	stream.indirect.scatter.add.bf16 @p0 [tilespmem:s9], [sflag:$0xA], $0x20, s5, s0, $0xb8;
	[tilespmem:$0x16D00] =	vst v63  }
0x83: {  	_ =	swait.ge @p0 [sflag:s25], $0xFA0  }
0x84: {  	[sflag:s25] =	ssyncset.done @p0 $0x0  }
0x85: {  	s5 =	simm.s32 @p0 $0x7;
	[sflag:s25] =	ssyncadd.s32 @p0 $0xFFFFF060  }
0x86: {  	_ =	swait.ge @p0 [sflag:s5], $0xFA0  }
0x87: {  	[sflag:s5] =	ssyncset.done @p0 $0x0  }
0x88: {  	[sflag:s5] =	ssyncadd.s32 @p0 $0xFFFFF060;
	s5 =	simm.s32 @p0 $0xADC0  }
0x89: {  	[spmem:s2] =	stream.indirect.scatter.add.bf16 @p0 [tilespmem:s5], [sflag:$0xA], $0x20, s6, s0, $0xb8;
	[tilespmem:$0x16D00] =	vst v63  }
0x8a: {  	_ =	swait.ge @p0 [sflag:s25], $0xFA0  }
0x8b: {  	[sflag:s25] =	ssyncset.done @p0 $0x0  }
0x8c: {  	s5 =	simm.s32 @p0 $0x8;
	[sflag:s25] =	ssyncadd.s32 @p0 $0xFFFFF060  }
0x8d: {  	_ =	swait.ge @p0 [sflag:s5], $0xFA0  }
0x8e: {  	[sflag:s5] =	ssyncset.done @p0 $0x0  }
0x8f: {  	[sflag:s5] =	ssyncadd.s32 @p0 $0xFFFFF060;
	s5 =	simm.s32 @p0 $0xBD60  }
0x90: {  	[spmem:s2] =	stream.indirect.scatter.add.bf16 @p0 [tilespmem:s5], [sflag:$0x9], $0x20, s7, s0, $0xb8;
	[tilespmem:$0x16D00] =	vst v63  }
0x91: {  	s0 =	simm.s32 @!p0 $0x7D;
	s5 =	simm.s32 @!p0 $0x8E80  }
0x92: {  	[tilespmem:s5], [sflag:$0x5] =	stream.indirect.gather @!p0 [spmem:s3], $0x20, s23, s0, $0xb8;
	[tilespmem:$0x16D00] =	vst v63  }
0x93: {  	s5 =	simm.s32 @!p0 $0x9E20  }
0x94: {  	[tilespmem:s5], [sflag:$0x6] =	stream.indirect.gather @!p0 [spmem:s3], $0x20, s20, s0, $0xb8;
	[tilespmem:$0x16D00] =	vst v63  }
0x95: {  	s5 =	simm.s32 @!p0 $0xADC0  }
0x96: {  	[tilespmem:s5], [sflag:$0x7] =	stream.indirect.gather @!p0 [spmem:s3], $0x20, s21, s0, $0xb8;
	[tilespmem:$0x16D00] =	vst v63  }
0x97: {  	s6 =	simm.s32 @!p0 $0x1;
	s5 =	simm.s32 @!p0 $0xBD60  }
0x98: {  	[tilespmem:s5], [sflag:$0x8] =	stream.indirect.gather @!p0 [spmem:s3], $0x20, s12, s0, $0xb8;
	[tilespmem:$0x16D00] =	vst v63  }
0x99: {  	_ =	swait.ge @!p0 [sflag:s6], $0xFA0  }
0x9a: {  	[sflag:s6] =	ssyncset.done @!p0 $0x0  }
0x9b: {  	s5 =	simm.s32 @!p0 $0x5000;
	s12 =	simm.s32 @!p0 $0xA;
	[sflag:s6] =	ssyncadd.s32 @!p0 $0xFFFFF060  }
0x9c: {  	[spmem:s2] =	stream.indirect.scatter.add.bf16 @!p0 [tilespmem:s5], [sflag:$0xA], $0x20, s22, s0, $0xb8;
	[tilespmem:$0x16D00] =	vst v63  }
0x9d: {  	_ =	swait.ge @!p0 [sflag:s12], $0xFA0  }
0x9e: {  	[sflag:s12] =	ssyncset.done @!p0 $0x0  }
0x9f: {  	s5 =	simm.s32 @!p0 $0x2;
	[sflag:s12] =	ssyncadd.s32 @!p0 $0xFFFFF060  }
0xa0: {  	_ =	swait.ge @!p0 [sflag:s5], $0xFA0  }
0xa1: {  	[sflag:s5] =	ssyncset.done @!p0 $0x0  }
0xa2: {  	[sflag:s5] =	ssyncadd.s32 @!p0 $0xFFFFF060;
	s5 =	simm.s32 @!p0 $0x5FA0  }
0xa3: {  	[spmem:s2] =	stream.indirect.scatter.add.bf16 @!p0 [tilespmem:s5], [sflag:$0xA], $0x20, s24, s0, $0xb8;
	[tilespmem:$0x16D00] =	vst v63  }
0xa4: {  	_ =	swait.ge @!p0 [sflag:s12], $0xFA0  }
0xa5: {  	[sflag:s12] =	ssyncset.done @!p0 $0x0  }
0xa6: {  	s5 =	simm.s32 @!p0 $0x3;
	[sflag:s12] =	ssyncadd.s32 @!p0 $0xFFFFF060  }
0xa7: {  	_ =	swait.ge @!p0 [sflag:s5], $0xFA0  }
0xa8: {  	[sflag:s5] =	ssyncset.done @!p0 $0x0  }
0xa9: {  	s30 =	sadd.s32 $0x1, s30;
	[sflag:s5] =	ssyncadd.s32 @!p0 $0xFFFFF060;
	s5 =	simm.s32 @!p0 $0x6F40  }
0xaa: {  	[spmem:s2] =	stream.indirect.scatter.add.bf16 @!p0 [tilespmem:s5], [sflag:$0xA], $0x20, s19, s0, $0xb8;
	[tilespmem:$0x16D00] =	vst v63  }
0xab: {  	s20 =	simm.s32 @!p0 $0x7EE0;
	s5 =	simm.s32 @!p0 $0x4;
	_ =	swait.ge @!p0 [sflag:s12], $0xFA0  }
.Ltmp0:
0xac: {  	s6 =	sand.u32 $0x1, s30;
	[sflag:s12] =	ssyncset.done @!p0 $0x0;
	(pc) =	sbr.rel @p2 .LBB2_2-.Ltmp0, $4  }
0xad: {  	p1 =	seq.s32 s6, $0x1;
	[sflag:s12] =	ssyncadd.s32 @!p0 $0xFFFFF060;
	s12 =	simm.s32 @p0 $0x9  }
0xae: {  	p4 =	seq.s32 @p1 s28, $0x9800;
	s31 =	sshra.s32 @!p1 s28, $0x2;
	_ =	swait.ge @!p0 [sflag:s5], $0xFA0  }
0xaf: {  	p3 =	por p4, !p1;
	p4 =	por !p4, !p1;
	[sflag:s5] =	ssyncset.done @!p0 $0x0  }
0xb0: {  	s19 =	sshra.s32 @!p3 s28, $0x2;
	s28 =	simm.s32 @!p4 $0x9800;
	[sflag:s5] =	ssyncadd.s32 @!p0 $0xFFFFF060  }
0xb1: {  	[spmem:s2] =	stream.indirect.scatter.add.bf16 @!p0 [tilespmem:s20], [sflag:$0xA], $0x20, s1, s0, $0xb8;
	[tilespmem:$0x16D00] =	vst v63  }
0xb2: {  	_ =	swait.ge [sflag:s12], $0xFA0  }
0xb3: {  	s0 =	simm.s32 @!p3 $0x5000;
	[sflag:s12] =	ssyncset.done $0x0  }
0xb4: {  	s1 =	sadd.s32 @!p3 $0x200, s19;
	s5 =	simm.s32 @!p3 $0x7D;
	[sflag:s12] =	ssyncadd.s32 $0xFFFFF060  }
0xb5: {  	[tilespmem:s0], [sflag:$0x1] =	stream.indirect.gather @!p3 [spmem:s3], $0x20, s1, s5, $0xb8;
	[tilespmem:$0x16D00] =	vst v63  }
0xb6: {  	s0 =	sadd.s32 @!p3 $0x280, s19;
	s1 =	simm.s32 @!p3 $0x5FA0  }
0xb7: {  	[tilespmem:s1], [sflag:$0x2] =	stream.indirect.gather @!p3 [spmem:s3], $0x20, s0, s5, $0xb8;
	[tilespmem:$0x16D00] =	vst v63  }
0xb8: {  	s0 =	sadd.s32 @!p3 $0x300, s19;
	s1 =	simm.s32 @!p3 $0x6F40  }
0xb9: {  	[tilespmem:s1], [sflag:$0x3] =	stream.indirect.gather @!p3 [spmem:s3], $0x20, s0, s5, $0xb8;
	[tilespmem:$0x16D00] =	vst v63  }
0xba: {  	s6 =	simm.s32 @p1 $0x5;
	s0 =	sadd.s32 @!p3 $0x380, s19;
	s1 =	simm.s32 @!p3 $0x7EE0  }
0xbb: {  	[tilespmem:s1], [sflag:$0x4] =	stream.indirect.gather @!p3 [spmem:s3], $0x20, s0, s5, $0xb8;
	[tilespmem:$0x16D00] =	vst v63  }
0xbc: {  	s7 =	simm.s32 @p1 $0x7D;
	_ =	swait.ge @p1 [sflag:s6], $0xFA0  }
0xbd: {  	s0 =	simm.s32 @p1 $0x8E80;
	s5 =	sshra.s32 @p1 s28, $0x2;
	[sflag:s6] =	ssyncset.done @p1 $0x0  }
0xbe: {  	s1 =	simm.s32 @p1 $0xA;
	[sflag:s6] =	ssyncadd.s32 @p1 $0xFFFFF060;
	s6 =	sadd.s32 @p1 $0x2800, s5  }
0xbf: {  	[spmem:s2] =	stream.indirect.scatter.add.bf16 @p1 [tilespmem:s0], [sflag:$0xA], $0x20, s6, s7, $0xb8;
	[tilespmem:$0x16D00] =	vst v63  }
0xc0: {  	_ =	swait.ge @p1 [sflag:s1], $0xFA0  }
0xc1: {  	[sflag:s1] =	ssyncset.done @p1 $0x0  }
0xc2: {  	s0 =	simm.s32 @p1 $0x6;
	[sflag:s1] =	ssyncadd.s32 @p1 $0xFFFFF060  }
0xc3: {  	_ =	swait.ge @p1 [sflag:s0], $0xFA0  }
0xc4: {  	p0 =	por p1, p1;
	[sflag:s0] =	ssyncset.done @p1 $0x0  }
0xc5: {  	s6 =	sadd.s32 @p1 $0x2880, s5;
	[sflag:s0] =	ssyncadd.s32 @p0 $0xFFFFF060;
	s0 =	simm.s32 @p0 $0x9E20  }
0xc6: {  	[spmem:s2] =	stream.indirect.scatter.add.bf16 @p0 [tilespmem:s0], [sflag:$0xA], $0x20, s6, s7, $0xb8;
	[tilespmem:$0x16D00] =	vst v63  }
0xc7: {  	_ =	swait.ge @p0 [sflag:s1], $0xFA0  }
0xc8: {  	[sflag:s1] =	ssyncset.done @p0 $0x0  }
0xc9: {  	s0 =	simm.s32 @p0 $0x7;
	[sflag:s1] =	ssyncadd.s32 @p0 $0xFFFFF060  }
0xca: {  	_ =	swait.ge @p0 [sflag:s0], $0xFA0  }
0xcb: {  	[sflag:s0] =	ssyncset.done @p0 $0x0  }
0xcc: {  	s6 =	sadd.s32 @p1 $0x2900, s5;
	[sflag:s0] =	ssyncadd.s32 @p0 $0xFFFFF060;
	s0 =	simm.s32 @p0 $0xADC0  }
0xcd: {  	[spmem:s2] =	stream.indirect.scatter.add.bf16 @p0 [tilespmem:s0], [sflag:$0xA], $0x20, s6, s7, $0xb8;
	[tilespmem:$0x16D00] =	vst v63  }
0xce: {  	_ =	swait.ge @p0 [sflag:s1], $0xFA0  }
0xcf: {  	[sflag:s1] =	ssyncset.done @p0 $0x0  }
0xd0: {  	s0 =	simm.s32 @p0 $0x8;
	[sflag:s1] =	ssyncadd.s32 @p0 $0xFFFFF060  }
0xd1: {  	_ =	swait.ge @p0 [sflag:s0], $0xFA0  }
0xd2: {  	[sflag:s0] =	ssyncset.done @p0 $0x0  }
0xd3: {  	s1 =	sadd.s32 @p1 $0x2980, s5;
	[sflag:s0] =	ssyncadd.s32 @p0 $0xFFFFF060;
	s0 =	simm.s32 @p0 $0xBD60  }
0xd4: {  	[spmem:s2] =	stream.indirect.scatter.add.bf16 @p0 [tilespmem:s0], [sflag:$0x9], $0x20, s1, s7, $0xb8;
	[tilespmem:$0x16D00] =	vst v63  }
0xd5: {  	s5 =	simm.s32 @!p0 $0x8E80;
	s0 =	sadd.s32 @!p1 $0x200, s31;
	s1 =	simm.s32 @!p0 $0x7D  }
0xd6: {  	[tilespmem:s5], [sflag:$0x5] =	stream.indirect.gather @!p0 [spmem:s3], $0x20, s0, s1, $0xb8;
	[tilespmem:$0x16D00] =	vst v63  }
0xd7: {  	s0 =	sadd.s32 @!p1 $0x280, s31;
	s5 =	simm.s32 @!p0 $0x9E20  }
0xd8: {  	[tilespmem:s5], [sflag:$0x6] =	stream.indirect.gather @!p0 [spmem:s3], $0x20, s0, s1, $0xb8;
	[tilespmem:$0x16D00] =	vst v63  }
0xd9: {  	s0 =	sadd.s32 @!p1 $0x300, s31;
	s5 =	simm.s32 @!p0 $0xADC0  }
0xda: {  	[tilespmem:s5], [sflag:$0x7] =	stream.indirect.gather @!p0 [spmem:s3], $0x20, s0, s1, $0xb8;
	[tilespmem:$0x16D00] =	vst v63  }
0xdb: {  	s6 =	simm.s32 @!p0 $0x1;
	s0 =	sadd.s32 @!p1 $0x380, s31;
	s5 =	simm.s32 @!p0 $0xBD60  }
0xdc: {  	[tilespmem:s5], [sflag:$0x8] =	stream.indirect.gather @!p0 [spmem:s3], $0x20, s0, s1, $0xb8;
	[tilespmem:$0x16D00] =	vst v63  }
0xdd: {  	_ =	swait.ge @!p0 [sflag:s6], $0xFA0  }
0xde: {  	s0 =	sadd.s32 @!p1 $0x2800, s31;
	[sflag:s6] =	ssyncset.done @!p0 $0x0  }
0xdf: {  	s5 =	simm.s32 @!p0 $0x5000;
	[sflag:s6] =	ssyncadd.s32 @!p0 $0xFFFFF060;
	s6 =	simm.s32 @!p0 $0xA  }
0xe0: {  	[spmem:s2] =	stream.indirect.scatter.add.bf16 @!p0 [tilespmem:s5], [sflag:$0xA], $0x20, s0, s1, $0xb8;
	[tilespmem:$0x16D00] =	vst v63  }
0xe1: {  	_ =	swait.ge @!p0 [sflag:s6], $0xFA0  }
0xe2: {  	[sflag:s6] =	ssyncset.done @!p0 $0x0  }
0xe3: {  	s0 =	simm.s32 @!p0 $0x2;
	[sflag:s6] =	ssyncadd.s32 @!p0 $0xFFFFF060  }
0xe4: {  	_ =	swait.ge @!p0 [sflag:s0], $0xFA0  }
0xe5: {  	[sflag:s0] =	ssyncset.done @!p0 $0x0  }
0xe6: {  	s5 =	sadd.s32 @!p1 $0x2880, s31;
	[sflag:s0] =	ssyncadd.s32 @!p0 $0xFFFFF060;
	s0 =	simm.s32 @!p0 $0x5FA0  }
0xe7: {  	[spmem:s2] =	stream.indirect.scatter.add.bf16 @!p0 [tilespmem:s0], [sflag:$0xA], $0x20, s5, s1, $0xb8;
	[tilespmem:$0x16D00] =	vst v63  }
0xe8: {  	_ =	swait.ge @!p0 [sflag:s6], $0xFA0  }
0xe9: {  	[sflag:s6] =	ssyncset.done @!p0 $0x0  }
0xea: {  	s0 =	simm.s32 @!p0 $0x3;
	[sflag:s6] =	ssyncadd.s32 @!p0 $0xFFFFF060  }
0xeb: {  	_ =	swait.ge @!p0 [sflag:s0], $0xFA0  }
0xec: {  	[sflag:s0] =	ssyncset.done @!p0 $0x0  }
0xed: {  	s5 =	sadd.s32 @!p1 $0x2900, s31;
	[sflag:s0] =	ssyncadd.s32 @!p0 $0xFFFFF060;
	s0 =	simm.s32 @!p0 $0x6F40  }
0xee: {  	[spmem:s2] =	stream.indirect.scatter.add.bf16 @!p0 [tilespmem:s0], [sflag:$0xA], $0x20, s5, s1, $0xb8;
	[tilespmem:$0x16D00] =	vst v63  }
0xef: {  	_ =	swait.ge @!p0 [sflag:s6], $0xFA0  }
0xf0: {  	[sflag:s6] =	ssyncset.done @!p0 $0x0  }
0xf1: {  	s0 =	simm.s32 @!p0 $0x4;
	[sflag:s6] =	ssyncadd.s32 @!p0 $0xFFFFF060  }
0xf2: {  	_ =	swait.ge @!p0 [sflag:s0], $0xFA0  }
0xf3: {  	s7 =	simm.s32 @!p0 $0x7EE0;
	[sflag:s0] =	ssyncset.done @!p0 $0x0  }
0xf4: {  	s5 =	sadd.s32 @!p1 $0x2980, s31;
	s6 =	simm.s32 @p0 $0x9;
	[sflag:s0] =	ssyncadd.s32 @!p0 $0xFFFFF060  }
0xf5: {  	[spmem:s2] =	stream.indirect.scatter.add.bf16 @!p0 [tilespmem:s7], [sflag:$0xA], $0x20, s5, s1, $0xb8;
	[tilespmem:$0x16D00] =	vst v63  }
0xf6: {  	_ =	swait.ge [sflag:s6], $0xFA0  }
0xf7: {  	s26 =	sadd.s32 $0x1, s26;
	[sflag:s6] =	ssyncset.done $0x0  }
0xf8: {  	p0 =	sne.s32 s26, s11;
	[sflag:s6] =	ssyncadd.s32 $0xFFFFF060  }
.Ltmp1:
0xf9: {  	[bflag:$0x0] =	sbarrier.arrive $0xFFFF;
	(pc) =	sbr.rel @p0 .LBB2_1-.Ltmp1, $4  }
0xfa: {  	[hbm:s10], [sflag:s8] =	dma.local [spmem:s13], $0xA00  }
0xfb: {  	_ =	swait.ge [sflag:s14], $0xA00  }
0xfc: {  	[sflag:s14] =	ssyncset.done $0x0  }
0xfd: {  	[sflag:s14] =	ssyncadd.s32 $0xFFFFF600  }
0xfe: {  	_ =	sfence.sel $0x180000  }
0xff: {  	[bflag:$0x0] =	sbarrier.arrive $0xFFFF  }
0x100: {  	_ =	strace $0x9000004A  }
0x101: {  	s0 =	stileid.u32;
	[bflag:$0x2] =	sbarrier.arrive $0xFFFF  }
0x102: {  	p0 =	sne.s32 s0, $0x0;
	s0 =	rddreg [dreg:$0x3]  }
0x103: {  	s0 =	sadd.s32 @!p0 $0x100000, s0  }
0x104: {  	[sflag:s0] =	ssyncadd.tile.s32 @!p0 $0x1;
	_ =	shalt  }
.Lfunc_end2:
_tile_overlayer_lowered:
.L_overlay_start_2:
0x105: {  	(tag) =	ssettag $0x2  }
0x106: {  	s0 =	rddreg [dreg:$0x0];
	s2 =	stileid.u32  }
0x107: {  	s1 =	rddreg [dreg:$0x1];
	p0 =	sne.s32 s2, $0x0  }
0x108: {  	s3 =	rddreg [dreg:$0x2];
	[bflag:$0x3] =	sbarrier.arrive $0xFFFF;
	s2 =	simm.s32 @!p0 $0x1C09  }
0x109: {  	[timem:s3], [sflag:s2] =	dma.local @!p0 [hbm:s0], s1  }
0x10a: {  	s0 =	simm.s32 @!p0 $0x9  }
0x10b: {  	_ =	swait.ge @!p0 [sflag:s0], s1  }
0x10c: {  	s1 =	ssub.s32 @!p0 $0x0, s1;
	[sflag:s0] =	ssyncset.done @!p0 $0x0  }
0x10d: {  	[sflag:s0] =	ssyncadd.s32 @!p0 s1  }
0x10e: {  	[bflag:$0x3] =	sbarrier.arrive $0xFFFF  }
0x10f: {  	_ =	shalt  }

// kernel: kernel.16.cloned.1.call-start
scs
__scs_entry_jumppad:
0x0: {  	(pc) =	sbr.rel $0x88, $3  }
0x1: {  	(tag) =	ssettag $0x0;
	lr =	simm.s32 $0x1  }
0x2: {  	[smem:$0x3F94] =	sst lr;
	_ =	strace $0xD0000000  }
0x3: {  	_ = 	snop  }
0x4: {  	_ = 	snop  }
0x5: {  	_ = 	snop  }
0x6: {  	_ = 	snop  }
0x7: {  	_ = 	snop  }
__scs_overlays_trampoline_lowered:
0x8: {  	[smem:$0x3FA3] =	sst s0  }
0x9: {  	[smem:$0x3FA4] =	sst s1  }
0xa: {  	[smem:$0x3FA5] =	sst s2  }
0xb: {  	[smem:$0x3FA6] =	sst s3  }
0xc: {  	[smem:$0x3FA7] =	sst s4  }
0xd: {  	[smem:$0x3FA8] =	sst s5  }
0xe: {  	[smem:$0x3FA9] =	sst s6  }
0xf: {  	[smem:$0x3FAA] =	sst s7  }
0x10: {  	[smem:$0x3FAB] =	sst s8  }
0x11: {  	[smem:$0x3FAC] =	sst s9;
	s0 =	simm.s32 @!p0 $0x0  }
0x12: {  	s1 =	sld [smem:$0x3F92];
	s0 =	simm.s32 @p0 $0x1  }
0x13: {  	[smem:$0x3FAD] =	sst s0;
	s0 =	simm.s32 @!p1 $0x0  }
0x14: {  	s2 =	sld [smem:$0x3F91];
	s0 =	simm.s32 @p1 $0x1  }
0x15: {  	[smem:$0x3FAE] =	sst s0;
	s0 =	simm.s32 @!p2 $0x0  }
0x16: {  	s3 =	sld [smem:$0x3FDB];
	s0 =	simm.s32 @p2 $0x1  }
0x17: {  	s4 =	simm.s32 $0x1BF5;
	[smem:$0x3FB0] =	sst s0  }
0x18: {  	s0 =	sld [smem:$0x3F93];
	_ =	swait.ge [sflag:s4], $0x0  }
0x19: {  	s7 =	sld [smem:$0x3F94]  }
0x1a: {  	s8 =	sadd.s32 $0xFFFFE003, lr  }
0x1b: {  	s9 =	sadd.s32 $0xFFFFFEF7, lr;
	s5 =	simm.s32 $0xFFFFFFFF;
	p2 =	slt.u32 s8, $0xFFFFF086  }
0x1c: {  	p1 =	slt.u32 s9, $0xF7A;
	s5 =	simm.s32 @!p2 $0x0  }
0x1d: {  	s5 =	simm.s32 @p1 $0x1;
	p0 =	seq.s32 s7, s2  }
0x1e: {  	s7 =	smul.u32 @!p0 $0xF7A, s2;
	p2 =	seq.s32 @!p0 s5, $0x0  }
0x1f: {  	s9 =	smul.u32 $0xF7A, s1;
	s8 =	simm.s32 @!p0 $0x1BF5;
	p2 =	por !p2, p0  }
0x20: {  	[sflag:s8] =	ssyncset.s32 @!p0 $0xFFFFF086;
	s6 =	sadd.s32 @!p0 s3, s7;
	s7 =	simm.s32 @!p0 $0x108  }
0x21: {  	s3 =	sadd.s32 s3, s9;
	s6 =	sadd.s32 @!p0 $0x88, s6;
	s7 =	simm.s32 @p2 $0x1082  }
0x22: {  	[simem:s7], [sflag:s8] =	dma.local @!p0 [hbm:s6], $0xF7A  }
0x23: {  	s9 =	sor.u32 $0xD0000000, s2;
	s6 =	simm.s32 $0x108;
	_ =	swait.ge @!p0 [sflag:s8], $0x0  }
0x24: {  	s3 =	sadd.s32 $0x88, s3;
	s6 =	simm.s32 @!p1 $0x1082;
	[sflag:s4] =	ssyncset.s32 $0xFFFFF086  }
0x25: {  	[simem:s6], [sflag:s4] =	dma.local [hbm:s3], $0xF7A  }
0x26: {  	[smem:$0x3F94] =	sst s1;
	(tag) =	ssettag s2;
	_ =	strace s9  }
0x27: {  	s1 =	sld [smem:$0x3FA4]  }
0x28: {  	s2 =	sld [smem:$0x3FA5]  }
0x29: {  	s4 =	sld [smem:$0x3FA7]  }
0x2a: {  	p0 =	seq.s32 s5, $0x0;
	s5 =	sld [smem:$0x3FA8]  }
0x2b: {  	s6 =	sld [smem:$0x3FA9]  }
0x2c: {  	s7 =	sld [smem:$0x3FAA]  }
0x2d: {  	s3 =	simm.s32 $0x108;
	s8 =	sld [smem:$0x3FAB]  }
0x2e: {  	s3 =	simm.s32 @!p0 $0x1082;
	s9 =	sld [smem:$0x3FAC]  }
0x2f: {  	lr =	sadd.s32 s0, s3;
	s0 =	sld [smem:$0x3FA3]  }
0x30: {  	s3 =	sld [smem:$0x3FA6]  }
0x31: {  	[smem:$0x3FAF] =	sst s10  }
0x32: {  	s10 =	sld [smem:$0x3FAD];
	_ =	sdelay $0x3  }
0x33: {  	p0 =	seq.s32 s10, $0x1;
	s10 =	sld [smem:$0x3FAF];
	_ =	sdelay $0x3  }
0x34: {  	[smem:$0x3FAF] =	sst s10  }
0x35: {  	s10 =	sld [smem:$0x3FAE];
	_ =	sdelay $0x3  }
0x36: {  	p1 =	seq.s32 s10, $0x1;
	s10 =	sld [smem:$0x3FAF];
	_ =	sdelay $0x3  }
0x37: {  	[smem:$0x3FAF] =	sst s10  }
0x38: {  	s10 =	sld [smem:$0x3FB0]  }
0x39: {  	_ = 	snop;
	(pc) =	sbr.ind lr, $3  }
0x3a: {  	_ = 	snop  }
0x3b: {  	_ = 	snop  }
0x3c: {  	p2 =	seq.s32 s10, $0x1;
	s10 =	sld [smem:$0x3FAF]  }
0x3d: {  	_ =	shalt  }
0x3e: {  	_ =	shalt  }
0x3f: {  	_ =	shalt  }
0x40: {  	_ =	shalt  }
0x41: {  	_ =	shalt  }
0x42: {  	_ =	shalt  }
0x43: {  	_ =	shalt  }
0x44: {  	_ =	shalt  }
0x45: {  	_ =	shalt  }
0x46: {  	_ =	shalt  }
0x47: {  	_ =	shalt  }
0x48: {  	_ =	shalt  }
0x49: {  	_ =	shalt  }
0x4a: {  	_ =	shalt  }
0x4b: {  	_ =	shalt  }
0x4c: {  	_ =	shalt  }
0x4d: {  	_ =	shalt  }
0x4e: {  	_ =	shalt  }
0x4f: {  	_ =	shalt  }
0x50: {  	_ =	shalt  }
0x51: {  	_ =	shalt  }
0x52: {  	_ =	shalt  }
0x53: {  	_ =	shalt  }
0x54: {  	_ =	shalt  }
0x55: {  	_ =	shalt  }
0x56: {  	_ =	shalt  }
0x57: {  	_ =	shalt  }
0x58: {  	_ =	shalt  }
0x59: {  	_ =	shalt  }
0x5a: {  	_ =	shalt  }
0x5b: {  	_ =	shalt  }
0x5c: {  	_ =	shalt  }
0x5d: {  	_ =	shalt  }
0x5e: {  	_ =	shalt  }
0x5f: {  	_ =	shalt  }
0x60: {  	_ =	shalt  }
0x61: {  	_ =	shalt  }
0x62: {  	_ =	shalt  }
0x63: {  	_ =	shalt  }
0x64: {  	_ =	shalt  }
0x65: {  	_ =	shalt  }
0x66: {  	_ =	shalt  }
0x67: {  	_ =	shalt  }
0x68: {  	_ =	shalt  }
0x69: {  	_ =	shalt  }
0x6a: {  	_ =	shalt  }
0x6b: {  	_ =	shalt  }
0x6c: {  	_ =	shalt  }
0x6d: {  	_ =	shalt  }
0x6e: {  	_ =	shalt  }
0x6f: {  	_ =	shalt  }
0x70: {  	_ =	shalt  }
0x71: {  	_ =	shalt  }
0x72: {  	_ =	shalt  }
0x73: {  	_ =	shalt  }
0x74: {  	_ =	shalt  }
0x75: {  	_ =	shalt  }
0x76: {  	_ =	shalt  }
0x77: {  	_ =	shalt  }
0x78: {  	_ =	shalt  }
0x79: {  	_ =	shalt  }
0x7a: {  	_ =	shalt  }
0x7b: {  	_ =	shalt  }
0x7c: {  	_ =	shalt  }
0x7d: {  	_ =	shalt  }
0x7e: {  	_ =	shalt  }
0x7f: {  	_ =	shalt  }
0x80: {  	_ =	shalt  }
0x81: {  	_ =	shalt  }
0x82: {  	_ =	shalt  }
0x83: {  	_ =	shalt  }
0x84: {  	_ =	shalt  }
0x85: {  	_ =	shalt  }
0x86: {  	_ =	shalt  }
0x87: {  	_ =	shalt  }
.Lfunc_end0:
.L_simem_size_0:
called_computation.2_lowered:
.L_overlay_start_0:
0x88: {  	s2 =	sld [smem:$0x3FD9]  }
0x89: {  	s3 =	sld [smem:$0x3FFE];
	_ =	sdelay $0x1  }
0x8a: {  	s1 =	srdreg.scid  }
0x8b: {  	s0 =	sand.u32 $0x1, s1  }
0x8c: {  	s16 =	sshll.u32 s0, $0xA;
	s2 =	sadd.s32 s3, s2  }
0x8d: {  	s2 =	sadd.s32 s2, s16  }
0x8e: {  	[smem:$0x3FBB] =	sst s2  }
0x8f: {  	_ = 	snop  }
0x90: {  	(tm) =	ssettm $0x1  }
0x91: {  	s17 =	sld [smem:$0x3FFB];
	_ =	sdelay $0x3  }
0x92: {  	_ =	strace s17  }
0x93: {  	s2 =	sld [smem:$0x3FFC];
	_ =	sdelay $0x3  }
0x94: {  	_ =	strace s2  }
0x95: {  	s2 =	sld [smem:$0x3FFD];
	_ =	sdelay $0x3  }
0x96: {  	_ =	strace s2  }
0x97: {  	_ =	strace $0x8FFFFFFF  }
0x98: {  	s18 =	sld [smem:$0x3FDB];
	_ =	sdelay $0x1  }
0x99: {  	s19 =	simm.s32 $_scs_section_size  }
0x9a: {  	s4 =	simm.s32 $_size__tile_overlayer_lowered;
	s5 =	simm.s32 $_tile_overlayer_lowered  }
0x9b: {  	s22 =	simm.s32 $0x1BFF;
	s21 =	sshll.u32 s5, $0x1;
	s2 =	sadd.s32 s19, s18  }
0x9c: {  	s6 =	simm.s32 $0x0;
	s20 =	sshll.u32 s4, $0x1;
	s4 =	sadd.s32 s21, s2  }
0x9d: {  	[timem:s6], [sflag:s22] =	dma.local [hbm:s4], s20  }
0x9e: {  	_ =	swait.ge [sflag:s22], s20  }
0x9f: {  	s3 =	ssub.s32 $0x0, s20;
	[sflag:s22] =	ssyncset.done $0x0  }
0xa0: {  	[sflag:s22] =	ssyncadd.s32 s3;
	_ =	sdelay $0x1  }
0xa1: {  	s23 =	simm.s32 $0x1B8B  }
0xa2: {  	_ =	swait.ge [sflag:s23], $0x1  }
0xa3: {  	[sflag:s23] =	ssyncset.done $0x0  }
0xa4: {  	s25 =	simm.s32 $0x1B8E;
	s24 =	sld [smem:$0x3FFE];
	[sflag:s23] =	ssyncadd.s32 $0xFFFFFFFF  }
0xa5: {  	s26 =	simm.s32 $execute0_lowered;
	[smem:$0x3FD2] =	sst s25  }
0xa6: {  	s4 =	sshll.u32 s26, $0x1;
	_ =	strace $0x8000004C;
	[dreg:$0x1] =	wrdreg $0xFFFFFFFF  }
0xa7: {  	s28 =	simm.s32 $_size_execute0_lowered;
	s2 =	sadd.s32 s2, s4;
	[dreg:$0x0] =	wrdreg $0x0  }
0xa8: {  	s4 =	sshll.u32 s28, $0x1;
	[dreg:$0x2] =	wrdreg s2  }
0xa9: {  	[dreg:$0x3] =	wrdreg s4  }
0xaa: {  	[dreg:$0x4] =	wrdreg $0xC0  }
0xab: {  	_ =	task [dreg:s6], $0x5FFFF  }
0xac: {  	[dreg:$0x1] =	wrdreg $0xFFFFFFFF  }
0xad: {  	[dreg:$0x0] =	wrdreg $0x60  }
0xae: {  	[dreg:$0x2] =	wrdreg s24  }
0xaf: {  	[dreg:$0x3] =	wrdreg $0xCD000  }
0xb0: {  	[dreg:$0x4] =	wrdreg $0x11D000  }
0xb1: {  	[dreg:$0x5] =	wrdreg $0x9  }
0xb2: {  	_ =	task.clear_ibuf [dreg:s6], $0x6FFFF;
	_ =	strace $0x9000004C  }
0xb3: {  	s29 =	simm.s32 $0x9;
	_ =	strace $0x8000004E  }
0xb4: {  	_ =	swait.ge [sflag:s29], $0x1  }
0xb5: {  	[sflag:s29] =	ssyncadd.s32 $0xFFFFFFFF  }
0xb6: {  	_ =	strace $0x9000004E  }
0xb7: {  	_ =	sfence  }
0xb8: {  	s30 =	sld [smem:$0x0];
	_ =	sdelay $0x2  }
0xb9: {  	s31 =	sshll.u32 s1, $0xD;
	s1 =	sshrl.u32 s1, $0x2  }
0xba: {  	s3 =	sand.u32 $0x4000, s31;
	s1 =	sadd.s32 s1, s30  }
0xbb: {  	s0 =	sor.u32 s3, s0;
	s1 =	sshll.u32 s1, $0x11  }
0xbc: {  	s0 =	sor.u32 s1, s0  }
0xbd: {  	s0 =	sadd.s32 $0x8F2B, s0  }
0xbe: {  	[sflag:s0] =	ssyncadd.remote.s32 $0x1  }
0xbf: {  	_ =	sfence.sel $0xFFFF  }
0xc0: {  	[dreg:$0x0] =	wrdreg $0xFFFFFFFF;
	(pc) =	sbr.abs _section_cstart, $3  }
0xc1: {  	[dreg:$0x1] =	wrdreg $0xFFFFFFFF  }
0xc2: {  	_ =	task.clear_ibuf [dreg:s6], $0x2FFFF;
	_ =	strace $0x9FFFFFFF  }
0xc3: {  	(tm) =	ssettm $0x7FFFFFFF  }
tec
execute0_lowered:
.L_overlay_start_1:
0x0: {  	(tag) =	ssettag $0x1  }
0x1: {  	s0 =	srdreg.scid;
	s1 =	rddreg [dreg:$0x0]  }
0x2: {  	s11 =	stileid.u32;
	s2 =	rddreg [dreg:$0x1]  }
0x3: {  	s14 =	simm.s32 $0x9;
	s16 =	simm.s32 $0x5;
	s17 =	simm.s32 $0x6  }
0x4: {  	s18 =	simm.s32 $0x7D;
	s0 =	sand.u32 $0x1, s0;
	s6 =	smul.u32 $0xA000, s11  }
0x5: {  	s7 =	smul.u32 $0xA00, s11;
	s29 =	sshll.u32 s11, $0x6;
	s3 =	sshll.u32 s0, $0x4  }
0x6: {  	s9 =	smul.u32 $0xA000, s0;
	s0 =	ssub.s32 $0x2, s0;
	s4 =	sor.u32 s11, s3  }
0x7: {  	s3 =	rddreg [dreg:$0x2];
	s8 =	sshrl.u32 s6, $0x4;
	s24 =	sshrl.u32 s0, $0x1  }
0x8: {  	s26 =	sshrl.u32 s6, $0x1;
	s5 =	smul.u32 $0x2800, s4;
	s4 =	simm.s32 $0x0  }
0x9: {  	s10 =	sadd.s32 s8, s1;
	s7 =	sadd.s32 s7, s9;
	s0 =	ssub.s32 s0, s24  }
0xa: {  	s12 =	sadd.s32 s26, s2;
	s8 =	sor.u32 $0x1C09, s29;
	s15 =	sadd.s32 s26, s3  }
0xb: {  	s26 =	simm.s32 $0x0;
	[smem:$0x7FF] =	sst s4;
	s30 =	sadd.s32 $0x1EA00, s10  }
0xc: {  	s31 =	sadd.s32 $0x28A00, s10;
	s11 =	smax.u32 s0, $0x1;
	s5 =	sshrl.u32 s5, $0x3  }
0xd: {  	_ =	strace $0x8000004D;
	[dreg:$0x6] =	wrdreg s30;
	s23 =	sadd.s32 s5, s1  }
0xe: {  	s13 =	sshrl.u32 s12, $0x3;
	[dreg:$0x7] =	wrdreg s31;
	s25 =	sadd.s32 $0x5A00, s23  }
0xf: {  	s1 =	sadd.s32 s7, s1;
	s28 =	sadd.s32 $0xFA00, s23;
	[dreg:$0x4] =	wrdreg s25  }
0x10: {  	s15 =	sshrl.u32 s15, $0x3;
	s10 =	sadd.s32 $0x32A00, s1;
	[dreg:$0x5] =	wrdreg s28  }
.LBB2_1:
0x11: {  	s0 =	rddreg [dreg:$0x4]  }
0x12: {  	s6 =	rddreg [dreg:$0x5]  }
0x13: {  	[tilespmem:s4], [sflag:$0x5] =	stream.linear.gather [hbm4b:s0+s4], $0x2800, $0x38;
	[tilespmem:$0x16D00] =	vst v63  }
0x14: {  	s1 =	simm.s32 $0x2800;
	s7 =	rddreg [dreg:$0x6]  }
0x15: {  	[tilespmem:s1], [sflag:$0x6] =	stream.linear.gather [hbm4b:s6+s4], $0x2800, $0x38;
	[tilespmem:$0x16D00] =	vst v63  }
0x16: {  	[spmem:s13], [sflag:s8] =	dma.local [hbm:s7], $0xA00  }
0x17: {  	_ =	swait.ge [sflag:s14], $0xA00  }
0x18: {  	[sflag:s14] =	ssyncset.done $0x0  }
0x19: {  	s9 =	rddreg [dreg:$0x7];
	[sflag:s14] =	ssyncadd.s32 $0xFFFFF600  }
0x1a: {  	[spmem:s15], [sflag:s8] =	dma.local [hbm:s9], $0xA00  }
0x1b: {  	_ =	swait.ge [sflag:s14], $0xA00  }
0x1c: {  	[sflag:s14] =	ssyncset.done $0x0  }
0x1d: {  	[sflag:s14] =	ssyncadd.s32 $0xFFFFF600  }
0x1e: {  	_ =	swait.ge [sflag:s16], $0x2800  }
0x1f: {  	[sflag:s16] =	ssyncset.done $0x0  }
0x20: {  	[sflag:s16] =	ssyncadd.s32 $0xFFFFD800  }
0x21: {  	_ =	swait.ge [sflag:s17], $0x2800  }
0x22: {  	[sflag:s17] =	ssyncset.done $0x0  }
0x23: {  	s12 =	simm.s32 $0x5000;
	[sflag:s17] =	ssyncadd.s32 $0xFFFFD800  }
0x24: {  	s19 =	simm.s32 $0x80;
	s25 =	sand.u32 $0x1, s4;
	[bflag:$0x0] =	sbarrier.arrive $0xFFFF  }
0x25: {  	[tilespmem:s12], [sflag:$0x1] =	stream.indirect.gather [spmem:s3], $0x20, s4, s18, $0xb8;
	[tilespmem:$0x16D00] =	vst v63  }
0x26: {  	s20 =	simm.s32 $0x5FA0;
	s21 =	simm.s32 $0x100;
	p1 =	seq.s32 s25, $0x1  }
0x27: {  	[tilespmem:s20], [sflag:$0x2] =	stream.indirect.gather [spmem:s3], $0x20, s19, s18, $0xb8;
	[tilespmem:$0x16D00] =	vst v63  }
0x28: {  	s22 =	simm.s32 $0x6F40;
	s23 =	simm.s32 $0x180;
	p2 =	por @p1 $0x0, $0x0  }
0x29: {  	[tilespmem:s22], [sflag:$0x3] =	stream.indirect.gather [spmem:s3], $0x20, s21, s18, $0xb8;
	[tilespmem:$0x16D00] =	vst v63  }
0x2a: {  	s24 =	simm.s32 $0x7EE0;
	p0 =	por p2, !p1;
	p2 =	por !p2, !p1  }
0x2b: {  	[tilespmem:s24], [sflag:$0x4] =	stream.indirect.gather [spmem:s3], $0x20, s23, s18, $0xb8;
	[tilespmem:$0x16D00] =	vst v63  }
0x2c: {  	s0 =	simm.s32 @!p0 $0x5000;
	s1 =	simm.s32 @!p0 $0x200;
	s12 =	simm.s32 @!p0 $0x7D  }
0x2d: {  	[tilespmem:s0], [sflag:$0x1] =	stream.indirect.gather @!p0 [spmem:s3], $0x20, s1, s12, $0xb8;
	[tilespmem:$0x16D00] =	vst v63  }
0x2e: {  	s19 =	simm.s32 @!p0 $0x6F40;
	s0 =	simm.s32 @!p0 $0x280;
	s1 =	simm.s32 @!p0 $0x5FA0  }
0x2f: {  	[tilespmem:s1], [sflag:$0x2] =	stream.indirect.gather @!p0 [spmem:s3], $0x20, s0, s12, $0xb8;
	[tilespmem:$0x16D00] =	vst v63  }
0x30: {  	s20 =	simm.s32 @p1 $0x5;
	s0 =	simm.s32 $0x0;
	s1 =	simm.s32 @!p0 $0x300  }
0x31: {  	[tilespmem:s19], [sflag:$0x3] =	stream.indirect.gather @!p0 [spmem:s3], $0x20, s1, s12, $0xb8;
	[tilespmem:$0x16D00] =	vst v63  }
0x32: {  	s0 =	simm.s32 @!p2 $0x9800;
	s1 =	simm.s32 @!p0 $0x380;
	s19 =	simm.s32 @!p0 $0x7EE0  }
0x33: {  	[tilespmem:s19], [sflag:$0x4] =	stream.indirect.gather @!p0 [spmem:s3], $0x20, s1, s12, $0xb8;
	[tilespmem:$0x16D00] =	vst v63  }
0x34: {  	s0 =	sshra.s32 @p1 s0, $0x2;
	_ =	swait.ge @p1 [sflag:s20], $0xFA0  }
0x35: {  	s1 =	simm.s32 @p1 $0x8E80;
	s12 =	simm.s32 @p1 $0xA;
	[sflag:s20] =	ssyncset.done @p1 $0x0  }
0x36: {  	s19 =	simm.s32 @p1 $0x7D;
	[sflag:s20] =	ssyncadd.s32 @p1 $0xFFFFF060;
	s20 =	sadd.s32 @p1 $0x2800, s0  }
0x37: {  	[spmem:s2] =	stream.indirect.scatter.add.bf16 @p1 [tilespmem:s1], [sflag:$0xA], $0x20, s20, s19, $0xb8;
	[tilespmem:$0x16D00] =	vst v63  }
0x38: {  	_ =	swait.ge @p1 [sflag:s12], $0xFA0  }
0x39: {  	[sflag:s12] =	ssyncset.done @p1 $0x0  }
0x3a: {  	s1 =	simm.s32 @p1 $0x6;
	[sflag:s12] =	ssyncadd.s32 @p1 $0xFFFFF060  }
0x3b: {  	_ =	swait.ge @p1 [sflag:s1], $0xFA0  }
0x3c: {  	p0 =	por p1, p1;
	[sflag:s1] =	ssyncset.done @p1 $0x0  }
0x3d: {  	s20 =	sadd.s32 @p1 $0x2880, s0;
	[sflag:s1] =	ssyncadd.s32 @p0 $0xFFFFF060;
	s1 =	simm.s32 @p0 $0x9E20  }
0x3e: {  	[spmem:s2] =	stream.indirect.scatter.add.bf16 @p0 [tilespmem:s1], [sflag:$0xA], $0x20, s20, s19, $0xb8;
	[tilespmem:$0x16D00] =	vst v63  }
0x3f: {  	_ =	swait.ge @p0 [sflag:s12], $0xFA0  }
0x40: {  	[sflag:s12] =	ssyncset.done @p0 $0x0  }
0x41: {  	s1 =	simm.s32 @p0 $0x7;
	[sflag:s12] =	ssyncadd.s32 @p0 $0xFFFFF060  }
0x42: {  	_ =	swait.ge @p0 [sflag:s1], $0xFA0  }
0x43: {  	[sflag:s1] =	ssyncset.done @p0 $0x0  }
0x44: {  	s20 =	sadd.s32 @p1 $0x2900, s0;
	[sflag:s1] =	ssyncadd.s32 @p0 $0xFFFFF060;
	s1 =	simm.s32 @p0 $0xADC0  }
0x45: {  	[spmem:s2] =	stream.indirect.scatter.add.bf16 @p0 [tilespmem:s1], [sflag:$0xA], $0x20, s20, s19, $0xb8;
	[tilespmem:$0x16D00] =	vst v63  }
0x46: {  	_ =	swait.ge @p0 [sflag:s12], $0xFA0  }
0x47: {  	[sflag:s12] =	ssyncset.done @p0 $0x0  }
0x48: {  	s1 =	simm.s32 @p0 $0x8;
	[sflag:s12] =	ssyncadd.s32 @p0 $0xFFFFF060  }
0x49: {  	_ =	swait.ge @p0 [sflag:s1], $0xFA0  }
0x4a: {  	[sflag:s1] =	ssyncset.done @p0 $0x0  }
0x4b: {  	s0 =	sadd.s32 @p1 $0x2980, s0;
	[sflag:s1] =	ssyncadd.s32 @p0 $0xFFFFF060;
	s1 =	simm.s32 @p0 $0xBD60  }
0x4c: {  	[spmem:s2] =	stream.indirect.scatter.add.bf16 @p0 [tilespmem:s1], [sflag:$0x9], $0x20, s0, s19, $0xb8;
	[tilespmem:$0x16D00] =	vst v63  }
0x4d: {  	s12 =	simm.s32 @!p0 $0x8E80;
	s1 =	simm.s32 @!p1 $0x200;
	s0 =	simm.s32 @!p0 $0x7D  }
0x4e: {  	[tilespmem:s12], [sflag:$0x5] =	stream.indirect.gather @!p0 [spmem:s3], $0x20, s1, s0, $0xb8;
	[tilespmem:$0x16D00] =	vst v63  }
0x4f: {  	s1 =	simm.s32 @!p1 $0x280;
	s12 =	simm.s32 @!p0 $0x9E20  }
0x50: {  	[tilespmem:s12], [sflag:$0x6] =	stream.indirect.gather @!p0 [spmem:s3], $0x20, s1, s0, $0xb8;
	[tilespmem:$0x16D00] =	vst v63  }
0x51: {  	s1 =	simm.s32 @!p1 $0x300;
	s12 =	simm.s32 @!p0 $0xADC0  }
0x52: {  	[tilespmem:s12], [sflag:$0x7] =	stream.indirect.gather @!p0 [spmem:s3], $0x20, s1, s0, $0xb8;
	[tilespmem:$0x16D00] =	vst v63  }
0x53: {  	s19 =	simm.s32 @!p0 $0x1;
	s1 =	simm.s32 @!p1 $0x380;
	s12 =	simm.s32 @!p0 $0xBD60  }
0x54: {  	[tilespmem:s12], [sflag:$0x8] =	stream.indirect.gather @!p0 [spmem:s3], $0x20, s1, s0, $0xb8;
	[tilespmem:$0x16D00] =	vst v63  }
0x55: {  	_ =	swait.ge @!p0 [sflag:s19], $0xFA0  }
0x56: {  	s1 =	simm.s32 @!p1 $0x2800;
	[sflag:s19] =	ssyncset.done @!p0 $0x0  }
0x57: {  	s12 =	simm.s32 @!p0 $0xA;
	[sflag:s19] =	ssyncadd.s32 @!p0 $0xFFFFF060;
	s19 =	simm.s32 @!p0 $0x5000  }
0x58: {  	[spmem:s2] =	stream.indirect.scatter.add.bf16 @!p0 [tilespmem:s19], [sflag:$0xA], $0x20, s1, s0, $0xb8;
	[tilespmem:$0x16D00] =	vst v63  }
0x59: {  	_ =	swait.ge @!p0 [sflag:s12], $0xFA0  }
0x5a: {  	[sflag:s12] =	ssyncset.done @!p0 $0x0  }
0x5b: {  	s1 =	simm.s32 @!p0 $0x2;
	[sflag:s12] =	ssyncadd.s32 @!p0 $0xFFFFF060  }
0x5c: {  	_ =	swait.ge @!p0 [sflag:s1], $0xFA0  }
0x5d: {  	[sflag:s1] =	ssyncset.done @!p0 $0x0  }
0x5e: {  	s19 =	simm.s32 @!p1 $0x2880;
	[sflag:s1] =	ssyncadd.s32 @!p0 $0xFFFFF060;
	s1 =	simm.s32 @!p0 $0x5FA0  }
0x5f: {  	[spmem:s2] =	stream.indirect.scatter.add.bf16 @!p0 [tilespmem:s1], [sflag:$0xA], $0x20, s19, s0, $0xb8;
	[tilespmem:$0x16D00] =	vst v63  }
0x60: {  	_ =	swait.ge @!p0 [sflag:s12], $0xFA0  }
0x61: {  	[sflag:s12] =	ssyncset.done @!p0 $0x0  }
0x62: {  	s1 =	simm.s32 @!p0 $0x3;
	[sflag:s12] =	ssyncadd.s32 @!p0 $0xFFFFF060  }
0x63: {  	s28 =	simm.s32 $0x800;
	_ =	swait.ge @!p0 [sflag:s1], $0xFA0  }
0x64: {  	s29 =	simm.s32 $0x1000;
	s30 =	simm.s32 $0x1;
	[sflag:s1] =	ssyncset.done @!p0 $0x0  }
0x65: {  	s19 =	simm.s32 @!p1 $0x2900;
	[sflag:s1] =	ssyncadd.s32 @!p0 $0xFFFFF060;
	s1 =	simm.s32 @!p0 $0x6F40  }
0x66: {  	[spmem:s2] =	stream.indirect.scatter.add.bf16 @!p0 [tilespmem:s1], [sflag:$0xA], $0x20, s19, s0, $0xb8;
	[tilespmem:$0x16D00] =	vst v63  }
0x67: {  	s21 =	sand.u32 $0x1, s30;
	s20 =	simm.s32 @!p0 $0x7EE0;
	_ =	swait.ge @!p0 [sflag:s12], $0xFA0  }
0x68: {  	s1 =	simm.s32 @!p1 $0x2980;
	p1 =	seq.s32 s21, $0x1;
	[sflag:s12] =	ssyncset.done @!p0 $0x0  }
0x69: {  	s19 =	simm.s32 @!p0 $0x4;
	p2 =	por @p1 $0x0, $0x0;
	[sflag:s12] =	ssyncadd.s32 @!p0 $0xFFFFF060  }
0x6a: {  	s31 =	simm.s32 @!p1 $0x200;
	p3 =	por p2, !p1;
	_ =	swait.ge @!p0 [sflag:s19], $0xFA0  }
0x6b: {  	p2 =	por !p2, !p1;
	s12 =	simm.s32 @p0 $0x9;
	[sflag:s19] =	ssyncset.done @!p0 $0x0  }
0x6c: {  	s28 =	simm.s32 @!p2 $0x9800;
	[sflag:s19] =	ssyncadd.s32 @!p0 $0xFFFFF060;
	s19 =	simm.s32 @!p3 $0x200  }
.LBB2_2:
0x6d: {  	[spmem:s2] =	stream.indirect.scatter.add.bf16 @!p0 [tilespmem:s20], [sflag:$0xA], $0x20, s1, s0, $0xb8;
	[tilespmem:$0x16D00] =	vst v63  }
0x6e: {  	s23 =	sadd.s32 @!p1 $0x200, s31;
	s20 =	sadd.s32 @!p1 $0x280, s31;
	_ =	swait.ge [sflag:s12], $0xFA0  }
0x6f: {  	s0 =	simm.s32 @!p3 $0x5000;
	s21 =	sadd.s32 @!p1 $0x300, s31;
	[sflag:s12] =	ssyncset.done $0x0  }
0x70: {  	s1 =	sadd.s32 @!p3 $0x200, s19;
	s24 =	simm.s32 @!p3 $0x7D;
	[sflag:s12] =	ssyncadd.s32 $0xFFFFF060  }
0x71: {  	[tilespmem:s0], [sflag:$0x1] =	stream.indirect.gather @!p3 [spmem:s3], $0x20, s1, s24, $0xb8;
	[tilespmem:$0x16D00] =	vst v63  }
0x72: {  	s12 =	sadd.s32 @!p1 $0x380, s31;
	s0 =	sadd.s32 @!p3 $0x280, s19;
	s1 =	simm.s32 @!p3 $0x5FA0  }
0x73: {  	[tilespmem:s1], [sflag:$0x2] =	stream.indirect.gather @!p3 [spmem:s3], $0x20, s0, s24, $0xb8;
	[tilespmem:$0x16D00] =	vst v63  }
0x74: {  	s22 =	sadd.s32 @!p1 $0x2800, s31;
	s0 =	sadd.s32 @!p3 $0x300, s19;
	s1 =	simm.s32 @!p3 $0x6F40  }
0x75: {  	[tilespmem:s1], [sflag:$0x3] =	stream.indirect.gather @!p3 [spmem:s3], $0x20, s0, s24, $0xb8;
	[tilespmem:$0x16D00] =	vst v63  }
0x76: {  	s0 =	sadd.s32 @!p3 $0x380, s19;
	s1 =	simm.s32 @!p3 $0x7EE0;
	s19 =	simm.s32 @p1 $0x5  }
0x77: {  	[tilespmem:s1], [sflag:$0x4] =	stream.indirect.gather @!p3 [spmem:s3], $0x20, s0, s24, $0xb8;
	[tilespmem:$0x16D00] =	vst v63  }
0x78: {  	s25 =	simm.s32 @p1 $0xA;
	s1 =	simm.s32 @p1 $0x8E80;
	_ =	swait.ge @p1 [sflag:s19], $0xFA0  }
0x79: {  	s24 =	sshra.s32 @p1 s28, $0x2;
	s0 =	simm.s32 @p1 $0x7D;
	[sflag:s19] =	ssyncset.done @p1 $0x0  }
0x7a: {  	s5 =	sadd.s32 @p1 $0x2880, s24;
	[sflag:s19] =	ssyncadd.s32 @p1 $0xFFFFF060;
	s19 =	sadd.s32 @p1 $0x2800, s24  }
0x7b: {  	[spmem:s2] =	stream.indirect.scatter.add.bf16 @p1 [tilespmem:s1], [sflag:$0xA], $0x20, s19, s0, $0xb8;
	[tilespmem:$0x16D00] =	vst v63  }
0x7c: {  	s6 =	sadd.s32 @p1 $0x2900, s24;
	s7 =	sadd.s32 @p1 $0x2980, s24;
	_ =	swait.ge @p1 [sflag:s25], $0xFA0  }
0x7d: {  	s24 =	sadd.s32 @!p1 $0x2880, s31;
	s19 =	sadd.s32 @!p1 $0x2900, s31;
	[sflag:s25] =	ssyncset.done @p1 $0x0  }
0x7e: {  	s9 =	simm.s32 @p1 $0x6;
	s1 =	sadd.s32 @!p1 $0x2980, s31;
	[sflag:s25] =	ssyncadd.s32 @p1 $0xFFFFF060  }
0x7f: {  	s28 =	smov.u32 s29;
	s29 =	sadd.s32 $0x800, s29;
	_ =	swait.ge @p1 [sflag:s9], $0xFA0  }
0x80: {  	p0 =	por p1, p1;
	p2 =	sne.s32 s29, $0xA000;
	[sflag:s9] =	ssyncset.done @p1 $0x0  }
0x81: {  	[sflag:s9] =	ssyncadd.s32 @p0 $0xFFFFF060;
	s9 =	simm.s32 @p0 $0x9E20  }
0x82: {  	[spmem:s2] =	stream.indirect.scatter.add.bf16 @p0 [tilespmem:s9], [sflag:$0xA], $0x20, s5, s0, $0xb8;
	[tilespmem:$0x16D00] =	vst v63  }
0x83: {  	_ =	swait.ge @p0 [sflag:s25], $0xFA0  }
0x84: {  	[sflag:s25] =	ssyncset.done @p0 $0x0  }
0x85: {  	s5 =	simm.s32 @p0 $0x7;
	[sflag:s25] =	ssyncadd.s32 @p0 $0xFFFFF060  }
0x86: {  	_ =	swait.ge @p0 [sflag:s5], $0xFA0  }
0x87: {  	[sflag:s5] =	ssyncset.done @p0 $0x0  }
0x88: {  	[sflag:s5] =	ssyncadd.s32 @p0 $0xFFFFF060;
	s5 =	simm.s32 @p0 $0xADC0  }
0x89: {  	[spmem:s2] =	stream.indirect.scatter.add.bf16 @p0 [tilespmem:s5], [sflag:$0xA], $0x20, s6, s0, $0xb8;
	[tilespmem:$0x16D00] =	vst v63  }
0x8a: {  	_ =	swait.ge @p0 [sflag:s25], $0xFA0  }
0x8b: {  	[sflag:s25] =	ssyncset.done @p0 $0x0  }
0x8c: {  	s5 =	simm.s32 @p0 $0x8;
	[sflag:s25] =	ssyncadd.s32 @p0 $0xFFFFF060  }
0x8d: {  	_ =	swait.ge @p0 [sflag:s5], $0xFA0  }
0x8e: {  	[sflag:s5] =	ssyncset.done @p0 $0x0  }
0x8f: {  	[sflag:s5] =	ssyncadd.s32 @p0 $0xFFFFF060;
	s5 =	simm.s32 @p0 $0xBD60  }
0x90: {  	[spmem:s2] =	stream.indirect.scatter.add.bf16 @p0 [tilespmem:s5], [sflag:$0x9], $0x20, s7, s0, $0xb8;
	[tilespmem:$0x16D00] =	vst v63  }
0x91: {  	s0 =	simm.s32 @!p0 $0x7D;
	s5 =	simm.s32 @!p0 $0x8E80  }
0x92: {  	[tilespmem:s5], [sflag:$0x5] =	stream.indirect.gather @!p0 [spmem:s3], $0x20, s23, s0, $0xb8;
	[tilespmem:$0x16D00] =	vst v63  }
0x93: {  	s5 =	simm.s32 @!p0 $0x9E20  }
0x94: {  	[tilespmem:s5], [sflag:$0x6] =	stream.indirect.gather @!p0 [spmem:s3], $0x20, s20, s0, $0xb8;
	[tilespmem:$0x16D00] =	vst v63  }
0x95: {  	s5 =	simm.s32 @!p0 $0xADC0  }
0x96: {  	[tilespmem:s5], [sflag:$0x7] =	stream.indirect.gather @!p0 [spmem:s3], $0x20, s21, s0, $0xb8;
	[tilespmem:$0x16D00] =	vst v63  }
0x97: {  	s6 =	simm.s32 @!p0 $0x1;
	s5 =	simm.s32 @!p0 $0xBD60  }
0x98: {  	[tilespmem:s5], [sflag:$0x8] =	stream.indirect.gather @!p0 [spmem:s3], $0x20, s12, s0, $0xb8;
	[tilespmem:$0x16D00] =	vst v63  }
0x99: {  	_ =	swait.ge @!p0 [sflag:s6], $0xFA0  }
0x9a: {  	[sflag:s6] =	ssyncset.done @!p0 $0x0  }
0x9b: {  	s5 =	simm.s32 @!p0 $0x5000;
	s12 =	simm.s32 @!p0 $0xA;
	[sflag:s6] =	ssyncadd.s32 @!p0 $0xFFFFF060  }
0x9c: {  	[spmem:s2] =	stream.indirect.scatter.add.bf16 @!p0 [tilespmem:s5], [sflag:$0xA], $0x20, s22, s0, $0xb8;
	[tilespmem:$0x16D00] =	vst v63  }
0x9d: {  	_ =	swait.ge @!p0 [sflag:s12], $0xFA0  }
0x9e: {  	[sflag:s12] =	ssyncset.done @!p0 $0x0  }
0x9f: {  	s5 =	simm.s32 @!p0 $0x2;
	[sflag:s12] =	ssyncadd.s32 @!p0 $0xFFFFF060  }
0xa0: {  	_ =	swait.ge @!p0 [sflag:s5], $0xFA0  }
0xa1: {  	[sflag:s5] =	ssyncset.done @!p0 $0x0  }
0xa2: {  	[sflag:s5] =	ssyncadd.s32 @!p0 $0xFFFFF060;
	s5 =	simm.s32 @!p0 $0x5FA0  }
0xa3: {  	[spmem:s2] =	stream.indirect.scatter.add.bf16 @!p0 [tilespmem:s5], [sflag:$0xA], $0x20, s24, s0, $0xb8;
	[tilespmem:$0x16D00] =	vst v63  }
0xa4: {  	_ =	swait.ge @!p0 [sflag:s12], $0xFA0  }
0xa5: {  	[sflag:s12] =	ssyncset.done @!p0 $0x0  }
0xa6: {  	s5 =	simm.s32 @!p0 $0x3;
	[sflag:s12] =	ssyncadd.s32 @!p0 $0xFFFFF060  }
0xa7: {  	_ =	swait.ge @!p0 [sflag:s5], $0xFA0  }
0xa8: {  	[sflag:s5] =	ssyncset.done @!p0 $0x0  }
0xa9: {  	s30 =	sadd.s32 $0x1, s30;
	[sflag:s5] =	ssyncadd.s32 @!p0 $0xFFFFF060;
	s5 =	simm.s32 @!p0 $0x6F40  }
0xaa: {  	[spmem:s2] =	stream.indirect.scatter.add.bf16 @!p0 [tilespmem:s5], [sflag:$0xA], $0x20, s19, s0, $0xb8;
	[tilespmem:$0x16D00] =	vst v63  }
0xab: {  	s20 =	simm.s32 @!p0 $0x7EE0;
	s5 =	simm.s32 @!p0 $0x4;
	_ =	swait.ge @!p0 [sflag:s12], $0xFA0  }
.Ltmp0:
0xac: {  	s6 =	sand.u32 $0x1, s30;
	[sflag:s12] =	ssyncset.done @!p0 $0x0;
	(pc) =	sbr.rel @p2 .LBB2_2-.Ltmp0, $4  }
0xad: {  	p1 =	seq.s32 s6, $0x1;
	[sflag:s12] =	ssyncadd.s32 @!p0 $0xFFFFF060;
	s12 =	simm.s32 @p0 $0x9  }
0xae: {  	p4 =	seq.s32 @p1 s28, $0x9800;
	s31 =	sshra.s32 @!p1 s28, $0x2;
	_ =	swait.ge @!p0 [sflag:s5], $0xFA0  }
0xaf: {  	p3 =	por p4, !p1;
	p4 =	por !p4, !p1;
	[sflag:s5] =	ssyncset.done @!p0 $0x0  }
0xb0: {  	s19 =	sshra.s32 @!p3 s28, $0x2;
	s28 =	simm.s32 @!p4 $0x9800;
	[sflag:s5] =	ssyncadd.s32 @!p0 $0xFFFFF060  }
0xb1: {  	[spmem:s2] =	stream.indirect.scatter.add.bf16 @!p0 [tilespmem:s20], [sflag:$0xA], $0x20, s1, s0, $0xb8;
	[tilespmem:$0x16D00] =	vst v63  }
0xb2: {  	_ =	swait.ge [sflag:s12], $0xFA0  }
0xb3: {  	s0 =	simm.s32 @!p3 $0x5000;
	[sflag:s12] =	ssyncset.done $0x0  }
0xb4: {  	s1 =	sadd.s32 @!p3 $0x200, s19;
	s5 =	simm.s32 @!p3 $0x7D;
	[sflag:s12] =	ssyncadd.s32 $0xFFFFF060  }
0xb5: {  	[tilespmem:s0], [sflag:$0x1] =	stream.indirect.gather @!p3 [spmem:s3], $0x20, s1, s5, $0xb8;
	[tilespmem:$0x16D00] =	vst v63  }
0xb6: {  	s0 =	sadd.s32 @!p3 $0x280, s19;
	s1 =	simm.s32 @!p3 $0x5FA0  }
0xb7: {  	[tilespmem:s1], [sflag:$0x2] =	stream.indirect.gather @!p3 [spmem:s3], $0x20, s0, s5, $0xb8;
	[tilespmem:$0x16D00] =	vst v63  }
0xb8: {  	s0 =	sadd.s32 @!p3 $0x300, s19;
	s1 =	simm.s32 @!p3 $0x6F40  }
0xb9: {  	[tilespmem:s1], [sflag:$0x3] =	stream.indirect.gather @!p3 [spmem:s3], $0x20, s0, s5, $0xb8;
	[tilespmem:$0x16D00] =	vst v63  }
0xba: {  	s6 =	simm.s32 @p1 $0x5;
	s0 =	sadd.s32 @!p3 $0x380, s19;
	s1 =	simm.s32 @!p3 $0x7EE0  }
0xbb: {  	[tilespmem:s1], [sflag:$0x4] =	stream.indirect.gather @!p3 [spmem:s3], $0x20, s0, s5, $0xb8;
	[tilespmem:$0x16D00] =	vst v63  }
0xbc: {  	s7 =	simm.s32 @p1 $0x7D;
	_ =	swait.ge @p1 [sflag:s6], $0xFA0  }
0xbd: {  	s0 =	simm.s32 @p1 $0x8E80;
	s5 =	sshra.s32 @p1 s28, $0x2;
	[sflag:s6] =	ssyncset.done @p1 $0x0  }
0xbe: {  	s1 =	simm.s32 @p1 $0xA;
	[sflag:s6] =	ssyncadd.s32 @p1 $0xFFFFF060;
	s6 =	sadd.s32 @p1 $0x2800, s5  }
0xbf: {  	[spmem:s2] =	stream.indirect.scatter.add.bf16 @p1 [tilespmem:s0], [sflag:$0xA], $0x20, s6, s7, $0xb8;
	[tilespmem:$0x16D00] =	vst v63  }
0xc0: {  	_ =	swait.ge @p1 [sflag:s1], $0xFA0  }
0xc1: {  	[sflag:s1] =	ssyncset.done @p1 $0x0  }
0xc2: {  	s0 =	simm.s32 @p1 $0x6;
	[sflag:s1] =	ssyncadd.s32 @p1 $0xFFFFF060  }
0xc3: {  	_ =	swait.ge @p1 [sflag:s0], $0xFA0  }
0xc4: {  	p0 =	por p1, p1;
	[sflag:s0] =	ssyncset.done @p1 $0x0  }
0xc5: {  	s6 =	sadd.s32 @p1 $0x2880, s5;
	[sflag:s0] =	ssyncadd.s32 @p0 $0xFFFFF060;
	s0 =	simm.s32 @p0 $0x9E20  }
0xc6: {  	[spmem:s2] =	stream.indirect.scatter.add.bf16 @p0 [tilespmem:s0], [sflag:$0xA], $0x20, s6, s7, $0xb8;
	[tilespmem:$0x16D00] =	vst v63  }
0xc7: {  	_ =	swait.ge @p0 [sflag:s1], $0xFA0  }
0xc8: {  	[sflag:s1] =	ssyncset.done @p0 $0x0  }
0xc9: {  	s0 =	simm.s32 @p0 $0x7;
	[sflag:s1] =	ssyncadd.s32 @p0 $0xFFFFF060  }
0xca: {  	_ =	swait.ge @p0 [sflag:s0], $0xFA0  }
0xcb: {  	[sflag:s0] =	ssyncset.done @p0 $0x0  }
0xcc: {  	s6 =	sadd.s32 @p1 $0x2900, s5;
	[sflag:s0] =	ssyncadd.s32 @p0 $0xFFFFF060;
	s0 =	simm.s32 @p0 $0xADC0  }
0xcd: {  	[spmem:s2] =	stream.indirect.scatter.add.bf16 @p0 [tilespmem:s0], [sflag:$0xA], $0x20, s6, s7, $0xb8;
	[tilespmem:$0x16D00] =	vst v63  }
0xce: {  	_ =	swait.ge @p0 [sflag:s1], $0xFA0  }
0xcf: {  	[sflag:s1] =	ssyncset.done @p0 $0x0  }
0xd0: {  	s0 =	simm.s32 @p0 $0x8;
	[sflag:s1] =	ssyncadd.s32 @p0 $0xFFFFF060  }
0xd1: {  	_ =	swait.ge @p0 [sflag:s0], $0xFA0  }
0xd2: {  	[sflag:s0] =	ssyncset.done @p0 $0x0  }
0xd3: {  	s1 =	sadd.s32 @p1 $0x2980, s5;
	[sflag:s0] =	ssyncadd.s32 @p0 $0xFFFFF060;
	s0 =	simm.s32 @p0 $0xBD60  }
0xd4: {  	[spmem:s2] =	stream.indirect.scatter.add.bf16 @p0 [tilespmem:s0], [sflag:$0x9], $0x20, s1, s7, $0xb8;
	[tilespmem:$0x16D00] =	vst v63  }
0xd5: {  	s5 =	simm.s32 @!p0 $0x8E80;
	s0 =	sadd.s32 @!p1 $0x200, s31;
	s1 =	simm.s32 @!p0 $0x7D  }
0xd6: {  	[tilespmem:s5], [sflag:$0x5] =	stream.indirect.gather @!p0 [spmem:s3], $0x20, s0, s1, $0xb8;
	[tilespmem:$0x16D00] =	vst v63  }
0xd7: {  	s0 =	sadd.s32 @!p1 $0x280, s31;
	s5 =	simm.s32 @!p0 $0x9E20  }
0xd8: {  	[tilespmem:s5], [sflag:$0x6] =	stream.indirect.gather @!p0 [spmem:s3], $0x20, s0, s1, $0xb8;
	[tilespmem:$0x16D00] =	vst v63  }
0xd9: {  	s0 =	sadd.s32 @!p1 $0x300, s31;
	s5 =	simm.s32 @!p0 $0xADC0  }
0xda: {  	[tilespmem:s5], [sflag:$0x7] =	stream.indirect.gather @!p0 [spmem:s3], $0x20, s0, s1, $0xb8;
	[tilespmem:$0x16D00] =	vst v63  }
0xdb: {  	s6 =	simm.s32 @!p0 $0x1;
	s0 =	sadd.s32 @!p1 $0x380, s31;
	s5 =	simm.s32 @!p0 $0xBD60  }
0xdc: {  	[tilespmem:s5], [sflag:$0x8] =	stream.indirect.gather @!p0 [spmem:s3], $0x20, s0, s1, $0xb8;
	[tilespmem:$0x16D00] =	vst v63  }
0xdd: {  	_ =	swait.ge @!p0 [sflag:s6], $0xFA0  }
0xde: {  	s0 =	sadd.s32 @!p1 $0x2800, s31;
	[sflag:s6] =	ssyncset.done @!p0 $0x0  }
0xdf: {  	s5 =	simm.s32 @!p0 $0x5000;
	[sflag:s6] =	ssyncadd.s32 @!p0 $0xFFFFF060;
	s6 =	simm.s32 @!p0 $0xA  }
0xe0: {  	[spmem:s2] =	stream.indirect.scatter.add.bf16 @!p0 [tilespmem:s5], [sflag:$0xA], $0x20, s0, s1, $0xb8;
	[tilespmem:$0x16D00] =	vst v63  }
0xe1: {  	_ =	swait.ge @!p0 [sflag:s6], $0xFA0  }
0xe2: {  	[sflag:s6] =	ssyncset.done @!p0 $0x0  }
0xe3: {  	s0 =	simm.s32 @!p0 $0x2;
	[sflag:s6] =	ssyncadd.s32 @!p0 $0xFFFFF060  }
0xe4: {  	_ =	swait.ge @!p0 [sflag:s0], $0xFA0  }
0xe5: {  	[sflag:s0] =	ssyncset.done @!p0 $0x0  }
0xe6: {  	s5 =	sadd.s32 @!p1 $0x2880, s31;
	[sflag:s0] =	ssyncadd.s32 @!p0 $0xFFFFF060;
	s0 =	simm.s32 @!p0 $0x5FA0  }
0xe7: {  	[spmem:s2] =	stream.indirect.scatter.add.bf16 @!p0 [tilespmem:s0], [sflag:$0xA], $0x20, s5, s1, $0xb8;
	[tilespmem:$0x16D00] =	vst v63  }
0xe8: {  	_ =	swait.ge @!p0 [sflag:s6], $0xFA0  }
0xe9: {  	[sflag:s6] =	ssyncset.done @!p0 $0x0  }
0xea: {  	s0 =	simm.s32 @!p0 $0x3;
	[sflag:s6] =	ssyncadd.s32 @!p0 $0xFFFFF060  }
0xeb: {  	_ =	swait.ge @!p0 [sflag:s0], $0xFA0  }
0xec: {  	[sflag:s0] =	ssyncset.done @!p0 $0x0  }
0xed: {  	s5 =	sadd.s32 @!p1 $0x2900, s31;
	[sflag:s0] =	ssyncadd.s32 @!p0 $0xFFFFF060;
	s0 =	simm.s32 @!p0 $0x6F40  }
0xee: {  	[spmem:s2] =	stream.indirect.scatter.add.bf16 @!p0 [tilespmem:s0], [sflag:$0xA], $0x20, s5, s1, $0xb8;
	[tilespmem:$0x16D00] =	vst v63  }
0xef: {  	_ =	swait.ge @!p0 [sflag:s6], $0xFA0  }
0xf0: {  	[sflag:s6] =	ssyncset.done @!p0 $0x0  }
0xf1: {  	s0 =	simm.s32 @!p0 $0x4;
	[sflag:s6] =	ssyncadd.s32 @!p0 $0xFFFFF060  }
0xf2: {  	_ =	swait.ge @!p0 [sflag:s0], $0xFA0  }
0xf3: {  	s7 =	simm.s32 @!p0 $0x7EE0;
	[sflag:s0] =	ssyncset.done @!p0 $0x0  }
0xf4: {  	s5 =	sadd.s32 @!p1 $0x2980, s31;
	s6 =	simm.s32 @p0 $0x9;
	[sflag:s0] =	ssyncadd.s32 @!p0 $0xFFFFF060  }
0xf5: {  	[spmem:s2] =	stream.indirect.scatter.add.bf16 @!p0 [tilespmem:s7], [sflag:$0xA], $0x20, s5, s1, $0xb8;
	[tilespmem:$0x16D00] =	vst v63  }
0xf6: {  	_ =	swait.ge [sflag:s6], $0xFA0  }
0xf7: {  	s26 =	sadd.s32 $0x1, s26;
	[sflag:s6] =	ssyncset.done $0x0  }
0xf8: {  	p0 =	sne.s32 s26, s11;
	[sflag:s6] =	ssyncadd.s32 $0xFFFFF060  }
.Ltmp1:
0xf9: {  	[bflag:$0x0] =	sbarrier.arrive $0xFFFF;
	(pc) =	sbr.rel @p0 .LBB2_1-.Ltmp1, $4  }
0xfa: {  	[hbm:s10], [sflag:s8] =	dma.local [spmem:s13], $0xA00  }
0xfb: {  	_ =	swait.ge [sflag:s14], $0xA00  }
0xfc: {  	[sflag:s14] =	ssyncset.done $0x0  }
0xfd: {  	[sflag:s14] =	ssyncadd.s32 $0xFFFFF600  }
0xfe: {  	_ =	sfence.sel $0x180000  }
0xff: {  	[bflag:$0x0] =	sbarrier.arrive $0xFFFF  }
0x100: {  	_ =	strace $0x9000004D  }
0x101: {  	s0 =	stileid.u32;
	[bflag:$0x2] =	sbarrier.arrive $0xFFFF  }
0x102: {  	p0 =	sne.s32 s0, $0x0;
	s0 =	rddreg [dreg:$0x3]  }
0x103: {  	s0 =	sadd.s32 @!p0 $0x100000, s0  }
0x104: {  	[sflag:s0] =	ssyncadd.tile.s32 @!p0 $0x1;
	_ =	shalt  }
.Lfunc_end2:
_tile_overlayer_lowered:
.L_overlay_start_2:
0x105: {  	(tag) =	ssettag $0x2  }
0x106: {  	s0 =	rddreg [dreg:$0x0];
	s2 =	stileid.u32  }
0x107: {  	s1 =	rddreg [dreg:$0x1];
	p0 =	sne.s32 s2, $0x0  }
0x108: {  	s3 =	rddreg [dreg:$0x2];
	[bflag:$0x3] =	sbarrier.arrive $0xFFFF;
	s2 =	simm.s32 @!p0 $0x1C09  }
0x109: {  	[timem:s3], [sflag:s2] =	dma.local @!p0 [hbm:s0], s1  }
0x10a: {  	s0 =	simm.s32 @!p0 $0x9  }
0x10b: {  	_ =	swait.ge @!p0 [sflag:s0], s1  }
0x10c: {  	s1 =	ssub.s32 @!p0 $0x0, s1;
	[sflag:s0] =	ssyncset.done @!p0 $0x0  }
0x10d: {  	[sflag:s0] =	ssyncadd.s32 @!p0 s1  }
0x10e: {  	[bflag:$0x3] =	sbarrier.arrive $0xFFFF  }
0x10f: {  	_ =	shalt  }

// kernel: kernel.19.cloned.1.call-start
scs
__scs_entry_jumppad:
0x0: {  	(pc) =	sbr.rel $0x88, $3  }
0x1: {  	(tag) =	ssettag $0x0;
	lr =	simm.s32 $0x1  }
0x2: {  	[smem:$0x3F94] =	sst lr;
	_ =	strace $0xD0000000  }
0x3: {  	_ = 	snop  }
0x4: {  	_ = 	snop  }
0x5: {  	_ = 	snop  }
0x6: {  	_ = 	snop  }
0x7: {  	_ = 	snop  }
__scs_overlays_trampoline_lowered:
0x8: {  	[smem:$0x3FA3] =	sst s0  }
0x9: {  	[smem:$0x3FA4] =	sst s1  }
0xa: {  	[smem:$0x3FA5] =	sst s2  }
0xb: {  	[smem:$0x3FA6] =	sst s3  }
0xc: {  	[smem:$0x3FA7] =	sst s4  }
0xd: {  	[smem:$0x3FA8] =	sst s5  }
0xe: {  	[smem:$0x3FA9] =	sst s6  }
0xf: {  	[smem:$0x3FAA] =	sst s7  }
0x10: {  	[smem:$0x3FAB] =	sst s8  }
0x11: {  	[smem:$0x3FAC] =	sst s9;
	s0 =	simm.s32 @!p0 $0x0  }
0x12: {  	s1 =	sld [smem:$0x3F92];
	s0 =	simm.s32 @p0 $0x1  }
0x13: {  	[smem:$0x3FAD] =	sst s0;
	s0 =	simm.s32 @!p1 $0x0  }
0x14: {  	s2 =	sld [smem:$0x3F91];
	s0 =	simm.s32 @p1 $0x1  }
0x15: {  	[smem:$0x3FAE] =	sst s0;
	s0 =	simm.s32 @!p2 $0x0  }
0x16: {  	s3 =	sld [smem:$0x3FDB];
	s0 =	simm.s32 @p2 $0x1  }
0x17: {  	s4 =	simm.s32 $0x1BF5;
	[smem:$0x3FB0] =	sst s0  }
0x18: {  	s0 =	sld [smem:$0x3F93];
	_ =	swait.ge [sflag:s4], $0x0  }
0x19: {  	s7 =	sld [smem:$0x3F94]  }
0x1a: {  	s8 =	sadd.s32 $0xFFFFE003, lr  }
0x1b: {  	s9 =	sadd.s32 $0xFFFFFEF7, lr;
	s5 =	simm.s32 $0xFFFFFFFF;
	p2 =	slt.u32 s8, $0xFFFFF086  }
0x1c: {  	p1 =	slt.u32 s9, $0xF7A;
	s5 =	simm.s32 @!p2 $0x0  }
0x1d: {  	s5 =	simm.s32 @p1 $0x1;
	p0 =	seq.s32 s7, s2  }
0x1e: {  	s7 =	smul.u32 @!p0 $0xF7A, s2;
	p2 =	seq.s32 @!p0 s5, $0x0  }
0x1f: {  	s9 =	smul.u32 $0xF7A, s1;
	s8 =	simm.s32 @!p0 $0x1BF5;
	p2 =	por !p2, p0  }
0x20: {  	[sflag:s8] =	ssyncset.s32 @!p0 $0xFFFFF086;
	s6 =	sadd.s32 @!p0 s3, s7;
	s7 =	simm.s32 @!p0 $0x108  }
0x21: {  	s3 =	sadd.s32 s3, s9;
	s6 =	sadd.s32 @!p0 $0x88, s6;
	s7 =	simm.s32 @p2 $0x1082  }
0x22: {  	[simem:s7], [sflag:s8] =	dma.local @!p0 [hbm:s6], $0xF7A  }
0x23: {  	s9 =	sor.u32 $0xD0000000, s2;
	s6 =	simm.s32 $0x108;
	_ =	swait.ge @!p0 [sflag:s8], $0x0  }
0x24: {  	s3 =	sadd.s32 $0x88, s3;
	s6 =	simm.s32 @!p1 $0x1082;
	[sflag:s4] =	ssyncset.s32 $0xFFFFF086  }
0x25: {  	[simem:s6], [sflag:s4] =	dma.local [hbm:s3], $0xF7A  }
0x26: {  	[smem:$0x3F94] =	sst s1;
	(tag) =	ssettag s2;
	_ =	strace s9  }
0x27: {  	s1 =	sld [smem:$0x3FA4]  }
0x28: {  	s2 =	sld [smem:$0x3FA5]  }
0x29: {  	s4 =	sld [smem:$0x3FA7]  }
0x2a: {  	p0 =	seq.s32 s5, $0x0;
	s5 =	sld [smem:$0x3FA8]  }
0x2b: {  	s6 =	sld [smem:$0x3FA9]  }
0x2c: {  	s7 =	sld [smem:$0x3FAA]  }
0x2d: {  	s3 =	simm.s32 $0x108;
	s8 =	sld [smem:$0x3FAB]  }
0x2e: {  	s3 =	simm.s32 @!p0 $0x1082;
	s9 =	sld [smem:$0x3FAC]  }
0x2f: {  	lr =	sadd.s32 s0, s3;
	s0 =	sld [smem:$0x3FA3]  }
0x30: {  	s3 =	sld [smem:$0x3FA6]  }
0x31: {  	[smem:$0x3FAF] =	sst s10  }
0x32: {  	s10 =	sld [smem:$0x3FAD];
	_ =	sdelay $0x3  }
0x33: {  	p0 =	seq.s32 s10, $0x1;
	s10 =	sld [smem:$0x3FAF];
	_ =	sdelay $0x3  }
0x34: {  	[smem:$0x3FAF] =	sst s10  }
0x35: {  	s10 =	sld [smem:$0x3FAE];
	_ =	sdelay $0x3  }
0x36: {  	p1 =	seq.s32 s10, $0x1;
	s10 =	sld [smem:$0x3FAF];
	_ =	sdelay $0x3  }
0x37: {  	[smem:$0x3FAF] =	sst s10  }
0x38: {  	s10 =	sld [smem:$0x3FB0]  }
0x39: {  	_ = 	snop;
	(pc) =	sbr.ind lr, $3  }
0x3a: {  	_ = 	snop  }
0x3b: {  	_ = 	snop  }
0x3c: {  	p2 =	seq.s32 s10, $0x1;
	s10 =	sld [smem:$0x3FAF]  }
0x3d: {  	_ =	shalt  }
0x3e: {  	_ =	shalt  }
0x3f: {  	_ =	shalt  }
0x40: {  	_ =	shalt  }
0x41: {  	_ =	shalt  }
0x42: {  	_ =	shalt  }
0x43: {  	_ =	shalt  }
0x44: {  	_ =	shalt  }
0x45: {  	_ =	shalt  }
0x46: {  	_ =	shalt  }
0x47: {  	_ =	shalt  }
0x48: {  	_ =	shalt  }
0x49: {  	_ =	shalt  }
0x4a: {  	_ =	shalt  }
0x4b: {  	_ =	shalt  }
0x4c: {  	_ =	shalt  }
0x4d: {  	_ =	shalt  }
0x4e: {  	_ =	shalt  }
0x4f: {  	_ =	shalt  }
0x50: {  	_ =	shalt  }
0x51: {  	_ =	shalt  }
0x52: {  	_ =	shalt  }
0x53: {  	_ =	shalt  }
0x54: {  	_ =	shalt  }
0x55: {  	_ =	shalt  }
0x56: {  	_ =	shalt  }
0x57: {  	_ =	shalt  }
0x58: {  	_ =	shalt  }
0x59: {  	_ =	shalt  }
0x5a: {  	_ =	shalt  }
0x5b: {  	_ =	shalt  }
0x5c: {  	_ =	shalt  }
0x5d: {  	_ =	shalt  }
0x5e: {  	_ =	shalt  }
0x5f: {  	_ =	shalt  }
0x60: {  	_ =	shalt  }
0x61: {  	_ =	shalt  }
0x62: {  	_ =	shalt  }
0x63: {  	_ =	shalt  }
0x64: {  	_ =	shalt  }
0x65: {  	_ =	shalt  }
0x66: {  	_ =	shalt  }
0x67: {  	_ =	shalt  }
0x68: {  	_ =	shalt  }
0x69: {  	_ =	shalt  }
0x6a: {  	_ =	shalt  }
0x6b: {  	_ =	shalt  }
0x6c: {  	_ =	shalt  }
0x6d: {  	_ =	shalt  }
0x6e: {  	_ =	shalt  }
0x6f: {  	_ =	shalt  }
0x70: {  	_ =	shalt  }
0x71: {  	_ =	shalt  }
0x72: {  	_ =	shalt  }
0x73: {  	_ =	shalt  }
0x74: {  	_ =	shalt  }
0x75: {  	_ =	shalt  }
0x76: {  	_ =	shalt  }
0x77: {  	_ =	shalt  }
0x78: {  	_ =	shalt  }
0x79: {  	_ =	shalt  }
0x7a: {  	_ =	shalt  }
0x7b: {  	_ =	shalt  }
0x7c: {  	_ =	shalt  }
0x7d: {  	_ =	shalt  }
0x7e: {  	_ =	shalt  }
0x7f: {  	_ =	shalt  }
0x80: {  	_ =	shalt  }
0x81: {  	_ =	shalt  }
0x82: {  	_ =	shalt  }
0x83: {  	_ =	shalt  }
0x84: {  	_ =	shalt  }
0x85: {  	_ =	shalt  }
0x86: {  	_ =	shalt  }
0x87: {  	_ =	shalt  }
.Lfunc_end0:
.L_simem_size_0:
called_computation.3_lowered:
.L_overlay_start_0:
0x88: {  	s2 =	sld [smem:$0x3FD9]  }
0x89: {  	s3 =	sld [smem:$0x3FFE];
	_ =	sdelay $0x1  }
0x8a: {  	s1 =	srdreg.scid  }
0x8b: {  	s0 =	sand.u32 $0x1, s1  }
0x8c: {  	s16 =	sshll.u32 s0, $0xA;
	s2 =	sadd.s32 s3, s2  }
0x8d: {  	s2 =	sadd.s32 s2, s16  }
0x8e: {  	[smem:$0x3FBB] =	sst s2  }
0x8f: {  	_ = 	snop  }
0x90: {  	(tm) =	ssettm $0x1  }
0x91: {  	s17 =	sld [smem:$0x3FFB];
	_ =	sdelay $0x3  }
0x92: {  	_ =	strace s17  }
0x93: {  	s2 =	sld [smem:$0x3FFC];
	_ =	sdelay $0x3  }
0x94: {  	_ =	strace s2  }
0x95: {  	s2 =	sld [smem:$0x3FFD];
	_ =	sdelay $0x3  }
0x96: {  	_ =	strace s2  }
0x97: {  	_ =	strace $0x8FFFFFFF  }
0x98: {  	s18 =	sld [smem:$0x3FDB];
	_ =	sdelay $0x1  }
0x99: {  	s19 =	simm.s32 $_scs_section_size  }
0x9a: {  	s4 =	simm.s32 $_size__tile_overlayer_lowered;
	s5 =	simm.s32 $_tile_overlayer_lowered  }
0x9b: {  	s22 =	simm.s32 $0x1BFF;
	s21 =	sshll.u32 s5, $0x1;
	s2 =	sadd.s32 s19, s18  }
0x9c: {  	s6 =	simm.s32 $0x0;
	s20 =	sshll.u32 s4, $0x1;
	s4 =	sadd.s32 s21, s2  }
0x9d: {  	[timem:s6], [sflag:s22] =	dma.local [hbm:s4], s20  }
0x9e: {  	_ =	swait.ge [sflag:s22], s20  }
0x9f: {  	s3 =	ssub.s32 $0x0, s20;
	[sflag:s22] =	ssyncset.done $0x0  }
0xa0: {  	[sflag:s22] =	ssyncadd.s32 s3;
	_ =	sdelay $0x1  }
0xa1: {  	s23 =	simm.s32 $0x1B8B  }
0xa2: {  	_ =	swait.ge [sflag:s23], $0x1  }
0xa3: {  	[sflag:s23] =	ssyncset.done $0x0  }
0xa4: {  	s25 =	simm.s32 $0x1B8E;
	s24 =	sld [smem:$0x3FFE];
	[sflag:s23] =	ssyncadd.s32 $0xFFFFFFFF  }
0xa5: {  	s26 =	simm.s32 $execute0_lowered;
	[smem:$0x3FD2] =	sst s25  }
0xa6: {  	s4 =	sshll.u32 s26, $0x1;
	_ =	strace $0x8000004F;
	[dreg:$0x1] =	wrdreg $0xFFFFFFFF  }
0xa7: {  	s28 =	simm.s32 $_size_execute0_lowered;
	s2 =	sadd.s32 s2, s4;
	[dreg:$0x0] =	wrdreg $0x0  }
0xa8: {  	s4 =	sshll.u32 s28, $0x1;
	[dreg:$0x2] =	wrdreg s2  }
0xa9: {  	[dreg:$0x3] =	wrdreg s4  }
0xaa: {  	[dreg:$0x4] =	wrdreg $0xC0  }
0xab: {  	_ =	task [dreg:s6], $0x5FFFF  }
0xac: {  	[dreg:$0x1] =	wrdreg $0xFFFFFFFF  }
0xad: {  	[dreg:$0x0] =	wrdreg $0x60  }
0xae: {  	[dreg:$0x2] =	wrdreg s24  }
0xaf: {  	[dreg:$0x3] =	wrdreg $0xCD000  }
0xb0: {  	[dreg:$0x4] =	wrdreg $0x11D000  }
0xb1: {  	[dreg:$0x5] =	wrdreg $0x9  }
0xb2: {  	_ =	task.clear_ibuf [dreg:s6], $0x6FFFF;
	_ =	strace $0x9000004F  }
0xb3: {  	s29 =	simm.s32 $0x9;
	_ =	strace $0x80000051  }
0xb4: {  	_ =	swait.ge [sflag:s29], $0x1  }
0xb5: {  	[sflag:s29] =	ssyncadd.s32 $0xFFFFFFFF  }
0xb6: {  	_ =	strace $0x90000051  }
0xb7: {  	_ =	sfence  }
0xb8: {  	s30 =	sld [smem:$0x0];
	_ =	sdelay $0x2  }
0xb9: {  	s31 =	sshll.u32 s1, $0xD;
	s1 =	sshrl.u32 s1, $0x2  }
0xba: {  	s3 =	sand.u32 $0x4000, s31;
	s1 =	sadd.s32 s1, s30  }
0xbb: {  	s0 =	sor.u32 s3, s0;
	s1 =	sshll.u32 s1, $0x11  }
0xbc: {  	s0 =	sor.u32 s1, s0  }
0xbd: {  	s0 =	sadd.s32 $0x8F2B, s0  }
0xbe: {  	[sflag:s0] =	ssyncadd.remote.s32 $0x1  }
0xbf: {  	_ =	sfence.sel $0xFFFF  }
0xc0: {  	[dreg:$0x0] =	wrdreg $0xFFFFFFFF;
	(pc) =	sbr.abs _section_cstart, $3  }
0xc1: {  	[dreg:$0x1] =	wrdreg $0xFFFFFFFF  }
0xc2: {  	_ =	task.clear_ibuf [dreg:s6], $0x2FFFF;
	_ =	strace $0x9FFFFFFF  }
0xc3: {  	(tm) =	ssettm $0x7FFFFFFF  }
tec
execute0_lowered:
.L_overlay_start_1:
0x0: {  	(tag) =	ssettag $0x1  }
0x1: {  	s0 =	srdreg.scid;
	s1 =	rddreg [dreg:$0x0]  }
0x2: {  	s11 =	stileid.u32;
	s2 =	rddreg [dreg:$0x1]  }
0x3: {  	s14 =	simm.s32 $0x9;
	s16 =	simm.s32 $0x5;
	s17 =	simm.s32 $0x6  }
0x4: {  	s18 =	simm.s32 $0x7D;
	s0 =	sand.u32 $0x1, s0;
	s6 =	smul.u32 $0xA000, s11  }
0x5: {  	s7 =	smul.u32 $0xA00, s11;
	s29 =	sshll.u32 s11, $0x6;
	s3 =	sshll.u32 s0, $0x4  }
0x6: {  	s9 =	smul.u32 $0xA000, s0;
	s0 =	ssub.s32 $0x2, s0;
	s4 =	sor.u32 s11, s3  }
0x7: {  	s3 =	rddreg [dreg:$0x2];
	s8 =	sshrl.u32 s6, $0x4;
	s24 =	sshrl.u32 s0, $0x1  }
0x8: {  	s26 =	sshrl.u32 s6, $0x1;
	s5 =	smul.u32 $0x2800, s4;
	s4 =	simm.s32 $0x0  }
0x9: {  	s10 =	sadd.s32 s8, s1;
	s7 =	sadd.s32 s7, s9;
	s0 =	ssub.s32 s0, s24  }
0xa: {  	s12 =	sadd.s32 s26, s2;
	s8 =	sor.u32 $0x1C09, s29;
	s15 =	sadd.s32 s26, s3  }
0xb: {  	s26 =	simm.s32 $0x0;
	[smem:$0x7FF] =	sst s4;
	s30 =	sadd.s32 $0x1EA00, s10  }
0xc: {  	s31 =	sadd.s32 $0x28A00, s10;
	s11 =	smax.u32 s0, $0x1;
	s5 =	sshrl.u32 s5, $0x3  }
0xd: {  	_ =	strace $0x80000050;
	[dreg:$0x6] =	wrdreg s30;
	s23 =	sadd.s32 s5, s1  }
0xe: {  	s13 =	sshrl.u32 s12, $0x3;
	[dreg:$0x7] =	wrdreg s31;
	s25 =	sadd.s32 $0x5A00, s23  }
0xf: {  	s1 =	sadd.s32 s7, s1;
	s28 =	sadd.s32 $0xFA00, s23;
	[dreg:$0x4] =	wrdreg s25  }
0x10: {  	s15 =	sshrl.u32 s15, $0x3;
	s10 =	sadd.s32 $0x32A00, s1;
	[dreg:$0x5] =	wrdreg s28  }
.LBB2_1:
0x11: {  	s0 =	rddreg [dreg:$0x4]  }
0x12: {  	s6 =	rddreg [dreg:$0x5]  }
0x13: {  	[tilespmem:s4], [sflag:$0x5] =	stream.linear.gather [hbm4b:s0+s4], $0x2800, $0x38;
	[tilespmem:$0x16D00] =	vst v63  }
0x14: {  	s1 =	simm.s32 $0x2800;
	s7 =	rddreg [dreg:$0x6]  }
0x15: {  	[tilespmem:s1], [sflag:$0x6] =	stream.linear.gather [hbm4b:s6+s4], $0x2800, $0x38;
	[tilespmem:$0x16D00] =	vst v63  }
0x16: {  	[spmem:s13], [sflag:s8] =	dma.local [hbm:s7], $0xA00  }
0x17: {  	_ =	swait.ge [sflag:s14], $0xA00  }
0x18: {  	[sflag:s14] =	ssyncset.done $0x0  }
0x19: {  	s9 =	rddreg [dreg:$0x7];
	[sflag:s14] =	ssyncadd.s32 $0xFFFFF600  }
0x1a: {  	[spmem:s15], [sflag:s8] =	dma.local [hbm:s9], $0xA00  }
0x1b: {  	_ =	swait.ge [sflag:s14], $0xA00  }
0x1c: {  	[sflag:s14] =	ssyncset.done $0x0  }
0x1d: {  	[sflag:s14] =	ssyncadd.s32 $0xFFFFF600  }
0x1e: {  	_ =	swait.ge [sflag:s16], $0x2800  }
0x1f: {  	[sflag:s16] =	ssyncset.done $0x0  }
0x20: {  	[sflag:s16] =	ssyncadd.s32 $0xFFFFD800  }
0x21: {  	_ =	swait.ge [sflag:s17], $0x2800  }
0x22: {  	[sflag:s17] =	ssyncset.done $0x0  }
0x23: {  	s12 =	simm.s32 $0x5000;
	[sflag:s17] =	ssyncadd.s32 $0xFFFFD800  }
0x24: {  	s19 =	simm.s32 $0x80;
	s25 =	sand.u32 $0x1, s4;
	[bflag:$0x0] =	sbarrier.arrive $0xFFFF  }
0x25: {  	[tilespmem:s12], [sflag:$0x1] =	stream.indirect.gather [spmem:s3], $0x20, s4, s18, $0xb8;
	[tilespmem:$0x16D00] =	vst v63  }
0x26: {  	s20 =	simm.s32 $0x5FA0;
	s21 =	simm.s32 $0x100;
	p1 =	seq.s32 s25, $0x1  }
0x27: {  	[tilespmem:s20], [sflag:$0x2] =	stream.indirect.gather [spmem:s3], $0x20, s19, s18, $0xb8;
	[tilespmem:$0x16D00] =	vst v63  }
0x28: {  	s22 =	simm.s32 $0x6F40;
	s23 =	simm.s32 $0x180;
	p2 =	por @p1 $0x0, $0x0  }
0x29: {  	[tilespmem:s22], [sflag:$0x3] =	stream.indirect.gather [spmem:s3], $0x20, s21, s18, $0xb8;
	[tilespmem:$0x16D00] =	vst v63  }
0x2a: {  	s24 =	simm.s32 $0x7EE0;
	p0 =	por p2, !p1;
	p2 =	por !p2, !p1  }
0x2b: {  	[tilespmem:s24], [sflag:$0x4] =	stream.indirect.gather [spmem:s3], $0x20, s23, s18, $0xb8;
	[tilespmem:$0x16D00] =	vst v63  }
0x2c: {  	s0 =	simm.s32 @!p0 $0x5000;
	s1 =	simm.s32 @!p0 $0x200;
	s12 =	simm.s32 @!p0 $0x7D  }
0x2d: {  	[tilespmem:s0], [sflag:$0x1] =	stream.indirect.gather @!p0 [spmem:s3], $0x20, s1, s12, $0xb8;
	[tilespmem:$0x16D00] =	vst v63  }
0x2e: {  	s19 =	simm.s32 @!p0 $0x6F40;
	s0 =	simm.s32 @!p0 $0x280;
	s1 =	simm.s32 @!p0 $0x5FA0  }
0x2f: {  	[tilespmem:s1], [sflag:$0x2] =	stream.indirect.gather @!p0 [spmem:s3], $0x20, s0, s12, $0xb8;
	[tilespmem:$0x16D00] =	vst v63  }
0x30: {  	s20 =	simm.s32 @p1 $0x5;
	s0 =	simm.s32 $0x0;
	s1 =	simm.s32 @!p0 $0x300  }
0x31: {  	[tilespmem:s19], [sflag:$0x3] =	stream.indirect.gather @!p0 [spmem:s3], $0x20, s1, s12, $0xb8;
	[tilespmem:$0x16D00] =	vst v63  }
0x32: {  	s0 =	simm.s32 @!p2 $0x9800;
	s1 =	simm.s32 @!p0 $0x380;
	s19 =	simm.s32 @!p0 $0x7EE0  }
0x33: {  	[tilespmem:s19], [sflag:$0x4] =	stream.indirect.gather @!p0 [spmem:s3], $0x20, s1, s12, $0xb8;
	[tilespmem:$0x16D00] =	vst v63  }
0x34: {  	s0 =	sshra.s32 @p1 s0, $0x2;
	_ =	swait.ge @p1 [sflag:s20], $0xFA0  }
0x35: {  	s1 =	simm.s32 @p1 $0x8E80;
	s12 =	simm.s32 @p1 $0xA;
	[sflag:s20] =	ssyncset.done @p1 $0x0  }
0x36: {  	s19 =	simm.s32 @p1 $0x7D;
	[sflag:s20] =	ssyncadd.s32 @p1 $0xFFFFF060;
	s20 =	sadd.s32 @p1 $0x2800, s0  }
0x37: {  	[spmem:s2] =	stream.indirect.scatter.add.bf16 @p1 [tilespmem:s1], [sflag:$0xA], $0x20, s20, s19, $0xb8;
	[tilespmem:$0x16D00] =	vst v63  }
0x38: {  	_ =	swait.ge @p1 [sflag:s12], $0xFA0  }
0x39: {  	[sflag:s12] =	ssyncset.done @p1 $0x0  }
0x3a: {  	s1 =	simm.s32 @p1 $0x6;
	[sflag:s12] =	ssyncadd.s32 @p1 $0xFFFFF060  }
0x3b: {  	_ =	swait.ge @p1 [sflag:s1], $0xFA0  }
0x3c: {  	p0 =	por p1, p1;
	[sflag:s1] =	ssyncset.done @p1 $0x0  }
0x3d: {  	s20 =	sadd.s32 @p1 $0x2880, s0;
	[sflag:s1] =	ssyncadd.s32 @p0 $0xFFFFF060;
	s1 =	simm.s32 @p0 $0x9E20  }
0x3e: {  	[spmem:s2] =	stream.indirect.scatter.add.bf16 @p0 [tilespmem:s1], [sflag:$0xA], $0x20, s20, s19, $0xb8;
	[tilespmem:$0x16D00] =	vst v63  }
0x3f: {  	_ =	swait.ge @p0 [sflag:s12], $0xFA0  }
0x40: {  	[sflag:s12] =	ssyncset.done @p0 $0x0  }
0x41: {  	s1 =	simm.s32 @p0 $0x7;
	[sflag:s12] =	ssyncadd.s32 @p0 $0xFFFFF060  }
0x42: {  	_ =	swait.ge @p0 [sflag:s1], $0xFA0  }
0x43: {  	[sflag:s1] =	ssyncset.done @p0 $0x0  }
0x44: {  	s20 =	sadd.s32 @p1 $0x2900, s0;
	[sflag:s1] =	ssyncadd.s32 @p0 $0xFFFFF060;
	s1 =	simm.s32 @p0 $0xADC0  }
0x45: {  	[spmem:s2] =	stream.indirect.scatter.add.bf16 @p0 [tilespmem:s1], [sflag:$0xA], $0x20, s20, s19, $0xb8;
	[tilespmem:$0x16D00] =	vst v63  }
0x46: {  	_ =	swait.ge @p0 [sflag:s12], $0xFA0  }
0x47: {  	[sflag:s12] =	ssyncset.done @p0 $0x0  }
0x48: {  	s1 =	simm.s32 @p0 $0x8;
	[sflag:s12] =	ssyncadd.s32 @p0 $0xFFFFF060  }
0x49: {  	_ =	swait.ge @p0 [sflag:s1], $0xFA0  }
0x4a: {  	[sflag:s1] =	ssyncset.done @p0 $0x0  }
0x4b: {  	s0 =	sadd.s32 @p1 $0x2980, s0;
	[sflag:s1] =	ssyncadd.s32 @p0 $0xFFFFF060;
	s1 =	simm.s32 @p0 $0xBD60  }
0x4c: {  	[spmem:s2] =	stream.indirect.scatter.add.bf16 @p0 [tilespmem:s1], [sflag:$0x9], $0x20, s0, s19, $0xb8;
	[tilespmem:$0x16D00] =	vst v63  }
0x4d: {  	s12 =	simm.s32 @!p0 $0x8E80;
	s1 =	simm.s32 @!p1 $0x200;
	s0 =	simm.s32 @!p0 $0x7D  }
0x4e: {  	[tilespmem:s12], [sflag:$0x5] =	stream.indirect.gather @!p0 [spmem:s3], $0x20, s1, s0, $0xb8;
	[tilespmem:$0x16D00] =	vst v63  }
0x4f: {  	s1 =	simm.s32 @!p1 $0x280;
	s12 =	simm.s32 @!p0 $0x9E20  }
0x50: {  	[tilespmem:s12], [sflag:$0x6] =	stream.indirect.gather @!p0 [spmem:s3], $0x20, s1, s0, $0xb8;
	[tilespmem:$0x16D00] =	vst v63  }
0x51: {  	s1 =	simm.s32 @!p1 $0x300;
	s12 =	simm.s32 @!p0 $0xADC0  }
0x52: {  	[tilespmem:s12], [sflag:$0x7] =	stream.indirect.gather @!p0 [spmem:s3], $0x20, s1, s0, $0xb8;
	[tilespmem:$0x16D00] =	vst v63  }
0x53: {  	s19 =	simm.s32 @!p0 $0x1;
	s1 =	simm.s32 @!p1 $0x380;
	s12 =	simm.s32 @!p0 $0xBD60  }
0x54: {  	[tilespmem:s12], [sflag:$0x8] =	stream.indirect.gather @!p0 [spmem:s3], $0x20, s1, s0, $0xb8;
	[tilespmem:$0x16D00] =	vst v63  }
0x55: {  	_ =	swait.ge @!p0 [sflag:s19], $0xFA0  }
0x56: {  	s1 =	simm.s32 @!p1 $0x2800;
	[sflag:s19] =	ssyncset.done @!p0 $0x0  }
0x57: {  	s12 =	simm.s32 @!p0 $0xA;
	[sflag:s19] =	ssyncadd.s32 @!p0 $0xFFFFF060;
	s19 =	simm.s32 @!p0 $0x5000  }
0x58: {  	[spmem:s2] =	stream.indirect.scatter.add.bf16 @!p0 [tilespmem:s19], [sflag:$0xA], $0x20, s1, s0, $0xb8;
	[tilespmem:$0x16D00] =	vst v63  }
0x59: {  	_ =	swait.ge @!p0 [sflag:s12], $0xFA0  }
0x5a: {  	[sflag:s12] =	ssyncset.done @!p0 $0x0  }
0x5b: {  	s1 =	simm.s32 @!p0 $0x2;
	[sflag:s12] =	ssyncadd.s32 @!p0 $0xFFFFF060  }
0x5c: {  	_ =	swait.ge @!p0 [sflag:s1], $0xFA0  }
0x5d: {  	[sflag:s1] =	ssyncset.done @!p0 $0x0  }
0x5e: {  	s19 =	simm.s32 @!p1 $0x2880;
	[sflag:s1] =	ssyncadd.s32 @!p0 $0xFFFFF060;
	s1 =	simm.s32 @!p0 $0x5FA0  }
0x5f: {  	[spmem:s2] =	stream.indirect.scatter.add.bf16 @!p0 [tilespmem:s1], [sflag:$0xA], $0x20, s19, s0, $0xb8;
	[tilespmem:$0x16D00] =	vst v63  }
0x60: {  	_ =	swait.ge @!p0 [sflag:s12], $0xFA0  }
0x61: {  	[sflag:s12] =	ssyncset.done @!p0 $0x0  }
0x62: {  	s1 =	simm.s32 @!p0 $0x3;
	[sflag:s12] =	ssyncadd.s32 @!p0 $0xFFFFF060  }
0x63: {  	s28 =	simm.s32 $0x800;
	_ =	swait.ge @!p0 [sflag:s1], $0xFA0  }
0x64: {  	s29 =	simm.s32 $0x1000;
	s30 =	simm.s32 $0x1;
	[sflag:s1] =	ssyncset.done @!p0 $0x0  }
0x65: {  	s19 =	simm.s32 @!p1 $0x2900;
	[sflag:s1] =	ssyncadd.s32 @!p0 $0xFFFFF060;
	s1 =	simm.s32 @!p0 $0x6F40  }
0x66: {  	[spmem:s2] =	stream.indirect.scatter.add.bf16 @!p0 [tilespmem:s1], [sflag:$0xA], $0x20, s19, s0, $0xb8;
	[tilespmem:$0x16D00] =	vst v63  }
0x67: {  	s21 =	sand.u32 $0x1, s30;
	s20 =	simm.s32 @!p0 $0x7EE0;
	_ =	swait.ge @!p0 [sflag:s12], $0xFA0  }
0x68: {  	s1 =	simm.s32 @!p1 $0x2980;
	p1 =	seq.s32 s21, $0x1;
	[sflag:s12] =	ssyncset.done @!p0 $0x0  }
0x69: {  	s19 =	simm.s32 @!p0 $0x4;
	p2 =	por @p1 $0x0, $0x0;
	[sflag:s12] =	ssyncadd.s32 @!p0 $0xFFFFF060  }
0x6a: {  	s31 =	simm.s32 @!p1 $0x200;
	p3 =	por p2, !p1;
	_ =	swait.ge @!p0 [sflag:s19], $0xFA0  }
0x6b: {  	p2 =	por !p2, !p1;
	s12 =	simm.s32 @p0 $0x9;
	[sflag:s19] =	ssyncset.done @!p0 $0x0  }
0x6c: {  	s28 =	simm.s32 @!p2 $0x9800;
	[sflag:s19] =	ssyncadd.s32 @!p0 $0xFFFFF060;
	s19 =	simm.s32 @!p3 $0x200  }
.LBB2_2:
0x6d: {  	[spmem:s2] =	stream.indirect.scatter.add.bf16 @!p0 [tilespmem:s20], [sflag:$0xA], $0x20, s1, s0, $0xb8;
	[tilespmem:$0x16D00] =	vst v63  }
0x6e: {  	s23 =	sadd.s32 @!p1 $0x200, s31;
	s20 =	sadd.s32 @!p1 $0x280, s31;
	_ =	swait.ge [sflag:s12], $0xFA0  }
0x6f: {  	s0 =	simm.s32 @!p3 $0x5000;
	s21 =	sadd.s32 @!p1 $0x300, s31;
	[sflag:s12] =	ssyncset.done $0x0  }
0x70: {  	s1 =	sadd.s32 @!p3 $0x200, s19;
	s24 =	simm.s32 @!p3 $0x7D;
	[sflag:s12] =	ssyncadd.s32 $0xFFFFF060  }
0x71: {  	[tilespmem:s0], [sflag:$0x1] =	stream.indirect.gather @!p3 [spmem:s3], $0x20, s1, s24, $0xb8;
	[tilespmem:$0x16D00] =	vst v63  }
0x72: {  	s12 =	sadd.s32 @!p1 $0x380, s31;
	s0 =	sadd.s32 @!p3 $0x280, s19;
	s1 =	simm.s32 @!p3 $0x5FA0  }
0x73: {  	[tilespmem:s1], [sflag:$0x2] =	stream.indirect.gather @!p3 [spmem:s3], $0x20, s0, s24, $0xb8;
	[tilespmem:$0x16D00] =	vst v63  }
0x74: {  	s22 =	sadd.s32 @!p1 $0x2800, s31;
	s0 =	sadd.s32 @!p3 $0x300, s19;
	s1 =	simm.s32 @!p3 $0x6F40  }
0x75: {  	[tilespmem:s1], [sflag:$0x3] =	stream.indirect.gather @!p3 [spmem:s3], $0x20, s0, s24, $0xb8;
	[tilespmem:$0x16D00] =	vst v63  }
0x76: {  	s0 =	sadd.s32 @!p3 $0x380, s19;
	s1 =	simm.s32 @!p3 $0x7EE0;
	s19 =	simm.s32 @p1 $0x5  }
0x77: {  	[tilespmem:s1], [sflag:$0x4] =	stream.indirect.gather @!p3 [spmem:s3], $0x20, s0, s24, $0xb8;
	[tilespmem:$0x16D00] =	vst v63  }
0x78: {  	s25 =	simm.s32 @p1 $0xA;
	s1 =	simm.s32 @p1 $0x8E80;
	_ =	swait.ge @p1 [sflag:s19], $0xFA0  }
0x79: {  	s24 =	sshra.s32 @p1 s28, $0x2;
	s0 =	simm.s32 @p1 $0x7D;
	[sflag:s19] =	ssyncset.done @p1 $0x0  }
0x7a: {  	s5 =	sadd.s32 @p1 $0x2880, s24;
	[sflag:s19] =	ssyncadd.s32 @p1 $0xFFFFF060;
	s19 =	sadd.s32 @p1 $0x2800, s24  }
0x7b: {  	[spmem:s2] =	stream.indirect.scatter.add.bf16 @p1 [tilespmem:s1], [sflag:$0xA], $0x20, s19, s0, $0xb8;
	[tilespmem:$0x16D00] =	vst v63  }
0x7c: {  	s6 =	sadd.s32 @p1 $0x2900, s24;
	s7 =	sadd.s32 @p1 $0x2980, s24;
	_ =	swait.ge @p1 [sflag:s25], $0xFA0  }
0x7d: {  	s24 =	sadd.s32 @!p1 $0x2880, s31;
	s19 =	sadd.s32 @!p1 $0x2900, s31;
	[sflag:s25] =	ssyncset.done @p1 $0x0  }
0x7e: {  	s9 =	simm.s32 @p1 $0x6;
	s1 =	sadd.s32 @!p1 $0x2980, s31;
	[sflag:s25] =	ssyncadd.s32 @p1 $0xFFFFF060  }
0x7f: {  	s28 =	smov.u32 s29;
	s29 =	sadd.s32 $0x800, s29;
	_ =	swait.ge @p1 [sflag:s9], $0xFA0  }
0x80: {  	p0 =	por p1, p1;
	p2 =	sne.s32 s29, $0xA000;
	[sflag:s9] =	ssyncset.done @p1 $0x0  }
0x81: {  	[sflag:s9] =	ssyncadd.s32 @p0 $0xFFFFF060;
	s9 =	simm.s32 @p0 $0x9E20  }
0x82: {  	[spmem:s2] =	stream.indirect.scatter.add.bf16 @p0 [tilespmem:s9], [sflag:$0xA], $0x20, s5, s0, $0xb8;
	[tilespmem:$0x16D00] =	vst v63  }
0x83: {  	_ =	swait.ge @p0 [sflag:s25], $0xFA0  }
0x84: {  	[sflag:s25] =	ssyncset.done @p0 $0x0  }
0x85: {  	s5 =	simm.s32 @p0 $0x7;
	[sflag:s25] =	ssyncadd.s32 @p0 $0xFFFFF060  }
0x86: {  	_ =	swait.ge @p0 [sflag:s5], $0xFA0  }
0x87: {  	[sflag:s5] =	ssyncset.done @p0 $0x0  }
0x88: {  	[sflag:s5] =	ssyncadd.s32 @p0 $0xFFFFF060;
	s5 =	simm.s32 @p0 $0xADC0  }
0x89: {  	[spmem:s2] =	stream.indirect.scatter.add.bf16 @p0 [tilespmem:s5], [sflag:$0xA], $0x20, s6, s0, $0xb8;
	[tilespmem:$0x16D00] =	vst v63  }
0x8a: {  	_ =	swait.ge @p0 [sflag:s25], $0xFA0  }
0x8b: {  	[sflag:s25] =	ssyncset.done @p0 $0x0  }
0x8c: {  	s5 =	simm.s32 @p0 $0x8;
	[sflag:s25] =	ssyncadd.s32 @p0 $0xFFFFF060  }
0x8d: {  	_ =	swait.ge @p0 [sflag:s5], $0xFA0  }
0x8e: {  	[sflag:s5] =	ssyncset.done @p0 $0x0  }
0x8f: {  	[sflag:s5] =	ssyncadd.s32 @p0 $0xFFFFF060;
	s5 =	simm.s32 @p0 $0xBD60  }
0x90: {  	[spmem:s2] =	stream.indirect.scatter.add.bf16 @p0 [tilespmem:s5], [sflag:$0x9], $0x20, s7, s0, $0xb8;
	[tilespmem:$0x16D00] =	vst v63  }
0x91: {  	s0 =	simm.s32 @!p0 $0x7D;
	s5 =	simm.s32 @!p0 $0x8E80  }
0x92: {  	[tilespmem:s5], [sflag:$0x5] =	stream.indirect.gather @!p0 [spmem:s3], $0x20, s23, s0, $0xb8;
	[tilespmem:$0x16D00] =	vst v63  }
0x93: {  	s5 =	simm.s32 @!p0 $0x9E20  }
0x94: {  	[tilespmem:s5], [sflag:$0x6] =	stream.indirect.gather @!p0 [spmem:s3], $0x20, s20, s0, $0xb8;
	[tilespmem:$0x16D00] =	vst v63  }
0x95: {  	s5 =	simm.s32 @!p0 $0xADC0  }
0x96: {  	[tilespmem:s5], [sflag:$0x7] =	stream.indirect.gather @!p0 [spmem:s3], $0x20, s21, s0, $0xb8;
	[tilespmem:$0x16D00] =	vst v63  }
0x97: {  	s6 =	simm.s32 @!p0 $0x1;
	s5 =	simm.s32 @!p0 $0xBD60  }
0x98: {  	[tilespmem:s5], [sflag:$0x8] =	stream.indirect.gather @!p0 [spmem:s3], $0x20, s12, s0, $0xb8;
	[tilespmem:$0x16D00] =	vst v63  }
0x99: {  	_ =	swait.ge @!p0 [sflag:s6], $0xFA0  }
0x9a: {  	[sflag:s6] =	ssyncset.done @!p0 $0x0  }
0x9b: {  	s5 =	simm.s32 @!p0 $0x5000;
	s12 =	simm.s32 @!p0 $0xA;
	[sflag:s6] =	ssyncadd.s32 @!p0 $0xFFFFF060  }
0x9c: {  	[spmem:s2] =	stream.indirect.scatter.add.bf16 @!p0 [tilespmem:s5], [sflag:$0xA], $0x20, s22, s0, $0xb8;
	[tilespmem:$0x16D00] =	vst v63  }
0x9d: {  	_ =	swait.ge @!p0 [sflag:s12], $0xFA0  }
0x9e: {  	[sflag:s12] =	ssyncset.done @!p0 $0x0  }
0x9f: {  	s5 =	simm.s32 @!p0 $0x2;
	[sflag:s12] =	ssyncadd.s32 @!p0 $0xFFFFF060  }
0xa0: {  	_ =	swait.ge @!p0 [sflag:s5], $0xFA0  }
0xa1: {  	[sflag:s5] =	ssyncset.done @!p0 $0x0  }
0xa2: {  	[sflag:s5] =	ssyncadd.s32 @!p0 $0xFFFFF060;
	s5 =	simm.s32 @!p0 $0x5FA0  }
0xa3: {  	[spmem:s2] =	stream.indirect.scatter.add.bf16 @!p0 [tilespmem:s5], [sflag:$0xA], $0x20, s24, s0, $0xb8;
	[tilespmem:$0x16D00] =	vst v63  }
0xa4: {  	_ =	swait.ge @!p0 [sflag:s12], $0xFA0  }
0xa5: {  	[sflag:s12] =	ssyncset.done @!p0 $0x0  }
0xa6: {  	s5 =	simm.s32 @!p0 $0x3;
	[sflag:s12] =	ssyncadd.s32 @!p0 $0xFFFFF060  }
0xa7: {  	_ =	swait.ge @!p0 [sflag:s5], $0xFA0  }
0xa8: {  	[sflag:s5] =	ssyncset.done @!p0 $0x0  }
0xa9: {  	s30 =	sadd.s32 $0x1, s30;
	[sflag:s5] =	ssyncadd.s32 @!p0 $0xFFFFF060;
	s5 =	simm.s32 @!p0 $0x6F40  }
0xaa: {  	[spmem:s2] =	stream.indirect.scatter.add.bf16 @!p0 [tilespmem:s5], [sflag:$0xA], $0x20, s19, s0, $0xb8;
	[tilespmem:$0x16D00] =	vst v63  }
0xab: {  	s20 =	simm.s32 @!p0 $0x7EE0;
	s5 =	simm.s32 @!p0 $0x4;
	_ =	swait.ge @!p0 [sflag:s12], $0xFA0  }
.Ltmp0:
0xac: {  	s6 =	sand.u32 $0x1, s30;
	[sflag:s12] =	ssyncset.done @!p0 $0x0;
	(pc) =	sbr.rel @p2 .LBB2_2-.Ltmp0, $4  }
0xad: {  	p1 =	seq.s32 s6, $0x1;
	[sflag:s12] =	ssyncadd.s32 @!p0 $0xFFFFF060;
	s12 =	simm.s32 @p0 $0x9  }
0xae: {  	p4 =	seq.s32 @p1 s28, $0x9800;
	s31 =	sshra.s32 @!p1 s28, $0x2;
	_ =	swait.ge @!p0 [sflag:s5], $0xFA0  }
0xaf: {  	p3 =	por p4, !p1;
	p4 =	por !p4, !p1;
	[sflag:s5] =	ssyncset.done @!p0 $0x0  }
0xb0: {  	s19 =	sshra.s32 @!p3 s28, $0x2;
	s28 =	simm.s32 @!p4 $0x9800;
	[sflag:s5] =	ssyncadd.s32 @!p0 $0xFFFFF060  }
0xb1: {  	[spmem:s2] =	stream.indirect.scatter.add.bf16 @!p0 [tilespmem:s20], [sflag:$0xA], $0x20, s1, s0, $0xb8;
	[tilespmem:$0x16D00] =	vst v63  }
0xb2: {  	_ =	swait.ge [sflag:s12], $0xFA0  }
0xb3: {  	s0 =	simm.s32 @!p3 $0x5000;
	[sflag:s12] =	ssyncset.done $0x0  }
0xb4: {  	s1 =	sadd.s32 @!p3 $0x200, s19;
	s5 =	simm.s32 @!p3 $0x7D;
	[sflag:s12] =	ssyncadd.s32 $0xFFFFF060  }
0xb5: {  	[tilespmem:s0], [sflag:$0x1] =	stream.indirect.gather @!p3 [spmem:s3], $0x20, s1, s5, $0xb8;
	[tilespmem:$0x16D00] =	vst v63  }
0xb6: {  	s0 =	sadd.s32 @!p3 $0x280, s19;
	s1 =	simm.s32 @!p3 $0x5FA0  }
0xb7: {  	[tilespmem:s1], [sflag:$0x2] =	stream.indirect.gather @!p3 [spmem:s3], $0x20, s0, s5, $0xb8;
	[tilespmem:$0x16D00] =	vst v63  }
0xb8: {  	s0 =	sadd.s32 @!p3 $0x300, s19;
	s1 =	simm.s32 @!p3 $0x6F40  }
0xb9: {  	[tilespmem:s1], [sflag:$0x3] =	stream.indirect.gather @!p3 [spmem:s3], $0x20, s0, s5, $0xb8;
	[tilespmem:$0x16D00] =	vst v63  }
0xba: {  	s6 =	simm.s32 @p1 $0x5;
	s0 =	sadd.s32 @!p3 $0x380, s19;
	s1 =	simm.s32 @!p3 $0x7EE0  }
0xbb: {  	[tilespmem:s1], [sflag:$0x4] =	stream.indirect.gather @!p3 [spmem:s3], $0x20, s0, s5, $0xb8;
	[tilespmem:$0x16D00] =	vst v63  }
0xbc: {  	s7 =	simm.s32 @p1 $0x7D;
	_ =	swait.ge @p1 [sflag:s6], $0xFA0  }
0xbd: {  	s0 =	simm.s32 @p1 $0x8E80;
	s5 =	sshra.s32 @p1 s28, $0x2;
	[sflag:s6] =	ssyncset.done @p1 $0x0  }
0xbe: {  	s1 =	simm.s32 @p1 $0xA;
	[sflag:s6] =	ssyncadd.s32 @p1 $0xFFFFF060;
	s6 =	sadd.s32 @p1 $0x2800, s5  }
0xbf: {  	[spmem:s2] =	stream.indirect.scatter.add.bf16 @p1 [tilespmem:s0], [sflag:$0xA], $0x20, s6, s7, $0xb8;
	[tilespmem:$0x16D00] =	vst v63  }
0xc0: {  	_ =	swait.ge @p1 [sflag:s1], $0xFA0  }
0xc1: {  	[sflag:s1] =	ssyncset.done @p1 $0x0  }
0xc2: {  	s0 =	simm.s32 @p1 $0x6;
	[sflag:s1] =	ssyncadd.s32 @p1 $0xFFFFF060  }
0xc3: {  	_ =	swait.ge @p1 [sflag:s0], $0xFA0  }
0xc4: {  	p0 =	por p1, p1;
	[sflag:s0] =	ssyncset.done @p1 $0x0  }
0xc5: {  	s6 =	sadd.s32 @p1 $0x2880, s5;
	[sflag:s0] =	ssyncadd.s32 @p0 $0xFFFFF060;
	s0 =	simm.s32 @p0 $0x9E20  }
0xc6: {  	[spmem:s2] =	stream.indirect.scatter.add.bf16 @p0 [tilespmem:s0], [sflag:$0xA], $0x20, s6, s7, $0xb8;
	[tilespmem:$0x16D00] =	vst v63  }
0xc7: {  	_ =	swait.ge @p0 [sflag:s1], $0xFA0  }
0xc8: {  	[sflag:s1] =	ssyncset.done @p0 $0x0  }
0xc9: {  	s0 =	simm.s32 @p0 $0x7;
	[sflag:s1] =	ssyncadd.s32 @p0 $0xFFFFF060  }
0xca: {  	_ =	swait.ge @p0 [sflag:s0], $0xFA0  }
0xcb: {  	[sflag:s0] =	ssyncset.done @p0 $0x0  }
0xcc: {  	s6 =	sadd.s32 @p1 $0x2900, s5;
	[sflag:s0] =	ssyncadd.s32 @p0 $0xFFFFF060;
	s0 =	simm.s32 @p0 $0xADC0  }
0xcd: {  	[spmem:s2] =	stream.indirect.scatter.add.bf16 @p0 [tilespmem:s0], [sflag:$0xA], $0x20, s6, s7, $0xb8;
	[tilespmem:$0x16D00] =	vst v63  }
0xce: {  	_ =	swait.ge @p0 [sflag:s1], $0xFA0  }
0xcf: {  	[sflag:s1] =	ssyncset.done @p0 $0x0  }
0xd0: {  	s0 =	simm.s32 @p0 $0x8;
	[sflag:s1] =	ssyncadd.s32 @p0 $0xFFFFF060  }
0xd1: {  	_ =	swait.ge @p0 [sflag:s0], $0xFA0  }
0xd2: {  	[sflag:s0] =	ssyncset.done @p0 $0x0  }
0xd3: {  	s1 =	sadd.s32 @p1 $0x2980, s5;
	[sflag:s0] =	ssyncadd.s32 @p0 $0xFFFFF060;
	s0 =	simm.s32 @p0 $0xBD60  }
0xd4: {  	[spmem:s2] =	stream.indirect.scatter.add.bf16 @p0 [tilespmem:s0], [sflag:$0x9], $0x20, s1, s7, $0xb8;
	[tilespmem:$0x16D00] =	vst v63  }
0xd5: {  	s5 =	simm.s32 @!p0 $0x8E80;
	s0 =	sadd.s32 @!p1 $0x200, s31;
	s1 =	simm.s32 @!p0 $0x7D  }
0xd6: {  	[tilespmem:s5], [sflag:$0x5] =	stream.indirect.gather @!p0 [spmem:s3], $0x20, s0, s1, $0xb8;
	[tilespmem:$0x16D00] =	vst v63  }
0xd7: {  	s0 =	sadd.s32 @!p1 $0x280, s31;
	s5 =	simm.s32 @!p0 $0x9E20  }
0xd8: {  	[tilespmem:s5], [sflag:$0x6] =	stream.indirect.gather @!p0 [spmem:s3], $0x20, s0, s1, $0xb8;
	[tilespmem:$0x16D00] =	vst v63  }
0xd9: {  	s0 =	sadd.s32 @!p1 $0x300, s31;
	s5 =	simm.s32 @!p0 $0xADC0  }
0xda: {  	[tilespmem:s5], [sflag:$0x7] =	stream.indirect.gather @!p0 [spmem:s3], $0x20, s0, s1, $0xb8;
	[tilespmem:$0x16D00] =	vst v63  }
0xdb: {  	s6 =	simm.s32 @!p0 $0x1;
	s0 =	sadd.s32 @!p1 $0x380, s31;
	s5 =	simm.s32 @!p0 $0xBD60  }
0xdc: {  	[tilespmem:s5], [sflag:$0x8] =	stream.indirect.gather @!p0 [spmem:s3], $0x20, s0, s1, $0xb8;
	[tilespmem:$0x16D00] =	vst v63  }
0xdd: {  	_ =	swait.ge @!p0 [sflag:s6], $0xFA0  }
0xde: {  	s0 =	sadd.s32 @!p1 $0x2800, s31;
	[sflag:s6] =	ssyncset.done @!p0 $0x0  }
0xdf: {  	s5 =	simm.s32 @!p0 $0x5000;
	[sflag:s6] =	ssyncadd.s32 @!p0 $0xFFFFF060;
	s6 =	simm.s32 @!p0 $0xA  }
0xe0: {  	[spmem:s2] =	stream.indirect.scatter.add.bf16 @!p0 [tilespmem:s5], [sflag:$0xA], $0x20, s0, s1, $0xb8;
	[tilespmem:$0x16D00] =	vst v63  }
0xe1: {  	_ =	swait.ge @!p0 [sflag:s6], $0xFA0  }
0xe2: {  	[sflag:s6] =	ssyncset.done @!p0 $0x0  }
0xe3: {  	s0 =	simm.s32 @!p0 $0x2;
	[sflag:s6] =	ssyncadd.s32 @!p0 $0xFFFFF060  }
0xe4: {  	_ =	swait.ge @!p0 [sflag:s0], $0xFA0  }
0xe5: {  	[sflag:s0] =	ssyncset.done @!p0 $0x0  }
0xe6: {  	s5 =	sadd.s32 @!p1 $0x2880, s31;
	[sflag:s0] =	ssyncadd.s32 @!p0 $0xFFFFF060;
	s0 =	simm.s32 @!p0 $0x5FA0  }
0xe7: {  	[spmem:s2] =	stream.indirect.scatter.add.bf16 @!p0 [tilespmem:s0], [sflag:$0xA], $0x20, s5, s1, $0xb8;
	[tilespmem:$0x16D00] =	vst v63  }
0xe8: {  	_ =	swait.ge @!p0 [sflag:s6], $0xFA0  }
0xe9: {  	[sflag:s6] =	ssyncset.done @!p0 $0x0  }
0xea: {  	s0 =	simm.s32 @!p0 $0x3;
	[sflag:s6] =	ssyncadd.s32 @!p0 $0xFFFFF060  }
0xeb: {  	_ =	swait.ge @!p0 [sflag:s0], $0xFA0  }
0xec: {  	[sflag:s0] =	ssyncset.done @!p0 $0x0  }
0xed: {  	s5 =	sadd.s32 @!p1 $0x2900, s31;
	[sflag:s0] =	ssyncadd.s32 @!p0 $0xFFFFF060;
	s0 =	simm.s32 @!p0 $0x6F40  }
0xee: {  	[spmem:s2] =	stream.indirect.scatter.add.bf16 @!p0 [tilespmem:s0], [sflag:$0xA], $0x20, s5, s1, $0xb8;
	[tilespmem:$0x16D00] =	vst v63  }
0xef: {  	_ =	swait.ge @!p0 [sflag:s6], $0xFA0  }
0xf0: {  	[sflag:s6] =	ssyncset.done @!p0 $0x0  }
0xf1: {  	s0 =	simm.s32 @!p0 $0x4;
	[sflag:s6] =	ssyncadd.s32 @!p0 $0xFFFFF060  }
0xf2: {  	_ =	swait.ge @!p0 [sflag:s0], $0xFA0  }
0xf3: {  	s7 =	simm.s32 @!p0 $0x7EE0;
	[sflag:s0] =	ssyncset.done @!p0 $0x0  }
0xf4: {  	s5 =	sadd.s32 @!p1 $0x2980, s31;
	s6 =	simm.s32 @p0 $0x9;
	[sflag:s0] =	ssyncadd.s32 @!p0 $0xFFFFF060  }
0xf5: {  	[spmem:s2] =	stream.indirect.scatter.add.bf16 @!p0 [tilespmem:s7], [sflag:$0xA], $0x20, s5, s1, $0xb8;
	[tilespmem:$0x16D00] =	vst v63  }
0xf6: {  	_ =	swait.ge [sflag:s6], $0xFA0  }
0xf7: {  	s26 =	sadd.s32 $0x1, s26;
	[sflag:s6] =	ssyncset.done $0x0  }
0xf8: {  	p0 =	sne.s32 s26, s11;
	[sflag:s6] =	ssyncadd.s32 $0xFFFFF060  }
.Ltmp1:
0xf9: {  	[bflag:$0x0] =	sbarrier.arrive $0xFFFF;
	(pc) =	sbr.rel @p0 .LBB2_1-.Ltmp1, $4  }
0xfa: {  	[hbm:s10], [sflag:s8] =	dma.local [spmem:s13], $0xA00  }
0xfb: {  	_ =	swait.ge [sflag:s14], $0xA00  }
0xfc: {  	[sflag:s14] =	ssyncset.done $0x0  }
0xfd: {  	[sflag:s14] =	ssyncadd.s32 $0xFFFFF600  }
0xfe: {  	_ =	sfence.sel $0x180000  }
0xff: {  	[bflag:$0x0] =	sbarrier.arrive $0xFFFF  }
0x100: {  	_ =	strace $0x90000050  }
0x101: {  	s0 =	stileid.u32;
	[bflag:$0x2] =	sbarrier.arrive $0xFFFF  }
0x102: {  	p0 =	sne.s32 s0, $0x0;
	s0 =	rddreg [dreg:$0x3]  }
0x103: {  	s0 =	sadd.s32 @!p0 $0x100000, s0  }
0x104: {  	[sflag:s0] =	ssyncadd.tile.s32 @!p0 $0x1;
	_ =	shalt  }
.Lfunc_end2:
_tile_overlayer_lowered:
.L_overlay_start_2:
0x105: {  	(tag) =	ssettag $0x2  }
0x106: {  	s0 =	rddreg [dreg:$0x0];
	s2 =	stileid.u32  }
0x107: {  	s1 =	rddreg [dreg:$0x1];
	p0 =	sne.s32 s2, $0x0  }
0x108: {  	s3 =	rddreg [dreg:$0x2];
	[bflag:$0x3] =	sbarrier.arrive $0xFFFF;
	s2 =	simm.s32 @!p0 $0x1C09  }
0x109: {  	[timem:s3], [sflag:s2] =	dma.local @!p0 [hbm:s0], s1  }
0x10a: {  	s0 =	simm.s32 @!p0 $0x9  }
0x10b: {  	_ =	swait.ge @!p0 [sflag:s0], s1  }
0x10c: {  	s1 =	ssub.s32 @!p0 $0x0, s1;
	[sflag:s0] =	ssyncset.done @!p0 $0x0  }
0x10d: {  	[sflag:s0] =	ssyncadd.s32 @!p0 s1  }
0x10e: {  	[bflag:$0x3] =	sbarrier.arrive $0xFFFF  }
0x10f: {  	_ =	shalt  }

</sc_bundles>
